<compile_context>
chip_gen: v7x
topology: tpu7x:2x2x1
jax: 0.10.2.dev20260603
libtpu: 0.0.44.dev20260713+nightly
codegen_flags: <defaults>
</compile_context>

<pallas_src>
import jax
import jax.numpy as jnp
from jax import lax
from jax.experimental import pallas as pl
from jax.experimental.pallas import tpu as pltpu
from jax.experimental.pallas import tpu_sc as plsc

N = 10000
E = 320000
D = 128
LAT = 128
H = 2 * LAT

NC = 2
NS = 16
NW = NC * NS
EW = E // NW
RPT = 632
RPT_LAST = N - 15 * RPT

_mesh = plsc.VectorSubcoreMesh(core_axis_name="c", subcore_axis_name="s")


def _edge_scatter_body(ea0_hbm, ea1_hbm, dst_hbm, out0_hbm, out1_hbm,
                       acc0, acc1, dst_v, ea0_v, ea1_v):
    c = lax.axis_index("c")
    s = lax.axis_index("s")
    w = c * NS + s
    e0 = pl.multiple_of(w * EW, 8)
    pltpu.sync_copy(dst_hbm.at[pl.ds(e0, EW)], dst_v)
    pltpu.sync_copy(ea0_hbm.at[pl.ds(e0, EW)], ea0_v)
    pltpu.sync_copy(ea1_hbm.at[pl.ds(e0, EW)], ea1_v)

    z16 = jnp.zeros((16,), jnp.float32)

    def zbody(k, carry):
        acc0[pl.ds(k * 16, 16)] = z16
        acc1[pl.ds(k * 16, 16)] = z16
        return carry

    lax.fori_loop(0, N // 16, zbody, 0)

    def body(k, carry):
        o = k * 16
        idx = dst_v[pl.ds(o, 16)]
        plsc.addupdate_scatter(acc0, [idx], ea0_v[pl.ds(o, 16)])
        plsc.addupdate_scatter(acc1, [idx], ea1_v[pl.ds(o, 16)])
        return carry

    lax.fori_loop(0, EW // 16, body, 0)
    o0 = pl.multiple_of(w * N, 8)
    pltpu.sync_copy(acc0, out0_hbm.at[pl.ds(o0, N)])
    pltpu.sync_copy(acc1, out1_hbm.at[pl.ds(o0, N)])


def _edge_scatter(ea0, ea1, dst):
    return pl.kernel(
        _edge_scatter_body,
        out_type=[
            jax.ShapeDtypeStruct((NW * N,), jnp.float32),
            jax.ShapeDtypeStruct((NW * N,), jnp.float32),
        ],
        mesh=_mesh,
        compiler_params=pltpu.CompilerParams(needs_layout_passes=False),
        scratch_types=[
            pltpu.VMEM((N,), jnp.float32),
            pltpu.VMEM((N,), jnp.float32),
            pltpu.VMEM((EW,), jnp.int32),
            pltpu.VMEM((EW,), jnp.float32),
            pltpu.VMEM((EW,), jnp.float32),
        ],
    )(ea0, ea1, dst)


KS = 80
NR = 5
RC = 50
ETP = NR * RC * KS
N_ACC = N


def _segsum_body(tbl_hbm, srcs_hbm, dsti_hbm, z_hbm, out_hbm,
                 acc, idx_s, idx_d, rows0, rows1, sem, sem2):
    c = lax.axis_index("c")
    s = lax.axis_index("s")
    row0 = pl.multiple_of(s * RPT, 8)
    tile_base = pl.multiple_of((c * NS + s) * ETP, 8)
    pltpu.sync_copy(srcs_hbm.at[pl.ds(tile_base, ETP)], idx_s)

    @pl.when(s < 15)
    def _():
        pltpu.sync_copy(z_hbm.at[pl.ds(0, RPT)], acc.at[pl.ds(row0, RPT)])

    @pl.when(s == 15)
    def _():
        pltpu.sync_copy(z_hbm.at[pl.ds(0, RPT_LAST)],
                        acc.at[pl.ds(15 * RPT, RPT_LAST)])

    plsc.subcore_barrier()

    def gather(j, buf):
        jo = pl.multiple_of(j * KS, 8)
        return pltpu.async_copy(tbl_hbm.at[idx_s.at[pl.ds(jo, KS)]], buf, sem)

    def gather_wait(j, buf):
        jo = pl.multiple_of(j * KS, 8)
        pltpu.make_async_copy(tbl_hbm.at[idx_s.at[pl.ds(jo, KS)]], buf,
                              sem).wait()

    def scatter(j, buf):
        return pltpu.async_copy(buf, acc.at[idx_d.at[j]], sem2, add=True)

    def scatter_wait(j, buf):
        pltpu.make_async_copy(buf, acc.at[idx_d.at[j]], sem2).wait()

    for r in range(NR):
        pltpu.sync_copy(dsti_hbm.at[s, r], idx_d)
        gather(r * RC, rows0)

        def body(jj, carry):
            j0 = 2 * jj
            g0 = r * RC + j0

            @pl.when(jj > 0)
            def _():
                scatter_wait(j0 - 1, rows1)

            gather(g0 + 1, rows1)
            gather_wait(g0, rows0)
            scatter(j0, rows0)
            scatter_wait(j0, rows0)

            @pl.when(jj < RC // 2 - 1)
            def _():
                gather(g0 + 2, rows0)

            gather_wait(g0 + 1, rows1)
            scatter(j0 + 1, rows1)
            return carry

        lax.fori_loop(0, RC // 2, body, 0)
        scatter_wait(RC - 1, rows1)

    plsc.subcore_barrier()

    @pl.when(s < 15)
    def _():
        pltpu.sync_copy(acc.at[pl.ds(row0, RPT)],
                        out_hbm.at[c, pl.ds(row0, RPT)])

    @pl.when(s == 15)
    def _():
        pltpu.sync_copy(acc.at[pl.ds(15 * RPT, RPT_LAST)],
                        out_hbm.at[c, pl.ds(15 * RPT, RPT_LAST)])


def _segsum(tbl_flat, srcs, dsti, zrows):
    return pl.kernel(
        _segsum_body,
        out_type=jax.ShapeDtypeStruct((NC, N, D), jnp.float32),
        mesh=_mesh,
        compiler_params=pltpu.CompilerParams(needs_layout_passes=False),
        scratch_types=[
            pltpu.VMEM_SHARED((N_ACC, D), jnp.float32),
            pltpu.VMEM((ETP,), jnp.int32),
            pltpu.VMEM((RC, KS), jnp.int32),
            pltpu.VMEM((KS, D), jnp.float32),
            pltpu.VMEM((KS, D), jnp.float32),
            pltpu.SemaphoreType.DMA,
            pltpu.SemaphoreType.DMA,
        ],
    )(tbl_flat, srcs, dsti, zrows)


_BN = 1000


def _input_pot_body(x_ref, sa_ref, sb_ref, wn_ref, we0_ref, we1_ref, b_ref,
                    tbl_ref):
    sa = jnp.sum(sa_ref[...], axis=1)[:, None]
    sb = jnp.sum(sb_ref[...], axis=1)[:, None]
    t = jnp.dot(x_ref[...], wn_ref[...], preferred_element_type=jnp.float32)
    t += sa * we0_ref[...] + sb * we1_ref[...]
    ip = jnp.maximum(t + b_ref[...], 0.0)
    tbl_ref[0] = ip[:, :D]
    tbl_ref[1] = ip[:, D:]


def _input_potential(x, sa, sb, w_n2l, we0, we1, b_n2l):
    return pl.pallas_call(
        _input_pot_body,
        grid=(N // _BN,),
        in_specs=[
            pl.BlockSpec((_BN, D), lambda i: (i, 0)),
            pl.BlockSpec((_BN, NW), lambda i: (i, 0)),
            pl.BlockSpec((_BN, NW), lambda i: (i, 0)),
            pl.BlockSpec((D, H), lambda i: (0, 0)),
            pl.BlockSpec((1, H), lambda i: (0, 0)),
            pl.BlockSpec((1, H), lambda i: (0, 0)),
            pl.BlockSpec((1, H), lambda i: (0, 0)),
        ],
        out_specs=pl.BlockSpec((NC, _BN, D), lambda i: (0, i, 0)),
        out_shape=jax.ShapeDtypeStruct((NC, N, D), jnp.float32),
    )(x, sa, sb, w_n2l, we0, we1, b_n2l)


def _layer_body(p_ref, ip_ref, w0_ref, w1_ref, b_ref,
                tbl_ref, g_ref):
    i = pl.program_id(0)
    a0 = p_ref[0]
    a1 = p_ref[1]
    t = jnp.dot(a0, w0_ref[...], preferred_element_type=jnp.float32)
    t += jnp.dot(a1, w1_ref[...], preferred_element_type=jnp.float32)
    ip = jnp.concatenate([ip_ref[0], ip_ref[1]], axis=1)
    cur = jnp.maximum(t + b_ref[...] + ip, 0.0)
    tbl_ref[0] = cur[:, :D]
    tbl_ref[1] = cur[:, D:]

    @pl.when(i == 0)
    def _():
        g_ref[...] = jnp.zeros_like(g_ref)

    g_ref[...] += jnp.sum(cur, axis=0, keepdims=True)


def _layer_update(parts, ip, conv_W0, conv_W1, conv_b):
    return pl.pallas_call(
        _layer_body,
        grid=(N // _BN,),
        in_specs=[
            pl.BlockSpec((NC, _BN, D), lambda i: (0, i, 0)),
            pl.BlockSpec((NC, _BN, D), lambda i: (0, i, 0)),
            pl.BlockSpec((D, H), lambda i: (0, 0)),
            pl.BlockSpec((D, H), lambda i: (0, 0)),
            pl.BlockSpec((1, H), lambda i: (0, 0)),
        ],
        out_specs=[
            pl.BlockSpec((NC, _BN, D), lambda i: (0, i, 0)),
            pl.BlockSpec((1, H), lambda i: (0, 0)),
        ],
        out_shape=[
            jax.ShapeDtypeStruct((NC, N, D), jnp.float32),
            jax.ShapeDtypeStruct((1, H), jnp.float32),
        ],
    )(parts, ip, conv_W0, conv_W1, conv_b)


def _head_body(graph_ref, bud_ref, gw_ref, bw_ref, cb_ref,
               s1w_ref, s1bw_ref, s1b_ref, soutw_ref, soutb_ref,
               nw_ref, nb_ref, a1g_ref, a1ng_ref, a1b_ref,
               sv_ref, c0_ref):
    bud = bud_ref[...]
    g = jnp.dot(graph_ref[...], gw_ref[...], preferred_element_type=jnp.float32)
    g = jnp.maximum(g + bud * bw_ref[...] + cb_ref[...], 0.0)
    sh = jnp.dot(g, s1w_ref[...], preferred_element_type=jnp.float32)
    sh = jnp.maximum(sh + bud * s1bw_ref[...] + s1b_ref[...], 0.0)
    sv_ref[...] = (jnp.dot(sh, soutw_ref[...], preferred_element_type=jnp.float32)
                   + soutb_ref[...])
    ng = jnp.dot(g, nw_ref[...], preferred_element_type=jnp.float32)
    ng = jnp.maximum(ng + nb_ref[...], 0.0)
    c0 = jnp.dot(g, a1g_ref[...], preferred_element_type=jnp.float32)
    c0 += jnp.dot(ng, a1ng_ref[...], preferred_element_type=jnp.float32)
    c0_ref[...] = c0 + a1b_ref[...]


def _head(graph, budget, gW, bW, cb, s1W, s1bw, s1b, soutW, soutb,
          nodesW, nodesb, A1g, A1ng, a1b):
    return pl.pallas_call(
        _head_body,
        out_shape=[
            jax.ShapeDtypeStruct((1, 1), jnp.float32),
            jax.ShapeDtypeStruct((1, 64), jnp.float32),
        ],
    )(graph, budget, gW, bW, cb, s1W, s1bw, s1b, soutW, soutb,
      nodesW, nodesb, A1g, A1ng, a1b)


_BE = 8000


def _q_body(wt_ref, c0_ref, ww_ref, wb_ref, a1m_ref, a384_ref,
            aoutw_ref, aoutb_ref, q_ref):
    wt = wt_ref[...]
    wtemb = jnp.maximum(wt * ww_ref[...] + wb_ref[...], 0.0)
    mid = jnp.dot(wtemb, a1m_ref[...], preferred_element_type=jnp.float32)
    ah = jnp.maximum(mid + c0_ref[...] + wt * a384_ref[...], 0.0)
    q_ref[...] = (jnp.dot(ah, aoutw_ref[...], preferred_element_type=jnp.float32)
                  + aoutb_ref[...])


def _q_head(wt, c0, wW, wb, A1mid, a384, aoutW, aoutb):
    return pl.pallas_call(
        _q_body,
        grid=(E // _BE,),
        in_specs=[
            pl.BlockSpec((_BE, 1), lambda i: (i, 0)),
            pl.BlockSpec((1, 64), lambda i: (0, 0)),
            pl.BlockSpec((1, LAT), lambda i: (0, 0)),
            pl.BlockSpec((1, LAT), lambda i: (0, 0)),
            pl.BlockSpec((LAT, 64), lambda i: (0, 0)),
            pl.BlockSpec((1, 64), lambda i: (0, 0)),
            pl.BlockSpec((64, 1), lambda i: (0, 0)),
            pl.BlockSpec((1, 1), lambda i: (0, 0)),
        ],
        out_specs=pl.BlockSpec((_BE, 1), lambda i: (i, 0)),
        out_shape=jax.ShapeDtypeStruct((E, 1), jnp.float32),
    )(wt, c0, wW, wb, A1mid, a384, aoutW, aoutb)


def kernel(x, edge_index, edge_attr, budget, w_n2l, b_n2l, w_e2l, conv_W,
           conv_b, concat_W, concat_b, weight_W, weight_b, nodes_W, nodes_b,
           s1_W, s1_b, sout_W, sout_b, a1_W, a1_b, aout_W, aout_b):
    f32 = jnp.float32
    src = edge_index[0].astype(jnp.int32)
    dst = edge_index[1].astype(jnp.int32)
    srcs = jnp.concatenate([src, src + N])
    dsti = dst.reshape(NS, NR, RC, KS)

    ea0 = edge_attr[:, 0]
    ea1 = edge_attr[:, 1]
    z128 = jnp.zeros((RPT, D), f32)

    s0f, s1f = _edge_scatter(ea0, ea1, dst)
    sa = s0f.reshape(NW, N).T
    sb = s1f.reshape(NW, N).T
    tbl0 = _input_potential(
        x, sa, sb, w_n2l, w_e2l[0].reshape(1, H), w_e2l[1].reshape(1, H),
        b_n2l.reshape(1, H))
    tbl = tbl0

    conv_W0 = conv_W[:D]
    conv_W1 = conv_W[D:]
    cbr = conv_b.reshape(1, H)
    graph = None
    for _ in range(3):
        pool = _segsum(tbl.reshape(NC * N, D), srcs, dsti, z128)
        tbl, graph = _layer_update(pool, tbl0, conv_W0, conv_W1, cbr)

    state_val, c0 = _head(
        graph, budget.reshape(1, 1),
        concat_W[:H], concat_W[H:], concat_b.reshape(1, LAT),
        s1_W[:LAT], s1_W[LAT:], s1_b.reshape(1, 64),
        sout_W, sout_b.reshape(1, 1),
        nodes_W, nodes_b.reshape(1, LAT),
        a1_W[:LAT], a1_W[2 * LAT:3 * LAT], a1_b.reshape(1, 64))

    q = _q_head(edge_attr[:, :1], c0, weight_W, weight_b.reshape(1, LAT),
                a1_W[LAT:2 * LAT], a1_W[3 * LAT:], aout_W, aout_b.reshape(1, 1))

    return jnp.concatenate([state_val, q], axis=0)

# --- scband reference (transcript-rebuilt; emitter-appended) ---
"""Pipeline reference for scband-qnet-64888365908125 (READ-ONLY COPY).

The authoritative reference and input builder live on the scoring server;
editing this copy changes nothing except your own understanding.
"""

import jax, jax.numpy as jnp
import numpy as np

N = 10000
E = 320000
D = 128
LAT = 128
H = 2 * LAT
EF = 2
LAYERS = 3
SLAT = 64
ALAT = 64


def setup_inputs(seed=0) -> dict:
    key = jax.random.key(seed)
    ks = jax.random.split(key, 16)
    s = 0.05
    inp = {}
    inp["x"] = jax.random.normal(ks[0], (N, D), jnp.float32)
    inp["edge_index"] = jax.random.randint(ks[1], (2, E), 0, N, jnp.int32)
    inp["edge_attr"] = jax.random.uniform(ks[2], (E, EF), jnp.float32)
    inp["budget"] = jax.random.uniform(ks[3], (1,), jnp.float32)
    inp["w_n2l"] = jax.random.normal(ks[4], (D, H), jnp.float32) * s
    inp["b_n2l"] = jnp.zeros((H,), jnp.float32)
    inp["w_e2l"] = jax.random.normal(ks[5], (EF, H), jnp.float32) * s
    inp["conv_W"] = jax.random.normal(ks[6], (H, H), jnp.float32) * s
    inp["conv_b"] = jnp.zeros((H,), jnp.float32)
    inp["concat_W"] = jax.random.normal(ks[7], (H + 1, LAT), jnp.float32) * s
    inp["concat_b"] = jnp.zeros((LAT,), jnp.float32)
    inp["weight_W"] = jax.random.normal(ks[8], (1, LAT), jnp.float32) * s
    inp["weight_b"] = jnp.zeros((LAT,), jnp.float32)
    inp["nodes_W"] = jax.random.normal(ks[9], (LAT, LAT), jnp.float32) * s
    inp["nodes_b"] = jnp.zeros((LAT,), jnp.float32)
    inp["s1_W"] = jax.random.normal(ks[10], (LAT + 1, SLAT), jnp.float32) * s
    inp["s1_b"] = jnp.zeros((SLAT,), jnp.float32)
    inp["sout_W"] = jax.random.normal(ks[11], (SLAT, 1), jnp.float32) * s
    inp["sout_b"] = jnp.zeros((1,), jnp.float32)
    inp["a1_W"] = jax.random.normal(ks[12], (3 * LAT + 1, ALAT), jnp.float32) * s
    inp["a1_b"] = jnp.zeros((ALAT,), jnp.float32)
    inp["aout_W"] = jax.random.normal(ks[13], (ALAT, 1), jnp.float32) * s
    inp["aout_b"] = jnp.zeros((1,), jnp.float32)
    return inp


def _forward(x, edge_attr, budget, w_n2l, b_n2l, w_e2l, conv_W, conv_b,
             concat_W, concat_b, weight_W, weight_b, nodes_W, nodes_b,
             s1_W, s1_b, sout_W, sout_b, a1_W, a1_b, aout_W, aout_b,
             edge_index):
    src = edge_index[0]
    dst = edge_index[1]
    # EmbedMeanField-style (structure2vec) message passing on the state graph
    input_node = x @ w_n2l + b_n2l
    edge_emb = edge_attr @ w_e2l
    e2n = jax.ops.segment_sum(edge_emb, dst, num_segments=N)
    input_potential = jax.nn.relu(input_node + e2n)
    cur = input_potential
    for _ in range(LAYERS):
        n2npool = jax.ops.segment_sum(cur[src], dst, num_segments=N)
        node_linear = n2npool @ conv_W + conv_b
        cur = jax.nn.relu(node_linear + input_potential)
    # graph-level pooling (sum over nodes)
    graph = jnp.sum(cur, axis=0, keepdims=True)
    # concat_linear: [2*latent + 1] -> latent (budget appended)
    g = jax.nn.relu(jnp.concatenate([graph, budget[None, :]], axis=1) @ concat_W + concat_b)
    # state value head: [latent + 1] -> state_latent -> 1
    s_h = jax.nn.relu(jnp.concatenate([g, budget[None, :]], axis=1) @ s1_W + s1_b)
    state_val = s_h @ sout_W + sout_b
    # per-edge action head: [3*latent + 1] -> action_latent -> 1
    wt = edge_attr[:, :1]
    wt_emb = jax.nn.relu(wt @ weight_W + weight_b)
    node_g = jax.nn.relu(g @ nodes_W + nodes_b)
    g_e = jnp.broadcast_to(g, (E, LAT))
    ng_e = jnp.broadcast_to(node_g, (E, LAT))
    act_in = jnp.concatenate([g_e, wt_emb, ng_e, wt], axis=1)
    a_h = jax.nn.relu(act_in @ a1_W + a1_b)
    q = a_h @ aout_W + aout_b
    return jnp.concatenate([state_val, q], axis=0)


def reference(x, edge_index, edge_attr, budget, w_n2l, b_n2l, w_e2l,
              conv_W, conv_b, concat_W, concat_b, weight_W, weight_b,
              nodes_W, nodes_b, s1_W, s1_b, sout_W, sout_b,
              a1_W, a1_b, aout_W, aout_b):
    return _forward(x, edge_attr, budget, w_n2l, b_n2l,
                    w_e2l, conv_W, conv_b, concat_W, concat_b,
                    weight_W, weight_b, nodes_W, nodes_b,
                    s1_W, s1_b, sout_W, sout_b,
                    a1_W, a1_b, aout_W, aout_b, edge_index)

if __name__ == "__main__":
    import jax
    _d = setup_inputs()
    print(jax.jit(kernel)(*tuple(_d.values())))

</pallas_src>

<mosaic_0001>
#map = affine_map<(d0, d1) -> (0)>
module attributes {stable_mosaic.version = 14 : i64} {
  func.func @_edge_scatter_body(%arg0: i32, %arg1: i32, %arg2: memref<320000xf32, #tpu.memory_space<hbm>>, %arg3: memref<320000xf32, #tpu.memory_space<hbm>>, %arg4: memref<320000xi32, #tpu.memory_space<hbm>>, %arg5: memref<320000xf32, #tpu.memory_space<hbm>>, %arg6: memref<320000xf32, #tpu.memory_space<hbm>>, %arg7: memref<10000xf32, #tpu.memory_space<vmem>>, %arg8: memref<10000xf32, #tpu.memory_space<vmem>>, %arg9: memref<10000xi32, #tpu.memory_space<vmem>>, %arg10: memref<10000xf32, #tpu.memory_space<vmem>>, %arg11: memref<10000xf32, #tpu.memory_space<vmem>>) attributes {dimension_semantics = [#tpu.dimension_semantics<core_parallel>, #tpu.dimension_semantics<subcore_parallel>], iteration_bounds = array<i64: 2, 16>, scalar_prefetch = 0 : i64, scratch_operands = 5 : i64, tpu.core_type = #tpu.core_type<sc_vector_subcore>, window_params = [{transform_indices = #map}, {transform_indices = #map}, {transform_indices = #map}, {transform_indices = #map}, {transform_indices = #map}]} {
    %mul3A = arith.constant 16 : i32
    %mul3A_0 = arith.muli %arg0, %mul3A : i32
    %add3A = arith.addi %mul3A_0, %arg1 : i32
    %mul3A_1 = arith.constant 10000 : i32
    %mul3A_2 = arith.muli %add3A, %mul3A_1 : i32
    %multiple_of3A = tpu.assume_multiple %mul3A_2, 8 : i32
    "tpu.region"() ({
      %run_scoped3A = tpu.sem_alloc : memref<!tpu.dma_semaphore, #tpu.memory_space<semaphore_mem>>
      %dma_start3A = tpu.memref_slice %arg4[%multiple_of3A] : memref<320000xi32, #tpu.memory_space<hbm>> -> memref<10000xi32, #tpu.memory_space<hbm>>
      %dma_start3A_18 = tpu.memref_slice %arg4[%multiple_of3A] : memref<320000xi32, #tpu.memory_space<hbm>> -> memref<10000xi32, #tpu.memory_space<hbm>>
      tpu.enqueue_dma source(%dma_start3A_18 : memref<10000xi32, #tpu.memory_space<hbm>>) target(%arg9 : memref<10000xi32, #tpu.memory_space<vmem>>) target_semaphore(%run_scoped3A : memref<!tpu.dma_semaphore, #tpu.memory_space<semaphore_mem>>)
      %dma_wait3A = tpu.memref_slice %arg4[%multiple_of3A] : memref<320000xi32, #tpu.memory_space<hbm>> -> memref<10000xi32, #tpu.memory_space<hbm>>
      %dma_wait3A_19 = tpu.memref_slice %arg4[%multiple_of3A] : memref<320000xi32, #tpu.memory_space<hbm>> -> memref<10000xi32, #tpu.memory_space<hbm>>
      tpu.wait_dma2 semaphore(%run_scoped3A : memref<!tpu.dma_semaphore, #tpu.memory_space<semaphore_mem>>) src(%dma_wait3A_19 : memref<10000xi32, #tpu.memory_space<hbm>>) dst(%arg9 : memref<10000xi32, #tpu.memory_space<vmem>>)
      tpu.yield
    }) : () -> ()
    "tpu.region"() ({
      %run_scoped3A = tpu.sem_alloc : memref<!tpu.dma_semaphore, #tpu.memory_space<semaphore_mem>>
      %dma_start3A = tpu.memref_slice %arg2[%multiple_of3A] : memref<320000xf32, #tpu.memory_space<hbm>> -> memref<10000xf32, #tpu.memory_space<hbm>>
      %dma_start3A_18 = tpu.memref_slice %arg2[%multiple_of3A] : memref<320000xf32, #tpu.memory_space<hbm>> -> memref<10000xf32, #tpu.memory_space<hbm>>
      tpu.enqueue_dma source(%dma_start3A_18 : memref<10000xf32, #tpu.memory_space<hbm>>) target(%arg10 : memref<10000xf32, #tpu.memory_space<vmem>>) target_semaphore(%run_scoped3A : memref<!tpu.dma_semaphore, #tpu.memory_space<semaphore_mem>>)
      %dma_wait3A = tpu.memref_slice %arg2[%multiple_of3A] : memref<320000xf32, #tpu.memory_space<hbm>> -> memref<10000xf32, #tpu.memory_space<hbm>>
      %dma_wait3A_19 = tpu.memref_slice %arg2[%multiple_of3A] : memref<320000xf32, #tpu.memory_space<hbm>> -> memref<10000xf32, #tpu.memory_space<hbm>>
      tpu.wait_dma2 semaphore(%run_scoped3A : memref<!tpu.dma_semaphore, #tpu.memory_space<semaphore_mem>>) src(%dma_wait3A_19 : memref<10000xf32, #tpu.memory_space<hbm>>) dst(%arg10 : memref<10000xf32, #tpu.memory_space<vmem>>)
      tpu.yield
    }) : () -> ()
    "tpu.region"() ({
      %run_scoped3A = tpu.sem_alloc : memref<!tpu.dma_semaphore, #tpu.memory_space<semaphore_mem>>
      %dma_start3A = tpu.memref_slice %arg3[%multiple_of3A] : memref<320000xf32, #tpu.memory_space<hbm>> -> memref<10000xf32, #tpu.memory_space<hbm>>
      %dma_start3A_18 = tpu.memref_slice %arg3[%multiple_of3A] : memref<320000xf32, #tpu.memory_space<hbm>> -> memref<10000xf32, #tpu.memory_space<hbm>>
      tpu.enqueue_dma source(%dma_start3A_18 : memref<10000xf32, #tpu.memory_space<hbm>>) target(%arg11 : memref<10000xf32, #tpu.memory_space<vmem>>) target_semaphore(%run_scoped3A : memref<!tpu.dma_semaphore, #tpu.memory_space<semaphore_mem>>)
      %dma_wait3A = tpu.memref_slice %arg3[%multiple_of3A] : memref<320000xf32, #tpu.memory_space<hbm>> -> memref<10000xf32, #tpu.memory_space<hbm>>
      %dma_wait3A_19 = tpu.memref_slice %arg3[%multiple_of3A] : memref<320000xf32, #tpu.memory_space<hbm>> -> memref<10000xf32, #tpu.memory_space<hbm>>
      tpu.wait_dma2 semaphore(%run_scoped3A : memref<!tpu.dma_semaphore, #tpu.memory_space<semaphore_mem>>) src(%dma_wait3A_19 : memref<10000xf32, #tpu.memory_space<hbm>>) dst(%arg11 : memref<10000xf32, #tpu.memory_space<vmem>>)
      tpu.yield
    }) : () -> ()
    %broadcast_in_dim3A = arith.constant 0.000000e+00 : f32
    %broadcast_in_dim3A_3 = vector.broadcast %broadcast_in_dim3A : f32 to vector<16xf32>
    %scan3A = arith.constant 0 : i32
    %scan3A_4 = arith.constant 0 : i32
    %scan3A_5 = arith.constant 625 : i32
    %scan3A_6 = arith.addi %scan3A_4, %scan3A_5 : i32
    %scan3A_7 = arith.constant 1 : i32
    scf.for %scan3A_18 = %scan3A_4 to %scan3A_6 step %scan3A_7  : i32 {
      %mul3A_19 = arith.constant 16 : i32
      %mul3A_20 = arith.muli %scan3A_18, %mul3A_19 : i32
      %swap3A = arith.index_cast %mul3A_20 : i32 to index
      %swap3A_21 = tpu.vector_load %arg7[%swap3A] {strides = array<i32>} : memref<10000xf32, #tpu.memory_space<vmem>>, vector<16xf32>,
      tpu.vector_store %arg7[%swap3A], %broadcast_in_dim3A_3 {strides = array<i32>} : memref<10000xf32, #tpu.memory_space<vmem>>, vector<16xf32>,
      %mul3A_22 = arith.constant 16 : i32
      %mul3A_23 = arith.muli %scan3A_18, %mul3A_22 : i32
      %swap3A_24 = arith.index_cast %mul3A_23 : i32 to index
      %swap3A_25 = tpu.vector_load %arg8[%swap3A_24] {strides = array<i32>} : memref<10000xf32, #tpu.memory_space<vmem>>, vector<16xf32>,
      tpu.vector_store %arg8[%swap3A_24], %broadcast_in_dim3A_3 {strides = array<i32>} : memref<10000xf32, #tpu.memory_space<vmem>>, vector<16xf32>,
    }
    %scan3A_8 = arith.constant 625 : i32
    %scan3A_9 = arith.constant 0 : i32
    %scan3A_10 = arith.constant 0 : i32
    %scan3A_11 = arith.constant 625 : i32
    %scan3A_12 = arith.addi %scan3A_10, %scan3A_11 : i32
    %scan3A_13 = arith.constant 1 : i32
    scf.for %scan3A_18 = %scan3A_10 to %scan3A_12 step %scan3A_13  : i32 {
      %mul3A_19 = arith.constant 16 : i32
      %mul3A_20 = arith.muli %scan3A_18, %mul3A_19 : i32
      %get3A = arith.index_cast %mul3A_20 : i32 to index
      %get3A_21 = tpu.vector_load %arg9[%get3A] {strides = array<i32>} : memref<10000xi32, #tpu.memory_space<vmem>>, vector<16xi32>,
      %get3A_22 = arith.index_cast %mul3A_20 : i32 to index
      %get3A_23 = tpu.vector_load %arg10[%get3A_22] {strides = array<i32>} : memref<10000xf32, #tpu.memory_space<vmem>>, vector<16xf32>,
      tpu.vector_store_idx %arg7[%get3A_21], %get3A_23 {add = true} : memref<10000xf32, #tpu.memory_space<vmem>>[vector<16xi32>], vector<16xf32>,
      %get3A_24 = arith.index_cast %mul3A_20 : i32 to index
      %get3A_25 = tpu.vector_load %arg11[%get3A_24] {strides = array<i32>} : memref<10000xf32, #tpu.memory_space<vmem>>, vector<16xf32>,
      tpu.vector_store_idx %arg8[%get3A_21], %get3A_25 {add = true} : memref<10000xf32, #tpu.memory_space<vmem>>[vector<16xi32>], vector<16xf32>,
    }
    %scan3A_14 = arith.constant 625 : i32
    %mul3A_15 = arith.constant 10000 : i32
    %mul3A_16 = arith.muli %add3A, %mul3A_15 : i32
    %multiple_of3A_17 = tpu.assume_multiple %mul3A_16, 8 : i32
    "tpu.region"() ({
      %run_scoped3A = tpu.sem_alloc : memref<!tpu.dma_semaphore, #tpu.memory_space<semaphore_mem>>
      %dma_start3A = tpu.memref_slice %arg5[%multiple_of3A_17] : memref<320000xf32, #tpu.memory_space<hbm>> -> memref<10000xf32, #tpu.memory_space<hbm>>
      %dma_start3A_18 = tpu.memref_slice %arg5[%multiple_of3A_17] : memref<320000xf32, #tpu.memory_space<hbm>> -> memref<10000xf32, #tpu.memory_space<hbm>>
      tpu.enqueue_dma source(%arg7 : memref<10000xf32, #tpu.memory_space<vmem>>) target(%dma_start3A_18 : memref<10000xf32, #tpu.memory_space<hbm>>) target_semaphore(%run_scoped3A : memref<!tpu.dma_semaphore, #tpu.memory_space<semaphore_mem>>)
      %dma_wait3A = tpu.memref_slice %arg5[%multiple_of3A_17] : memref<320000xf32, #tpu.memory_space<hbm>> -> memref<10000xf32, #tpu.memory_space<hbm>>
      %dma_wait3A_19 = tpu.memref_slice %arg5[%multiple_of3A_17] : memref<320000xf32, #tpu.memory_space<hbm>> -> memref<10000xf32, #tpu.memory_space<hbm>>
      tpu.wait_dma2 semaphore(%run_scoped3A : memref<!tpu.dma_semaphore, #tpu.memory_space<semaphore_mem>>) src(%arg7 : memref<10000xf32, #tpu.memory_space<vmem>>) dst(%dma_wait3A_19 : memref<10000xf32, #tpu.memory_space<hbm>>)
      tpu.yield
    }) : () -> ()
    "tpu.region"() ({
      %run_scoped3A = tpu.sem_alloc : memref<!tpu.dma_semaphore, #tpu.memory_space<semaphore_mem>>
      %dma_start3A = tpu.memref_slice %arg6[%multiple_of3A_17] : memref<320000xf32, #tpu.memory_space<hbm>> -> memref<10000xf32, #tpu.memory_space<hbm>>
      %dma_start3A_18 = tpu.memref_slice %arg6[%multiple_of3A_17] : memref<320000xf32, #tpu.memory_space<hbm>> -> memref<10000xf32, #tpu.memory_space<hbm>>
      tpu.enqueue_dma source(%arg8 : memref<10000xf32, #tpu.memory_space<vmem>>) target(%dma_start3A_18 : memref<10000xf32, #tpu.memory_space<hbm>>) target_semaphore(%run_scoped3A : memref<!tpu.dma_semaphore, #tpu.memory_space<semaphore_mem>>)
      %dma_wait3A = tpu.memref_slice %arg6[%multiple_of3A_17] : memref<320000xf32, #tpu.memory_space<hbm>> -> memref<10000xf32, #tpu.memory_space<hbm>>
      %dma_wait3A_19 = tpu.memref_slice %arg6[%multiple_of3A_17] : memref<320000xf32, #tpu.memory_space<hbm>> -> memref<10000xf32, #tpu.memory_space<hbm>>
      tpu.wait_dma2 semaphore(%run_scoped3A : memref<!tpu.dma_semaphore, #tpu.memory_space<semaphore_mem>>) src(%arg8 : memref<10000xf32, #tpu.memory_space<vmem>>) dst(%dma_wait3A_19 : memref<10000xf32, #tpu.memory_space<hbm>>)
      tpu.yield
    }) : () -> ()
    return
  }
}

#map = affine_map<(d0, d1) -> (0, 0)>
#map1 = affine_map<(d0, d1) -> (0)>
#map2 = affine_map<(d0, d1) -> (0, 0, 0, 0)>
#map3 = affine_map<(d0, d1) -> (0, 0, 0)>
module attributes {stable_mosaic.version = 14 : i64} {
  func.func @_segsum_body(%arg0: i32, %arg1: i32, %arg2: memref<20000x128xf32, #tpu.memory_space<hbm>>, %arg3: memref<640000xi32, #tpu.memory_space<hbm>>, %arg4: memref<16x5x50x80xi32, #tpu.memory_space<hbm>>, %arg5: memref<632x128xf32, #tpu.memory_space<hbm>>, %arg6: memref<2x10000x128xf32, #tpu.memory_space<hbm>>, %arg7: memref<10000x128xf32, #tpu.memory_space<vmem_shared>>, %arg8: memref<20000xi32, #tpu.memory_space<vmem>>, %arg9: memref<50x80xi32, #tpu.memory_space<vmem>>, %arg10: memref<80x128xf32, #tpu.memory_space<vmem>>, %arg11: memref<80x128xf32, #tpu.memory_space<vmem>>, %arg12: memref<!tpu.dma_semaphore, #tpu.memory_space<semaphore_mem>>, %arg13: memref<!tpu.dma_semaphore, #tpu.memory_space<semaphore_mem>>) attributes {dimension_semantics = [#tpu.dimension_semantics<core_parallel>, #tpu.dimension_semantics<subcore_parallel>], iteration_bounds = array<i64: 2, 16>, scalar_prefetch = 0 : i64, scratch_operands = 7 : i64, tpu.core_type = #tpu.core_type<sc_vector_subcore>, window_params = [{transform_indices = #map}, {transform_indices = #map1}, {transform_indices = #map2}, {transform_indices = #map}, {transform_indices = #map3}]} {
    %mul3A = arith.constant 632 : i32
    %mul3A_0 = arith.muli %arg1, %mul3A : i32
    %multiple_of3A = tpu.assume_multiple %mul3A_0, 8 : i32
    %mul3A_1 = arith.constant 16 : i32
    %mul3A_2 = arith.muli %arg0, %mul3A_1 : i32
    %add3A = arith.addi %mul3A_2, %arg1 : i32
    %mul3A_3 = arith.constant 20000 : i32
    %mul3A_4 = arith.muli %add3A, %mul3A_3 : i32
    %multiple_of3A_5 = tpu.assume_multiple %mul3A_4, 8 : i32
    "tpu.region"() ({
      %run_scoped3A_119 = tpu.sem_alloc : memref<!tpu.dma_semaphore, #tpu.memory_space<semaphore_mem>>
      %dma_start3A_120 = tpu.memref_slice %arg3[%multiple_of3A_5] : memref<640000xi32, #tpu.memory_space<hbm>> -> memref<20000xi32, #tpu.memory_space<hbm>>
      %dma_start3A_121 = tpu.memref_slice %arg3[%multiple_of3A_5] : memref<640000xi32, #tpu.memory_space<hbm>> -> memref<20000xi32, #tpu.memory_space<hbm>>
      tpu.enqueue_dma source(%dma_start3A_121 : memref<20000xi32, #tpu.memory_space<hbm>>) target(%arg8 : memref<20000xi32, #tpu.memory_space<vmem>>) target_semaphore(%run_scoped3A_119 : memref<!tpu.dma_semaphore, #tpu.memory_space<semaphore_mem>>)
      %dma_wait3A_122 = tpu.memref_slice %arg3[%multiple_of3A_5] : memref<640000xi32, #tpu.memory_space<hbm>> -> memref<20000xi32, #tpu.memory_space<hbm>>
      %dma_wait3A_123 = tpu.memref_slice %arg3[%multiple_of3A_5] : memref<640000xi32, #tpu.memory_space<hbm>> -> memref<20000xi32, #tpu.memory_space<hbm>>
      tpu.wait_dma2 semaphore(%run_scoped3A_119 : memref<!tpu.dma_semaphore, #tpu.memory_space<semaphore_mem>>) src(%dma_wait3A_123 : memref<20000xi32, #tpu.memory_space<hbm>>) dst(%arg8 : memref<20000xi32, #tpu.memory_space<vmem>>)
      tpu.yield
    }) : () -> ()
    %lt3A = arith.constant 15 : i32
    %lt3A_6 = arith.cmpi slt, %arg1, %lt3A : i32
    %convert_element_type3A = arith.extui %lt3A_6 : i1 to i32
    %cond3A = arith.constant 0 : i32
    %cond3A_7 = arith.cmpi ne, %convert_element_type3A, %cond3A : i32
    scf.if %cond3A_7 {
      "tpu.region"() ({
        %run_scoped3A_119 = tpu.sem_alloc : memref<!tpu.dma_semaphore, #tpu.memory_space<semaphore_mem>>
        %dma_start3A_120 = arith.constant 0 : i32
        %dma_start3A_121 = tpu.memref_slice %arg7[%multiple_of3A, %dma_start3A_120] : memref<10000x128xf32, #tpu.memory_space<vmem_shared>> -> memref<632x128xf32, #tpu.memory_space<vmem_shared>>
        %dma_start3A_122 = arith.constant 0 : i32
        %dma_start3A_123 = arith.constant 0 : i32
        %dma_start3A_124 = tpu.memref_slice %arg5[%dma_start3A_122, %dma_start3A_123] : memref<632x128xf32, #tpu.memory_space<hbm>> -> memref<632x128xf32, #tpu.memory_space<hbm>>
        tpu.enqueue_dma source(%dma_start3A_124 : memref<632x128xf32, #tpu.memory_space<hbm>>) target(%dma_start3A_121 : memref<632x128xf32, #tpu.memory_space<vmem_shared>>) target_semaphore(%run_scoped3A_119 : memref<!tpu.dma_semaphore, #tpu.memory_space<semaphore_mem>>)
        %dma_wait3A_125 = arith.constant 0 : i32
        %dma_wait3A_126 = tpu.memref_slice %arg7[%multiple_of3A, %dma_wait3A_125] : memref<10000x128xf32, #tpu.memory_space<vmem_shared>> -> memref<632x128xf32, #tpu.memory_space<vmem_shared>>
        %dma_wait3A_127 = arith.constant 0 : i32
        %dma_wait3A_128 = arith.constant 0 : i32
        %dma_wait3A_129 = tpu.memref_slice %arg5[%dma_wait3A_127, %dma_wait3A_128] : memref<632x128xf32, #tpu.memory_space<hbm>> -> memref<632x128xf32, #tpu.memory_space<hbm>>
        tpu.wait_dma2 semaphore(%run_scoped3A_119 : memref<!tpu.dma_semaphore, #tpu.memory_space<semaphore_mem>>) src(%dma_wait3A_129 : memref<632x128xf32, #tpu.memory_space<hbm>>) dst(%dma_wait3A_126 : memref<632x128xf32, #tpu.memory_space<vmem_shared>>)
        tpu.yield
      }) : () -> ()
    } else {
    }
    %eq3A = arith.constant 15 : i32
    %eq3A_8 = arith.cmpi eq, %arg1, %eq3A : i32
    %convert_element_type3A_9 = arith.extui %eq3A_8 : i1 to i32
    %cond3A_10 = arith.constant 0 : i32
    %cond3A_11 = arith.cmpi ne, %convert_element_type3A_9, %cond3A_10 : i32
    scf.if %cond3A_11 {
      "tpu.region"() ({
        %run_scoped3A_119 = tpu.sem_alloc : memref<!tpu.dma_semaphore, #tpu.memory_space<semaphore_mem>>
        %dma_start3A_120 = arith.constant 9480 : i32
        %dma_start3A_121 = arith.constant 0 : i32
        %dma_start3A_122 = tpu.memref_slice %arg7[%dma_start3A_120, %dma_start3A_121] : memref<10000x128xf32, #tpu.memory_space<vmem_shared>> -> memref<520x128xf32, #tpu.memory_space<vmem_shared>>
        %dma_start3A_123 = arith.constant 0 : i32
        %dma_start3A_124 = arith.constant 0 : i32
        %dma_start3A_125 = tpu.memref_slice %arg5[%dma_start3A_123, %dma_start3A_124] : memref<632x128xf32, #tpu.memory_space<hbm>> -> memref<520x128xf32, #tpu.memory_space<hbm>>
        tpu.enqueue_dma source(%dma_start3A_125 : memref<520x128xf32, #tpu.memory_space<hbm>>) target(%dma_start3A_122 : memref<520x128xf32, #tpu.memory_space<vmem_shared>>) target_semaphore(%run_scoped3A_119 : memref<!tpu.dma_semaphore, #tpu.memory_space<semaphore_mem>>)
        %dma_wait3A_126 = arith.constant 9480 : i32
        %dma_wait3A_127 = arith.constant 0 : i32
        %dma_wait3A_128 = tpu.memref_slice %arg7[%dma_wait3A_126, %dma_wait3A_127] : memref<10000x128xf32, #tpu.memory_space<vmem_shared>> -> memref<520x128xf32, #tpu.memory_space<vmem_shared>>
        %dma_wait3A_129 = arith.constant 0 : i32
        %dma_wait3A_130 = arith.constant 0 : i32
        %dma_wait3A_131 = tpu.memref_slice %arg5[%dma_wait3A_129, %dma_wait3A_130] : memref<632x128xf32, #tpu.memory_space<hbm>> -> memref<520x128xf32, #tpu.memory_space<hbm>>
        tpu.wait_dma2 semaphore(%run_scoped3A_119 : memref<!tpu.dma_semaphore, #tpu.memory_space<semaphore_mem>>) src(%dma_wait3A_131 : memref<520x128xf32, #tpu.memory_space<hbm>>) dst(%dma_wait3A_128 : memref<520x128xf32, #tpu.memory_space<vmem_shared>>)
        tpu.yield
      }) : () -> ()
    } else {
    }
    %barrier3A = arith.constant 0 : index
    tpu.barrier barrier_id(%barrier3A)
    %run_scoped3A = arith.constant 0 : i32
    "tpu.region"() ({
      %run_scoped3A_119 = tpu.sem_alloc : memref<!tpu.dma_semaphore, #tpu.memory_space<semaphore_mem>>
      %dma_start3A_120 = arith.constant 0 : i32
      %dma_start3A_121 = arith.constant 0 : i32
      %dma_start3A_122 = tpu.memref_slice %arg4[%arg1, %run_scoped3A, %dma_start3A_120, %dma_start3A_121] : memref<16x5x50x80xi32, #tpu.memory_space<hbm>> -> memref<1x1x50x80xi32, #tpu.memory_space<hbm>>
      %dma_start3A_123 = tpu.memref_squeeze %dma_start3A_122 : memref<1x1x50x80xi32, #tpu.memory_space<hbm>> -> memref<50x80xi32, #tpu.memory_space<hbm>>
      %dma_start3A_124 = arith.constant 0 : i32
      %dma_start3A_125 = arith.constant 0 : i32
      %dma_start3A_126 = tpu.memref_slice %arg4[%arg1, %run_scoped3A, %dma_start3A_124, %dma_start3A_125] : memref<16x5x50x80xi32, #tpu.memory_space<hbm>> -> memref<1x1x50x80xi32, #tpu.memory_space<hbm>>
      %dma_start3A_127 = tpu.memref_squeeze %dma_start3A_126 : memref<1x1x50x80xi32, #tpu.memory_space<hbm>> -> memref<50x80xi32, #tpu.memory_space<hbm>>
      tpu.enqueue_dma source(%dma_start3A_127 : memref<50x80xi32, #tpu.memory_space<hbm>>) target(%arg9 : memref<50x80xi32, #tpu.memory_space<vmem>>) target_semaphore(%run_scoped3A_119 : memref<!tpu.dma_semaphore, #tpu.memory_space<semaphore_mem>>)
      %dma_wait3A_128 = arith.constant 0 : i32
      %dma_wait3A_129 = arith.constant 0 : i32
      %dma_wait3A_130 = tpu.memref_slice %arg4[%arg1, %run_scoped3A, %dma_wait3A_128, %dma_wait3A_129] : memref<16x5x50x80xi32, #tpu.memory_space<hbm>> -> memref<1x1x50x80xi32, #tpu.memory_space<hbm>>
      %dma_wait3A_131 = tpu.memref_squeeze %dma_wait3A_130 : memref<1x1x50x80xi32, #tpu.memory_space<hbm>> -> memref<50x80xi32, #tpu.memory_space<hbm>>
      %dma_wait3A_132 = arith.constant 0 : i32
      %dma_wait3A_133 = arith.constant 0 : i32
      %dma_wait3A_134 = tpu.memref_slice %arg4[%arg1, %run_scoped3A, %dma_wait3A_132, %dma_wait3A_133] : memref<16x5x50x80xi32, #tpu.memory_space<hbm>> -> memref<1x1x50x80xi32, #tpu.memory_space<hbm>>
      %dma_wait3A_135 = tpu.memref_squeeze %dma_wait3A_134 : memref<1x1x50x80xi32, #tpu.memory_space<hbm>> -> memref<50x80xi32, #tpu.memory_space<hbm>>
      tpu.wait_dma2 semaphore(%run_scoped3A_119 : memref<!tpu.dma_semaphore, #tpu.memory_space<semaphore_mem>>) src(%dma_wait3A_135 : memref<50x80xi32, #tpu.memory_space<hbm>>) dst(%arg9 : memref<50x80xi32, #tpu.memory_space<vmem>>)
      tpu.yield
    }) : () -> ()
    %multiple_of3A_12 = arith.constant 0 : i32
    %multiple_of3A_13 = tpu.assume_multiple %multiple_of3A_12, 8 : i32
    %dma_start3A = tpu.memref_slice %arg8[%multiple_of3A_13] : memref<20000xi32, #tpu.memory_space<vmem>> -> memref<80xi32, #tpu.memory_space<vmem>>
    %dma_start3A_14 = arith.constant 0 : i32
    %dma_start3A_15 = arith.constant 0 : i32
    %dma_start3A_16 = tpu.memref_slice %arg2[%dma_start3A_14, %dma_start3A_15] : memref<20000x128xf32, #tpu.memory_space<hbm>> -> memref<20000x128xf32, #tpu.memory_space<hbm>>
    tpu.enqueue_indirect_dma source(%dma_start3A_16 : memref<20000x128xf32, #tpu.memory_space<hbm>>) target(%arg10 : memref<80x128xf32, #tpu.memory_space<vmem>>) offsets(%dma_start3A : memref<80xi32, #tpu.memory_space<vmem>>) semaphore(%arg12 : memref<!tpu.dma_semaphore, #tpu.memory_space<semaphore_mem>>)
    %scan3A = arith.constant 0 : i32
    %scan3A_17 = arith.constant 0 : i32
    %scan3A_18 = arith.constant 25 : i32
    %scan3A_19 = arith.addi %scan3A_17, %scan3A_18 : i32
    %scan3A_20 = arith.constant 1 : i32
    scf.for %scan3A_119 = %scan3A_17 to %scan3A_19 step %scan3A_20  : i32 {
      %mul3A_120 = arith.constant 2 : i32
      %mul3A_121 = arith.muli %mul3A_120, %scan3A_119 : i32
      %add3A_122 = arith.constant 0 : i32
      %add3A_123 = arith.addi %add3A_122, %mul3A_121 : i32
      %gt3A = arith.constant 0 : i32
      %gt3A_124 = arith.cmpi sgt, %scan3A_119, %gt3A : i32
      %convert_element_type3A_125 = arith.extui %gt3A_124 : i1 to i32
      %cond3A_126 = arith.constant 0 : i32
      %cond3A_127 = arith.cmpi ne, %convert_element_type3A_125, %cond3A_126 : i32
      scf.if %cond3A_127 {
        %sub3A = arith.constant 1 : i32
        %sub3A_178 = arith.subi %mul3A_121, %sub3A : i32
        %dma_wait3A_179 = arith.constant 0 : i32
        %dma_wait3A_180 = tpu.memref_slice %arg9[%sub3A_178, %dma_wait3A_179] : memref<50x80xi32, #tpu.memory_space<vmem>> -> memref<1x80xi32, #tpu.memory_space<vmem>>
        %dma_wait3A_181 = tpu.memref_squeeze %dma_wait3A_180 : memref<1x80xi32, #tpu.memory_space<vmem>> -> memref<80xi32, #tpu.memory_space<vmem>>
        %dma_wait3A_182 = arith.constant 0 : i32
        %dma_wait3A_183 = arith.constant 0 : i32
        %dma_wait3A_184 = tpu.memref_slice %arg7[%dma_wait3A_182, %dma_wait3A_183] : memref<10000x128xf32, #tpu.memory_space<vmem_shared>> -> memref<10000x128xf32, #tpu.memory_space<vmem_shared>>
        tpu.wait_indirect_dma semaphore(%arg13 : memref<!tpu.dma_semaphore, #tpu.memory_space<semaphore_mem>>) src(%arg11 : memref<80x128xf32, #tpu.memory_space<vmem>>) dst(%dma_wait3A_184 : memref<10000x128xf32, #tpu.memory_space<vmem_shared>>)
      } else {
      }
      %add3A_128 = arith.constant 1 : i32
      %add3A_129 = arith.addi %add3A_123, %add3A_128 : i32
      %mul3A_130 = arith.constant 80 : i32
      %mul3A_131 = arith.muli %add3A_129, %mul3A_130 : i32
      %multiple_of3A_132 = tpu.assume_multiple %mul3A_131, 8 : i32
      %dma_start3A_133 = tpu.memref_slice %arg8[%multiple_of3A_132] : memref<20000xi32, #tpu.memory_space<vmem>> -> memref<80xi32, #tpu.memory_space<vmem>>
      %dma_start3A_134 = arith.constant 0 : i32
      %dma_start3A_135 = arith.constant 0 : i32
      %dma_start3A_136 = tpu.memref_slice %arg2[%dma_start3A_134, %dma_start3A_135] : memref<20000x128xf32, #tpu.memory_space<hbm>> -> memref<20000x128xf32, #tpu.memory_space<hbm>>
      tpu.enqueue_indirect_dma source(%dma_start3A_136 : memref<20000x128xf32, #tpu.memory_space<hbm>>) target(%arg11 : memref<80x128xf32, #tpu.memory_space<vmem>>) offsets(%dma_start3A_133 : memref<80xi32, #tpu.memory_space<vmem>>) semaphore(%arg12 : memref<!tpu.dma_semaphore, #tpu.memory_space<semaphore_mem>>)
      %mul3A_137 = arith.constant 80 : i32
      %mul3A_138 = arith.muli %add3A_123, %mul3A_137 : i32
      %multiple_of3A_139 = tpu.assume_multiple %mul3A_138, 8 : i32
      %dma_wait3A_140 = tpu.memref_slice %arg8[%multiple_of3A_139] : memref<20000xi32, #tpu.memory_space<vmem>> -> memref<80xi32, #tpu.memory_space<vmem>>
      %dma_wait3A_141 = arith.constant 0 : i32
      %dma_wait3A_142 = arith.constant 0 : i32
      %dma_wait3A_143 = tpu.memref_slice %arg2[%dma_wait3A_141, %dma_wait3A_142] : memref<20000x128xf32, #tpu.memory_space<hbm>> -> memref<20000x128xf32, #tpu.memory_space<hbm>>
      tpu.wait_indirect_dma semaphore(%arg12 : memref<!tpu.dma_semaphore, #tpu.memory_space<semaphore_mem>>) src(%dma_wait3A_143 : memref<20000x128xf32, #tpu.memory_space<hbm>>) dst(%arg10 : memref<80x128xf32, #tpu.memory_space<vmem>>)
      %dma_start3A_144 = arith.constant 0 : i32
      %dma_start3A_145 = tpu.memref_slice %arg9[%mul3A_121, %dma_start3A_144] : memref<50x80xi32, #tpu.memory_space<vmem>> -> memref<1x80xi32, #tpu.memory_space<vmem>>
      %dma_start3A_146 = tpu.memref_squeeze %dma_start3A_145 : memref<1x80xi32, #tpu.memory_space<vmem>> -> memref<80xi32, #tpu.memory_space<vmem>>
      %dma_start3A_147 = arith.constant 0 : i32
      %dma_start3A_148 = arith.constant 0 : i32
      %dma_start3A_149 = tpu.memref_slice %arg7[%dma_start3A_147, %dma_start3A_148] : memref<10000x128xf32, #tpu.memory_space<vmem_shared>> -> memref<10000x128xf32, #tpu.memory_space<vmem_shared>>
      tpu.enqueue_indirect_dma source(%arg10 : memref<80x128xf32, #tpu.memory_space<vmem>>) target(%dma_start3A_149 : memref<10000x128xf32, #tpu.memory_space<vmem_shared>>) offsets(%dma_start3A_146 : memref<80xi32, #tpu.memory_space<vmem>>) semaphore(%arg13 : memref<!tpu.dma_semaphore, #tpu.memory_space<semaphore_mem>>) {add = true}
      %dma_wait3A_150 = arith.constant 0 : i32
      %dma_wait3A_151 = tpu.memref_slice %arg9[%mul3A_121, %dma_wait3A_150] : memref<50x80xi32, #tpu.memory_space<vmem>> -> memref<1x80xi32, #tpu.memory_space<vmem>>
      %dma_wait3A_152 = tpu.memref_squeeze %dma_wait3A_151 : memref<1x80xi32, #tpu.memory_space<vmem>> -> memref<80xi32, #tpu.memory_space<vmem>>
      %dma_wait3A_153 = arith.constant 0 : i32
      %dma_wait3A_154 = arith.constant 0 : i32
      %dma_wait3A_155 = tpu.memref_slice %arg7[%dma_wait3A_153, %dma_wait3A_154] : memref<10000x128xf32, #tpu.memory_space<vmem_shared>> -> memref<10000x128xf32, #tpu.memory_space<vmem_shared>>
      tpu.wait_indirect_dma semaphore(%arg13 : memref<!tpu.dma_semaphore, #tpu.memory_space<semaphore_mem>>) src(%arg10 : memref<80x128xf32, #tpu.memory_space<vmem>>) dst(%dma_wait3A_155 : memref<10000x128xf32, #tpu.memory_space<vmem_shared>>)
      %lt3A_156 = arith.constant 24 : i32
      %lt3A_157 = arith.cmpi slt, %scan3A_119, %lt3A_156 : i32
      %convert_element_type3A_158 = arith.extui %lt3A_157 : i1 to i32
      %cond3A_159 = arith.constant 0 : i32
      %cond3A_160 = arith.cmpi ne, %convert_element_type3A_158, %cond3A_159 : i32
      scf.if %cond3A_160 {
        %add3A_178 = arith.constant 2 : i32
        %add3A_179 = arith.addi %add3A_123, %add3A_178 : i32
        %mul3A_180 = arith.constant 80 : i32
        %mul3A_181 = arith.muli %add3A_179, %mul3A_180 : i32
        %multiple_of3A_182 = tpu.assume_multiple %mul3A_181, 8 : i32
        %dma_start3A_183 = tpu.memref_slice %arg8[%multiple_of3A_182] : memref<20000xi32, #tpu.memory_space<vmem>> -> memref<80xi32, #tpu.memory_space<vmem>>
        %dma_start3A_184 = arith.constant 0 : i32
        %dma_start3A_185 = arith.constant 0 : i32
        %dma_start3A_186 = tpu.memref_slice %arg2[%dma_start3A_184, %dma_start3A_185] : memref<20000x128xf32, #tpu.memory_space<hbm>> -> memref<20000x128xf32, #tpu.memory_space<hbm>>
        tpu.enqueue_indirect_dma source(%dma_start3A_186 : memref<20000x128xf32, #tpu.memory_space<hbm>>) target(%arg10 : memref<80x128xf32, #tpu.memory_space<vmem>>) offsets(%dma_start3A_183 : memref<80xi32, #tpu.memory_space<vmem>>) semaphore(%arg12 : memref<!tpu.dma_semaphore, #tpu.memory_space<semaphore_mem>>)
      } else {
      }
      %add3A_161 = arith.constant 1 : i32
      %add3A_162 = arith.addi %add3A_123, %add3A_161 : i32
      %mul3A_163 = arith.constant 80 : i32
      %mul3A_164 = arith.muli %add3A_162, %mul3A_163 : i32
      %multiple_of3A_165 = tpu.assume_multiple %mul3A_164, 8 : i32
      %dma_wait3A_166 = tpu.memref_slice %arg8[%multiple_of3A_165] : memref<20000xi32, #tpu.memory_space<vmem>> -> memref<80xi32, #tpu.memory_space<vmem>>
      %dma_wait3A_167 = arith.constant 0 : i32
      %dma_wait3A_168 = arith.constant 0 : i32
      %dma_wait3A_169 = tpu.memref_slice %arg2[%dma_wait3A_167, %dma_wait3A_168] : memref<20000x128xf32, #tpu.memory_space<hbm>> -> memref<20000x128xf32, #tpu.memory_space<hbm>>
      tpu.wait_indirect_dma semaphore(%arg12 : memref<!tpu.dma_semaphore, #tpu.memory_space<semaphore_mem>>) src(%dma_wait3A_169 : memref<20000x128xf32, #tpu.memory_space<hbm>>) dst(%arg11 : memref<80x128xf32, #tpu.memory_space<vmem>>)
      %add3A_170 = arith.constant 1 : i32
      %add3A_171 = arith.addi %mul3A_121, %add3A_170 : i32
      %dma_start3A_172 = arith.constant 0 : i32
      %dma_start3A_173 = tpu.memref_slice %arg9[%add3A_171, %dma_start3A_172] : memref<50x80xi32, #tpu.memory_space<vmem>> -> memref<1x80xi32, #tpu.memory_space<vmem>>
      %dma_start3A_174 = tpu.memref_squeeze %dma_start3A_173 : memref<1x80xi32, #tpu.memory_space<vmem>> -> memref<80xi32, #tpu.memory_space<vmem>>
      %dma_start3A_175 = arith.constant 0 : i32
      %dma_start3A_176 = arith.constant 0 : i32
      %dma_start3A_177 = tpu.memref_slice %arg7[%dma_start3A_175, %dma_start3A_176] : memref<10000x128xf32, #tpu.memory_space<vmem_shared>> -> memref<10000x128xf32, #tpu.memory_space<vmem_shared>>
      tpu.enqueue_indirect_dma source(%arg11 : memref<80x128xf32, #tpu.memory_space<vmem>>) target(%dma_start3A_177 : memref<10000x128xf32, #tpu.memory_space<vmem_shared>>) offsets(%dma_start3A_174 : memref<80xi32, #tpu.memory_space<vmem>>) semaphore(%arg13 : memref<!tpu.dma_semaphore, #tpu.memory_space<semaphore_mem>>) {add = true}
    }
    %scan3A_21 = arith.constant 25 : i32
    %dma_wait3A = arith.constant 49 : i32
    %dma_wait3A_22 = arith.constant 0 : i32
    %dma_wait3A_23 = tpu.memref_slice %arg9[%dma_wait3A, %dma_wait3A_22] : memref<50x80xi32, #tpu.memory_space<vmem>> -> memref<1x80xi32, #tpu.memory_space<vmem>>
    %dma_wait3A_24 = tpu.memref_squeeze %dma_wait3A_23 : memref<1x80xi32, #tpu.memory_space<vmem>> -> memref<80xi32, #tpu.memory_space<vmem>>
    %dma_wait3A_25 = arith.constant 0 : i32
    %dma_wait3A_26 = arith.constant 0 : i32
    %dma_wait3A_27 = tpu.memref_slice %arg7[%dma_wait3A_25, %dma_wait3A_26] : memref<10000x128xf32, #tpu.memory_space<vmem_shared>> -> memref<10000x128xf32, #tpu.memory_space<vmem_shared>>
    tpu.wait_indirect_dma semaphore(%arg13 : memref<!tpu.dma_semaphore, #tpu.memory_space<semaphore_mem>>) src(%arg11 : memref<80x128xf32, #tpu.memory_space<vmem>>) dst(%dma_wait3A_27 : memref<10000x128xf32, #tpu.memory_space<vmem_shared>>)
    %run_scoped3A_28 = arith.constant 1 : i32
    "tpu.region"() ({
      %run_scoped3A_119 = tpu.sem_alloc : memref<!tpu.dma_semaphore, #tpu.memory_space<semaphore_mem>>
      %dma_start3A_120 = arith.constant 0 : i32
      %dma_start3A_121 = arith.constant 0 : i32
      %dma_start3A_122 = tpu.memref_slice %arg4[%arg1, %run_scoped3A_28, %dma_start3A_120, %dma_start3A_121] : memref<16x5x50x80xi32, #tpu.memory_space<hbm>> -> memref<1x1x50x80xi32, #tpu.memory_space<hbm>>
      %dma_start3A_123 = tpu.memref_squeeze %dma_start3A_122 : memref<1x1x50x80xi32, #tpu.memory_space<hbm>> -> memref<50x80xi32, #tpu.memory_space<hbm>>
      %dma_start3A_124 = arith.constant 0 : i32
      %dma_start3A_125 = arith.constant 0 : i32
      %dma_start3A_126 = tpu.memref_slice %arg4[%arg1, %run_scoped3A_28, %dma_start3A_124, %dma_start3A_125] : memref<16x5x50x80xi32, #tpu.memory_space<hbm>> -> memref<1x1x50x80xi32, #tpu.memory_space<hbm>>
      %dma_start3A_127 = tpu.memref_squeeze %dma_start3A_126 : memref<1x1x50x80xi32, #tpu.memory_space<hbm>> -> memref<50x80xi32, #tpu.memory_space<hbm>>
      tpu.enqueue_dma source(%dma_start3A_127 : memref<50x80xi32, #tpu.memory_space<hbm>>) target(%arg9 : memref<50x80xi32, #tpu.memory_space<vmem>>) target_semaphore(%run_scoped3A_119 : memref<!tpu.dma_semaphore, #tpu.memory_space<semaphore_mem>>)
      %dma_wait3A_128 = arith.constant 0 : i32
      %dma_wait3A_129 = arith.constant 0 : i32
      %dma_wait3A_130 = tpu.memref_slice %arg4[%arg1, %run_scoped3A_28, %dma_wait3A_128, %dma_wait3A_129] : memref<16x5x50x80xi32, #tpu.memory_space<hbm>> -> memref<1x1x50x80xi32, #tpu.memory_space<hbm>>
      %dma_wait3A_131 = tpu.memref_squeeze %dma_wait3A_130 : memref<1x1x50x80xi32, #tpu.memory_space<hbm>> -> memref<50x80xi32, #tpu.memory_space<hbm>>
      %dma_wait3A_132 = arith.constant 0 : i32
      %dma_wait3A_133 = arith.constant 0 : i32
      %dma_wait3A_134 = tpu.memref_slice %arg4[%arg1, %run_scoped3A_28, %dma_wait3A_132, %dma_wait3A_133] : memref<16x5x50x80xi32, #tpu.memory_space<hbm>> -> memref<1x1x50x80xi32, #tpu.memory_space<hbm>>
      %dma_wait3A_135 = tpu.memref_squeeze %dma_wait3A_134 : memref<1x1x50x80xi32, #tpu.memory_space<hbm>> -> memref<50x80xi32, #tpu.memory_space<hbm>>
      tpu.wait_dma2 semaphore(%run_scoped3A_119 : memref<!tpu.dma_semaphore, #tpu.memory_space<semaphore_mem>>) src(%dma_wait3A_135 : memref<50x80xi32, #tpu.memory_space<hbm>>) dst(%arg9 : memref<50x80xi32, #tpu.memory_space<vmem>>)
      tpu.yield
    }) : () -> ()
    %multiple_of3A_29 = arith.constant 4000 : i32
    %multiple_of3A_30 = tpu.assume_multiple %multiple_of3A_29, 8 : i32
    %dma_start3A_31 = tpu.memref_slice %arg8[%multiple_of3A_30] : memref<20000xi32, #tpu.memory_space<vmem>> -> memref<80xi32, #tpu.memory_space<vmem>>
    %dma_start3A_32 = arith.constant 0 : i32
    %dma_start3A_33 = arith.constant 0 : i32
    %dma_start3A_34 = tpu.memref_slice %arg2[%dma_start3A_32, %dma_start3A_33] : memref<20000x128xf32, #tpu.memory_space<hbm>> -> memref<20000x128xf32, #tpu.memory_space<hbm>>
    tpu.enqueue_indirect_dma source(%dma_start3A_34 : memref<20000x128xf32, #tpu.memory_space<hbm>>) target(%arg10 : memref<80x128xf32, #tpu.memory_space<vmem>>) offsets(%dma_start3A_31 : memref<80xi32, #tpu.memory_space<vmem>>) semaphore(%arg12 : memref<!tpu.dma_semaphore, #tpu.memory_space<semaphore_mem>>)
    %scan3A_35 = arith.constant 0 : i32
    %scan3A_36 = arith.constant 0 : i32
    %scan3A_37 = arith.constant 25 : i32
    %scan3A_38 = arith.addi %scan3A_36, %scan3A_37 : i32
    %scan3A_39 = arith.constant 1 : i32
    scf.for %scan3A_119 = %scan3A_36 to %scan3A_38 step %scan3A_39  : i32 {
      %mul3A_120 = arith.constant 2 : i32
      %mul3A_121 = arith.muli %mul3A_120, %scan3A_119 : i32
      %add3A_122 = arith.constant 50 : i32
      %add3A_123 = arith.addi %add3A_122, %mul3A_121 : i32
      %gt3A = arith.constant 0 : i32
      %gt3A_124 = arith.cmpi sgt, %scan3A_119, %gt3A : i32
      %convert_element_type3A_125 = arith.extui %gt3A_124 : i1 to i32
      %cond3A_126 = arith.constant 0 : i32
      %cond3A_127 = arith.cmpi ne, %convert_element_type3A_125, %cond3A_126 : i32
      scf.if %cond3A_127 {
        %sub3A = arith.constant 1 : i32
        %sub3A_178 = arith.subi %mul3A_121, %sub3A : i32
        %dma_wait3A_179 = arith.constant 0 : i32
        %dma_wait3A_180 = tpu.memref_slice %arg9[%sub3A_178, %dma_wait3A_179] : memref<50x80xi32, #tpu.memory_space<vmem>> -> memref<1x80xi32, #tpu.memory_space<vmem>>
        %dma_wait3A_181 = tpu.memref_squeeze %dma_wait3A_180 : memref<1x80xi32, #tpu.memory_space<vmem>> -> memref<80xi32, #tpu.memory_space<vmem>>
        %dma_wait3A_182 = arith.constant 0 : i32
        %dma_wait3A_183 = arith.constant 0 : i32
        %dma_wait3A_184 = tpu.memref_slice %arg7[%dma_wait3A_182, %dma_wait3A_183] : memref<10000x128xf32, #tpu.memory_space<vmem_shared>> -> memref<10000x128xf32, #tpu.memory_space<vmem_shared>>
        tpu.wait_indirect_dma semaphore(%arg13 : memref<!tpu.dma_semaphore, #tpu.memory_space<semaphore_mem>>) src(%arg11 : memref<80x128xf32, #tpu.memory_space<vmem>>) dst(%dma_wait3A_184 : memref<10000x128xf32, #tpu.memory_space<vmem_shared>>)
      } else {
      }
      %add3A_128 = arith.constant 1 : i32
      %add3A_129 = arith.addi %add3A_123, %add3A_128 : i32
      %mul3A_130 = arith.constant 80 : i32
      %mul3A_131 = arith.muli %add3A_129, %mul3A_130 : i32
      %multiple_of3A_132 = tpu.assume_multiple %mul3A_131, 8 : i32
      %dma_start3A_133 = tpu.memref_slice %arg8[%multiple_of3A_132] : memref<20000xi32, #tpu.memory_space<vmem>> -> memref<80xi32, #tpu.memory_space<vmem>>
      %dma_start3A_134 = arith.constant 0 : i32
      %dma_start3A_135 = arith.constant 0 : i32
      %dma_start3A_136 = tpu.memref_slice %arg2[%dma_start3A_134, %dma_start3A_135] : memref<20000x128xf32, #tpu.memory_space<hbm>> -> memref<20000x128xf32, #tpu.memory_space<hbm>>
      tpu.enqueue_indirect_dma source(%dma_start3A_136 : memref<20000x128xf32, #tpu.memory_space<hbm>>) target(%arg11 : memref<80x128xf32, #tpu.memory_space<vmem>>) offsets(%dma_start3A_133 : memref<80xi32, #tpu.memory_space<vmem>>) semaphore(%arg12 : memref<!tpu.dma_semaphore, #tpu.memory_space<semaphore_mem>>)
      %mul3A_137 = arith.constant 80 : i32
      %mul3A_138 = arith.muli %add3A_123, %mul3A_137 : i32
      %multiple_of3A_139 = tpu.assume_multiple %mul3A_138, 8 : i32
      %dma_wait3A_140 = tpu.memref_slice %arg8[%multiple_of3A_139] : memref<20000xi32, #tpu.memory_space<vmem>> -> memref<80xi32, #tpu.memory_space<vmem>>
      %dma_wait3A_141 = arith.constant 0 : i32
      %dma_wait3A_142 = arith.constant 0 : i32
      %dma_wait3A_143 = tpu.memref_slice %arg2[%dma_wait3A_141, %dma_wait3A_142] : memref<20000x128xf32, #tpu.memory_space<hbm>> -> memref<20000x128xf32, #tpu.memory_space<hbm>>
      tpu.wait_indirect_dma semaphore(%arg12 : memref<!tpu.dma_semaphore, #tpu.memory_space<semaphore_mem>>) src(%dma_wait3A_143 : memref<20000x128xf32, #tpu.memory_space<hbm>>) dst(%arg10 : memref<80x128xf32, #tpu.memory_space<vmem>>)
      %dma_start3A_144 = arith.constant 0 : i32
      %dma_start3A_145 = tpu.memref_slice %arg9[%mul3A_121, %dma_start3A_144] : memref<50x80xi32, #tpu.memory_space<vmem>> -> memref<1x80xi32, #tpu.memory_space<vmem>>
      %dma_start3A_146 = tpu.memref_squeeze %dma_start3A_145 : memref<1x80xi32, #tpu.memory_space<vmem>> -> memref<80xi32, #tpu.memory_space<vmem>>
      %dma_start3A_147 = arith.constant 0 : i32
      %dma_start3A_148 = arith.constant 0 : i32
      %dma_start3A_149 = tpu.memref_slice %arg7[%dma_start3A_147, %dma_start3A_148] : memref<10000x128xf32, #tpu.memory_space<vmem_shared>> -> memref<10000x128xf32, #tpu.memory_space<vmem_shared>>
      tpu.enqueue_indirect_dma source(%arg10 : memref<80x128xf32, #tpu.memory_space<vmem>>) target(%dma_start3A_149 : memref<10000x128xf32, #tpu.memory_space<vmem_shared>>) offsets(%dma_start3A_146 : memref<80xi32, #tpu.memory_space<vmem>>) semaphore(%arg13 : memref<!tpu.dma_semaphore, #tpu.memory_space<semaphore_mem>>) {add = true}
      %dma_wait3A_150 = arith.constant 0 : i32
      %dma_wait3A_151 = tpu.memref_slice %arg9[%mul3A_121, %dma_wait3A_150] : memref<50x80xi32, #tpu.memory_space<vmem>> -> memref<1x80xi32, #tpu.memory_space<vmem>>
      %dma_wait3A_152 = tpu.memref_squeeze %dma_wait3A_151 : memref<1x80xi32, #tpu.memory_space<vmem>> -> memref<80xi32, #tpu.memory_space<vmem>>
      %dma_wait3A_153 = arith.constant 0 : i32
      %dma_wait3A_154 = arith.constant 0 : i32
      %dma_wait3A_155 = tpu.memref_slice %arg7[%dma_wait3A_153, %dma_wait3A_154] : memref<10000x128xf32, #tpu.memory_space<vmem_shared>> -> memref<10000x128xf32, #tpu.memory_space<vmem_shared>>
      tpu.wait_indirect_dma semaphore(%arg13 : memref<!tpu.dma_semaphore, #tpu.memory_space<semaphore_mem>>) src(%arg10 : memref<80x128xf32, #tpu.memory_space<vmem>>) dst(%dma_wait3A_155 : memref<10000x128xf32, #tpu.memory_space<vmem_shared>>)
      %lt3A_156 = arith.constant 24 : i32
      %lt3A_157 = arith.cmpi slt, %scan3A_119, %lt3A_156 : i32
      %convert_element_type3A_158 = arith.extui %lt3A_157 : i1 to i32
      %cond3A_159 = arith.constant 0 : i32
      %cond3A_160 = arith.cmpi ne, %convert_element_type3A_158, %cond3A_159 : i32
      scf.if %cond3A_160 {
        %add3A_178 = arith.constant 2 : i32
        %add3A_179 = arith.addi %add3A_123, %add3A_178 : i32
        %mul3A_180 = arith.constant 80 : i32
        %mul3A_181 = arith.muli %add3A_179, %mul3A_180 : i32
        %multiple_of3A_182 = tpu.assume_multiple %mul3A_181, 8 : i32
        %dma_start3A_183 = tpu.memref_slice %arg8[%multiple_of3A_182] : memref<20000xi32, #tpu.memory_space<vmem>> -> memref<80xi32, #tpu.memory_space<vmem>>
        %dma_start3A_184 = arith.constant 0 : i32
        %dma_start3A_185 = arith.constant 0 : i32
        %dma_start3A_186 = tpu.memref_slice %arg2[%dma_start3A_184, %dma_start3A_185] : memref<20000x128xf32, #tpu.memory_space<hbm>> -> memref<20000x128xf32, #tpu.memory_space<hbm>>
        tpu.enqueue_indirect_dma source(%dma_start3A_186 : memref<20000x128xf32, #tpu.memory_space<hbm>>) target(%arg10 : memref<80x128xf32, #tpu.memory_space<vmem>>) offsets(%dma_start3A_183 : memref<80xi32, #tpu.memory_space<vmem>>) semaphore(%arg12 : memref<!tpu.dma_semaphore, #tpu.memory_space<semaphore_mem>>)
      } else {
      }
      %add3A_161 = arith.constant 1 : i32
      %add3A_162 = arith.addi %add3A_123, %add3A_161 : i32
      %mul3A_163 = arith.constant 80 : i32
      %mul3A_164 = arith.muli %add3A_162, %mul3A_163 : i32
      %multiple_of3A_165 = tpu.assume_multiple %mul3A_164, 8 : i32
      %dma_wait3A_166 = tpu.memref_slice %arg8[%multiple_of3A_165] : memref<20000xi32, #tpu.memory_space<vmem>> -> memref<80xi32, #tpu.memory_space<vmem>>
      %dma_wait3A_167 = arith.constant 0 : i32
      %dma_wait3A_168 = arith.constant 0 : i32
      %dma_wait3A_169 = tpu.memref_slice %arg2[%dma_wait3A_167, %dma_wait3A_168] : memref<20000x128xf32, #tpu.memory_space<hbm>> -> memref<20000x128xf32, #tpu.memory_space<hbm>>
      tpu.wait_indirect_dma semaphore(%arg12 : memref<!tpu.dma_semaphore, #tpu.memory_space<semaphore_mem>>) src(%dma_wait3A_169 : memref<20000x128xf32, #tpu.memory_space<hbm>>) dst(%arg11 : memref<80x128xf32, #tpu.memory_space<vmem>>)
      %add3A_170 = arith.constant 1 : i32
      %add3A_171 = arith.addi %mul3A_121, %add3A_170 : i32
      %dma_start3A_172 = arith.constant 0 : i32
      %dma_start3A_173 = tpu.memref_slice %arg9[%add3A_171, %dma_start3A_172] : memref<50x80xi32, #tpu.memory_space<vmem>> -> memref<1x80xi32, #tpu.memory_space<vmem>>
      %dma_start3A_174 = tpu.memref_squeeze %dma_start3A_173 : memref<1x80xi32, #tpu.memory_space<vmem>> -> memref<80xi32, #tpu.memory_space<vmem>>
      %dma_start3A_175 = arith.constant 0 : i32
      %dma_start3A_176 = arith.constant 0 : i32
      %dma_start3A_177 = tpu.memref_slice %arg7[%dma_start3A_175, %dma_start3A_176] : memref<10000x128xf32, #tpu.memory_space<vmem_shared>> -> memref<10000x128xf32, #tpu.memory_space<vmem_shared>>
      tpu.enqueue_indirect_dma source(%arg11 : memref<80x128xf32, #tpu.memory_space<vmem>>) target(%dma_start3A_177 : memref<10000x128xf32, #tpu.memory_space<vmem_shared>>) offsets(%dma_start3A_174 : memref<80xi32, #tpu.memory_space<vmem>>) semaphore(%arg13 : memref<!tpu.dma_semaphore, #tpu.memory_space<semaphore_mem>>) {add = true}
    }
    %scan3A_40 = arith.constant 25 : i32
    %dma_wait3A_41 = arith.constant 49 : i32
    %dma_wait3A_42 = arith.constant 0 : i32
    %dma_wait3A_43 = tpu.memref_slice %arg9[%dma_wait3A_41, %dma_wait3A_42] : memref<50x80xi32, #tpu.memory_space<vmem>> -> memref<1x80xi32, #tpu.memory_space<vmem>>
    %dma_wait3A_44 = tpu.memref_squeeze %dma_wait3A_43 : memref<1x80xi32, #tpu.memory_space<vmem>> -> memref<80xi32, #tpu.memory_space<vmem>>
    %dma_wait3A_45 = arith.constant 0 : i32
    %dma_wait3A_46 = arith.constant 0 : i32
    %dma_wait3A_47 = tpu.memref_slice %arg7[%dma_wait3A_45, %dma_wait3A_46] : memref<10000x128xf32, #tpu.memory_space<vmem_shared>> -> memref<10000x128xf32, #tpu.memory_space<vmem_shared>>
    tpu.wait_indirect_dma semaphore(%arg13 : memref<!tpu.dma_semaphore, #tpu.memory_space<semaphore_mem>>) src(%arg11 : memref<80x128xf32, #tpu.memory_space<vmem>>) dst(%dma_wait3A_47 : memref<10000x128xf32, #tpu.memory_space<vmem_shared>>)
    %run_scoped3A_48 = arith.constant 2 : i32
    "tpu.region"() ({
      %run_scoped3A_119 = tpu.sem_alloc : memref<!tpu.dma_semaphore, #tpu.memory_space<semaphore_mem>>
      %dma_start3A_120 = arith.constant 0 : i32
      %dma_start3A_121 = arith.constant 0 : i32
      %dma_start3A_122 = tpu.memref_slice %arg4[%arg1, %run_scoped3A_48, %dma_start3A_120, %dma_start3A_121] : memref<16x5x50x80xi32, #tpu.memory_space<hbm>> -> memref<1x1x50x80xi32, #tpu.memory_space<hbm>>
      %dma_start3A_123 = tpu.memref_squeeze %dma_start3A_122 : memref<1x1x50x80xi32, #tpu.memory_space<hbm>> -> memref<50x80xi32, #tpu.memory_space<hbm>>
      %dma_start3A_124 = arith.constant 0 : i32
      %dma_start3A_125 = arith.constant 0 : i32
      %dma_start3A_126 = tpu.memref_slice %arg4[%arg1, %run_scoped3A_48, %dma_start3A_124, %dma_start3A_125] : memref<16x5x50x80xi32, #tpu.memory_space<hbm>> -> memref<1x1x50x80xi32, #tpu.memory_space<hbm>>
      %dma_start3A_127 = tpu.memref_squeeze %dma_start3A_126 : memref<1x1x50x80xi32, #tpu.memory_space<hbm>> -> memref<50x80xi32, #tpu.memory_space<hbm>>
      tpu.enqueue_dma source(%dma_start3A_127 : memref<50x80xi32, #tpu.memory_space<hbm>>) target(%arg9 : memref<50x80xi32, #tpu.memory_space<vmem>>) target_semaphore(%run_scoped3A_119 : memref<!tpu.dma_semaphore, #tpu.memory_space<semaphore_mem>>)
      %dma_wait3A_128 = arith.constant 0 : i32
      %dma_wait3A_129 = arith.constant 0 : i32
      %dma_wait3A_130 = tpu.memref_slice %arg4[%arg1, %run_scoped3A_48, %dma_wait3A_128, %dma_wait3A_129] : memref<16x5x50x80xi32, #tpu.memory_space<hbm>> -> memref<1x1x50x80xi32, #tpu.memory_space<hbm>>
      %dma_wait3A_131 = tpu.memref_squeeze %dma_wait3A_130 : memref<1x1x50x80xi32, #tpu.memory_space<hbm>> -> memref<50x80xi32, #tpu.memory_space<hbm>>
      %dma_wait3A_132 = arith.constant 0 : i32
      %dma_wait3A_133 = arith.constant 0 : i32
      %dma_wait3A_134 = tpu.memref_slice %arg4[%arg1, %run_scoped3A_48, %dma_wait3A_132, %dma_wait3A_133] : memref<16x5x50x80xi32, #tpu.memory_space<hbm>> -> memref<1x1x50x80xi32, #tpu.memory_space<hbm>>
      %dma_wait3A_135 = tpu.memref_squeeze %dma_wait3A_134 : memref<1x1x50x80xi32, #tpu.memory_space<hbm>> -> memref<50x80xi32, #tpu.memory_space<hbm>>
      tpu.wait_dma2 semaphore(%run_scoped3A_119 : memref<!tpu.dma_semaphore, #tpu.memory_space<semaphore_mem>>) src(%dma_wait3A_135 : memref<50x80xi32, #tpu.memory_space<hbm>>) dst(%arg9 : memref<50x80xi32, #tpu.memory_space<vmem>>)
      tpu.yield
    }) : () -> ()
    %multiple_of3A_49 = arith.constant 8000 : i32
    %multiple_of3A_50 = tpu.assume_multiple %multiple_of3A_49, 8 : i32
    %dma_start3A_51 = tpu.memref_slice %arg8[%multiple_of3A_50] : memref<20000xi32, #tpu.memory_space<vmem>> -> memref<80xi32, #tpu.memory_space<vmem>>
    %dma_start3A_52 = arith.constant 0 : i32
    %dma_start3A_53 = arith.constant 0 : i32
    %dma_start3A_54 = tpu.memref_slice %arg2[%dma_start3A_52, %dma_start3A_53] : memref<20000x128xf32, #tpu.memory_space<hbm>> -> memref<20000x128xf32, #tpu.memory_space<hbm>>
    tpu.enqueue_indirect_dma source(%dma_start3A_54 : memref<20000x128xf32, #tpu.memory_space<hbm>>) target(%arg10 : memref<80x128xf32, #tpu.memory_space<vmem>>) offsets(%dma_start3A_51 : memref<80xi32, #tpu.memory_space<vmem>>) semaphore(%arg12 : memref<!tpu.dma_semaphore, #tpu.memory_space<semaphore_mem>>)
    %scan3A_55 = arith.constant 0 : i32
    %scan3A_56 = arith.constant 0 : i32
    %scan3A_57 = arith.constant 25 : i32
    %scan3A_58 = arith.addi %scan3A_56, %scan3A_57 : i32
    %scan3A_59 = arith.constant 1 : i32
    scf.for %scan3A_119 = %scan3A_56 to %scan3A_58 step %scan3A_59  : i32 {
      %mul3A_120 = arith.constant 2 : i32
      %mul3A_121 = arith.muli %mul3A_120, %scan3A_119 : i32
      %add3A_122 = arith.constant 100 : i32
      %add3A_123 = arith.addi %add3A_122, %mul3A_121 : i32
      %gt3A = arith.constant 0 : i32
      %gt3A_124 = arith.cmpi sgt, %scan3A_119, %gt3A : i32
      %convert_element_type3A_125 = arith.extui %gt3A_124 : i1 to i32
      %cond3A_126 = arith.constant 0 : i32
      %cond3A_127 = arith.cmpi ne, %convert_element_type3A_125, %cond3A_126 : i32
      scf.if %cond3A_127 {
        %sub3A = arith.constant 1 : i32
        %sub3A_178 = arith.subi %mul3A_121, %sub3A : i32
        %dma_wait3A_179 = arith.constant 0 : i32
        %dma_wait3A_180 = tpu.memref_slice %arg9[%sub3A_178, %dma_wait3A_179] : memref<50x80xi32, #tpu.memory_space<vmem>> -> memref<1x80xi32, #tpu.memory_space<vmem>>
        %dma_wait3A_181 = tpu.memref_squeeze %dma_wait3A_180 : memref<1x80xi32, #tpu.memory_space<vmem>> -> memref<80xi32, #tpu.memory_space<vmem>>
        %dma_wait3A_182 = arith.constant 0 : i32
        %dma_wait3A_183 = arith.constant 0 : i32
        %dma_wait3A_184 = tpu.memref_slice %arg7[%dma_wait3A_182, %dma_wait3A_183] : memref<10000x128xf32, #tpu.memory_space<vmem_shared>> -> memref<10000x128xf32, #tpu.memory_space<vmem_shared>>
        tpu.wait_indirect_dma semaphore(%arg13 : memref<!tpu.dma_semaphore, #tpu.memory_space<semaphore_mem>>) src(%arg11 : memref<80x128xf32, #tpu.memory_space<vmem>>) dst(%dma_wait3A_184 : memref<10000x128xf32, #tpu.memory_space<vmem_shared>>)
      } else {
      }
      %add3A_128 = arith.constant 1 : i32
      %add3A_129 = arith.addi %add3A_123, %add3A_128 : i32
      %mul3A_130 = arith.constant 80 : i32
      %mul3A_131 = arith.muli %add3A_129, %mul3A_130 : i32
      %multiple_of3A_132 = tpu.assume_multiple %mul3A_131, 8 : i32
      %dma_start3A_133 = tpu.memref_slice %arg8[%multiple_of3A_132] : memref<20000xi32, #tpu.memory_space<vmem>> -> memref<80xi32, #tpu.memory_space<vmem>>
      %dma_start3A_134 = arith.constant 0 : i32
      %dma_start3A_135 = arith.constant 0 : i32
      %dma_start3A_136 = tpu.memref_slice %arg2[%dma_start3A_134, %dma_start3A_135] : memref<20000x128xf32, #tpu.memory_space<hbm>> -> memref<20000x128xf32, #tpu.memory_space<hbm>>
      tpu.enqueue_indirect_dma source(%dma_start3A_136 : memref<20000x128xf32, #tpu.memory_space<hbm>>) target(%arg11 : memref<80x128xf32, #tpu.memory_space<vmem>>) offsets(%dma_start3A_133 : memref<80xi32, #tpu.memory_space<vmem>>) semaphore(%arg12 : memref<!tpu.dma_semaphore, #tpu.memory_space<semaphore_mem>>)
      %mul3A_137 = arith.constant 80 : i32
      %mul3A_138 = arith.muli %add3A_123, %mul3A_137 : i32
      %multiple_of3A_139 = tpu.assume_multiple %mul3A_138, 8 : i32
      %dma_wait3A_140 = tpu.memref_slice %arg8[%multiple_of3A_139] : memref<20000xi32, #tpu.memory_space<vmem>> -> memref<80xi32, #tpu.memory_space<vmem>>
      %dma_wait3A_141 = arith.constant 0 : i32
      %dma_wait3A_142 = arith.constant 0 : i32
      %dma_wait3A_143 = tpu.memref_slice %arg2[%dma_wait3A_141, %dma_wait3A_142] : memref<20000x128xf32, #tpu.memory_space<hbm>> -> memref<20000x128xf32, #tpu.memory_space<hbm>>
      tpu.wait_indirect_dma semaphore(%arg12 : memref<!tpu.dma_semaphore, #tpu.memory_space<semaphore_mem>>) src(%dma_wait3A_143 : memref<20000x128xf32, #tpu.memory_space<hbm>>) dst(%arg10 : memref<80x128xf32, #tpu.memory_space<vmem>>)
      %dma_start3A_144 = arith.constant 0 : i32
      %dma_start3A_145 = tpu.memref_slice %arg9[%mul3A_121, %dma_start3A_144] : memref<50x80xi32, #tpu.memory_space<vmem>> -> memref<1x80xi32, #tpu.memory_space<vmem>>
      %dma_start3A_146 = tpu.memref_squeeze %dma_start3A_145 : memref<1x80xi32, #tpu.memory_space<vmem>> -> memref<80xi32, #tpu.memory_space<vmem>>
      %dma_start3A_147 = arith.constant 0 : i32
      %dma_start3A_148 = arith.constant 0 : i32
      %dma_start3A_149 = tpu.memref_slice %arg7[%dma_start3A_147, %dma_start3A_148] : memref<10000x128xf32, #tpu.memory_space<vmem_shared>> -> memref<10000x128xf32, #tpu.memory_space<vmem_shared>>
      tpu.enqueue_indirect_dma source(%arg10 : memref<80x128xf32, #tpu.memory_space<vmem>>) target(%dma_start3A_149 : memref<10000x128xf32, #tpu.memory_space<vmem_shared>>) offsets(%dma_start3A_146 : memref<80xi32, #tpu.memory_space<vmem>>) semaphore(%arg13 : memref<!tpu.dma_semaphore, #tpu.memory_space<semaphore_mem>>) {add = true}
      %dma_wait3A_150 = arith.constant 0 : i32
      %dma_wait3A_151 = tpu.memref_slice %arg9[%mul3A_121, %dma_wait3A_150] : memref<50x80xi32, #tpu.memory_space<vmem>> -> memref<1x80xi32, #tpu.memory_space<vmem>>
      %dma_wait3A_152 = tpu.memref_squeeze %dma_wait3A_151 : memref<1x80xi32, #tpu.memory_space<vmem>> -> memref<80xi32, #tpu.memory_space<vmem>>
      %dma_wait3A_153 = arith.constant 0 : i32
      %dma_wait3A_154 = arith.constant 0 : i32
      %dma_wait3A_155 = tpu.memref_slice %arg7[%dma_wait3A_153, %dma_wait3A_154] : memref<10000x128xf32, #tpu.memory_space<vmem_shared>> -> memref<10000x128xf32, #tpu.memory_space<vmem_shared>>
      tpu.wait_indirect_dma semaphore(%arg13 : memref<!tpu.dma_semaphore, #tpu.memory_space<semaphore_mem>>) src(%arg10 : memref<80x128xf32, #tpu.memory_space<vmem>>) dst(%dma_wait3A_155 : memref<10000x128xf32, #tpu.memory_space<vmem_shared>>)
      %lt3A_156 = arith.constant 24 : i32
      %lt3A_157 = arith.cmpi slt, %scan3A_119, %lt3A_156 : i32
      %convert_element_type3A_158 = arith.extui %lt3A_157 : i1 to i32
      %cond3A_159 = arith.constant 0 : i32
      %cond3A_160 = arith.cmpi ne, %convert_element_type3A_158, %cond3A_159 : i32
      scf.if %cond3A_160 {
        %add3A_178 = arith.constant 2 : i32
        %add3A_179 = arith.addi %add3A_123, %add3A_178 : i32
        %mul3A_180 = arith.constant 80 : i32
        %mul3A_181 = arith.muli %add3A_179, %mul3A_180 : i32
        %multiple_of3A_182 = tpu.assume_multiple %mul3A_181, 8 : i32
        %dma_start3A_183 = tpu.memref_slice %arg8[%multiple_of3A_182] : memref<20000xi32, #tpu.memory_space<vmem>> -> memref<80xi32, #tpu.memory_space<vmem>>
        %dma_start3A_184 = arith.constant 0 : i32
        %dma_start3A_185 = arith.constant 0 : i32
        %dma_start3A_186 = tpu.memref_slice %arg2[%dma_start3A_184, %dma_start3A_185] : memref<20000x128xf32, #tpu.memory_space<hbm>> -> memref<20000x128xf32, #tpu.memory_space<hbm>>
        tpu.enqueue_indirect_dma source(%dma_start3A_186 : memref<20000x128xf32, #tpu.memory_space<hbm>>) target(%arg10 : memref<80x128xf32, #tpu.memory_space<vmem>>) offsets(%dma_start3A_183 : memref<80xi32, #tpu.memory_space<vmem>>) semaphore(%arg12 : memref<!tpu.dma_semaphore, #tpu.memory_space<semaphore_mem>>)
      } else {
      }
      %add3A_161 = arith.constant 1 : i32
      %add3A_162 = arith.addi %add3A_123, %add3A_161 : i32
      %mul3A_163 = arith.constant 80 : i32
      %mul3A_164 = arith.muli %add3A_162, %mul3A_163 : i32
      %multiple_of3A_165 = tpu.assume_multiple %mul3A_164, 8 : i32
      %dma_wait3A_166 = tpu.memref_slice %arg8[%multiple_of3A_165] : memref<20000xi32, #tpu.memory_space<vmem>> -> memref<80xi32, #tpu.memory_space<vmem>>
      %dma_wait3A_167 = arith.constant 0 : i32
      %dma_wait3A_168 = arith.constant 0 : i32
      %dma_wait3A_169 = tpu.memref_slice %arg2[%dma_wait3A_167, %dma_wait3A_168] : memref<20000x128xf32, #tpu.memory_space<hbm>> -> memref<20000x128xf32, #tpu.memory_space<hbm>>
      tpu.wait_indirect_dma semaphore(%arg12 : memref<!tpu.dma_semaphore, #tpu.memory_space<semaphore_mem>>) src(%dma_wait3A_169 : memref<20000x128xf32, #tpu.memory_space<hbm>>) dst(%arg11 : memref<80x128xf32, #tpu.memory_space<vmem>>)
      %add3A_170 = arith.constant 1 : i32
      %add3A_171 = arith.addi %mul3A_121, %add3A_170 : i32
      %dma_start3A_172 = arith.constant 0 : i32
      %dma_start3A_173 = tpu.memref_slice %arg9[%add3A_171, %dma_start3A_172] : memref<50x80xi32, #tpu.memory_space<vmem>> -> memref<1x80xi32, #tpu.memory_space<vmem>>
      %dma_start3A_174 = tpu.memref_squeeze %dma_start3A_173 : memref<1x80xi32, #tpu.memory_space<vmem>> -> memref<80xi32, #tpu.memory_space<vmem>>
      %dma_start3A_175 = arith.constant 0 : i32
      %dma_start3A_176 = arith.constant 0 : i32
      %dma_start3A_177 = tpu.memref_slice %arg7[%dma_start3A_175, %dma_start3A_176] : memref<10000x128xf32, #tpu.memory_space<vmem_shared>> -> memref<10000x128xf32, #tpu.memory_space<vmem_shared>>
      tpu.enqueue_indirect_dma source(%arg11 : memref<80x128xf32, #tpu.memory_space<vmem>>) target(%dma_start3A_177 : memref<10000x128xf32, #tpu.memory_space<vmem_shared>>) offsets(%dma_start3A_174 : memref<80xi32, #tpu.memory_space<vmem>>) semaphore(%arg13 : memref<!tpu.dma_semaphore, #tpu.memory_space<semaphore_mem>>) {add = true}
    }
    %scan3A_60 = arith.constant 25 : i32
    %dma_wait3A_61 = arith.constant 49 : i32
    %dma_wait3A_62 = arith.constant 0 : i32
    %dma_wait3A_63 = tpu.memref_slice %arg9[%dma_wait3A_61, %dma_wait3A_62] : memref<50x80xi32, #tpu.memory_space<vmem>> -> memref<1x80xi32, #tpu.memory_space<vmem>>
    %dma_wait3A_64 = tpu.memref_squeeze %dma_wait3A_63 : memref<1x80xi32, #tpu.memory_space<vmem>> -> memref<80xi32, #tpu.memory_space<vmem>>
    %dma_wait3A_65 = arith.constant 0 : i32
    %dma_wait3A_66 = arith.constant 0 : i32
    %dma_wait3A_67 = tpu.memref_slice %arg7[%dma_wait3A_65, %dma_wait3A_66] : memref<10000x128xf32, #tpu.memory_space<vmem_shared>> -> memref<10000x128xf32, #tpu.memory_space<vmem_shared>>
    tpu.wait_indirect_dma semaphore(%arg13 : memref<!tpu.dma_semaphore, #tpu.memory_space<semaphore_mem>>) src(%arg11 : memref<80x128xf32, #tpu.memory_space<vmem>>) dst(%dma_wait3A_67 : memref<10000x128xf32, #tpu.memory_space<vmem_shared>>)
    %run_scoped3A_68 = arith.constant 3 : i32
    "tpu.region"() ({
      %run_scoped3A_119 = tpu.sem_alloc : memref<!tpu.dma_semaphore, #tpu.memory_space<semaphore_mem>>
      %dma_start3A_120 = arith.constant 0 : i32
      %dma_start3A_121 = arith.constant 0 : i32
      %dma_start3A_122 = tpu.memref_slice %arg4[%arg1, %run_scoped3A_68, %dma_start3A_120, %dma_start3A_121] : memref<16x5x50x80xi32, #tpu.memory_space<hbm>> -> memref<1x1x50x80xi32, #tpu.memory_space<hbm>>
      %dma_start3A_123 = tpu.memref_squeeze %dma_start3A_122 : memref<1x1x50x80xi32, #tpu.memory_space<hbm>> -> memref<50x80xi32, #tpu.memory_space<hbm>>
      %dma_start3A_124 = arith.constant 0 : i32
      %dma_start3A_125 = arith.constant 0 : i32
      %dma_start3A_126 = tpu.memref_slice %arg4[%arg1, %run_scoped3A_68, %dma_start3A_124, %dma_start3A_125] : memref<16x5x50x80xi32, #tpu.memory_space<hbm>> -> memref<1x1x50x80xi32, #tpu.memory_space<hbm>>
      %dma_start3A_127 = tpu.memref_squeeze %dma_start3A_126 : memref<1x1x50x80xi32, #tpu.memory_space<hbm>> -> memref<50x80xi32, #tpu.memory_space<hbm>>
      tpu.enqueue_dma source(%dma_start3A_127 : memref<50x80xi32, #tpu.memory_space<hbm>>) target(%arg9 : memref<50x80xi32, #tpu.memory_space<vmem>>) target_semaphore(%run_scoped3A_119 : memref<!tpu.dma_semaphore, #tpu.memory_space<semaphore_mem>>)
      %dma_wait3A_128 = arith.constant 0 : i32
      %dma_wait3A_129 = arith.constant 0 : i32
      %dma_wait3A_130 = tpu.memref_slice %arg4[%arg1, %run_scoped3A_68, %dma_wait3A_128, %dma_wait3A_129] : memref<16x5x50x80xi32, #tpu.memory_space<hbm>> -> memref<1x1x50x80xi32, #tpu.memory_space<hbm>>
      %dma_wait3A_131 = tpu.memref_squeeze %dma_wait3A_130 : memref<1x1x50x80xi32, #tpu.memory_space<hbm>> -> memref<50x80xi32, #tpu.memory_space<hbm>>
      %dma_wait3A_132 = arith.constant 0 : i32
      %dma_wait3A_133 = arith.constant 0 : i32
      %dma_wait3A_134 = tpu.memref_slice %arg4[%arg1, %run_scoped3A_68, %dma_wait3A_132, %dma_wait3A_133] : memref<16x5x50x80xi32, #tpu.memory_space<hbm>> -> memref<1x1x50x80xi32, #tpu.memory_space<hbm>>
      %dma_wait3A_135 = tpu.memref_squeeze %dma_wait3A_134 : memref<1x1x50x80xi32, #tpu.memory_space<hbm>> -> memref<50x80xi32, #tpu.memory_space<hbm>>
      tpu.wait_dma2 semaphore(%run_scoped3A_119 : memref<!tpu.dma_semaphore, #tpu.memory_space<semaphore_mem>>) src(%dma_wait3A_135 : memref<50x80xi32, #tpu.memory_space<hbm>>) dst(%arg9 : memref<50x80xi32, #tpu.memory_space<vmem>>)
      tpu.yield
    }) : () -> ()
    %multiple_of3A_69 = arith.constant 12000 : i32
    %multiple_of3A_70 = tpu.assume_multiple %multiple_of3A_69, 8 : i32
    %dma_start3A_71 = tpu.memref_slice %arg8[%multiple_of3A_70] : memref<20000xi32, #tpu.memory_space<vmem>> -> memref<80xi32, #tpu.memory_space<vmem>>
    %dma_start3A_72 = arith.constant 0 : i32
    %dma_start3A_73 = arith.constant 0 : i32
    %dma_start3A_74 = tpu.memref_slice %arg2[%dma_start3A_72, %dma_start3A_73] : memref<20000x128xf32, #tpu.memory_space<hbm>> -> memref<20000x128xf32, #tpu.memory_space<hbm>>
    tpu.enqueue_indirect_dma source(%dma_start3A_74 : memref<20000x128xf32, #tpu.memory_space<hbm>>) target(%arg10 : memref<80x128xf32, #tpu.memory_space<vmem>>) offsets(%dma_start3A_71 : memref<80xi32, #tpu.memory_space<vmem>>) semaphore(%arg12 : memref<!tpu.dma_semaphore, #tpu.memory_space<semaphore_mem>>)
    %scan3A_75 = arith.constant 0 : i32
    %scan3A_76 = arith.constant 0 : i32
    %scan3A_77 = arith.constant 25 : i32
    %scan3A_78 = arith.addi %scan3A_76, %scan3A_77 : i32
    %scan3A_79 = arith.constant 1 : i32
    scf.for %scan3A_119 = %scan3A_76 to %scan3A_78 step %scan3A_79  : i32 {
      %mul3A_120 = arith.constant 2 : i32
      %mul3A_121 = arith.muli %mul3A_120, %scan3A_119 : i32
      %add3A_122 = arith.constant 150 : i32
      %add3A_123 = arith.addi %add3A_122, %mul3A_121 : i32
      %gt3A = arith.constant 0 : i32
      %gt3A_124 = arith.cmpi sgt, %scan3A_119, %gt3A : i32
      %convert_element_type3A_125 = arith.extui %gt3A_124 : i1 to i32
      %cond3A_126 = arith.constant 0 : i32
      %cond3A_127 = arith.cmpi ne, %convert_element_type3A_125, %cond3A_126 : i32
      scf.if %cond3A_127 {
        %sub3A = arith.constant 1 : i32
        %sub3A_178 = arith.subi %mul3A_121, %sub3A : i32
        %dma_wait3A_179 = arith.constant 0 : i32
        %dma_wait3A_180 = tpu.memref_slice %arg9[%sub3A_178, %dma_wait3A_179] : memref<50x80xi32, #tpu.memory_space<vmem>> -> memref<1x80xi32, #tpu.memory_space<vmem>>
        %dma_wait3A_181 = tpu.memref_squeeze %dma_wait3A_180 : memref<1x80xi32, #tpu.memory_space<vmem>> -> memref<80xi32, #tpu.memory_space<vmem>>
        %dma_wait3A_182 = arith.constant 0 : i32
        %dma_wait3A_183 = arith.constant 0 : i32
        %dma_wait3A_184 = tpu.memref_slice %arg7[%dma_wait3A_182, %dma_wait3A_183] : memref<10000x128xf32, #tpu.memory_space<vmem_shared>> -> memref<10000x128xf32, #tpu.memory_space<vmem_shared>>
        tpu.wait_indirect_dma semaphore(%arg13 : memref<!tpu.dma_semaphore, #tpu.memory_space<semaphore_mem>>) src(%arg11 : memref<80x128xf32, #tpu.memory_space<vmem>>) dst(%dma_wait3A_184 : memref<10000x128xf32, #tpu.memory_space<vmem_shared>>)
      } else {
      }
      %add3A_128 = arith.constant 1 : i32
      %add3A_129 = arith.addi %add3A_123, %add3A_128 : i32
      %mul3A_130 = arith.constant 80 : i32
      %mul3A_131 = arith.muli %add3A_129, %mul3A_130 : i32
      %multiple_of3A_132 = tpu.assume_multiple %mul3A_131, 8 : i32
      %dma_start3A_133 = tpu.memref_slice %arg8[%multiple_of3A_132] : memref<20000xi32, #tpu.memory_space<vmem>> -> memref<80xi32, #tpu.memory_space<vmem>>
      %dma_start3A_134 = arith.constant 0 : i32
      %dma_start3A_135 = arith.constant 0 : i32
      %dma_start3A_136 = tpu.memref_slice %arg2[%dma_start3A_134, %dma_start3A_135] : memref<20000x128xf32, #tpu.memory_space<hbm>> -> memref<20000x128xf32, #tpu.memory_space<hbm>>
      tpu.enqueue_indirect_dma source(%dma_start3A_136 : memref<20000x128xf32, #tpu.memory_space<hbm>>) target(%arg11 : memref<80x128xf32, #tpu.memory_space<vmem>>) offsets(%dma_start3A_133 : memref<80xi32, #tpu.memory_space<vmem>>) semaphore(%arg12 : memref<!tpu.dma_semaphore, #tpu.memory_space<semaphore_mem>>)
      %mul3A_137 = arith.constant 80 : i32
      %mul3A_138 = arith.muli %add3A_123, %mul3A_137 : i32
      %multiple_of3A_139 = tpu.assume_multiple %mul3A_138, 8 : i32
      %dma_wait3A_140 = tpu.memref_slice %arg8[%multiple_of3A_139] : memref<20000xi32, #tpu.memory_space<vmem>> -> memref<80xi32, #tpu.memory_space<vmem>>
      %dma_wait3A_141 = arith.constant 0 : i32
      %dma_wait3A_142 = arith.constant 0 : i32
      %dma_wait3A_143 = tpu.memref_slice %arg2[%dma_wait3A_141, %dma_wait3A_142] : memref<20000x128xf32, #tpu.memory_space<hbm>> -> memref<20000x128xf32, #tpu.memory_space<hbm>>
      tpu.wait_indirect_dma semaphore(%arg12 : memref<!tpu.dma_semaphore, #tpu.memory_space<semaphore_mem>>) src(%dma_wait3A_143 : memref<20000x128xf32, #tpu.memory_space<hbm>>) dst(%arg10 : memref<80x128xf32, #tpu.memory_space<vmem>>)
      %dma_start3A_144 = arith.constant 0 : i32
      %dma_start3A_145 = tpu.memref_slice %arg9[%mul3A_121, %dma_start3A_144] : memref<50x80xi32, #tpu.memory_space<vmem>> -> memref<1x80xi32, #tpu.memory_space<vmem>>
      %dma_start3A_146 = tpu.memref_squeeze %dma_start3A_145 : memref<1x80xi32, #tpu.memory_space<vmem>> -> memref<80xi32, #tpu.memory_space<vmem>>
      %dma_start3A_147 = arith.constant 0 : i32
      %dma_start3A_148 = arith.constant 0 : i32
      %dma_start3A_149 = tpu.memref_slice %arg7[%dma_start3A_147, %dma_start3A_148] : memref<10000x128xf32, #tpu.memory_space<vmem_shared>> -> memref<10000x128xf32, #tpu.memory_space<vmem_shared>>
      tpu.enqueue_indirect_dma source(%arg10 : memref<80x128xf32, #tpu.memory_space<vmem>>) target(%dma_start3A_149 : memref<10000x128xf32, #tpu.memory_space<vmem_shared>>) offsets(%dma_start3A_146 : memref<80xi32, #tpu.memory_space<vmem>>) semaphore(%arg13 : memref<!tpu.dma_semaphore, #tpu.memory_space<semaphore_mem>>) {add = true}
      %dma_wait3A_150 = arith.constant 0 : i32
      %dma_wait3A_151 = tpu.memref_slice %arg9[%mul3A_121, %dma_wait3A_150] : memref<50x80xi32, #tpu.memory_space<vmem>> -> memref<1x80xi32, #tpu.memory_space<vmem>>
      %dma_wait3A_152 = tpu.memref_squeeze %dma_wait3A_151 : memref<1x80xi32, #tpu.memory_space<vmem>> -> memref<80xi32, #tpu.memory_space<vmem>>
      %dma_wait3A_153 = arith.constant 0 : i32
      %dma_wait3A_154 = arith.constant 0 : i32
      %dma_wait3A_155 = tpu.memref_slice %arg7[%dma_wait3A_153, %dma_wait3A_154] : memref<10000x128xf32, #tpu.memory_space<vmem_shared>> -> memref<10000x128xf32, #tpu.memory_space<vmem_shared>>
      tpu.wait_indirect_dma semaphore(%arg13 : memref<!tpu.dma_semaphore, #tpu.memory_space<semaphore_mem>>) src(%arg10 : memref<80x128xf32, #tpu.memory_space<vmem>>) dst(%dma_wait3A_155 : memref<10000x128xf32, #tpu.memory_space<vmem_shared>>)
      %lt3A_156 = arith.constant 24 : i32
      %lt3A_157 = arith.cmpi slt, %scan3A_119, %lt3A_156 : i32
      %convert_element_type3A_158 = arith.extui %lt3A_157 : i1 to i32
      %cond3A_159 = arith.constant 0 : i32
      %cond3A_160 = arith.cmpi ne, %convert_element_type3A_158, %cond3A_159 : i32
      scf.if %cond3A_160 {
        %add3A_178 = arith.constant 2 : i32
        %add3A_179 = arith.addi %add3A_123, %add3A_178 : i32
        %mul3A_180 = arith.constant 80 : i32
        %mul3A_181 = arith.muli %add3A_179, %mul3A_180 : i32
        %multiple_of3A_182 = tpu.assume_multiple %mul3A_181, 8 : i32
        %dma_start3A_183 = tpu.memref_slice %arg8[%multiple_of3A_182] : memref<20000xi32, #tpu.memory_space<vmem>> -> memref<80xi32, #tpu.memory_space<vmem>>
        %dma_start3A_184 = arith.constant 0 : i32
        %dma_start3A_185 = arith.constant 0 : i32
        %dma_start3A_186 = tpu.memref_slice %arg2[%dma_start3A_184, %dma_start3A_185] : memref<20000x128xf32, #tpu.memory_space<hbm>> -> memref<20000x128xf32, #tpu.memory_space<hbm>>
        tpu.enqueue_indirect_dma source(%dma_start3A_186 : memref<20000x128xf32, #tpu.memory_space<hbm>>) target(%arg10 : memref<80x128xf32, #tpu.memory_space<vmem>>) offsets(%dma_start3A_183 : memref<80xi32, #tpu.memory_space<vmem>>) semaphore(%arg12 : memref<!tpu.dma_semaphore, #tpu.memory_space<semaphore_mem>>)
      } else {
      }
      %add3A_161 = arith.constant 1 : i32
      %add3A_162 = arith.addi %add3A_123, %add3A_161 : i32
      %mul3A_163 = arith.constant 80 : i32
      %mul3A_164 = arith.muli %add3A_162, %mul3A_163 : i32
      %multiple_of3A_165 = tpu.assume_multiple %mul3A_164, 8 : i32
      %dma_wait3A_166 = tpu.memref_slice %arg8[%multiple_of3A_165] : memref<20000xi32, #tpu.memory_space<vmem>> -> memref<80xi32, #tpu.memory_space<vmem>>
      %dma_wait3A_167 = arith.constant 0 : i32
      %dma_wait3A_168 = arith.constant 0 : i32
      %dma_wait3A_169 = tpu.memref_slice %arg2[%dma_wait3A_167, %dma_wait3A_168] : memref<20000x128xf32, #tpu.memory_space<hbm>> -> memref<20000x128xf32, #tpu.memory_space<hbm>>
      tpu.wait_indirect_dma semaphore(%arg12 : memref<!tpu.dma_semaphore, #tpu.memory_space<semaphore_mem>>) src(%dma_wait3A_169 : memref<20000x128xf32, #tpu.memory_space<hbm>>) dst(%arg11 : memref<80x128xf32, #tpu.memory_space<vmem>>)
      %add3A_170 = arith.constant 1 : i32
      %add3A_171 = arith.addi %mul3A_121, %add3A_170 : i32
      %dma_start3A_172 = arith.constant 0 : i32
      %dma_start3A_173 = tpu.memref_slice %arg9[%add3A_171, %dma_start3A_172] : memref<50x80xi32, #tpu.memory_space<vmem>> -> memref<1x80xi32, #tpu.memory_space<vmem>>
      %dma_start3A_174 = tpu.memref_squeeze %dma_start3A_173 : memref<1x80xi32, #tpu.memory_space<vmem>> -> memref<80xi32, #tpu.memory_space<vmem>>
      %dma_start3A_175 = arith.constant 0 : i32
      %dma_start3A_176 = arith.constant 0 : i32
      %dma_start3A_177 = tpu.memref_slice %arg7[%dma_start3A_175, %dma_start3A_176] : memref<10000x128xf32, #tpu.memory_space<vmem_shared>> -> memref<10000x128xf32, #tpu.memory_space<vmem_shared>>
      tpu.enqueue_indirect_dma source(%arg11 : memref<80x128xf32, #tpu.memory_space<vmem>>) target(%dma_start3A_177 : memref<10000x128xf32, #tpu.memory_space<vmem_shared>>) offsets(%dma_start3A_174 : memref<80xi32, #tpu.memory_space<vmem>>) semaphore(%arg13 : memref<!tpu.dma_semaphore, #tpu.memory_space<semaphore_mem>>) {add = true}
    }
    %scan3A_80 = arith.constant 25 : i32
    %dma_wait3A_81 = arith.constant 49 : i32
    %dma_wait3A_82 = arith.constant 0 : i32
    %dma_wait3A_83 = tpu.memref_slice %arg9[%dma_wait3A_81, %dma_wait3A_82] : memref<50x80xi32, #tpu.memory_space<vmem>> -> memref<1x80xi32, #tpu.memory_space<vmem>>
    %dma_wait3A_84 = tpu.memref_squeeze %dma_wait3A_83 : memref<1x80xi32, #tpu.memory_space<vmem>> -> memref<80xi32, #tpu.memory_space<vmem>>
    %dma_wait3A_85 = arith.constant 0 : i32
    %dma_wait3A_86 = arith.constant 0 : i32
    %dma_wait3A_87 = tpu.memref_slice %arg7[%dma_wait3A_85, %dma_wait3A_86] : memref<10000x128xf32, #tpu.memory_space<vmem_shared>> -> memref<10000x128xf32, #tpu.memory_space<vmem_shared>>
    tpu.wait_indirect_dma semaphore(%arg13 : memref<!tpu.dma_semaphore, #tpu.memory_space<semaphore_mem>>) src(%arg11 : memref<80x128xf32, #tpu.memory_space<vmem>>) dst(%dma_wait3A_87 : memref<10000x128xf32, #tpu.memory_space<vmem_shared>>)
    %run_scoped3A_88 = arith.constant 4 : i32
    "tpu.region"() ({
      %run_scoped3A_119 = tpu.sem_alloc : memref<!tpu.dma_semaphore, #tpu.memory_space<semaphore_mem>>
      %dma_start3A_120 = arith.constant 0 : i32
      %dma_start3A_121 = arith.constant 0 : i32
      %dma_start3A_122 = tpu.memref_slice %arg4[%arg1, %run_scoped3A_88, %dma_start3A_120, %dma_start3A_121] : memref<16x5x50x80xi32, #tpu.memory_space<hbm>> -> memref<1x1x50x80xi32, #tpu.memory_space<hbm>>
      %dma_start3A_123 = tpu.memref_squeeze %dma_start3A_122 : memref<1x1x50x80xi32, #tpu.memory_space<hbm>> -> memref<50x80xi32, #tpu.memory_space<hbm>>
      %dma_start3A_124 = arith.constant 0 : i32
      %dma_start3A_125 = arith.constant 0 : i32
      %dma_start3A_126 = tpu.memref_slice %arg4[%arg1, %run_scoped3A_88, %dma_start3A_124, %dma_start3A_125] : memref<16x5x50x80xi32, #tpu.memory_space<hbm>> -> memref<1x1x50x80xi32, #tpu.memory_space<hbm>>
      %dma_start3A_127 = tpu.memref_squeeze %dma_start3A_126 : memref<1x1x50x80xi32, #tpu.memory_space<hbm>> -> memref<50x80xi32, #tpu.memory_space<hbm>>
      tpu.enqueue_dma source(%dma_start3A_127 : memref<50x80xi32, #tpu.memory_space<hbm>>) target(%arg9 : memref<50x80xi32, #tpu.memory_space<vmem>>) target_semaphore(%run_scoped3A_119 : memref<!tpu.dma_semaphore, #tpu.memory_space<semaphore_mem>>)
      %dma_wait3A_128 = arith.constant 0 : i32
      %dma_wait3A_129 = arith.constant 0 : i32
      %dma_wait3A_130 = tpu.memref_slice %arg4[%arg1, %run_scoped3A_88, %dma_wait3A_128, %dma_wait3A_129] : memref<16x5x50x80xi32, #tpu.memory_space<hbm>> -> memref<1x1x50x80xi32, #tpu.memory_space<hbm>>
      %dma_wait3A_131 = tpu.memref_squeeze %dma_wait3A_130 : memref<1x1x50x80xi32, #tpu.memory_space<hbm>> -> memref<50x80xi32, #tpu.memory_space<hbm>>
      %dma_wait3A_132 = arith.constant 0 : i32
      %dma_wait3A_133 = arith.constant 0 : i32
      %dma_wait3A_134 = tpu.memref_slice %arg4[%arg1, %run_scoped3A_88, %dma_wait3A_132, %dma_wait3A_133] : memref<16x5x50x80xi32, #tpu.memory_space<hbm>> -> memref<1x1x50x80xi32, #tpu.memory_space<hbm>>
      %dma_wait3A_135 = tpu.memref_squeeze %dma_wait3A_134 : memref<1x1x50x80xi32, #tpu.memory_space<hbm>> -> memref<50x80xi32, #tpu.memory_space<hbm>>
      tpu.wait_dma2 semaphore(%run_scoped3A_119 : memref<!tpu.dma_semaphore, #tpu.memory_space<semaphore_mem>>) src(%dma_wait3A_135 : memref<50x80xi32, #tpu.memory_space<hbm>>) dst(%arg9 : memref<50x80xi32, #tpu.memory_space<vmem>>)
      tpu.yield
    }) : () -> ()
    %multiple_of3A_89 = arith.constant 16000 : i32
    %multiple_of3A_90 = tpu.assume_multiple %multiple_of3A_89, 8 : i32
    %dma_start3A_91 = tpu.memref_slice %arg8[%multiple_of3A_90] : memref<20000xi32, #tpu.memory_space<vmem>> -> memref<80xi32, #tpu.memory_space<vmem>>
    %dma_start3A_92 = arith.constant 0 : i32
    %dma_start3A_93 = arith.constant 0 : i32
    %dma_start3A_94 = tpu.memref_slice %arg2[%dma_start3A_92, %dma_start3A_93] : memref<20000x128xf32, #tpu.memory_space<hbm>> -> memref<20000x128xf32, #tpu.memory_space<hbm>>
    tpu.enqueue_indirect_dma source(%dma_start3A_94 : memref<20000x128xf32, #tpu.memory_space<hbm>>) target(%arg10 : memref<80x128xf32, #tpu.memory_space<vmem>>) offsets(%dma_start3A_91 : memref<80xi32, #tpu.memory_space<vmem>>) semaphore(%arg12 : memref<!tpu.dma_semaphore, #tpu.memory_space<semaphore_mem>>)
    %scan3A_95 = arith.constant 0 : i32
    %scan3A_96 = arith.constant 0 : i32
    %scan3A_97 = arith.constant 25 : i32
    %scan3A_98 = arith.addi %scan3A_96, %scan3A_97 : i32
    %scan3A_99 = arith.constant 1 : i32
    scf.for %scan3A_119 = %scan3A_96 to %scan3A_98 step %scan3A_99  : i32 {
      %mul3A_120 = arith.constant 2 : i32
      %mul3A_121 = arith.muli %mul3A_120, %scan3A_119 : i32
      %add3A_122 = arith.constant 200 : i32
      %add3A_123 = arith.addi %add3A_122, %mul3A_121 : i32
      %gt3A = arith.constant 0 : i32
      %gt3A_124 = arith.cmpi sgt, %scan3A_119, %gt3A : i32
      %convert_element_type3A_125 = arith.extui %gt3A_124 : i1 to i32
      %cond3A_126 = arith.constant 0 : i32
      %cond3A_127 = arith.cmpi ne, %convert_element_type3A_125, %cond3A_126 : i32
      scf.if %cond3A_127 {
        %sub3A = arith.constant 1 : i32
        %sub3A_178 = arith.subi %mul3A_121, %sub3A : i32
        %dma_wait3A_179 = arith.constant 0 : i32
        %dma_wait3A_180 = tpu.memref_slice %arg9[%sub3A_178, %dma_wait3A_179] : memref<50x80xi32, #tpu.memory_space<vmem>> -> memref<1x80xi32, #tpu.memory_space<vmem>>
        %dma_wait3A_181 = tpu.memref_squeeze %dma_wait3A_180 : memref<1x80xi32, #tpu.memory_space<vmem>> -> memref<80xi32, #tpu.memory_space<vmem>>
        %dma_wait3A_182 = arith.constant 0 : i32
        %dma_wait3A_183 = arith.constant 0 : i32
        %dma_wait3A_184 = tpu.memref_slice %arg7[%dma_wait3A_182, %dma_wait3A_183] : memref<10000x128xf32, #tpu.memory_space<vmem_shared>> -> memref<10000x128xf32, #tpu.memory_space<vmem_shared>>
        tpu.wait_indirect_dma semaphore(%arg13 : memref<!tpu.dma_semaphore, #tpu.memory_space<semaphore_mem>>) src(%arg11 : memref<80x128xf32, #tpu.memory_space<vmem>>) dst(%dma_wait3A_184 : memref<10000x128xf32, #tpu.memory_space<vmem_shared>>)
      } else {
      }
      %add3A_128 = arith.constant 1 : i32
      %add3A_129 = arith.addi %add3A_123, %add3A_128 : i32
      %mul3A_130 = arith.constant 80 : i32
      %mul3A_131 = arith.muli %add3A_129, %mul3A_130 : i32
      %multiple_of3A_132 = tpu.assume_multiple %mul3A_131, 8 : i32
      %dma_start3A_133 = tpu.memref_slice %arg8[%multiple_of3A_132] : memref<20000xi32, #tpu.memory_space<vmem>> -> memref<80xi32, #tpu.memory_space<vmem>>
      %dma_start3A_134 = arith.constant 0 : i32
      %dma_start3A_135 = arith.constant 0 : i32
      %dma_start3A_136 = tpu.memref_slice %arg2[%dma_start3A_134, %dma_start3A_135] : memref<20000x128xf32, #tpu.memory_space<hbm>> -> memref<20000x128xf32, #tpu.memory_space<hbm>>
      tpu.enqueue_indirect_dma source(%dma_start3A_136 : memref<20000x128xf32, #tpu.memory_space<hbm>>) target(%arg11 : memref<80x128xf32, #tpu.memory_space<vmem>>) offsets(%dma_start3A_133 : memref<80xi32, #tpu.memory_space<vmem>>) semaphore(%arg12 : memref<!tpu.dma_semaphore, #tpu.memory_space<semaphore_mem>>)
      %mul3A_137 = arith.constant 80 : i32
      %mul3A_138 = arith.muli %add3A_123, %mul3A_137 : i32
      %multiple_of3A_139 = tpu.assume_multiple %mul3A_138, 8 : i32
      %dma_wait3A_140 = tpu.memref_slice %arg8[%multiple_of3A_139] : memref<20000xi32, #tpu.memory_space<vmem>> -> memref<80xi32, #tpu.memory_space<vmem>>
      %dma_wait3A_141 = arith.constant 0 : i32
      %dma_wait3A_142 = arith.constant 0 : i32
      %dma_wait3A_143 = tpu.memref_slice %arg2[%dma_wait3A_141, %dma_wait3A_142] : memref<20000x128xf32, #tpu.memory_space<hbm>> -> memref<20000x128xf32, #tpu.memory_space<hbm>>
      tpu.wait_indirect_dma semaphore(%arg12 : memref<!tpu.dma_semaphore, #tpu.memory_space<semaphore_mem>>) src(%dma_wait3A_143 : memref<20000x128xf32, #tpu.memory_space<hbm>>) dst(%arg10 : memref<80x128xf32, #tpu.memory_space<vmem>>)
      %dma_start3A_144 = arith.constant 0 : i32
      %dma_start3A_145 = tpu.memref_slice %arg9[%mul3A_121, %dma_start3A_144] : memref<50x80xi32, #tpu.memory_space<vmem>> -> memref<1x80xi32, #tpu.memory_space<vmem>>
      %dma_start3A_146 = tpu.memref_squeeze %dma_start3A_145 : memref<1x80xi32, #tpu.memory_space<vmem>> -> memref<80xi32, #tpu.memory_space<vmem>>
      %dma_start3A_147 = arith.constant 0 : i32
      %dma_start3A_148 = arith.constant 0 : i32
      %dma_start3A_149 = tpu.memref_slice %arg7[%dma_start3A_147, %dma_start3A_148] : memref<10000x128xf32, #tpu.memory_space<vmem_shared>> -> memref<10000x128xf32, #tpu.memory_space<vmem_shared>>
      tpu.enqueue_indirect_dma source(%arg10 : memref<80x128xf32, #tpu.memory_space<vmem>>) target(%dma_start3A_149 : memref<10000x128xf32, #tpu.memory_space<vmem_shared>>) offsets(%dma_start3A_146 : memref<80xi32, #tpu.memory_space<vmem>>) semaphore(%arg13 : memref<!tpu.dma_semaphore, #tpu.memory_space<semaphore_mem>>) {add = true}
      %dma_wait3A_150 = arith.constant 0 : i32
      %dma_wait3A_151 = tpu.memref_slice %arg9[%mul3A_121, %dma_wait3A_150] : memref<50x80xi32, #tpu.memory_space<vmem>> -> memref<1x80xi32, #tpu.memory_space<vmem>>
      %dma_wait3A_152 = tpu.memref_squeeze %dma_wait3A_151 : memref<1x80xi32, #tpu.memory_space<vmem>> -> memref<80xi32, #tpu.memory_space<vmem>>
      %dma_wait3A_153 = arith.constant 0 : i32
      %dma_wait3A_154 = arith.constant 0 : i32
      %dma_wait3A_155 = tpu.memref_slice %arg7[%dma_wait3A_153, %dma_wait3A_154] : memref<10000x128xf32, #tpu.memory_space<vmem_shared>> -> memref<10000x128xf32, #tpu.memory_space<vmem_shared>>
      tpu.wait_indirect_dma semaphore(%arg13 : memref<!tpu.dma_semaphore, #tpu.memory_space<semaphore_mem>>) src(%arg10 : memref<80x128xf32, #tpu.memory_space<vmem>>) dst(%dma_wait3A_155 : memref<10000x128xf32, #tpu.memory_space<vmem_shared>>)
      %lt3A_156 = arith.constant 24 : i32
      %lt3A_157 = arith.cmpi slt, %scan3A_119, %lt3A_156 : i32
      %convert_element_type3A_158 = arith.extui %lt3A_157 : i1 to i32
      %cond3A_159 = arith.constant 0 : i32
      %cond3A_160 = arith.cmpi ne, %convert_element_type3A_158, %cond3A_159 : i32
      scf.if %cond3A_160 {
        %add3A_178 = arith.constant 2 : i32
        %add3A_179 = arith.addi %add3A_123, %add3A_178 : i32
        %mul3A_180 = arith.constant 80 : i32
        %mul3A_181 = arith.muli %add3A_179, %mul3A_180 : i32
        %multiple_of3A_182 = tpu.assume_multiple %mul3A_181, 8 : i32
        %dma_start3A_183 = tpu.memref_slice %arg8[%multiple_of3A_182] : memref<20000xi32, #tpu.memory_space<vmem>> -> memref<80xi32, #tpu.memory_space<vmem>>
        %dma_start3A_184 = arith.constant 0 : i32
        %dma_start3A_185 = arith.constant 0 : i32
        %dma_start3A_186 = tpu.memref_slice %arg2[%dma_start3A_184, %dma_start3A_185] : memref<20000x128xf32, #tpu.memory_space<hbm>> -> memref<20000x128xf32, #tpu.memory_space<hbm>>
        tpu.enqueue_indirect_dma source(%dma_start3A_186 : memref<20000x128xf32, #tpu.memory_space<hbm>>) target(%arg10 : memref<80x128xf32, #tpu.memory_space<vmem>>) offsets(%dma_start3A_183 : memref<80xi32, #tpu.memory_space<vmem>>) semaphore(%arg12 : memref<!tpu.dma_semaphore, #tpu.memory_space<semaphore_mem>>)
      } else {
      }
      %add3A_161 = arith.constant 1 : i32
      %add3A_162 = arith.addi %add3A_123, %add3A_161 : i32
      %mul3A_163 = arith.constant 80 : i32
      %mul3A_164 = arith.muli %add3A_162, %mul3A_163 : i32
      %multiple_of3A_165 = tpu.assume_multiple %mul3A_164, 8 : i32
      %dma_wait3A_166 = tpu.memref_slice %arg8[%multiple_of3A_165] : memref<20000xi32, #tpu.memory_space<vmem>> -> memref<80xi32, #tpu.memory_space<vmem>>
      %dma_wait3A_167 = arith.constant 0 : i32
      %dma_wait3A_168 = arith.constant 0 : i32
      %dma_wait3A_169 = tpu.memref_slice %arg2[%dma_wait3A_167, %dma_wait3A_168] : memref<20000x128xf32, #tpu.memory_space<hbm>> -> memref<20000x128xf32, #tpu.memory_space<hbm>>
      tpu.wait_indirect_dma semaphore(%arg12 : memref<!tpu.dma_semaphore, #tpu.memory_space<semaphore_mem>>) src(%dma_wait3A_169 : memref<20000x128xf32, #tpu.memory_space<hbm>>) dst(%arg11 : memref<80x128xf32, #tpu.memory_space<vmem>>)
      %add3A_170 = arith.constant 1 : i32
      %add3A_171 = arith.addi %mul3A_121, %add3A_170 : i32
      %dma_start3A_172 = arith.constant 0 : i32
      %dma_start3A_173 = tpu.memref_slice %arg9[%add3A_171, %dma_start3A_172] : memref<50x80xi32, #tpu.memory_space<vmem>> -> memref<1x80xi32, #tpu.memory_space<vmem>>
      %dma_start3A_174 = tpu.memref_squeeze %dma_start3A_173 : memref<1x80xi32, #tpu.memory_space<vmem>> -> memref<80xi32, #tpu.memory_space<vmem>>
      %dma_start3A_175 = arith.constant 0 : i32
      %dma_start3A_176 = arith.constant 0 : i32
      %dma_start3A_177 = tpu.memref_slice %arg7[%dma_start3A_175, %dma_start3A_176] : memref<10000x128xf32, #tpu.memory_space<vmem_shared>> -> memref<10000x128xf32, #tpu.memory_space<vmem_shared>>
      tpu.enqueue_indirect_dma source(%arg11 : memref<80x128xf32, #tpu.memory_space<vmem>>) target(%dma_start3A_177 : memref<10000x128xf32, #tpu.memory_space<vmem_shared>>) offsets(%dma_start3A_174 : memref<80xi32, #tpu.memory_space<vmem>>) semaphore(%arg13 : memref<!tpu.dma_semaphore, #tpu.memory_space<semaphore_mem>>) {add = true}
    }
    %scan3A_100 = arith.constant 25 : i32
    %dma_wait3A_101 = arith.constant 49 : i32
    %dma_wait3A_102 = arith.constant 0 : i32
    %dma_wait3A_103 = tpu.memref_slice %arg9[%dma_wait3A_101, %dma_wait3A_102] : memref<50x80xi32, #tpu.memory_space<vmem>> -> memref<1x80xi32, #tpu.memory_space<vmem>>
    %dma_wait3A_104 = tpu.memref_squeeze %dma_wait3A_103 : memref<1x80xi32, #tpu.memory_space<vmem>> -> memref<80xi32, #tpu.memory_space<vmem>>
    %dma_wait3A_105 = arith.constant 0 : i32
    %dma_wait3A_106 = arith.constant 0 : i32
    %dma_wait3A_107 = tpu.memref_slice %arg7[%dma_wait3A_105, %dma_wait3A_106] : memref<10000x128xf32, #tpu.memory_space<vmem_shared>> -> memref<10000x128xf32, #tpu.memory_space<vmem_shared>>
    tpu.wait_indirect_dma semaphore(%arg13 : memref<!tpu.dma_semaphore, #tpu.memory_space<semaphore_mem>>) src(%arg11 : memref<80x128xf32, #tpu.memory_space<vmem>>) dst(%dma_wait3A_107 : memref<10000x128xf32, #tpu.memory_space<vmem_shared>>)
    %barrier3A_108 = arith.constant 0 : index
    tpu.barrier barrier_id(%barrier3A_108)
    %lt3A_109 = arith.constant 15 : i32
    %lt3A_110 = arith.cmpi slt, %arg1, %lt3A_109 : i32
    %convert_element_type3A_111 = arith.extui %lt3A_110 : i1 to i32
    %cond3A_112 = arith.constant 0 : i32
    %cond3A_113 = arith.cmpi ne, %convert_element_type3A_111, %cond3A_112 : i32
    scf.if %cond3A_113 {
      "tpu.region"() ({
        %run_scoped3A_119 = tpu.sem_alloc : memref<!tpu.dma_semaphore, #tpu.memory_space<semaphore_mem>>
        %dma_start3A_120 = arith.constant 0 : i32
        %dma_start3A_121 = tpu.memref_slice %arg6[%arg0, %multiple_of3A, %dma_start3A_120] : memref<2x10000x128xf32, #tpu.memory_space<hbm>> -> memref<1x632x128xf32, #tpu.memory_space<hbm>>
        %dma_start3A_122 = tpu.memref_squeeze %dma_start3A_121 : memref<1x632x128xf32, #tpu.memory_space<hbm>> -> memref<632x128xf32, #tpu.memory_space<hbm>>
        %dma_start3A_123 = arith.constant 0 : i32
        %dma_start3A_124 = tpu.memref_slice %arg7[%multiple_of3A, %dma_start3A_123] : memref<10000x128xf32, #tpu.memory_space<vmem_shared>> -> memref<632x128xf32, #tpu.memory_space<vmem_shared>>
        tpu.enqueue_dma source(%dma_start3A_124 : memref<632x128xf32, #tpu.memory_space<vmem_shared>>) target(%dma_start3A_122 : memref<632x128xf32, #tpu.memory_space<hbm>>) target_semaphore(%run_scoped3A_119 : memref<!tpu.dma_semaphore, #tpu.memory_space<semaphore_mem>>)
        %dma_wait3A_125 = arith.constant 0 : i32
        %dma_wait3A_126 = tpu.memref_slice %arg6[%arg0, %multiple_of3A, %dma_wait3A_125] : memref<2x10000x128xf32, #tpu.memory_space<hbm>> -> memref<1x632x128xf32, #tpu.memory_space<hbm>>
        %dma_wait3A_127 = tpu.memref_squeeze %dma_wait3A_126 : memref<1x632x128xf32, #tpu.memory_space<hbm>> -> memref<632x128xf32, #tpu.memory_space<hbm>>
        %dma_wait3A_128 = arith.constant 0 : i32
        %dma_wait3A_129 = tpu.memref_slice %arg7[%multiple_of3A, %dma_wait3A_128] : memref<10000x128xf32, #tpu.memory_space<vmem_shared>> -> memref<632x128xf32, #tpu.memory_space<vmem_shared>>
        tpu.wait_dma2 semaphore(%run_scoped3A_119 : memref<!tpu.dma_semaphore, #tpu.memory_space<semaphore_mem>>) src(%dma_wait3A_129 : memref<632x128xf32, #tpu.memory_space<vmem_shared>>) dst(%dma_wait3A_127 : memref<632x128xf32, #tpu.memory_space<hbm>>)
        tpu.yield
      }) : () -> ()
    } else {
    }
    %eq3A_114 = arith.constant 15 : i32
    %eq3A_115 = arith.cmpi eq, %arg1, %eq3A_114 : i32
    %convert_element_type3A_116 = arith.extui %eq3A_115 : i1 to i32
    %cond3A_117 = arith.constant 0 : i32
    %cond3A_118 = arith.cmpi ne, %convert_element_type3A_116, %cond3A_117 : i32
    scf.if %cond3A_118 {
      "tpu.region"() ({
        %run_scoped3A_119 = tpu.sem_alloc : memref<!tpu.dma_semaphore, #tpu.memory_space<semaphore_mem>>
        %dma_start3A_120 = arith.constant 9480 : i32
        %dma_start3A_121 = arith.constant 0 : i32
        %dma_start3A_122 = tpu.memref_slice %arg6[%arg0, %dma_start3A_120, %dma_start3A_121] : memref<2x10000x128xf32, #tpu.memory_space<hbm>> -> memref<1x520x128xf32, #tpu.memory_space<hbm>>
        %dma_start3A_123 = tpu.memref_squeeze %dma_start3A_122 : memref<1x520x128xf32, #tpu.memory_space<hbm>> -> memref<520x128xf32, #tpu.memory_space<hbm>>
        %dma_start3A_124 = arith.constant 9480 : i32
        %dma_start3A_125 = arith.constant 0 : i32
        %dma_start3A_126 = tpu.memref_slice %arg7[%dma_start3A_124, %dma_start3A_125] : memref<10000x128xf32, #tpu.memory_space<vmem_shared>> -> memref<520x128xf32, #tpu.memory_space<vmem_shared>>
        tpu.enqueue_dma source(%dma_start3A_126 : memref<520x128xf32, #tpu.memory_space<vmem_shared>>) target(%dma_start3A_123 : memref<520x128xf32, #tpu.memory_space<hbm>>) target_semaphore(%run_scoped3A_119 : memref<!tpu.dma_semaphore, #tpu.memory_space<semaphore_mem>>)
        %dma_wait3A_127 = arith.constant 9480 : i32
        %dma_wait3A_128 = arith.constant 0 : i32
        %dma_wait3A_129 = tpu.memref_slice %arg6[%arg0, %dma_wait3A_127, %dma_wait3A_128] : memref<2x10000x128xf32, #tpu.memory_space<hbm>> -> memref<1x520x128xf32, #tpu.memory_space<hbm>>
        %dma_wait3A_130 = tpu.memref_squeeze %dma_wait3A_129 : memref<1x520x128xf32, #tpu.memory_space<hbm>> -> memref<520x128xf32, #tpu.memory_space<hbm>>
        %dma_wait3A_131 = arith.constant 9480 : i32
        %dma_wait3A_132 = arith.constant 0 : i32
        %dma_wait3A_133 = tpu.memref_slice %arg7[%dma_wait3A_131, %dma_wait3A_132] : memref<10000x128xf32, #tpu.memory_space<vmem_shared>> -> memref<520x128xf32, #tpu.memory_space<vmem_shared>>
        tpu.wait_dma2 semaphore(%run_scoped3A_119 : memref<!tpu.dma_semaphore, #tpu.memory_space<semaphore_mem>>) src(%dma_wait3A_133 : memref<520x128xf32, #tpu.memory_space<vmem_shared>>) dst(%dma_wait3A_130 : memref<520x128xf32, #tpu.memory_space<hbm>>)
        tpu.yield
      }) : () -> ()
    } else {
    }
    return
  }
}

#map = affine_map<(d0, d1) -> (0, 0)>
#map1 = affine_map<(d0, d1) -> (0)>
#map2 = affine_map<(d0, d1) -> (0, 0, 0, 0)>
#map3 = affine_map<(d0, d1) -> (0, 0, 0)>
module attributes {stable_mosaic.version = 14 : i64} {
  func.func @_segsum_body(%arg0: i32, %arg1: i32, %arg2: memref<20000x128xf32, #tpu.memory_space<hbm>>, %arg3: memref<640000xi32, #tpu.memory_space<hbm>>, %arg4: memref<16x5x50x80xi32, #tpu.memory_space<hbm>>, %arg5: memref<632x128xf32, #tpu.memory_space<hbm>>, %arg6: memref<2x10000x128xf32, #tpu.memory_space<hbm>>, %arg7: memref<10000x128xf32, #tpu.memory_space<vmem_shared>>, %arg8: memref<20000xi32, #tpu.memory_space<vmem>>, %arg9: memref<50x80xi32, #tpu.memory_space<vmem>>, %arg10: memref<80x128xf32, #tpu.memory_space<vmem>>, %arg11: memref<80x128xf32, #tpu.memory_space<vmem>>, %arg12: memref<!tpu.dma_semaphore, #tpu.memory_space<semaphore_mem>>, %arg13: memref<!tpu.dma_semaphore, #tpu.memory_space<semaphore_mem>>) attributes {dimension_semantics = [#tpu.dimension_semantics<core_parallel>, #tpu.dimension_semantics<subcore_parallel>], iteration_bounds = array<i64: 2, 16>, scalar_prefetch = 0 : i64, scratch_operands = 7 : i64, tpu.core_type = #tpu.core_type<sc_vector_subcore>, window_params = [{transform_indices = #map}, {transform_indices = #map1}, {transform_indices = #map2}, {transform_indices = #map}, {transform_indices = #map3}]} {
    %mul3A = arith.constant 632 : i32
    %mul3A_0 = arith.muli %arg1, %mul3A : i32
    %multiple_of3A = tpu.assume_multiple %mul3A_0, 8 : i32
    %mul3A_1 = arith.constant 16 : i32
    %mul3A_2 = arith.muli %arg0, %mul3A_1 : i32
    %add3A = arith.addi %mul3A_2, %arg1 : i32
    %mul3A_3 = arith.constant 20000 : i32
    %mul3A_4 = arith.muli %add3A, %mul3A_3 : i32
    %multiple_of3A_5 = tpu.assume_multiple %mul3A_4, 8 : i32
    "tpu.region"() ({
      %run_scoped3A_119 = tpu.sem_alloc : memref<!tpu.dma_semaphore, #tpu.memory_space<semaphore_mem>>
      %dma_start3A_120 = tpu.memref_slice %arg3[%multiple_of3A_5] : memref<640000xi32, #tpu.memory_space<hbm>> -> memref<20000xi32, #tpu.memory_space<hbm>>
      %dma_start3A_121 = tpu.memref_slice %arg3[%multiple_of3A_5] : memref<640000xi32, #tpu.memory_space<hbm>> -> memref<20000xi32, #tpu.memory_space<hbm>>
      tpu.enqueue_dma source(%dma_start3A_121 : memref<20000xi32, #tpu.memory_space<hbm>>) target(%arg8 : memref<20000xi32, #tpu.memory_space<vmem>>) target_semaphore(%run_scoped3A_119 : memref<!tpu.dma_semaphore, #tpu.memory_space<semaphore_mem>>)
      %dma_wait3A_122 = tpu.memref_slice %arg3[%multiple_of3A_5] : memref<640000xi32, #tpu.memory_space<hbm>> -> memref<20000xi32, #tpu.memory_space<hbm>>
      %dma_wait3A_123 = tpu.memref_slice %arg3[%multiple_of3A_5] : memref<640000xi32, #tpu.memory_space<hbm>> -> memref<20000xi32, #tpu.memory_space<hbm>>
      tpu.wait_dma2 semaphore(%run_scoped3A_119 : memref<!tpu.dma_semaphore, #tpu.memory_space<semaphore_mem>>) src(%dma_wait3A_123 : memref<20000xi32, #tpu.memory_space<hbm>>) dst(%arg8 : memref<20000xi32, #tpu.memory_space<vmem>>)
      tpu.yield
    }) : () -> ()
    %lt3A = arith.constant 15 : i32
    %lt3A_6 = arith.cmpi slt, %arg1, %lt3A : i32
    %convert_element_type3A = arith.extui %lt3A_6 : i1 to i32
    %cond3A = arith.constant 0 : i32
    %cond3A_7 = arith.cmpi ne, %convert_element_type3A, %cond3A : i32
    scf.if %cond3A_7 {
      "tpu.region"() ({
        %run_scoped3A_119 = tpu.sem_alloc : memref<!tpu.dma_semaphore, #tpu.memory_space<semaphore_mem>>
        %dma_start3A_120 = arith.constant 0 : i32
        %dma_start3A_121 = tpu.memref_slice %arg7[%multiple_of3A, %dma_start3A_120] : memref<10000x128xf32, #tpu.memory_space<vmem_shared>> -> memref<632x128xf32, #tpu.memory_space<vmem_shared>>
        %dma_start3A_122 = arith.constant 0 : i32
        %dma_start3A_123 = arith.constant 0 : i32
        %dma_start3A_124 = tpu.memref_slice %arg5[%dma_start3A_122, %dma_start3A_123] : memref<632x128xf32, #tpu.memory_space<hbm>> -> memref<632x128xf32, #tpu.memory_space<hbm>>
        tpu.enqueue_dma source(%dma_start3A_124 : memref<632x128xf32, #tpu.memory_space<hbm>>) target(%dma_start3A_121 : memref<632x128xf32, #tpu.memory_space<vmem_shared>>) target_semaphore(%run_scoped3A_119 : memref<!tpu.dma_semaphore, #tpu.memory_space<semaphore_mem>>)
        %dma_wait3A_125 = arith.constant 0 : i32
        %dma_wait3A_126 = tpu.memref_slice %arg7[%multiple_of3A, %dma_wait3A_125] : memref<10000x128xf32, #tpu.memory_space<vmem_shared>> -> memref<632x128xf32, #tpu.memory_space<vmem_shared>>
        %dma_wait3A_127 = arith.constant 0 : i32
        %dma_wait3A_128 = arith.constant 0 : i32
        %dma_wait3A_129 = tpu.memref_slice %arg5[%dma_wait3A_127, %dma_wait3A_128] : memref<632x128xf32, #tpu.memory_space<hbm>> -> memref<632x128xf32, #tpu.memory_space<hbm>>
        tpu.wait_dma2 semaphore(%run_scoped3A_119 : memref<!tpu.dma_semaphore, #tpu.memory_space<semaphore_mem>>) src(%dma_wait3A_129 : memref<632x128xf32, #tpu.memory_space<hbm>>) dst(%dma_wait3A_126 : memref<632x128xf32, #tpu.memory_space<vmem_shared>>)
        tpu.yield
      }) : () -> ()
    } else {
    }
    %eq3A = arith.constant 15 : i32
    %eq3A_8 = arith.cmpi eq, %arg1, %eq3A : i32
    %convert_element_type3A_9 = arith.extui %eq3A_8 : i1 to i32
    %cond3A_10 = arith.constant 0 : i32
    %cond3A_11 = arith.cmpi ne, %convert_element_type3A_9, %cond3A_10 : i32
    scf.if %cond3A_11 {
      "tpu.region"() ({
        %run_scoped3A_119 = tpu.sem_alloc : memref<!tpu.dma_semaphore, #tpu.memory_space<semaphore_mem>>
        %dma_start3A_120 = arith.constant 9480 : i32
        %dma_start3A_121 = arith.constant 0 : i32
        %dma_start3A_122 = tpu.memref_slice %arg7[%dma_start3A_120, %dma_start3A_121] : memref<10000x128xf32, #tpu.memory_space<vmem_shared>> -> memref<520x128xf32, #tpu.memory_space<vmem_shared>>
        %dma_start3A_123 = arith.constant 0 : i32
        %dma_start3A_124 = arith.constant 0 : i32
        %dma_start3A_125 = tpu.memref_slice %arg5[%dma_start3A_123, %dma_start3A_124] : memref<632x128xf32, #tpu.memory_space<hbm>> -> memref<520x128xf32, #tpu.memory_space<hbm>>
        tpu.enqueue_dma source(%dma_start3A_125 : memref<520x128xf32, #tpu.memory_space<hbm>>) target(%dma_start3A_122 : memref<520x128xf32, #tpu.memory_space<vmem_shared>>) target_semaphore(%run_scoped3A_119 : memref<!tpu.dma_semaphore, #tpu.memory_space<semaphore_mem>>)
        %dma_wait3A_126 = arith.constant 9480 : i32
        %dma_wait3A_127 = arith.constant 0 : i32
        %dma_wait3A_128 = tpu.memref_slice %arg7[%dma_wait3A_126, %dma_wait3A_127] : memref<10000x128xf32, #tpu.memory_space<vmem_shared>> -> memref<520x128xf32, #tpu.memory_space<vmem_shared>>
        %dma_wait3A_129 = arith.constant 0 : i32
        %dma_wait3A_130 = arith.constant 0 : i32
        %dma_wait3A_131 = tpu.memref_slice %arg5[%dma_wait3A_129, %dma_wait3A_130] : memref<632x128xf32, #tpu.memory_space<hbm>> -> memref<520x128xf32, #tpu.memory_space<hbm>>
        tpu.wait_dma2 semaphore(%run_scoped3A_119 : memref<!tpu.dma_semaphore, #tpu.memory_space<semaphore_mem>>) src(%dma_wait3A_131 : memref<520x128xf32, #tpu.memory_space<hbm>>) dst(%dma_wait3A_128 : memref<520x128xf32, #tpu.memory_space<vmem_shared>>)
        tpu.yield
      }) : () -> ()
    } else {
    }
    %barrier3A = arith.constant 0 : index
    tpu.barrier barrier_id(%barrier3A)
    %run_scoped3A = arith.constant 0 : i32
    "tpu.region"() ({
      %run_scoped3A_119 = tpu.sem_alloc : memref<!tpu.dma_semaphore, #tpu.memory_space<semaphore_mem>>
      %dma_start3A_120 = arith.constant 0 : i32
      %dma_start3A_121 = arith.constant 0 : i32
      %dma_start3A_122 = tpu.memref_slice %arg4[%arg1, %run_scoped3A, %dma_start3A_120, %dma_start3A_121] : memref<16x5x50x80xi32, #tpu.memory_space<hbm>> -> memref<1x1x50x80xi32, #tpu.memory_space<hbm>>
      %dma_start3A_123 = tpu.memref_squeeze %dma_start3A_122 : memref<1x1x50x80xi32, #tpu.memory_space<hbm>> -> memref<50x80xi32, #tpu.memory_space<hbm>>
      %dma_start3A_124 = arith.constant 0 : i32
      %dma_start3A_125 = arith.constant 0 : i32
      %dma_start3A_126 = tpu.memref_slice %arg4[%arg1, %run_scoped3A, %dma_start3A_124, %dma_start3A_125] : memref<16x5x50x80xi32, #tpu.memory_space<hbm>> -> memref<1x1x50x80xi32, #tpu.memory_space<hbm>>
      %dma_start3A_127 = tpu.memref_squeeze %dma_start3A_126 : memref<1x1x50x80xi32, #tpu.memory_space<hbm>> -> memref<50x80xi32, #tpu.memory_space<hbm>>
      tpu.enqueue_dma source(%dma_start3A_127 : memref<50x80xi32, #tpu.memory_space<hbm>>) target(%arg9 : memref<50x80xi32, #tpu.memory_space<vmem>>) target_semaphore(%run_scoped3A_119 : memref<!tpu.dma_semaphore, #tpu.memory_space<semaphore_mem>>)
      %dma_wait3A_128 = arith.constant 0 : i32
      %dma_wait3A_129 = arith.constant 0 : i32
      %dma_wait3A_130 = tpu.memref_slice %arg4[%arg1, %run_scoped3A, %dma_wait3A_128, %dma_wait3A_129] : memref<16x5x50x80xi32, #tpu.memory_space<hbm>> -> memref<1x1x50x80xi32, #tpu.memory_space<hbm>>
      %dma_wait3A_131 = tpu.memref_squeeze %dma_wait3A_130 : memref<1x1x50x80xi32, #tpu.memory_space<hbm>> -> memref<50x80xi32, #tpu.memory_space<hbm>>
      %dma_wait3A_132 = arith.constant 0 : i32
      %dma_wait3A_133 = arith.constant 0 : i32
      %dma_wait3A_134 = tpu.memref_slice %arg4[%arg1, %run_scoped3A, %dma_wait3A_132, %dma_wait3A_133] : memref<16x5x50x80xi32, #tpu.memory_space<hbm>> -> memref<1x1x50x80xi32, #tpu.memory_space<hbm>>
      %dma_wait3A_135 = tpu.memref_squeeze %dma_wait3A_134 : memref<1x1x50x80xi32, #tpu.memory_space<hbm>> -> memref<50x80xi32, #tpu.memory_space<hbm>>
      tpu.wait_dma2 semaphore(%run_scoped3A_119 : memref<!tpu.dma_semaphore, #tpu.memory_space<semaphore_mem>>) src(%dma_wait3A_135 : memref<50x80xi32, #tpu.memory_space<hbm>>) dst(%arg9 : memref<50x80xi32, #tpu.memory_space<vmem>>)
      tpu.yield
    }) : () -> ()
    %multiple_of3A_12 = arith.constant 0 : i32
    %multiple_of3A_13 = tpu.assume_multiple %multiple_of3A_12, 8 : i32
    %dma_start3A = tpu.memref_slice %arg8[%multiple_of3A_13] : memref<20000xi32, #tpu.memory_space<vmem>> -> memref<80xi32, #tpu.memory_space<vmem>>
    %dma_start3A_14 = arith.constant 0 : i32
    %dma_start3A_15 = arith.constant 0 : i32
    %dma_start3A_16 = tpu.memref_slice %arg2[%dma_start3A_14, %dma_start3A_15] : memref<20000x128xf32, #tpu.memory_space<hbm>> -> memref<20000x128xf32, #tpu.memory_space<hbm>>
    tpu.enqueue_indirect_dma source(%dma_start3A_16 : memref<20000x128xf32, #tpu.memory_space<hbm>>) target(%arg10 : memref<80x128xf32, #tpu.memory_space<vmem>>) offsets(%dma_start3A : memref<80xi32, #tpu.memory_space<vmem>>) semaphore(%arg12 : memref<!tpu.dma_semaphore, #tpu.memory_space<semaphore_mem>>)
    %scan3A = arith.constant 0 : i32
    %scan3A_17 = arith.constant 0 : i32
    %scan3A_18 = arith.constant 25 : i32
    %scan3A_19 = arith.addi %scan3A_17, %scan3A_18 : i32
    %scan3A_20 = arith.constant 1 : i32
    scf.for %scan3A_119 = %scan3A_17 to %scan3A_19 step %scan3A_20  : i32 {
      %mul3A_120 = arith.constant 2 : i32
      %mul3A_121 = arith.muli %mul3A_120, %scan3A_119 : i32
      %add3A_122 = arith.constant 0 : i32
      %add3A_123 = arith.addi %add3A_122, %mul3A_121 : i32
      %gt3A = arith.constant 0 : i32
      %gt3A_124 = arith.cmpi sgt, %scan3A_119, %gt3A : i32
      %convert_element_type3A_125 = arith.extui %gt3A_124 : i1 to i32
      %cond3A_126 = arith.constant 0 : i32
      %cond3A_127 = arith.cmpi ne, %convert_element_type3A_125, %cond3A_126 : i32
      scf.if %cond3A_127 {
        %sub3A = arith.constant 1 : i32
        %sub3A_178 = arith.subi %mul3A_121, %sub3A : i32
        %dma_wait3A_179 = arith.constant 0 : i32
        %dma_wait3A_180 = tpu.memref_slice %arg9[%sub3A_178, %dma_wait3A_179] : memref<50x80xi32, #tpu.memory_space<vmem>> -> memref<1x80xi32, #tpu.memory_space<vmem>>
        %dma_wait3A_181 = tpu.memref_squeeze %dma_wait3A_180 : memref<1x80xi32, #tpu.memory_space<vmem>> -> memref<80xi32, #tpu.memory_space<vmem>>
        %dma_wait3A_182 = arith.constant 0 : i32
        %dma_wait3A_183 = arith.constant 0 : i32
        %dma_wait3A_184 = tpu.memref_slice %arg7[%dma_wait3A_182, %dma_wait3A_183] : memref<10000x128xf32, #tpu.memory_space<vmem_shared>> -> memref<10000x128xf32, #tpu.memory_space<vmem_shared>>
        tpu.wait_indirect_dma semaphore(%arg13 : memref<!tpu.dma_semaphore, #tpu.memory_space<semaphore_mem>>) src(%arg11 : memref<80x128xf32, #tpu.memory_space<vmem>>) dst(%dma_wait3A_184 : memref<10000x128xf32, #tpu.memory_space<vmem_shared>>)
      } else {
      }
      %add3A_128 = arith.constant 1 : i32
      %add3A_129 = arith.addi %add3A_123, %add3A_128 : i32
      %mul3A_130 = arith.constant 80 : i32
      %mul3A_131 = arith.muli %add3A_129, %mul3A_130 : i32
      %multiple_of3A_132 = tpu.assume_multiple %mul3A_131, 8 : i32
      %dma_start3A_133 = tpu.memref_slice %arg8[%multiple_of3A_132] : memref<20000xi32, #tpu.memory_space<vmem>> -> memref<80xi32, #tpu.memory_space<vmem>>
      %dma_start3A_134 = arith.constant 0 : i32
      %dma_start3A_135 = arith.constant 0 : i32
      %dma_start3A_136 = tpu.memref_slice %arg2[%dma_start3A_134, %dma_start3A_135] : memref<20000x128xf32, #tpu.memory_space<hbm>> -> memref<20000x128xf32, #tpu.memory_space<hbm>>
      tpu.enqueue_indirect_dma source(%dma_start3A_136 : memref<20000x128xf32, #tpu.memory_space<hbm>>) target(%arg11 : memref<80x128xf32, #tpu.memory_space<vmem>>) offsets(%dma_start3A_133 : memref<80xi32, #tpu.memory_space<vmem>>) semaphore(%arg12 : memref<!tpu.dma_semaphore, #tpu.memory_space<semaphore_mem>>)
      %mul3A_137 = arith.constant 80 : i32
      %mul3A_138 = arith.muli %add3A_123, %mul3A_137 : i32
      %multiple_of3A_139 = tpu.assume_multiple %mul3A_138, 8 : i32
      %dma_wait3A_140 = tpu.memref_slice %arg8[%multiple_of3A_139] : memref<20000xi32, #tpu.memory_space<vmem>> -> memref<80xi32, #tpu.memory_space<vmem>>
      %dma_wait3A_141 = arith.constant 0 : i32
      %dma_wait3A_142 = arith.constant 0 : i32
      %dma_wait3A_143 = tpu.memref_slice %arg2[%dma_wait3A_141, %dma_wait3A_142] : memref<20000x128xf32, #tpu.memory_space<hbm>> -> memref<20000x128xf32, #tpu.memory_space<hbm>>
      tpu.wait_indirect_dma semaphore(%arg12 : memref<!tpu.dma_semaphore, #tpu.memory_space<semaphore_mem>>) src(%dma_wait3A_143 : memref<20000x128xf32, #tpu.memory_space<hbm>>) dst(%arg10 : memref<80x128xf32, #tpu.memory_space<vmem>>)
      %dma_start3A_144 = arith.constant 0 : i32
      %dma_start3A_145 = tpu.memref_slice %arg9[%mul3A_121, %dma_start3A_144] : memref<50x80xi32, #tpu.memory_space<vmem>> -> memref<1x80xi32, #tpu.memory_space<vmem>>
      %dma_start3A_146 = tpu.memref_squeeze %dma_start3A_145 : memref<1x80xi32, #tpu.memory_space<vmem>> -> memref<80xi32, #tpu.memory_space<vmem>>
      %dma_start3A_147 = arith.constant 0 : i32
      %dma_start3A_148 = arith.constant 0 : i32
      %dma_start3A_149 = tpu.memref_slice %arg7[%dma_start3A_147, %dma_start3A_148] : memref<10000x128xf32, #tpu.memory_space<vmem_shared>> -> memref<10000x128xf32, #tpu.memory_space<vmem_shared>>
      tpu.enqueue_indirect_dma source(%arg10 : memref<80x128xf32, #tpu.memory_space<vmem>>) target(%dma_start3A_149 : memref<10000x128xf32, #tpu.memory_space<vmem_shared>>) offsets(%dma_start3A_146 : memref<80xi32, #tpu.memory_space<vmem>>) semaphore(%arg13 : memref<!tpu.dma_semaphore, #tpu.memory_space<semaphore_mem>>) {add = true}
      %dma_wait3A_150 = arith.constant 0 : i32
      %dma_wait3A_151 = tpu.memref_slice %arg9[%mul3A_121, %dma_wait3A_150] : memref<50x80xi32, #tpu.memory_space<vmem>> -> memref<1x80xi32, #tpu.memory_space<vmem>>
      %dma_wait3A_152 = tpu.memref_squeeze %dma_wait3A_151 : memref<1x80xi32, #tpu.memory_space<vmem>> -> memref<80xi32, #tpu.memory_space<vmem>>
      %dma_wait3A_153 = arith.constant 0 : i32
      %dma_wait3A_154 = arith.constant 0 : i32
      %dma_wait3A_155 = tpu.memref_slice %arg7[%dma_wait3A_153, %dma_wait3A_154] : memref<10000x128xf32, #tpu.memory_space<vmem_shared>> -> memref<10000x128xf32, #tpu.memory_space<vmem_shared>>
      tpu.wait_indirect_dma semaphore(%arg13 : memref<!tpu.dma_semaphore, #tpu.memory_space<semaphore_mem>>) src(%arg10 : memref<80x128xf32, #tpu.memory_space<vmem>>) dst(%dma_wait3A_155 : memref<10000x128xf32, #tpu.memory_space<vmem_shared>>)
      %lt3A_156 = arith.constant 24 : i32
      %lt3A_157 = arith.cmpi slt, %scan3A_119, %lt3A_156 : i32
      %convert_element_type3A_158 = arith.extui %lt3A_157 : i1 to i32
      %cond3A_159 = arith.constant 0 : i32
      %cond3A_160 = arith.cmpi ne, %convert_element_type3A_158, %cond3A_159 : i32
      scf.if %cond3A_160 {
        %add3A_178 = arith.constant 2 : i32
        %add3A_179 = arith.addi %add3A_123, %add3A_178 : i32
        %mul3A_180 = arith.constant 80 : i32
        %mul3A_181 = arith.muli %add3A_179, %mul3A_180 : i32
        %multiple_of3A_182 = tpu.assume_multiple %mul3A_181, 8 : i32
        %dma_start3A_183 = tpu.memref_slice %arg8[%multiple_of3A_182] : memref<20000xi32, #tpu.memory_space<vmem>> -> memref<80xi32, #tpu.memory_space<vmem>>
        %dma_start3A_184 = arith.constant 0 : i32
        %dma_start3A_185 = arith.constant 0 : i32
        %dma_start3A_186 = tpu.memref_slice %arg2[%dma_start3A_184, %dma_start3A_185] : memref<20000x128xf32, #tpu.memory_space<hbm>> -> memref<20000x128xf32, #tpu.memory_space<hbm>>
        tpu.enqueue_indirect_dma source(%dma_start3A_186 : memref<20000x128xf32, #tpu.memory_space<hbm>>) target(%arg10 : memref<80x128xf32, #tpu.memory_space<vmem>>) offsets(%dma_start3A_183 : memref<80xi32, #tpu.memory_space<vmem>>) semaphore(%arg12 : memref<!tpu.dma_semaphore, #tpu.memory_space<semaphore_mem>>)
      } else {
      }
      %add3A_161 = arith.constant 1 : i32
      %add3A_162 = arith.addi %add3A_123, %add3A_161 : i32
      %mul3A_163 = arith.constant 80 : i32
      %mul3A_164 = arith.muli %add3A_162, %mul3A_163 : i32
      %multiple_of3A_165 = tpu.assume_multiple %mul3A_164, 8 : i32
      %dma_wait3A_166 = tpu.memref_slice %arg8[%multiple_of3A_165] : memref<20000xi32, #tpu.memory_space<vmem>> -> memref<80xi32, #tpu.memory_space<vmem>>
      %dma_wait3A_167 = arith.constant 0 : i32
      %dma_wait3A_168 = arith.constant 0 : i32
      %dma_wait3A_169 = tpu.memref_slice %arg2[%dma_wait3A_167, %dma_wait3A_168] : memref<20000x128xf32, #tpu.memory_space<hbm>> -> memref<20000x128xf32, #tpu.memory_space<hbm>>
      tpu.wait_indirect_dma semaphore(%arg12 : memref<!tpu.dma_semaphore, #tpu.memory_space<semaphore_mem>>) src(%dma_wait3A_169 : memref<20000x128xf32, #tpu.memory_space<hbm>>) dst(%arg11 : memref<80x128xf32, #tpu.memory_space<vmem>>)
      %add3A_170 = arith.constant 1 : i32
      %add3A_171 = arith.addi %mul3A_121, %add3A_170 : i32
      %dma_start3A_172 = arith.constant 0 : i32
      %dma_start3A_173 = tpu.memref_slice %arg9[%add3A_171, %dma_start3A_172] : memref<50x80xi32, #tpu.memory_space<vmem>> -> memref<1x80xi32, #tpu.memory_space<vmem>>
      %dma_start3A_174 = tpu.memref_squeeze %dma_start3A_173 : memref<1x80xi32, #tpu.memory_space<vmem>> -> memref<80xi32, #tpu.memory_space<vmem>>
      %dma_start3A_175 = arith.constant 0 : i32
      %dma_start3A_176 = arith.constant 0 : i32
      %dma_start3A_177 = tpu.memref_slice %arg7[%dma_start3A_175, %dma_start3A_176] : memref<10000x128xf32, #tpu.memory_space<vmem_shared>> -> memref<10000x128xf32, #tpu.memory_space<vmem_shared>>
      tpu.enqueue_indirect_dma source(%arg11 : memref<80x128xf32, #tpu.memory_space<vmem>>) target(%dma_start3A_177 : memref<10000x128xf32, #tpu.memory_space<vmem_shared>>) offsets(%dma_start3A_174 : memref<80xi32, #tpu.memory_space<vmem>>) semaphore(%arg13 : memref<!tpu.dma_semaphore, #tpu.memory_space<semaphore_mem>>) {add = true}
    }
    %scan3A_21 = arith.constant 25 : i32
    %dma_wait3A = arith.constant 49 : i32
    %dma_wait3A_22 = arith.constant 0 : i32
    %dma_wait3A_23 = tpu.memref_slice %arg9[%dma_wait3A, %dma_wait3A_22] : memref<50x80xi32, #tpu.memory_space<vmem>> -> memref<1x80xi32, #tpu.memory_space<vmem>>
    %dma_wait3A_24 = tpu.memref_squeeze %dma_wait3A_23 : memref<1x80xi32, #tpu.memory_space<vmem>> -> memref<80xi32, #tpu.memory_space<vmem>>
    %dma_wait3A_25 = arith.constant 0 : i32
    %dma_wait3A_26 = arith.constant 0 : i32
    %dma_wait3A_27 = tpu.memref_slice %arg7[%dma_wait3A_25, %dma_wait3A_26] : memref<10000x128xf32, #tpu.memory_space<vmem_shared>> -> memref<10000x128xf32, #tpu.memory_space<vmem_shared>>
    tpu.wait_indirect_dma semaphore(%arg13 : memref<!tpu.dma_semaphore, #tpu.memory_space<semaphore_mem>>) src(%arg11 : memref<80x128xf32, #tpu.memory_space<vmem>>) dst(%dma_wait3A_27 : memref<10000x128xf32, #tpu.memory_space<vmem_shared>>)
    %run_scoped3A_28 = arith.constant 1 : i32
    "tpu.region"() ({
      %run_scoped3A_119 = tpu.sem_alloc : memref<!tpu.dma_semaphore, #tpu.memory_space<semaphore_mem>>
      %dma_start3A_120 = arith.constant 0 : i32
      %dma_start3A_121 = arith.constant 0 : i32
      %dma_start3A_122 = tpu.memref_slice %arg4[%arg1, %run_scoped3A_28, %dma_start3A_120, %dma_start3A_121] : memref<16x5x50x80xi32, #tpu.memory_space<hbm>> -> memref<1x1x50x80xi32, #tpu.memory_space<hbm>>
      %dma_start3A_123 = tpu.memref_squeeze %dma_start3A_122 : memref<1x1x50x80xi32, #tpu.memory_space<hbm>> -> memref<50x80xi32, #tpu.memory_space<hbm>>
      %dma_start3A_124 = arith.constant 0 : i32
      %dma_start3A_125 = arith.constant 0 : i32
      %dma_start3A_126 = tpu.memref_slice %arg4[%arg1, %run_scoped3A_28, %dma_start3A_124, %dma_start3A_125] : memref<16x5x50x80xi32, #tpu.memory_space<hbm>> -> memref<1x1x50x80xi32, #tpu.memory_space<hbm>>
      %dma_start3A_127 = tpu.memref_squeeze %dma_start3A_126 : memref<1x1x50x80xi32, #tpu.memory_space<hbm>> -> memref<50x80xi32, #tpu.memory_space<hbm>>
      tpu.enqueue_dma source(%dma_start3A_127 : memref<50x80xi32, #tpu.memory_space<hbm>>) target(%arg9 : memref<50x80xi32, #tpu.memory_space<vmem>>) target_semaphore(%run_scoped3A_119 : memref<!tpu.dma_semaphore, #tpu.memory_space<semaphore_mem>>)
      %dma_wait3A_128 = arith.constant 0 : i32
      %dma_wait3A_129 = arith.constant 0 : i32
      %dma_wait3A_130 = tpu.memref_slice %arg4[%arg1, %run_scoped3A_28, %dma_wait3A_128, %dma_wait3A_129] : memref<16x5x50x80xi32, #tpu.memory_space<hbm>> -> memref<1x1x50x80xi32, #tpu.memory_space<hbm>>
      %dma_wait3A_131 = tpu.memref_squeeze %dma_wait3A_130 : memref<1x1x50x80xi32, #tpu.memory_space<hbm>> -> memref<50x80xi32, #tpu.memory_space<hbm>>
      %dma_wait3A_132 = arith.constant 0 : i32
      %dma_wait3A_133 = arith.constant 0 : i32
      %dma_wait3A_134 = tpu.memref_slice %arg4[%arg1, %run_scoped3A_28, %dma_wait3A_132, %dma_wait3A_133] : memref<16x5x50x80xi32, #tpu.memory_space<hbm>> -> memref<1x1x50x80xi32, #tpu.memory_space<hbm>>
      %dma_wait3A_135 = tpu.memref_squeeze %dma_wait3A_134 : memref<1x1x50x80xi32, #tpu.memory_space<hbm>> -> memref<50x80xi32, #tpu.memory_space<hbm>>
      tpu.wait_dma2 semaphore(%run_scoped3A_119 : memref<!tpu.dma_semaphore, #tpu.memory_space<semaphore_mem>>) src(%dma_wait3A_135 : memref<50x80xi32, #tpu.memory_space<hbm>>) dst(%arg9 : memref<50x80xi32, #tpu.memory_space<vmem>>)
      tpu.yield
    }) : () -> ()
    %multiple_of3A_29 = arith.constant 4000 : i32
    %multiple_of3A_30 = tpu.assume_multiple %multiple_of3A_29, 8 : i32
    %dma_start3A_31 = tpu.memref_slice %arg8[%multiple_of3A_30] : memref<20000xi32, #tpu.memory_space<vmem>> -> memref<80xi32, #tpu.memory_space<vmem>>
    %dma_start3A_32 = arith.constant 0 : i32
    %dma_start3A_33 = arith.constant 0 : i32
    %dma_start3A_34 = tpu.memref_slice %arg2[%dma_start3A_32, %dma_start3A_33] : memref<20000x128xf32, #tpu.memory_space<hbm>> -> memref<20000x128xf32, #tpu.memory_space<hbm>>
    tpu.enqueue_indirect_dma source(%dma_start3A_34 : memref<20000x128xf32, #tpu.memory_space<hbm>>) target(%arg10 : memref<80x128xf32, #tpu.memory_space<vmem>>) offsets(%dma_start3A_31 : memref<80xi32, #tpu.memory_space<vmem>>) semaphore(%arg12 : memref<!tpu.dma_semaphore, #tpu.memory_space<semaphore_mem>>)
    %scan3A_35 = arith.constant 0 : i32
    %scan3A_36 = arith.constant 0 : i32
    %scan3A_37 = arith.constant 25 : i32
    %scan3A_38 = arith.addi %scan3A_36, %scan3A_37 : i32
    %scan3A_39 = arith.constant 1 : i32
    scf.for %scan3A_119 = %scan3A_36 to %scan3A_38 step %scan3A_39  : i32 {
      %mul3A_120 = arith.constant 2 : i32
      %mul3A_121 = arith.muli %mul3A_120, %scan3A_119 : i32
      %add3A_122 = arith.constant 50 : i32
      %add3A_123 = arith.addi %add3A_122, %mul3A_121 : i32
      %gt3A = arith.constant 0 : i32
      %gt3A_124 = arith.cmpi sgt, %scan3A_119, %gt3A : i32
      %convert_element_type3A_125 = arith.extui %gt3A_124 : i1 to i32
      %cond3A_126 = arith.constant 0 : i32
      %cond3A_127 = arith.cmpi ne, %convert_element_type3A_125, %cond3A_126 : i32
      scf.if %cond3A_127 {
        %sub3A = arith.constant 1 : i32
        %sub3A_178 = arith.subi %mul3A_121, %sub3A : i32
        %dma_wait3A_179 = arith.constant 0 : i32
        %dma_wait3A_180 = tpu.memref_slice %arg9[%sub3A_178, %dma_wait3A_179] : memref<50x80xi32, #tpu.memory_space<vmem>> -> memref<1x80xi32, #tpu.memory_space<vmem>>
        %dma_wait3A_181 = tpu.memref_squeeze %dma_wait3A_180 : memref<1x80xi32, #tpu.memory_space<vmem>> -> memref<80xi32, #tpu.memory_space<vmem>>
        %dma_wait3A_182 = arith.constant 0 : i32
        %dma_wait3A_183 = arith.constant 0 : i32
        %dma_wait3A_184 = tpu.memref_slice %arg7[%dma_wait3A_182, %dma_wait3A_183] : memref<10000x128xf32, #tpu.memory_space<vmem_shared>> -> memref<10000x128xf32, #tpu.memory_space<vmem_shared>>
        tpu.wait_indirect_dma semaphore(%arg13 : memref<!tpu.dma_semaphore, #tpu.memory_space<semaphore_mem>>) src(%arg11 : memref<80x128xf32, #tpu.memory_space<vmem>>) dst(%dma_wait3A_184 : memref<10000x128xf32, #tpu.memory_space<vmem_shared>>)
      } else {
      }
      %add3A_128 = arith.constant 1 : i32
      %add3A_129 = arith.addi %add3A_123, %add3A_128 : i32
      %mul3A_130 = arith.constant 80 : i32
      %mul3A_131 = arith.muli %add3A_129, %mul3A_130 : i32
      %multiple_of3A_132 = tpu.assume_multiple %mul3A_131, 8 : i32
      %dma_start3A_133 = tpu.memref_slice %arg8[%multiple_of3A_132] : memref<20000xi32, #tpu.memory_space<vmem>> -> memref<80xi32, #tpu.memory_space<vmem>>
      %dma_start3A_134 = arith.constant 0 : i32
      %dma_start3A_135 = arith.constant 0 : i32
      %dma_start3A_136 = tpu.memref_slice %arg2[%dma_start3A_134, %dma_start3A_135] : memref<20000x128xf32, #tpu.memory_space<hbm>> -> memref<20000x128xf32, #tpu.memory_space<hbm>>
      tpu.enqueue_indirect_dma source(%dma_start3A_136 : memref<20000x128xf32, #tpu.memory_space<hbm>>) target(%arg11 : memref<80x128xf32, #tpu.memory_space<vmem>>) offsets(%dma_start3A_133 : memref<80xi32, #tpu.memory_space<vmem>>) semaphore(%arg12 : memref<!tpu.dma_semaphore, #tpu.memory_space<semaphore_mem>>)
      %mul3A_137 = arith.constant 80 : i32
      %mul3A_138 = arith.muli %add3A_123, %mul3A_137 : i32
      %multiple_of3A_139 = tpu.assume_multiple %mul3A_138, 8 : i32
      %dma_wait3A_140 = tpu.memref_slice %arg8[%multiple_of3A_139] : memref<20000xi32, #tpu.memory_space<vmem>> -> memref<80xi32, #tpu.memory_space<vmem>>
      %dma_wait3A_141 = arith.constant 0 : i32
      %dma_wait3A_142 = arith.constant 0 : i32
      %dma_wait3A_143 = tpu.memref_slice %arg2[%dma_wait3A_141, %dma_wait3A_142] : memref<20000x128xf32, #tpu.memory_space<hbm>> -> memref<20000x128xf32, #tpu.memory_space<hbm>>
      tpu.wait_indirect_dma semaphore(%arg12 : memref<!tpu.dma_semaphore, #tpu.memory_space<semaphore_mem>>) src(%dma_wait3A_143 : memref<20000x128xf32, #tpu.memory_space<hbm>>) dst(%arg10 : memref<80x128xf32, #tpu.memory_space<vmem>>)
      %dma_start3A_144 = arith.constant 0 : i32
      %dma_start3A_145 = tpu.memref_slice %arg9[%mul3A_121, %dma_start3A_144] : memref<50x80xi32, #tpu.memory_space<vmem>> -> memref<1x80xi32, #tpu.memory_space<vmem>>
      %dma_start3A_146 = tpu.memref_squeeze %dma_start3A_145 : memref<1x80xi32, #tpu.memory_space<vmem>> -> memref<80xi32, #tpu.memory_space<vmem>>
      %dma_start3A_147 = arith.constant 0 : i32
      %dma_start3A_148 = arith.constant 0 : i32
      %dma_start3A_149 = tpu.memref_slice %arg7[%dma_start3A_147, %dma_start3A_148] : memref<10000x128xf32, #tpu.memory_space<vmem_shared>> -> memref<10000x128xf32, #tpu.memory_space<vmem_shared>>
      tpu.enqueue_indirect_dma source(%arg10 : memref<80x128xf32, #tpu.memory_space<vmem>>) target(%dma_start3A_149 : memref<10000x128xf32, #tpu.memory_space<vmem_shared>>) offsets(%dma_start3A_146 : memref<80xi32, #tpu.memory_space<vmem>>) semaphore(%arg13 : memref<!tpu.dma_semaphore, #tpu.memory_space<semaphore_mem>>) {add = true}
      %dma_wait3A_150 = arith.constant 0 : i32
      %dma_wait3A_151 = tpu.memref_slice %arg9[%mul3A_121, %dma_wait3A_150] : memref<50x80xi32, #tpu.memory_space<vmem>> -> memref<1x80xi32, #tpu.memory_space<vmem>>
      %dma_wait3A_152 = tpu.memref_squeeze %dma_wait3A_151 : memref<1x80xi32, #tpu.memory_space<vmem>> -> memref<80xi32, #tpu.memory_space<vmem>>
      %dma_wait3A_153 = arith.constant 0 : i32
      %dma_wait3A_154 = arith.constant 0 : i32
      %dma_wait3A_155 = tpu.memref_slice %arg7[%dma_wait3A_153, %dma_wait3A_154] : memref<10000x128xf32, #tpu.memory_space<vmem_shared>> -> memref<10000x128xf32, #tpu.memory_space<vmem_shared>>
      tpu.wait_indirect_dma semaphore(%arg13 : memref<!tpu.dma_semaphore, #tpu.memory_space<semaphore_mem>>) src(%arg10 : memref<80x128xf32, #tpu.memory_space<vmem>>) dst(%dma_wait3A_155 : memref<10000x128xf32, #tpu.memory_space<vmem_shared>>)
      %lt3A_156 = arith.constant 24 : i32
      %lt3A_157 = arith.cmpi slt, %scan3A_119, %lt3A_156 : i32
      %convert_element_type3A_158 = arith.extui %lt3A_157 : i1 to i32
      %cond3A_159 = arith.constant 0 : i32
      %cond3A_160 = arith.cmpi ne, %convert_element_type3A_158, %cond3A_159 : i32
      scf.if %cond3A_160 {
        %add3A_178 = arith.constant 2 : i32
        %add3A_179 = arith.addi %add3A_123, %add3A_178 : i32
        %mul3A_180 = arith.constant 80 : i32
        %mul3A_181 = arith.muli %add3A_179, %mul3A_180 : i32
        %multiple_of3A_182 = tpu.assume_multiple %mul3A_181, 8 : i32
        %dma_start3A_183 = tpu.memref_slice %arg8[%multiple_of3A_182] : memref<20000xi32, #tpu.memory_space<vmem>> -> memref<80xi32, #tpu.memory_space<vmem>>
        %dma_start3A_184 = arith.constant 0 : i32
        %dma_start3A_185 = arith.constant 0 : i32
        %dma_start3A_186 = tpu.memref_slice %arg2[%dma_start3A_184, %dma_start3A_185] : memref<20000x128xf32, #tpu.memory_space<hbm>> -> memref<20000x128xf32, #tpu.memory_space<hbm>>
        tpu.enqueue_indirect_dma source(%dma_start3A_186 : memref<20000x128xf32, #tpu.memory_space<hbm>>) target(%arg10 : memref<80x128xf32, #tpu.memory_space<vmem>>) offsets(%dma_start3A_183 : memref<80xi32, #tpu.memory_space<vmem>>) semaphore(%arg12 : memref<!tpu.dma_semaphore, #tpu.memory_space<semaphore_mem>>)
      } else {
      }
      %add3A_161 = arith.constant 1 : i32
      %add3A_162 = arith.addi %add3A_123, %add3A_161 : i32
      %mul3A_163 = arith.constant 80 : i32
      %mul3A_164 = arith.muli %add3A_162, %mul3A_163 : i32
      %multiple_of3A_165 = tpu.assume_multiple %mul3A_164, 8 : i32
      %dma_wait3A_166 = tpu.memref_slice %arg8[%multiple_of3A_165] : memref<20000xi32, #tpu.memory_space<vmem>> -> memref<80xi32, #tpu.memory_space<vmem>>
      %dma_wait3A_167 = arith.constant 0 : i32
      %dma_wait3A_168 = arith.constant 0 : i32
      %dma_wait3A_169 = tpu.memref_slice %arg2[%dma_wait3A_167, %dma_wait3A_168] : memref<20000x128xf32, #tpu.memory_space<hbm>> -> memref<20000x128xf32, #tpu.memory_space<hbm>>
      tpu.wait_indirect_dma semaphore(%arg12 : memref<!tpu.dma_semaphore, #tpu.memory_space<semaphore_mem>>) src(%dma_wait3A_169 : memref<20000x128xf32, #tpu.memory_space<hbm>>) dst(%arg11 : memref<80x128xf32, #tpu.memory_space<vmem>>)
      %add3A_170 = arith.constant 1 : i32
      %add3A_171 = arith.addi %mul3A_121, %add3A_170 : i32
      %dma_start3A_172 = arith.constant 0 : i32
      %dma_start3A_173 = tpu.memref_slice %arg9[%add3A_171, %dma_start3A_172] : memref<50x80xi32, #tpu.memory_space<vmem>> -> memref<1x80xi32, #tpu.memory_space<vmem>>
      %dma_start3A_174 = tpu.memref_squeeze %dma_start3A_173 : memref<1x80xi32, #tpu.memory_space<vmem>> -> memref<80xi32, #tpu.memory_space<vmem>>
      %dma_start3A_175 = arith.constant 0 : i32
      %dma_start3A_176 = arith.constant 0 : i32
      %dma_start3A_177 = tpu.memref_slice %arg7[%dma_start3A_175, %dma_start3A_176] : memref<10000x128xf32, #tpu.memory_space<vmem_shared>> -> memref<10000x128xf32, #tpu.memory_space<vmem_shared>>
      tpu.enqueue_indirect_dma source(%arg11 : memref<80x128xf32, #tpu.memory_space<vmem>>) target(%dma_start3A_177 : memref<10000x128xf32, #tpu.memory_space<vmem_shared>>) offsets(%dma_start3A_174 : memref<80xi32, #tpu.memory_space<vmem>>) semaphore(%arg13 : memref<!tpu.dma_semaphore, #tpu.memory_space<semaphore_mem>>) {add = true}
    }
    %scan3A_40 = arith.constant 25 : i32
    %dma_wait3A_41 = arith.constant 49 : i32
    %dma_wait3A_42 = arith.constant 0 : i32
    %dma_wait3A_43 = tpu.memref_slice %arg9[%dma_wait3A_41, %dma_wait3A_42] : memref<50x80xi32, #tpu.memory_space<vmem>> -> memref<1x80xi32, #tpu.memory_space<vmem>>
    %dma_wait3A_44 = tpu.memref_squeeze %dma_wait3A_43 : memref<1x80xi32, #tpu.memory_space<vmem>> -> memref<80xi32, #tpu.memory_space<vmem>>
    %dma_wait3A_45 = arith.constant 0 : i32
    %dma_wait3A_46 = arith.constant 0 : i32
    %dma_wait3A_47 = tpu.memref_slice %arg7[%dma_wait3A_45, %dma_wait3A_46] : memref<10000x128xf32, #tpu.memory_space<vmem_shared>> -> memref<10000x128xf32, #tpu.memory_space<vmem_shared>>
    tpu.wait_indirect_dma semaphore(%arg13 : memref<!tpu.dma_semaphore, #tpu.memory_space<semaphore_mem>>) src(%arg11 : memref<80x128xf32, #tpu.memory_space<vmem>>) dst(%dma_wait3A_47 : memref<10000x128xf32, #tpu.memory_space<vmem_shared>>)
    %run_scoped3A_48 = arith.constant 2 : i32
    "tpu.region"() ({
      %run_scoped3A_119 = tpu.sem_alloc : memref<!tpu.dma_semaphore, #tpu.memory_space<semaphore_mem>>
      %dma_start3A_120 = arith.constant 0 : i32
      %dma_start3A_121 = arith.constant 0 : i32
      %dma_start3A_122 = tpu.memref_slice %arg4[%arg1, %run_scoped3A_48, %dma_start3A_120, %dma_start3A_121] : memref<16x5x50x80xi32, #tpu.memory_space<hbm>> -> memref<1x1x50x80xi32, #tpu.memory_space<hbm>>
      %dma_start3A_123 = tpu.memref_squeeze %dma_start3A_122 : memref<1x1x50x80xi32, #tpu.memory_space<hbm>> -> memref<50x80xi32, #tpu.memory_space<hbm>>
      %dma_start3A_124 = arith.constant 0 : i32
      %dma_start3A_125 = arith.constant 0 : i32
      %dma_start3A_126 = tpu.memref_slice %arg4[%arg1, %run_scoped3A_48, %dma_start3A_124, %dma_start3A_125] : memref<16x5x50x80xi32, #tpu.memory_space<hbm>> -> memref<1x1x50x80xi32, #tpu.memory_space<hbm>>
      %dma_start3A_127 = tpu.memref_squeeze %dma_start3A_126 : memref<1x1x50x80xi32, #tpu.memory_space<hbm>> -> memref<50x80xi32, #tpu.memory_space<hbm>>
      tpu.enqueue_dma source(%dma_start3A_127 : memref<50x80xi32, #tpu.memory_space<hbm>>) target(%arg9 : memref<50x80xi32, #tpu.memory_space<vmem>>) target_semaphore(%run_scoped3A_119 : memref<!tpu.dma_semaphore, #tpu.memory_space<semaphore_mem>>)
      %dma_wait3A_128 = arith.constant 0 : i32
      %dma_wait3A_129 = arith.constant 0 : i32
      %dma_wait3A_130 = tpu.memref_slice %arg4[%arg1, %run_scoped3A_48, %dma_wait3A_128, %dma_wait3A_129] : memref<16x5x50x80xi32, #tpu.memory_space<hbm>> -> memref<1x1x50x80xi32, #tpu.memory_space<hbm>>
      %dma_wait3A_131 = tpu.memref_squeeze %dma_wait3A_130 : memref<1x1x50x80xi32, #tpu.memory_space<hbm>> -> memref<50x80xi32, #tpu.memory_space<hbm>>
      %dma_wait3A_132 = arith.constant 0 : i32
      %dma_wait3A_133 = arith.constant 0 : i32
      %dma_wait3A_134 = tpu.memref_slice %arg4[%arg1, %run_scoped3A_48, %dma_wait3A_132, %dma_wait3A_133] : memref<16x5x50x80xi32, #tpu.memory_space<hbm>> -> memref<1x1x50x80xi32, #tpu.memory_space<hbm>>
      %dma_wait3A_135 = tpu.memref_squeeze %dma_wait3A_134 : memref<1x1x50x80xi32, #tpu.memory_space<hbm>> -> memref<50x80xi32, #tpu.memory_space<hbm>>
      tpu.wait_dma2 semaphore(%run_scoped3A_119 : memref<!tpu.dma_semaphore, #tpu.memory_space<semaphore_mem>>) src(%dma_wait3A_135 : memref<50x80xi32, #tpu.memory_space<hbm>>) dst(%arg9 : memref<50x80xi32, #tpu.memory_space<vmem>>)
      tpu.yield
    }) : () -> ()
    %multiple_of3A_49 = arith.constant 8000 : i32
    %multiple_of3A_50 = tpu.assume_multiple %multiple_of3A_49, 8 : i32
    %dma_start3A_51 = tpu.memref_slice %arg8[%multiple_of3A_50] : memref<20000xi32, #tpu.memory_space<vmem>> -> memref<80xi32, #tpu.memory_space<vmem>>
    %dma_start3A_52 = arith.constant 0 : i32
    %dma_start3A_53 = arith.constant 0 : i32
    %dma_start3A_54 = tpu.memref_slice %arg2[%dma_start3A_52, %dma_start3A_53] : memref<20000x128xf32, #tpu.memory_space<hbm>> -> memref<20000x128xf32, #tpu.memory_space<hbm>>
    tpu.enqueue_indirect_dma source(%dma_start3A_54 : memref<20000x128xf32, #tpu.memory_space<hbm>>) target(%arg10 : memref<80x128xf32, #tpu.memory_space<vmem>>) offsets(%dma_start3A_51 : memref<80xi32, #tpu.memory_space<vmem>>) semaphore(%arg12 : memref<!tpu.dma_semaphore, #tpu.memory_space<semaphore_mem>>)
    %scan3A_55 = arith.constant 0 : i32
    %scan3A_56 = arith.constant 0 : i32
    %scan3A_57 = arith.constant 25 : i32
    %scan3A_58 = arith.addi %scan3A_56, %scan3A_57 : i32
    %scan3A_59 = arith.constant 1 : i32
    scf.for %scan3A_119 = %scan3A_56 to %scan3A_58 step %scan3A_59  : i32 {
      %mul3A_120 = arith.constant 2 : i32
      %mul3A_121 = arith.muli %mul3A_120, %scan3A_119 : i32
      %add3A_122 = arith.constant 100 : i32
      %add3A_123 = arith.addi %add3A_122, %mul3A_121 : i32
      %gt3A = arith.constant 0 : i32
      %gt3A_124 = arith.cmpi sgt, %scan3A_119, %gt3A : i32
      %convert_element_type3A_125 = arith.extui %gt3A_124 : i1 to i32
      %cond3A_126 = arith.constant 0 : i32
      %cond3A_127 = arith.cmpi ne, %convert_element_type3A_125, %cond3A_126 : i32
      scf.if %cond3A_127 {
        %sub3A = arith.constant 1 : i32
        %sub3A_178 = arith.subi %mul3A_121, %sub3A : i32
        %dma_wait3A_179 = arith.constant 0 : i32
        %dma_wait3A_180 = tpu.memref_slice %arg9[%sub3A_178, %dma_wait3A_179] : memref<50x80xi32, #tpu.memory_space<vmem>> -> memref<1x80xi32, #tpu.memory_space<vmem>>
        %dma_wait3A_181 = tpu.memref_squeeze %dma_wait3A_180 : memref<1x80xi32, #tpu.memory_space<vmem>> -> memref<80xi32, #tpu.memory_space<vmem>>
        %dma_wait3A_182 = arith.constant 0 : i32
        %dma_wait3A_183 = arith.constant 0 : i32
        %dma_wait3A_184 = tpu.memref_slice %arg7[%dma_wait3A_182, %dma_wait3A_183] : memref<10000x128xf32, #tpu.memory_space<vmem_shared>> -> memref<10000x128xf32, #tpu.memory_space<vmem_shared>>
        tpu.wait_indirect_dma semaphore(%arg13 : memref<!tpu.dma_semaphore, #tpu.memory_space<semaphore_mem>>) src(%arg11 : memref<80x128xf32, #tpu.memory_space<vmem>>) dst(%dma_wait3A_184 : memref<10000x128xf32, #tpu.memory_space<vmem_shared>>)
      } else {
      }
      %add3A_128 = arith.constant 1 : i32
      %add3A_129 = arith.addi %add3A_123, %add3A_128 : i32
      %mul3A_130 = arith.constant 80 : i32
      %mul3A_131 = arith.muli %add3A_129, %mul3A_130 : i32
      %multiple_of3A_132 = tpu.assume_multiple %mul3A_131, 8 : i32
      %dma_start3A_133 = tpu.memref_slice %arg8[%multiple_of3A_132] : memref<20000xi32, #tpu.memory_space<vmem>> -> memref<80xi32, #tpu.memory_space<vmem>>
      %dma_start3A_134 = arith.constant 0 : i32
      %dma_start3A_135 = arith.constant 0 : i32
      %dma_start3A_136 = tpu.memref_slice %arg2[%dma_start3A_134, %dma_start3A_135] : memref<20000x128xf32, #tpu.memory_space<hbm>> -> memref<20000x128xf32, #tpu.memory_space<hbm>>
      tpu.enqueue_indirect_dma source(%dma_start3A_136 : memref<20000x128xf32, #tpu.memory_space<hbm>>) target(%arg11 : memref<80x128xf32, #tpu.memory_space<vmem>>) offsets(%dma_start3A_133 : memref<80xi32, #tpu.memory_space<vmem>>) semaphore(%arg12 : memref<!tpu.dma_semaphore, #tpu.memory_space<semaphore_mem>>)
      %mul3A_137 = arith.constant 80 : i32
      %mul3A_138 = arith.muli %add3A_123, %mul3A_137 : i32
      %multiple_of3A_139 = tpu.assume_multiple %mul3A_138, 8 : i32
      %dma_wait3A_140 = tpu.memref_slice %arg8[%multiple_of3A_139] : memref<20000xi32, #tpu.memory_space<vmem>> -> memref<80xi32, #tpu.memory_space<vmem>>
      %dma_wait3A_141 = arith.constant 0 : i32
      %dma_wait3A_142 = arith.constant 0 : i32
      %dma_wait3A_143 = tpu.memref_slice %arg2[%dma_wait3A_141, %dma_wait3A_142] : memref<20000x128xf32, #tpu.memory_space<hbm>> -> memref<20000x128xf32, #tpu.memory_space<hbm>>
      tpu.wait_indirect_dma semaphore(%arg12 : memref<!tpu.dma_semaphore, #tpu.memory_space<semaphore_mem>>) src(%dma_wait3A_143 : memref<20000x128xf32, #tpu.memory_space<hbm>>) dst(%arg10 : memref<80x128xf32, #tpu.memory_space<vmem>>)
      %dma_start3A_144 = arith.constant 0 : i32
      %dma_start3A_145 = tpu.memref_slice %arg9[%mul3A_121, %dma_start3A_144] : memref<50x80xi32, #tpu.memory_space<vmem>> -> memref<1x80xi32, #tpu.memory_space<vmem>>
      %dma_start3A_146 = tpu.memref_squeeze %dma_start3A_145 : memref<1x80xi32, #tpu.memory_space<vmem>> -> memref<80xi32, #tpu.memory_space<vmem>>
      %dma_start3A_147 = arith.constant 0 : i32
      %dma_start3A_148 = arith.constant 0 : i32
      %dma_start3A_149 = tpu.memref_slice %arg7[%dma_start3A_147, %dma_start3A_148] : memref<10000x128xf32, #tpu.memory_space<vmem_shared>> -> memref<10000x128xf32, #tpu.memory_space<vmem_shared>>
      tpu.enqueue_indirect_dma source(%arg10 : memref<80x128xf32, #tpu.memory_space<vmem>>) target(%dma_start3A_149 : memref<10000x128xf32, #tpu.memory_space<vmem_shared>>) offsets(%dma_start3A_146 : memref<80xi32, #tpu.memory_space<vmem>>) semaphore(%arg13 : memref<!tpu.dma_semaphore, #tpu.memory_space<semaphore_mem>>) {add = true}
      %dma_wait3A_150 = arith.constant 0 : i32
      %dma_wait3A_151 = tpu.memref_slice %arg9[%mul3A_121, %dma_wait3A_150] : memref<50x80xi32, #tpu.memory_space<vmem>> -> memref<1x80xi32, #tpu.memory_space<vmem>>
      %dma_wait3A_152 = tpu.memref_squeeze %dma_wait3A_151 : memref<1x80xi32, #tpu.memory_space<vmem>> -> memref<80xi32, #tpu.memory_space<vmem>>
      %dma_wait3A_153 = arith.constant 0 : i32
      %dma_wait3A_154 = arith.constant 0 : i32
      %dma_wait3A_155 = tpu.memref_slice %arg7[%dma_wait3A_153, %dma_wait3A_154] : memref<10000x128xf32, #tpu.memory_space<vmem_shared>> -> memref<10000x128xf32, #tpu.memory_space<vmem_shared>>
      tpu.wait_indirect_dma semaphore(%arg13 : memref<!tpu.dma_semaphore, #tpu.memory_space<semaphore_mem>>) src(%arg10 : memref<80x128xf32, #tpu.memory_space<vmem>>) dst(%dma_wait3A_155 : memref<10000x128xf32, #tpu.memory_space<vmem_shared>>)
      %lt3A_156 = arith.constant 24 : i32
      %lt3A_157 = arith.cmpi slt, %scan3A_119, %lt3A_156 : i32
      %convert_element_type3A_158 = arith.extui %lt3A_157 : i1 to i32
      %cond3A_159 = arith.constant 0 : i32
      %cond3A_160 = arith.cmpi ne, %convert_element_type3A_158, %cond3A_159 : i32
      scf.if %cond3A_160 {
        %add3A_178 = arith.constant 2 : i32
        %add3A_179 = arith.addi %add3A_123, %add3A_178 : i32
        %mul3A_180 = arith.constant 80 : i32
        %mul3A_181 = arith.muli %add3A_179, %mul3A_180 : i32
        %multiple_of3A_182 = tpu.assume_multiple %mul3A_181, 8 : i32
        %dma_start3A_183 = tpu.memref_slice %arg8[%multiple_of3A_182] : memref<20000xi32, #tpu.memory_space<vmem>> -> memref<80xi32, #tpu.memory_space<vmem>>
        %dma_start3A_184 = arith.constant 0 : i32
        %dma_start3A_185 = arith.constant 0 : i32
        %dma_start3A_186 = tpu.memref_slice %arg2[%dma_start3A_184, %dma_start3A_185] : memref<20000x128xf32, #tpu.memory_space<hbm>> -> memref<20000x128xf32, #tpu.memory_space<hbm>>
        tpu.enqueue_indirect_dma source(%dma_start3A_186 : memref<20000x128xf32, #tpu.memory_space<hbm>>) target(%arg10 : memref<80x128xf32, #tpu.memory_space<vmem>>) offsets(%dma_start3A_183 : memref<80xi32, #tpu.memory_space<vmem>>) semaphore(%arg12 : memref<!tpu.dma_semaphore, #tpu.memory_space<semaphore_mem>>)
      } else {
      }
      %add3A_161 = arith.constant 1 : i32
      %add3A_162 = arith.addi %add3A_123, %add3A_161 : i32
      %mul3A_163 = arith.constant 80 : i32
      %mul3A_164 = arith.muli %add3A_162, %mul3A_163 : i32
      %multiple_of3A_165 = tpu.assume_multiple %mul3A_164, 8 : i32
      %dma_wait3A_166 = tpu.memref_slice %arg8[%multiple_of3A_165] : memref<20000xi32, #tpu.memory_space<vmem>> -> memref<80xi32, #tpu.memory_space<vmem>>
      %dma_wait3A_167 = arith.constant 0 : i32
      %dma_wait3A_168 = arith.constant 0 : i32
      %dma_wait3A_169 = tpu.memref_slice %arg2[%dma_wait3A_167, %dma_wait3A_168] : memref<20000x128xf32, #tpu.memory_space<hbm>> -> memref<20000x128xf32, #tpu.memory_space<hbm>>
      tpu.wait_indirect_dma semaphore(%arg12 : memref<!tpu.dma_semaphore, #tpu.memory_space<semaphore_mem>>) src(%dma_wait3A_169 : memref<20000x128xf32, #tpu.memory_space<hbm>>) dst(%arg11 : memref<80x128xf32, #tpu.memory_space<vmem>>)
      %add3A_170 = arith.constant 1 : i32
      %add3A_171 = arith.addi %mul3A_121, %add3A_170 : i32
      %dma_start3A_172 = arith.constant 0 : i32
      %dma_start3A_173 = tpu.memref_slice %arg9[%add3A_171, %dma_start3A_172] : memref<50x80xi32, #tpu.memory_space<vmem>> -> memref<1x80xi32, #tpu.memory_space<vmem>>
      %dma_start3A_174 = tpu.memref_squeeze %dma_start3A_173 : memref<1x80xi32, #tpu.memory_space<vmem>> -> memref<80xi32, #tpu.memory_space<vmem>>
      %dma_start3A_175 = arith.constant 0 : i32
      %dma_start3A_176 = arith.constant 0 : i32
      %dma_start3A_177 = tpu.memref_slice %arg7[%dma_start3A_175, %dma_start3A_176] : memref<10000x128xf32, #tpu.memory_space<vmem_shared>> -> memref<10000x128xf32, #tpu.memory_space<vmem_shared>>
      tpu.enqueue_indirect_dma source(%arg11 : memref<80x128xf32, #tpu.memory_space<vmem>>) target(%dma_start3A_177 : memref<10000x128xf32, #tpu.memory_space<vmem_shared>>) offsets(%dma_start3A_174 : memref<80xi32, #tpu.memory_space<vmem>>) semaphore(%arg13 : memref<!tpu.dma_semaphore, #tpu.memory_space<semaphore_mem>>) {add = true}
    }
    %scan3A_60 = arith.constant 25 : i32
    %dma_wait3A_61 = arith.constant 49 : i32
    %dma_wait3A_62 = arith.constant 0 : i32
    %dma_wait3A_63 = tpu.memref_slice %arg9[%dma_wait3A_61, %dma_wait3A_62] : memref<50x80xi32, #tpu.memory_space<vmem>> -> memref<1x80xi32, #tpu.memory_space<vmem>>
    %dma_wait3A_64 = tpu.memref_squeeze %dma_wait3A_63 : memref<1x80xi32, #tpu.memory_space<vmem>> -> memref<80xi32, #tpu.memory_space<vmem>>
    %dma_wait3A_65 = arith.constant 0 : i32
    %dma_wait3A_66 = arith.constant 0 : i32
    %dma_wait3A_67 = tpu.memref_slice %arg7[%dma_wait3A_65, %dma_wait3A_66] : memref<10000x128xf32, #tpu.memory_space<vmem_shared>> -> memref<10000x128xf32, #tpu.memory_space<vmem_shared>>
    tpu.wait_indirect_dma semaphore(%arg13 : memref<!tpu.dma_semaphore, #tpu.memory_space<semaphore_mem>>) src(%arg11 : memref<80x128xf32, #tpu.memory_space<vmem>>) dst(%dma_wait3A_67 : memref<10000x128xf32, #tpu.memory_space<vmem_shared>>)
    %run_scoped3A_68 = arith.constant 3 : i32
    "tpu.region"() ({
      %run_scoped3A_119 = tpu.sem_alloc : memref<!tpu.dma_semaphore, #tpu.memory_space<semaphore_mem>>
      %dma_start3A_120 = arith.constant 0 : i32
      %dma_start3A_121 = arith.constant 0 : i32
      %dma_start3A_122 = tpu.memref_slice %arg4[%arg1, %run_scoped3A_68, %dma_start3A_120, %dma_start3A_121] : memref<16x5x50x80xi32, #tpu.memory_space<hbm>> -> memref<1x1x50x80xi32, #tpu.memory_space<hbm>>
      %dma_start3A_123 = tpu.memref_squeeze %dma_start3A_122 : memref<1x1x50x80xi32, #tpu.memory_space<hbm>> -> memref<50x80xi32, #tpu.memory_space<hbm>>
      %dma_start3A_124 = arith.constant 0 : i32
      %dma_start3A_125 = arith.constant 0 : i32
      %dma_start3A_126 = tpu.memref_slice %arg4[%arg1, %run_scoped3A_68, %dma_start3A_124, %dma_start3A_125] : memref<16x5x50x80xi32, #tpu.memory_space<hbm>> -> memref<1x1x50x80xi32, #tpu.memory_space<hbm>>
      %dma_start3A_127 = tpu.memref_squeeze %dma_start3A_126 : memref<1x1x50x80xi32, #tpu.memory_space<hbm>> -> memref<50x80xi32, #tpu.memory_space<hbm>>
      tpu.enqueue_dma source(%dma_start3A_127 : memref<50x80xi32, #tpu.memory_space<hbm>>) target(%arg9 : memref<50x80xi32, #tpu.memory_space<vmem>>) target_semaphore(%run_scoped3A_119 : memref<!tpu.dma_semaphore, #tpu.memory_space<semaphore_mem>>)
      %dma_wait3A_128 = arith.constant 0 : i32
      %dma_wait3A_129 = arith.constant 0 : i32
      %dma_wait3A_130 = tpu.memref_slice %arg4[%arg1, %run_scoped3A_68, %dma_wait3A_128, %dma_wait3A_129] : memref<16x5x50x80xi32, #tpu.memory_space<hbm>> -> memref<1x1x50x80xi32, #tpu.memory_space<hbm>>
      %dma_wait3A_131 = tpu.memref_squeeze %dma_wait3A_130 : memref<1x1x50x80xi32, #tpu.memory_space<hbm>> -> memref<50x80xi32, #tpu.memory_space<hbm>>
      %dma_wait3A_132 = arith.constant 0 : i32
      %dma_wait3A_133 = arith.constant 0 : i32
      %dma_wait3A_134 = tpu.memref_slice %arg4[%arg1, %run_scoped3A_68, %dma_wait3A_132, %dma_wait3A_133] : memref<16x5x50x80xi32, #tpu.memory_space<hbm>> -> memref<1x1x50x80xi32, #tpu.memory_space<hbm>>
      %dma_wait3A_135 = tpu.memref_squeeze %dma_wait3A_134 : memref<1x1x50x80xi32, #tpu.memory_space<hbm>> -> memref<50x80xi32, #tpu.memory_space<hbm>>
      tpu.wait_dma2 semaphore(%run_scoped3A_119 : memref<!tpu.dma_semaphore, #tpu.memory_space<semaphore_mem>>) src(%dma_wait3A_135 : memref<50x80xi32, #tpu.memory_space<hbm>>) dst(%arg9 : memref<50x80xi32, #tpu.memory_space<vmem>>)
      tpu.yield
    }) : () -> ()
    %multiple_of3A_69 = arith.constant 12000 : i32
    %multiple_of3A_70 = tpu.assume_multiple %multiple_of3A_69, 8 : i32
    %dma_start3A_71 = tpu.memref_slice %arg8[%multiple_of3A_70] : memref<20000xi32, #tpu.memory_space<vmem>> -> memref<80xi32, #tpu.memory_space<vmem>>
    %dma_start3A_72 = arith.constant 0 : i32
    %dma_start3A_73 = arith.constant 0 : i32
    %dma_start3A_74 = tpu.memref_slice %arg2[%dma_start3A_72, %dma_start3A_73] : memref<20000x128xf32, #tpu.memory_space<hbm>> -> memref<20000x128xf32, #tpu.memory_space<hbm>>
    tpu.enqueue_indirect_dma source(%dma_start3A_74 : memref<20000x128xf32, #tpu.memory_space<hbm>>) target(%arg10 : memref<80x128xf32, #tpu.memory_space<vmem>>) offsets(%dma_start3A_71 : memref<80xi32, #tpu.memory_space<vmem>>) semaphore(%arg12 : memref<!tpu.dma_semaphore, #tpu.memory_space<semaphore_mem>>)
    %scan3A_75 = arith.constant 0 : i32
    %scan3A_76 = arith.constant 0 : i32
    %scan3A_77 = arith.constant 25 : i32
    %scan3A_78 = arith.addi %scan3A_76, %scan3A_77 : i32
    %scan3A_79 = arith.constant 1 : i32
    scf.for %scan3A_119 = %scan3A_76 to %scan3A_78 step %scan3A_79  : i32 {
      %mul3A_120 = arith.constant 2 : i32
      %mul3A_121 = arith.muli %mul3A_120, %scan3A_119 : i32
      %add3A_122 = arith.constant 150 : i32
      %add3A_123 = arith.addi %add3A_122, %mul3A_121 : i32
      %gt3A = arith.constant 0 : i32
      %gt3A_124 = arith.cmpi sgt, %scan3A_119, %gt3A : i32
      %convert_element_type3A_125 = arith.extui %gt3A_124 : i1 to i32
      %cond3A_126 = arith.constant 0 : i32
      %cond3A_127 = arith.cmpi ne, %convert_element_type3A_125, %cond3A_126 : i32
      scf.if %cond3A_127 {
        %sub3A = arith.constant 1 : i32
        %sub3A_178 = arith.subi %mul3A_121, %sub3A : i32
        %dma_wait3A_179 = arith.constant 0 : i32
        %dma_wait3A_180 = tpu.memref_slice %arg9[%sub3A_178, %dma_wait3A_179] : memref<50x80xi32, #tpu.memory_space<vmem>> -> memref<1x80xi32, #tpu.memory_space<vmem>>
        %dma_wait3A_181 = tpu.memref_squeeze %dma_wait3A_180 : memref<1x80xi32, #tpu.memory_space<vmem>> -> memref<80xi32, #tpu.memory_space<vmem>>
        %dma_wait3A_182 = arith.constant 0 : i32
        %dma_wait3A_183 = arith.constant 0 : i32
        %dma_wait3A_184 = tpu.memref_slice %arg7[%dma_wait3A_182, %dma_wait3A_183] : memref<10000x128xf32, #tpu.memory_space<vmem_shared>> -> memref<10000x128xf32, #tpu.memory_space<vmem_shared>>
        tpu.wait_indirect_dma semaphore(%arg13 : memref<!tpu.dma_semaphore, #tpu.memory_space<semaphore_mem>>) src(%arg11 : memref<80x128xf32, #tpu.memory_space<vmem>>) dst(%dma_wait3A_184 : memref<10000x128xf32, #tpu.memory_space<vmem_shared>>)
      } else {
      }
      %add3A_128 = arith.constant 1 : i32
      %add3A_129 = arith.addi %add3A_123, %add3A_128 : i32
      %mul3A_130 = arith.constant 80 : i32
      %mul3A_131 = arith.muli %add3A_129, %mul3A_130 : i32
      %multiple_of3A_132 = tpu.assume_multiple %mul3A_131, 8 : i32
      %dma_start3A_133 = tpu.memref_slice %arg8[%multiple_of3A_132] : memref<20000xi32, #tpu.memory_space<vmem>> -> memref<80xi32, #tpu.memory_space<vmem>>
      %dma_start3A_134 = arith.constant 0 : i32
      %dma_start3A_135 = arith.constant 0 : i32
      %dma_start3A_136 = tpu.memref_slice %arg2[%dma_start3A_134, %dma_start3A_135] : memref<20000x128xf32, #tpu.memory_space<hbm>> -> memref<20000x128xf32, #tpu.memory_space<hbm>>
      tpu.enqueue_indirect_dma source(%dma_start3A_136 : memref<20000x128xf32, #tpu.memory_space<hbm>>) target(%arg11 : memref<80x128xf32, #tpu.memory_space<vmem>>) offsets(%dma_start3A_133 : memref<80xi32, #tpu.memory_space<vmem>>) semaphore(%arg12 : memref<!tpu.dma_semaphore, #tpu.memory_space<semaphore_mem>>)
      %mul3A_137 = arith.constant 80 : i32
      %mul3A_138 = arith.muli %add3A_123, %mul3A_137 : i32
      %multiple_of3A_139 = tpu.assume_multiple %mul3A_138, 8 : i32
      %dma_wait3A_140 = tpu.memref_slice %arg8[%multiple_of3A_139] : memref<20000xi32, #tpu.memory_space<vmem>> -> memref<80xi32, #tpu.memory_space<vmem>>
      %dma_wait3A_141 = arith.constant 0 : i32
      %dma_wait3A_142 = arith.constant 0 : i32
      %dma_wait3A_143 = tpu.memref_slice %arg2[%dma_wait3A_141, %dma_wait3A_142] : memref<20000x128xf32, #tpu.memory_space<hbm>> -> memref<20000x128xf32, #tpu.memory_space<hbm>>
      tpu.wait_indirect_dma semaphore(%arg12 : memref<!tpu.dma_semaphore, #tpu.memory_space<semaphore_mem>>) src(%dma_wait3A_143 : memref<20000x128xf32, #tpu.memory_space<hbm>>) dst(%arg10 : memref<80x128xf32, #tpu.memory_space<vmem>>)
      %dma_start3A_144 = arith.constant 0 : i32
      %dma_start3A_145 = tpu.memref_slice %arg9[%mul3A_121, %dma_start3A_144] : memref<50x80xi32, #tpu.memory_space<vmem>> -> memref<1x80xi32, #tpu.memory_space<vmem>>
      %dma_start3A_146 = tpu.memref_squeeze %dma_start3A_145 : memref<1x80xi32, #tpu.memory_space<vmem>> -> memref<80xi32, #tpu.memory_space<vmem>>
      %dma_start3A_147 = arith.constant 0 : i32
      %dma_start3A_148 = arith.constant 0 : i32
      %dma_start3A_149 = tpu.memref_slice %arg7[%dma_start3A_147, %dma_start3A_148] : memref<10000x128xf32, #tpu.memory_space<vmem_shared>> -> memref<10000x128xf32, #tpu.memory_space<vmem_shared>>
      tpu.enqueue_indirect_dma source(%arg10 : memref<80x128xf32, #tpu.memory_space<vmem>>) target(%dma_start3A_149 : memref<10000x128xf32, #tpu.memory_space<vmem_shared>>) offsets(%dma_start3A_146 : memref<80xi32, #tpu.memory_space<vmem>>) semaphore(%arg13 : memref<!tpu.dma_semaphore, #tpu.memory_space<semaphore_mem>>) {add = true}
      %dma_wait3A_150 = arith.constant 0 : i32
      %dma_wait3A_151 = tpu.memref_slice %arg9[%mul3A_121, %dma_wait3A_150] : memref<50x80xi32, #tpu.memory_space<vmem>> -> memref<1x80xi32, #tpu.memory_space<vmem>>
      %dma_wait3A_152 = tpu.memref_squeeze %dma_wait3A_151 : memref<1x80xi32, #tpu.memory_space<vmem>> -> memref<80xi32, #tpu.memory_space<vmem>>
      %dma_wait3A_153 = arith.constant 0 : i32
      %dma_wait3A_154 = arith.constant 0 : i32
      %dma_wait3A_155 = tpu.memref_slice %arg7[%dma_wait3A_153, %dma_wait3A_154] : memref<10000x128xf32, #tpu.memory_space<vmem_shared>> -> memref<10000x128xf32, #tpu.memory_space<vmem_shared>>
      tpu.wait_indirect_dma semaphore(%arg13 : memref<!tpu.dma_semaphore, #tpu.memory_space<semaphore_mem>>) src(%arg10 : memref<80x128xf32, #tpu.memory_space<vmem>>) dst(%dma_wait3A_155 : memref<10000x128xf32, #tpu.memory_space<vmem_shared>>)
      %lt3A_156 = arith.constant 24 : i32
      %lt3A_157 = arith.cmpi slt, %scan3A_119, %lt3A_156 : i32
      %convert_element_type3A_158 = arith.extui %lt3A_157 : i1 to i32
      %cond3A_159 = arith.constant 0 : i32
      %cond3A_160 = arith.cmpi ne, %convert_element_type3A_158, %cond3A_159 : i32
      scf.if %cond3A_160 {
        %add3A_178 = arith.constant 2 : i32
        %add3A_179 = arith.addi %add3A_123, %add3A_178 : i32
        %mul3A_180 = arith.constant 80 : i32
        %mul3A_181 = arith.muli %add3A_179, %mul3A_180 : i32
        %multiple_of3A_182 = tpu.assume_multiple %mul3A_181, 8 : i32
        %dma_start3A_183 = tpu.memref_slice %arg8[%multiple_of3A_182] : memref<20000xi32, #tpu.memory_space<vmem>> -> memref<80xi32, #tpu.memory_space<vmem>>
        %dma_start3A_184 = arith.constant 0 : i32
        %dma_start3A_185 = arith.constant 0 : i32
        %dma_start3A_186 = tpu.memref_slice %arg2[%dma_start3A_184, %dma_start3A_185] : memref<20000x128xf32, #tpu.memory_space<hbm>> -> memref<20000x128xf32, #tpu.memory_space<hbm>>
        tpu.enqueue_indirect_dma source(%dma_start3A_186 : memref<20000x128xf32, #tpu.memory_space<hbm>>) target(%arg10 : memref<80x128xf32, #tpu.memory_space<vmem>>) offsets(%dma_start3A_183 : memref<80xi32, #tpu.memory_space<vmem>>) semaphore(%arg12 : memref<!tpu.dma_semaphore, #tpu.memory_space<semaphore_mem>>)
      } else {
      }
      %add3A_161 = arith.constant 1 : i32
      %add3A_162 = arith.addi %add3A_123, %add3A_161 : i32
      %mul3A_163 = arith.constant 80 : i32
      %mul3A_164 = arith.muli %add3A_162, %mul3A_163 : i32
      %multiple_of3A_165 = tpu.assume_multiple %mul3A_164, 8 : i32
      %dma_wait3A_166 = tpu.memref_slice %arg8[%multiple_of3A_165] : memref<20000xi32, #tpu.memory_space<vmem>> -> memref<80xi32, #tpu.memory_space<vmem>>
      %dma_wait3A_167 = arith.constant 0 : i32
      %dma_wait3A_168 = arith.constant 0 : i32
      %dma_wait3A_169 = tpu.memref_slice %arg2[%dma_wait3A_167, %dma_wait3A_168] : memref<20000x128xf32, #tpu.memory_space<hbm>> -> memref<20000x128xf32, #tpu.memory_space<hbm>>
      tpu.wait_indirect_dma semaphore(%arg12 : memref<!tpu.dma_semaphore, #tpu.memory_space<semaphore_mem>>) src(%dma_wait3A_169 : memref<20000x128xf32, #tpu.memory_space<hbm>>) dst(%arg11 : memref<80x128xf32, #tpu.memory_space<vmem>>)
      %add3A_170 = arith.constant 1 : i32
      %add3A_171 = arith.addi %mul3A_121, %add3A_170 : i32
      %dma_start3A_172 = arith.constant 0 : i32
      %dma_start3A_173 = tpu.memref_slice %arg9[%add3A_171, %dma_start3A_172] : memref<50x80xi32, #tpu.memory_space<vmem>> -> memref<1x80xi32, #tpu.memory_space<vmem>>
      %dma_start3A_174 = tpu.memref_squeeze %dma_start3A_173 : memref<1x80xi32, #tpu.memory_space<vmem>> -> memref<80xi32, #tpu.memory_space<vmem>>
      %dma_start3A_175 = arith.constant 0 : i32
      %dma_start3A_176 = arith.constant 0 : i32
      %dma_start3A_177 = tpu.memref_slice %arg7[%dma_start3A_175, %dma_start3A_176] : memref<10000x128xf32, #tpu.memory_space<vmem_shared>> -> memref<10000x128xf32, #tpu.memory_space<vmem_shared>>
      tpu.enqueue_indirect_dma source(%arg11 : memref<80x128xf32, #tpu.memory_space<vmem>>) target(%dma_start3A_177 : memref<10000x128xf32, #tpu.memory_space<vmem_shared>>) offsets(%dma_start3A_174 : memref<80xi32, #tpu.memory_space<vmem>>) semaphore(%arg13 : memref<!tpu.dma_semaphore, #tpu.memory_space<semaphore_mem>>) {add = true}
    }
    %scan3A_80 = arith.constant 25 : i32
    %dma_wait3A_81 = arith.constant 49 : i32
    %dma_wait3A_82 = arith.constant 0 : i32
    %dma_wait3A_83 = tpu.memref_slice %arg9[%dma_wait3A_81, %dma_wait3A_82] : memref<50x80xi32, #tpu.memory_space<vmem>> -> memref<1x80xi32, #tpu.memory_space<vmem>>
    %dma_wait3A_84 = tpu.memref_squeeze %dma_wait3A_83 : memref<1x80xi32, #tpu.memory_space<vmem>> -> memref<80xi32, #tpu.memory_space<vmem>>
    %dma_wait3A_85 = arith.constant 0 : i32
    %dma_wait3A_86 = arith.constant 0 : i32
    %dma_wait3A_87 = tpu.memref_slice %arg7[%dma_wait3A_85, %dma_wait3A_86] : memref<10000x128xf32, #tpu.memory_space<vmem_shared>> -> memref<10000x128xf32, #tpu.memory_space<vmem_shared>>
    tpu.wait_indirect_dma semaphore(%arg13 : memref<!tpu.dma_semaphore, #tpu.memory_space<semaphore_mem>>) src(%arg11 : memref<80x128xf32, #tpu.memory_space<vmem>>) dst(%dma_wait3A_87 : memref<10000x128xf32, #tpu.memory_space<vmem_shared>>)
    %run_scoped3A_88 = arith.constant 4 : i32
    "tpu.region"() ({
      %run_scoped3A_119 = tpu.sem_alloc : memref<!tpu.dma_semaphore, #tpu.memory_space<semaphore_mem>>
      %dma_start3A_120 = arith.constant 0 : i32
      %dma_start3A_121 = arith.constant 0 : i32
      %dma_start3A_122 = tpu.memref_slice %arg4[%arg1, %run_scoped3A_88, %dma_start3A_120, %dma_start3A_121] : memref<16x5x50x80xi32, #tpu.memory_space<hbm>> -> memref<1x1x50x80xi32, #tpu.memory_space<hbm>>
      %dma_start3A_123 = tpu.memref_squeeze %dma_start3A_122 : memref<1x1x50x80xi32, #tpu.memory_space<hbm>> -> memref<50x80xi32, #tpu.memory_space<hbm>>
      %dma_start3A_124 = arith.constant 0 : i32
      %dma_start3A_125 = arith.constant 0 : i32
      %dma_start3A_126 = tpu.memref_slice %arg4[%arg1, %run_scoped3A_88, %dma_start3A_124, %dma_start3A_125] : memref<16x5x50x80xi32, #tpu.memory_space<hbm>> -> memref<1x1x50x80xi32, #tpu.memory_space<hbm>>
      %dma_start3A_127 = tpu.memref_squeeze %dma_start3A_126 : memref<1x1x50x80xi32, #tpu.memory_space<hbm>> -> memref<50x80xi32, #tpu.memory_space<hbm>>
      tpu.enqueue_dma source(%dma_start3A_127 : memref<50x80xi32, #tpu.memory_space<hbm>>) target(%arg9 : memref<50x80xi32, #tpu.memory_space<vmem>>) target_semaphore(%run_scoped3A_119 : memref<!tpu.dma_semaphore, #tpu.memory_space<semaphore_mem>>)
      %dma_wait3A_128 = arith.constant 0 : i32
      %dma_wait3A_129 = arith.constant 0 : i32
      %dma_wait3A_130 = tpu.memref_slice %arg4[%arg1, %run_scoped3A_88, %dma_wait3A_128, %dma_wait3A_129] : memref<16x5x50x80xi32, #tpu.memory_space<hbm>> -> memref<1x1x50x80xi32, #tpu.memory_space<hbm>>
      %dma_wait3A_131 = tpu.memref_squeeze %dma_wait3A_130 : memref<1x1x50x80xi32, #tpu.memory_space<hbm>> -> memref<50x80xi32, #tpu.memory_space<hbm>>
      %dma_wait3A_132 = arith.constant 0 : i32
      %dma_wait3A_133 = arith.constant 0 : i32
      %dma_wait3A_134 = tpu.memref_slice %arg4[%arg1, %run_scoped3A_88, %dma_wait3A_132, %dma_wait3A_133] : memref<16x5x50x80xi32, #tpu.memory_space<hbm>> -> memref<1x1x50x80xi32, #tpu.memory_space<hbm>>
      %dma_wait3A_135 = tpu.memref_squeeze %dma_wait3A_134 : memref<1x1x50x80xi32, #tpu.memory_space<hbm>> -> memref<50x80xi32, #tpu.memory_space<hbm>>
      tpu.wait_dma2 semaphore(%run_scoped3A_119 : memref<!tpu.dma_semaphore, #tpu.memory_space<semaphore_mem>>) src(%dma_wait3A_135 : memref<50x80xi32, #tpu.memory_space<hbm>>) dst(%arg9 : memref<50x80xi32, #tpu.memory_space<vmem>>)
      tpu.yield
    }) : () -> ()
    %multiple_of3A_89 = arith.constant 16000 : i32
    %multiple_of3A_90 = tpu.assume_multiple %multiple_of3A_89, 8 : i32
    %dma_start3A_91 = tpu.memref_slice %arg8[%multiple_of3A_90] : memref<20000xi32, #tpu.memory_space<vmem>> -> memref<80xi32, #tpu.memory_space<vmem>>
    %dma_start3A_92 = arith.constant 0 : i32
    %dma_start3A_93 = arith.constant 0 : i32
    %dma_start3A_94 = tpu.memref_slice %arg2[%dma_start3A_92, %dma_start3A_93] : memref<20000x128xf32, #tpu.memory_space<hbm>> -> memref<20000x128xf32, #tpu.memory_space<hbm>>
    tpu.enqueue_indirect_dma source(%dma_start3A_94 : memref<20000x128xf32, #tpu.memory_space<hbm>>) target(%arg10 : memref<80x128xf32, #tpu.memory_space<vmem>>) offsets(%dma_start3A_91 : memref<80xi32, #tpu.memory_space<vmem>>) semaphore(%arg12 : memref<!tpu.dma_semaphore, #tpu.memory_space<semaphore_mem>>)
    %scan3A_95 = arith.constant 0 : i32
    %scan3A_96 = arith.constant 0 : i32
    %scan3A_97 = arith.constant 25 : i32
    %scan3A_98 = arith.addi %scan3A_96, %scan3A_97 : i32
    %scan3A_99 = arith.constant 1 : i32
    scf.for %scan3A_119 = %scan3A_96 to %scan3A_98 step %scan3A_99  : i32 {
      %mul3A_120 = arith.constant 2 : i32
      %mul3A_121 = arith.muli %mul3A_120, %scan3A_119 : i32
      %add3A_122 = arith.constant 200 : i32
      %add3A_123 = arith.addi %add3A_122, %mul3A_121 : i32
      %gt3A = arith.constant 0 : i32
      %gt3A_124 = arith.cmpi sgt, %scan3A_119, %gt3A : i32
      %convert_element_type3A_125 = arith.extui %gt3A_124 : i1 to i32
      %cond3A_126 = arith.constant 0 : i32
      %cond3A_127 = arith.cmpi ne, %convert_element_type3A_125, %cond3A_126 : i32
      scf.if %cond3A_127 {
        %sub3A = arith.constant 1 : i32
        %sub3A_178 = arith.subi %mul3A_121, %sub3A : i32
        %dma_wait3A_179 = arith.constant 0 : i32
        %dma_wait3A_180 = tpu.memref_slice %arg9[%sub3A_178, %dma_wait3A_179] : memref<50x80xi32, #tpu.memory_space<vmem>> -> memref<1x80xi32, #tpu.memory_space<vmem>>
        %dma_wait3A_181 = tpu.memref_squeeze %dma_wait3A_180 : memref<1x80xi32, #tpu.memory_space<vmem>> -> memref<80xi32, #tpu.memory_space<vmem>>
        %dma_wait3A_182 = arith.constant 0 : i32
        %dma_wait3A_183 = arith.constant 0 : i32
        %dma_wait3A_184 = tpu.memref_slice %arg7[%dma_wait3A_182, %dma_wait3A_183] : memref<10000x128xf32, #tpu.memory_space<vmem_shared>> -> memref<10000x128xf32, #tpu.memory_space<vmem_shared>>
        tpu.wait_indirect_dma semaphore(%arg13 : memref<!tpu.dma_semaphore, #tpu.memory_space<semaphore_mem>>) src(%arg11 : memref<80x128xf32, #tpu.memory_space<vmem>>) dst(%dma_wait3A_184 : memref<10000x128xf32, #tpu.memory_space<vmem_shared>>)
      } else {
      }
      %add3A_128 = arith.constant 1 : i32
      %add3A_129 = arith.addi %add3A_123, %add3A_128 : i32
      %mul3A_130 = arith.constant 80 : i32
      %mul3A_131 = arith.muli %add3A_129, %mul3A_130 : i32
      %multiple_of3A_132 = tpu.assume_multiple %mul3A_131, 8 : i32
      %dma_start3A_133 = tpu.memref_slice %arg8[%multiple_of3A_132] : memref<20000xi32, #tpu.memory_space<vmem>> -> memref<80xi32, #tpu.memory_space<vmem>>
      %dma_start3A_134 = arith.constant 0 : i32
      %dma_start3A_135 = arith.constant 0 : i32
      %dma_start3A_136 = tpu.memref_slice %arg2[%dma_start3A_134, %dma_start3A_135] : memref<20000x128xf32, #tpu.memory_space<hbm>> -> memref<20000x128xf32, #tpu.memory_space<hbm>>
      tpu.enqueue_indirect_dma source(%dma_start3A_136 : memref<20000x128xf32, #tpu.memory_space<hbm>>) target(%arg11 : memref<80x128xf32, #tpu.memory_space<vmem>>) offsets(%dma_start3A_133 : memref<80xi32, #tpu.memory_space<vmem>>) semaphore(%arg12 : memref<!tpu.dma_semaphore, #tpu.memory_space<semaphore_mem>>)
      %mul3A_137 = arith.constant 80 : i32
      %mul3A_138 = arith.muli %add3A_123, %mul3A_137 : i32
      %multiple_of3A_139 = tpu.assume_multiple %mul3A_138, 8 : i32
      %dma_wait3A_140 = tpu.memref_slice %arg8[%multiple_of3A_139] : memref<20000xi32, #tpu.memory_space<vmem>> -> memref<80xi32, #tpu.memory_space<vmem>>
      %dma_wait3A_141 = arith.constant 0 : i32
      %dma_wait3A_142 = arith.constant 0 : i32
      %dma_wait3A_143 = tpu.memref_slice %arg2[%dma_wait3A_141, %dma_wait3A_142] : memref<20000x128xf32, #tpu.memory_space<hbm>> -> memref<20000x128xf32, #tpu.memory_space<hbm>>
      tpu.wait_indirect_dma semaphore(%arg12 : memref<!tpu.dma_semaphore, #tpu.memory_space<semaphore_mem>>) src(%dma_wait3A_143 : memref<20000x128xf32, #tpu.memory_space<hbm>>) dst(%arg10 : memref<80x128xf32, #tpu.memory_space<vmem>>)
      %dma_start3A_144 = arith.constant 0 : i32
      %dma_start3A_145 = tpu.memref_slice %arg9[%mul3A_121, %dma_start3A_144] : memref<50x80xi32, #tpu.memory_space<vmem>> -> memref<1x80xi32, #tpu.memory_space<vmem>>
      %dma_start3A_146 = tpu.memref_squeeze %dma_start3A_145 : memref<1x80xi32, #tpu.memory_space<vmem>> -> memref<80xi32, #tpu.memory_space<vmem>>
      %dma_start3A_147 = arith.constant 0 : i32
      %dma_start3A_148 = arith.constant 0 : i32
      %dma_start3A_149 = tpu.memref_slice %arg7[%dma_start3A_147, %dma_start3A_148] : memref<10000x128xf32, #tpu.memory_space<vmem_shared>> -> memref<10000x128xf32, #tpu.memory_space<vmem_shared>>
      tpu.enqueue_indirect_dma source(%arg10 : memref<80x128xf32, #tpu.memory_space<vmem>>) target(%dma_start3A_149 : memref<10000x128xf32, #tpu.memory_space<vmem_shared>>) offsets(%dma_start3A_146 : memref<80xi32, #tpu.memory_space<vmem>>) semaphore(%arg13 : memref<!tpu.dma_semaphore, #tpu.memory_space<semaphore_mem>>) {add = true}
      %dma_wait3A_150 = arith.constant 0 : i32
      %dma_wait3A_151 = tpu.memref_slice %arg9[%mul3A_121, %dma_wait3A_150] : memref<50x80xi32, #tpu.memory_space<vmem>> -> memref<1x80xi32, #tpu.memory_space<vmem>>
      %dma_wait3A_152 = tpu.memref_squeeze %dma_wait3A_151 : memref<1x80xi32, #tpu.memory_space<vmem>> -> memref<80xi32, #tpu.memory_space<vmem>>
      %dma_wait3A_153 = arith.constant 0 : i32
      %dma_wait3A_154 = arith.constant 0 : i32
      %dma_wait3A_155 = tpu.memref_slice %arg7[%dma_wait3A_153, %dma_wait3A_154] : memref<10000x128xf32, #tpu.memory_space<vmem_shared>> -> memref<10000x128xf32, #tpu.memory_space<vmem_shared>>
      tpu.wait_indirect_dma semaphore(%arg13 : memref<!tpu.dma_semaphore, #tpu.memory_space<semaphore_mem>>) src(%arg10 : memref<80x128xf32, #tpu.memory_space<vmem>>) dst(%dma_wait3A_155 : memref<10000x128xf32, #tpu.memory_space<vmem_shared>>)
      %lt3A_156 = arith.constant 24 : i32
      %lt3A_157 = arith.cmpi slt, %scan3A_119, %lt3A_156 : i32
      %convert_element_type3A_158 = arith.extui %lt3A_157 : i1 to i32
      %cond3A_159 = arith.constant 0 : i32
      %cond3A_160 = arith.cmpi ne, %convert_element_type3A_158, %cond3A_159 : i32
      scf.if %cond3A_160 {
        %add3A_178 = arith.constant 2 : i32
        %add3A_179 = arith.addi %add3A_123, %add3A_178 : i32
        %mul3A_180 = arith.constant 80 : i32
        %mul3A_181 = arith.muli %add3A_179, %mul3A_180 : i32
        %multiple_of3A_182 = tpu.assume_multiple %mul3A_181, 8 : i32
        %dma_start3A_183 = tpu.memref_slice %arg8[%multiple_of3A_182] : memref<20000xi32, #tpu.memory_space<vmem>> -> memref<80xi32, #tpu.memory_space<vmem>>
        %dma_start3A_184 = arith.constant 0 : i32
        %dma_start3A_185 = arith.constant 0 : i32
        %dma_start3A_186 = tpu.memref_slice %arg2[%dma_start3A_184, %dma_start3A_185] : memref<20000x128xf32, #tpu.memory_space<hbm>> -> memref<20000x128xf32, #tpu.memory_space<hbm>>
        tpu.enqueue_indirect_dma source(%dma_start3A_186 : memref<20000x128xf32, #tpu.memory_space<hbm>>) target(%arg10 : memref<80x128xf32, #tpu.memory_space<vmem>>) offsets(%dma_start3A_183 : memref<80xi32, #tpu.memory_space<vmem>>) semaphore(%arg12 : memref<!tpu.dma_semaphore, #tpu.memory_space<semaphore_mem>>)
      } else {
      }
      %add3A_161 = arith.constant 1 : i32
      %add3A_162 = arith.addi %add3A_123, %add3A_161 : i32
      %mul3A_163 = arith.constant 80 : i32
      %mul3A_164 = arith.muli %add3A_162, %mul3A_163 : i32
      %multiple_of3A_165 = tpu.assume_multiple %mul3A_164, 8 : i32
      %dma_wait3A_166 = tpu.memref_slice %arg8[%multiple_of3A_165] : memref<20000xi32, #tpu.memory_space<vmem>> -> memref<80xi32, #tpu.memory_space<vmem>>
      %dma_wait3A_167 = arith.constant 0 : i32
      %dma_wait3A_168 = arith.constant 0 : i32
      %dma_wait3A_169 = tpu.memref_slice %arg2[%dma_wait3A_167, %dma_wait3A_168] : memref<20000x128xf32, #tpu.memory_space<hbm>> -> memref<20000x128xf32, #tpu.memory_space<hbm>>
      tpu.wait_indirect_dma semaphore(%arg12 : memref<!tpu.dma_semaphore, #tpu.memory_space<semaphore_mem>>) src(%dma_wait3A_169 : memref<20000x128xf32, #tpu.memory_space<hbm>>) dst(%arg11 : memref<80x128xf32, #tpu.memory_space<vmem>>)
      %add3A_170 = arith.constant 1 : i32
      %add3A_171 = arith.addi %mul3A_121, %add3A_170 : i32
      %dma_start3A_172 = arith.constant 0 : i32
      %dma_start3A_173 = tpu.memref_slice %arg9[%add3A_171, %dma_start3A_172] : memref<50x80xi32, #tpu.memory_space<vmem>> -> memref<1x80xi32, #tpu.memory_space<vmem>>
      %dma_start3A_174 = tpu.memref_squeeze %dma_start3A_173 : memref<1x80xi32, #tpu.memory_space<vmem>> -> memref<80xi32, #tpu.memory_space<vmem>>
      %dma_start3A_175 = arith.constant 0 : i32
      %dma_start3A_176 = arith.constant 0 : i32
      %dma_start3A_177 = tpu.memref_slice %arg7[%dma_start3A_175, %dma_start3A_176] : memref<10000x128xf32, #tpu.memory_space<vmem_shared>> -> memref<10000x128xf32, #tpu.memory_space<vmem_shared>>
      tpu.enqueue_indirect_dma source(%arg11 : memref<80x128xf32, #tpu.memory_space<vmem>>) target(%dma_start3A_177 : memref<10000x128xf32, #tpu.memory_space<vmem_shared>>) offsets(%dma_start3A_174 : memref<80xi32, #tpu.memory_space<vmem>>) semaphore(%arg13 : memref<!tpu.dma_semaphore, #tpu.memory_space<semaphore_mem>>) {add = true}
    }
    %scan3A_100 = arith.constant 25 : i32
    %dma_wait3A_101 = arith.constant 49 : i32
    %dma_wait3A_102 = arith.constant 0 : i32
    %dma_wait3A_103 = tpu.memref_slice %arg9[%dma_wait3A_101, %dma_wait3A_102] : memref<50x80xi32, #tpu.memory_space<vmem>> -> memref<1x80xi32, #tpu.memory_space<vmem>>
    %dma_wait3A_104 = tpu.memref_squeeze %dma_wait3A_103 : memref<1x80xi32, #tpu.memory_space<vmem>> -> memref<80xi32, #tpu.memory_space<vmem>>
    %dma_wait3A_105 = arith.constant 0 : i32
    %dma_wait3A_106 = arith.constant 0 : i32
    %dma_wait3A_107 = tpu.memref_slice %arg7[%dma_wait3A_105, %dma_wait3A_106] : memref<10000x128xf32, #tpu.memory_space<vmem_shared>> -> memref<10000x128xf32, #tpu.memory_space<vmem_shared>>
    tpu.wait_indirect_dma semaphore(%arg13 : memref<!tpu.dma_semaphore, #tpu.memory_space<semaphore_mem>>) src(%arg11 : memref<80x128xf32, #tpu.memory_space<vmem>>) dst(%dma_wait3A_107 : memref<10000x128xf32, #tpu.memory_space<vmem_shared>>)
    %barrier3A_108 = arith.constant 0 : index
    tpu.barrier barrier_id(%barrier3A_108)
    %lt3A_109 = arith.constant 15 : i32
    %lt3A_110 = arith.cmpi slt, %arg1, %lt3A_109 : i32
    %convert_element_type3A_111 = arith.extui %lt3A_110 : i1 to i32
    %cond3A_112 = arith.constant 0 : i32
    %cond3A_113 = arith.cmpi ne, %convert_element_type3A_111, %cond3A_112 : i32
    scf.if %cond3A_113 {
      "tpu.region"() ({
        %run_scoped3A_119 = tpu.sem_alloc : memref<!tpu.dma_semaphore, #tpu.memory_space<semaphore_mem>>
        %dma_start3A_120 = arith.constant 0 : i32
        %dma_start3A_121 = tpu.memref_slice %arg6[%arg0, %multiple_of3A, %dma_start3A_120] : memref<2x10000x128xf32, #tpu.memory_space<hbm>> -> memref<1x632x128xf32, #tpu.memory_space<hbm>>
        %dma_start3A_122 = tpu.memref_squeeze %dma_start3A_121 : memref<1x632x128xf32, #tpu.memory_space<hbm>> -> memref<632x128xf32, #tpu.memory_space<hbm>>
        %dma_start3A_123 = arith.constant 0 : i32
        %dma_start3A_124 = tpu.memref_slice %arg7[%multiple_of3A, %dma_start3A_123] : memref<10000x128xf32, #tpu.memory_space<vmem_shared>> -> memref<632x128xf32, #tpu.memory_space<vmem_shared>>
        tpu.enqueue_dma source(%dma_start3A_124 : memref<632x128xf32, #tpu.memory_space<vmem_shared>>) target(%dma_start3A_122 : memref<632x128xf32, #tpu.memory_space<hbm>>) target_semaphore(%run_scoped3A_119 : memref<!tpu.dma_semaphore, #tpu.memory_space<semaphore_mem>>)
        %dma_wait3A_125 = arith.constant 0 : i32
        %dma_wait3A_126 = tpu.memref_slice %arg6[%arg0, %multiple_of3A, %dma_wait3A_125] : memref<2x10000x128xf32, #tpu.memory_space<hbm>> -> memref<1x632x128xf32, #tpu.memory_space<hbm>>
        %dma_wait3A_127 = tpu.memref_squeeze %dma_wait3A_126 : memref<1x632x128xf32, #tpu.memory_space<hbm>> -> memref<632x128xf32, #tpu.memory_space<hbm>>
        %dma_wait3A_128 = arith.constant 0 : i32
        %dma_wait3A_129 = tpu.memref_slice %arg7[%multiple_of3A, %dma_wait3A_128] : memref<10000x128xf32, #tpu.memory_space<vmem_shared>> -> memref<632x128xf32, #tpu.memory_space<vmem_shared>>
        tpu.wait_dma2 semaphore(%run_scoped3A_119 : memref<!tpu.dma_semaphore, #tpu.memory_space<semaphore_mem>>) src(%dma_wait3A_129 : memref<632x128xf32, #tpu.memory_space<vmem_shared>>) dst(%dma_wait3A_127 : memref<632x128xf32, #tpu.memory_space<hbm>>)
        tpu.yield
      }) : () -> ()
    } else {
    }
    %eq3A_114 = arith.constant 15 : i32
    %eq3A_115 = arith.cmpi eq, %arg1, %eq3A_114 : i32
    %convert_element_type3A_116 = arith.extui %eq3A_115 : i1 to i32
    %cond3A_117 = arith.constant 0 : i32
    %cond3A_118 = arith.cmpi ne, %convert_element_type3A_116, %cond3A_117 : i32
    scf.if %cond3A_118 {
      "tpu.region"() ({
        %run_scoped3A_119 = tpu.sem_alloc : memref<!tpu.dma_semaphore, #tpu.memory_space<semaphore_mem>>
        %dma_start3A_120 = arith.constant 9480 : i32
        %dma_start3A_121 = arith.constant 0 : i32
        %dma_start3A_122 = tpu.memref_slice %arg6[%arg0, %dma_start3A_120, %dma_start3A_121] : memref<2x10000x128xf32, #tpu.memory_space<hbm>> -> memref<1x520x128xf32, #tpu.memory_space<hbm>>
        %dma_start3A_123 = tpu.memref_squeeze %dma_start3A_122 : memref<1x520x128xf32, #tpu.memory_space<hbm>> -> memref<520x128xf32, #tpu.memory_space<hbm>>
        %dma_start3A_124 = arith.constant 9480 : i32
        %dma_start3A_125 = arith.constant 0 : i32
        %dma_start3A_126 = tpu.memref_slice %arg7[%dma_start3A_124, %dma_start3A_125] : memref<10000x128xf32, #tpu.memory_space<vmem_shared>> -> memref<520x128xf32, #tpu.memory_space<vmem_shared>>
        tpu.enqueue_dma source(%dma_start3A_126 : memref<520x128xf32, #tpu.memory_space<vmem_shared>>) target(%dma_start3A_123 : memref<520x128xf32, #tpu.memory_space<hbm>>) target_semaphore(%run_scoped3A_119 : memref<!tpu.dma_semaphore, #tpu.memory_space<semaphore_mem>>)
        %dma_wait3A_127 = arith.constant 9480 : i32
        %dma_wait3A_128 = arith.constant 0 : i32
        %dma_wait3A_129 = tpu.memref_slice %arg6[%arg0, %dma_wait3A_127, %dma_wait3A_128] : memref<2x10000x128xf32, #tpu.memory_space<hbm>> -> memref<1x520x128xf32, #tpu.memory_space<hbm>>
        %dma_wait3A_130 = tpu.memref_squeeze %dma_wait3A_129 : memref<1x520x128xf32, #tpu.memory_space<hbm>> -> memref<520x128xf32, #tpu.memory_space<hbm>>
        %dma_wait3A_131 = arith.constant 9480 : i32
        %dma_wait3A_132 = arith.constant 0 : i32
        %dma_wait3A_133 = tpu.memref_slice %arg7[%dma_wait3A_131, %dma_wait3A_132] : memref<10000x128xf32, #tpu.memory_space<vmem_shared>> -> memref<520x128xf32, #tpu.memory_space<vmem_shared>>
        tpu.wait_dma2 semaphore(%run_scoped3A_119 : memref<!tpu.dma_semaphore, #tpu.memory_space<semaphore_mem>>) src(%dma_wait3A_133 : memref<520x128xf32, #tpu.memory_space<vmem_shared>>) dst(%dma_wait3A_130 : memref<520x128xf32, #tpu.memory_space<hbm>>)
        tpu.yield
      }) : () -> ()
    } else {
    }
    return
  }
}

#map = affine_map<(d0, d1) -> (0, 0)>
#map1 = affine_map<(d0, d1) -> (0)>
#map2 = affine_map<(d0, d1) -> (0, 0, 0, 0)>
#map3 = affine_map<(d0, d1) -> (0, 0, 0)>
module attributes {stable_mosaic.version = 14 : i64} {
  func.func @_segsum_body(%arg0: i32, %arg1: i32, %arg2: memref<20000x128xf32, #tpu.memory_space<hbm>>, %arg3: memref<640000xi32, #tpu.memory_space<hbm>>, %arg4: memref<16x5x50x80xi32, #tpu.memory_space<hbm>>, %arg5: memref<632x128xf32, #tpu.memory_space<hbm>>, %arg6: memref<2x10000x128xf32, #tpu.memory_space<hbm>>, %arg7: memref<10000x128xf32, #tpu.memory_space<vmem_shared>>, %arg8: memref<20000xi32, #tpu.memory_space<vmem>>, %arg9: memref<50x80xi32, #tpu.memory_space<vmem>>, %arg10: memref<80x128xf32, #tpu.memory_space<vmem>>, %arg11: memref<80x128xf32, #tpu.memory_space<vmem>>, %arg12: memref<!tpu.dma_semaphore, #tpu.memory_space<semaphore_mem>>, %arg13: memref<!tpu.dma_semaphore, #tpu.memory_space<semaphore_mem>>) attributes {dimension_semantics = [#tpu.dimension_semantics<core_parallel>, #tpu.dimension_semantics<subcore_parallel>], iteration_bounds = array<i64: 2, 16>, scalar_prefetch = 0 : i64, scratch_operands = 7 : i64, tpu.core_type = #tpu.core_type<sc_vector_subcore>, window_params = [{transform_indices = #map}, {transform_indices = #map1}, {transform_indices = #map2}, {transform_indices = #map}, {transform_indices = #map3}]} {
    %mul3A = arith.constant 632 : i32
    %mul3A_0 = arith.muli %arg1, %mul3A : i32
    %multiple_of3A = tpu.assume_multiple %mul3A_0, 8 : i32
    %mul3A_1 = arith.constant 16 : i32
    %mul3A_2 = arith.muli %arg0, %mul3A_1 : i32
    %add3A = arith.addi %mul3A_2, %arg1 : i32
    %mul3A_3 = arith.constant 20000 : i32
    %mul3A_4 = arith.muli %add3A, %mul3A_3 : i32
    %multiple_of3A_5 = tpu.assume_multiple %mul3A_4, 8 : i32
    "tpu.region"() ({
      %run_scoped3A_119 = tpu.sem_alloc : memref<!tpu.dma_semaphore, #tpu.memory_space<semaphore_mem>>
      %dma_start3A_120 = tpu.memref_slice %arg3[%multiple_of3A_5] : memref<640000xi32, #tpu.memory_space<hbm>> -> memref<20000xi32, #tpu.memory_space<hbm>>
      %dma_start3A_121 = tpu.memref_slice %arg3[%multiple_of3A_5] : memref<640000xi32, #tpu.memory_space<hbm>> -> memref<20000xi32, #tpu.memory_space<hbm>>
      tpu.enqueue_dma source(%dma_start3A_121 : memref<20000xi32, #tpu.memory_space<hbm>>) target(%arg8 : memref<20000xi32, #tpu.memory_space<vmem>>) target_semaphore(%run_scoped3A_119 : memref<!tpu.dma_semaphore, #tpu.memory_space<semaphore_mem>>)
      %dma_wait3A_122 = tpu.memref_slice %arg3[%multiple_of3A_5] : memref<640000xi32, #tpu.memory_space<hbm>> -> memref<20000xi32, #tpu.memory_space<hbm>>
      %dma_wait3A_123 = tpu.memref_slice %arg3[%multiple_of3A_5] : memref<640000xi32, #tpu.memory_space<hbm>> -> memref<20000xi32, #tpu.memory_space<hbm>>
      tpu.wait_dma2 semaphore(%run_scoped3A_119 : memref<!tpu.dma_semaphore, #tpu.memory_space<semaphore_mem>>) src(%dma_wait3A_123 : memref<20000xi32, #tpu.memory_space<hbm>>) dst(%arg8 : memref<20000xi32, #tpu.memory_space<vmem>>)
      tpu.yield
    }) : () -> ()
    %lt3A = arith.constant 15 : i32
    %lt3A_6 = arith.cmpi slt, %arg1, %lt3A : i32
    %convert_element_type3A = arith.extui %lt3A_6 : i1 to i32
    %cond3A = arith.constant 0 : i32
    %cond3A_7 = arith.cmpi ne, %convert_element_type3A, %cond3A : i32
    scf.if %cond3A_7 {
      "tpu.region"() ({
        %run_scoped3A_119 = tpu.sem_alloc : memref<!tpu.dma_semaphore, #tpu.memory_space<semaphore_mem>>
        %dma_start3A_120 = arith.constant 0 : i32
        %dma_start3A_121 = tpu.memref_slice %arg7[%multiple_of3A, %dma_start3A_120] : memref<10000x128xf32, #tpu.memory_space<vmem_shared>> -> memref<632x128xf32, #tpu.memory_space<vmem_shared>>
        %dma_start3A_122 = arith.constant 0 : i32
        %dma_start3A_123 = arith.constant 0 : i32
        %dma_start3A_124 = tpu.memref_slice %arg5[%dma_start3A_122, %dma_start3A_123] : memref<632x128xf32, #tpu.memory_space<hbm>> -> memref<632x128xf32, #tpu.memory_space<hbm>>
        tpu.enqueue_dma source(%dma_start3A_124 : memref<632x128xf32, #tpu.memory_space<hbm>>) target(%dma_start3A_121 : memref<632x128xf32, #tpu.memory_space<vmem_shared>>) target_semaphore(%run_scoped3A_119 : memref<!tpu.dma_semaphore, #tpu.memory_space<semaphore_mem>>)
        %dma_wait3A_125 = arith.constant 0 : i32
        %dma_wait3A_126 = tpu.memref_slice %arg7[%multiple_of3A, %dma_wait3A_125] : memref<10000x128xf32, #tpu.memory_space<vmem_shared>> -> memref<632x128xf32, #tpu.memory_space<vmem_shared>>
        %dma_wait3A_127 = arith.constant 0 : i32
        %dma_wait3A_128 = arith.constant 0 : i32
        %dma_wait3A_129 = tpu.memref_slice %arg5[%dma_wait3A_127, %dma_wait3A_128] : memref<632x128xf32, #tpu.memory_space<hbm>> -> memref<632x128xf32, #tpu.memory_space<hbm>>
        tpu.wait_dma2 semaphore(%run_scoped3A_119 : memref<!tpu.dma_semaphore, #tpu.memory_space<semaphore_mem>>) src(%dma_wait3A_129 : memref<632x128xf32, #tpu.memory_space<hbm>>) dst(%dma_wait3A_126 : memref<632x128xf32, #tpu.memory_space<vmem_shared>>)
        tpu.yield
      }) : () -> ()
    } else {
    }
    %eq3A = arith.constant 15 : i32
    %eq3A_8 = arith.cmpi eq, %arg1, %eq3A : i32
    %convert_element_type3A_9 = arith.extui %eq3A_8 : i1 to i32
    %cond3A_10 = arith.constant 0 : i32
    %cond3A_11 = arith.cmpi ne, %convert_element_type3A_9, %cond3A_10 : i32
    scf.if %cond3A_11 {
      "tpu.region"() ({
        %run_scoped3A_119 = tpu.sem_alloc : memref<!tpu.dma_semaphore, #tpu.memory_space<semaphore_mem>>
        %dma_start3A_120 = arith.constant 9480 : i32
        %dma_start3A_121 = arith.constant 0 : i32
        %dma_start3A_122 = tpu.memref_slice %arg7[%dma_start3A_120, %dma_start3A_121] : memref<10000x128xf32, #tpu.memory_space<vmem_shared>> -> memref<520x128xf32, #tpu.memory_space<vmem_shared>>
        %dma_start3A_123 = arith.constant 0 : i32
        %dma_start3A_124 = arith.constant 0 : i32
        %dma_start3A_125 = tpu.memref_slice %arg5[%dma_start3A_123, %dma_start3A_124] : memref<632x128xf32, #tpu.memory_space<hbm>> -> memref<520x128xf32, #tpu.memory_space<hbm>>
        tpu.enqueue_dma source(%dma_start3A_125 : memref<520x128xf32, #tpu.memory_space<hbm>>) target(%dma_start3A_122 : memref<520x128xf32, #tpu.memory_space<vmem_shared>>) target_semaphore(%run_scoped3A_119 : memref<!tpu.dma_semaphore, #tpu.memory_space<semaphore_mem>>)
        %dma_wait3A_126 = arith.constant 9480 : i32
        %dma_wait3A_127 = arith.constant 0 : i32
        %dma_wait3A_128 = tpu.memref_slice %arg7[%dma_wait3A_126, %dma_wait3A_127] : memref<10000x128xf32, #tpu.memory_space<vmem_shared>> -> memref<520x128xf32, #tpu.memory_space<vmem_shared>>
        %dma_wait3A_129 = arith.constant 0 : i32
        %dma_wait3A_130 = arith.constant 0 : i32
        %dma_wait3A_131 = tpu.memref_slice %arg5[%dma_wait3A_129, %dma_wait3A_130] : memref<632x128xf32, #tpu.memory_space<hbm>> -> memref<520x128xf32, #tpu.memory_space<hbm>>
        tpu.wait_dma2 semaphore(%run_scoped3A_119 : memref<!tpu.dma_semaphore, #tpu.memory_space<semaphore_mem>>) src(%dma_wait3A_131 : memref<520x128xf32, #tpu.memory_space<hbm>>) dst(%dma_wait3A_128 : memref<520x128xf32, #tpu.memory_space<vmem_shared>>)
        tpu.yield
      }) : () -> ()
    } else {
    }
    %barrier3A = arith.constant 0 : index
    tpu.barrier barrier_id(%barrier3A)
    %run_scoped3A = arith.constant 0 : i32
    "tpu.region"() ({
      %run_scoped3A_119 = tpu.sem_alloc : memref<!tpu.dma_semaphore, #tpu.memory_space<semaphore_mem>>
      %dma_start3A_120 = arith.constant 0 : i32
      %dma_start3A_121 = arith.constant 0 : i32
      %dma_start3A_122 = tpu.memref_slice %arg4[%arg1, %run_scoped3A, %dma_start3A_120, %dma_start3A_121] : memref<16x5x50x80xi32, #tpu.memory_space<hbm>> -> memref<1x1x50x80xi32, #tpu.memory_space<hbm>>
      %dma_start3A_123 = tpu.memref_squeeze %dma_start3A_122 : memref<1x1x50x80xi32, #tpu.memory_space<hbm>> -> memref<50x80xi32, #tpu.memory_space<hbm>>
      %dma_start3A_124 = arith.constant 0 : i32
      %dma_start3A_125 = arith.constant 0 : i32
      %dma_start3A_126 = tpu.memref_slice %arg4[%arg1, %run_scoped3A, %dma_start3A_124, %dma_start3A_125] : memref<16x5x50x80xi32, #tpu.memory_space<hbm>> -> memref<1x1x50x80xi32, #tpu.memory_space<hbm>>
      %dma_start3A_127 = tpu.memref_squeeze %dma_start3A_126 : memref<1x1x50x80xi32, #tpu.memory_space<hbm>> -> memref<50x80xi32, #tpu.memory_space<hbm>>
      tpu.enqueue_dma source(%dma_start3A_127 : memref<50x80xi32, #tpu.memory_space<hbm>>) target(%arg9 : memref<50x80xi32, #tpu.memory_space<vmem>>) target_semaphore(%run_scoped3A_119 : memref<!tpu.dma_semaphore, #tpu.memory_space<semaphore_mem>>)
      %dma_wait3A_128 = arith.constant 0 : i32
      %dma_wait3A_129 = arith.constant 0 : i32
      %dma_wait3A_130 = tpu.memref_slice %arg4[%arg1, %run_scoped3A, %dma_wait3A_128, %dma_wait3A_129] : memref<16x5x50x80xi32, #tpu.memory_space<hbm>> -> memref<1x1x50x80xi32, #tpu.memory_space<hbm>>
      %dma_wait3A_131 = tpu.memref_squeeze %dma_wait3A_130 : memref<1x1x50x80xi32, #tpu.memory_space<hbm>> -> memref<50x80xi32, #tpu.memory_space<hbm>>
      %dma_wait3A_132 = arith.constant 0 : i32
      %dma_wait3A_133 = arith.constant 0 : i32
      %dma_wait3A_134 = tpu.memref_slice %arg4[%arg1, %run_scoped3A, %dma_wait3A_132, %dma_wait3A_133] : memref<16x5x50x80xi32, #tpu.memory_space<hbm>> -> memref<1x1x50x80xi32, #tpu.memory_space<hbm>>
      %dma_wait3A_135 = tpu.memref_squeeze %dma_wait3A_134 : memref<1x1x50x80xi32, #tpu.memory_space<hbm>> -> memref<50x80xi32, #tpu.memory_space<hbm>>
      tpu.wait_dma2 semaphore(%run_scoped3A_119 : memref<!tpu.dma_semaphore, #tpu.memory_space<semaphore_mem>>) src(%dma_wait3A_135 : memref<50x80xi32, #tpu.memory_space<hbm>>) dst(%arg9 : memref<50x80xi32, #tpu.memory_space<vmem>>)
      tpu.yield
    }) : () -> ()
    %multiple_of3A_12 = arith.constant 0 : i32
    %multiple_of3A_13 = tpu.assume_multiple %multiple_of3A_12, 8 : i32
    %dma_start3A = tpu.memref_slice %arg8[%multiple_of3A_13] : memref<20000xi32, #tpu.memory_space<vmem>> -> memref<80xi32, #tpu.memory_space<vmem>>
    %dma_start3A_14 = arith.constant 0 : i32
    %dma_start3A_15 = arith.constant 0 : i32
    %dma_start3A_16 = tpu.memref_slice %arg2[%dma_start3A_14, %dma_start3A_15] : memref<20000x128xf32, #tpu.memory_space<hbm>> -> memref<20000x128xf32, #tpu.memory_space<hbm>>
    tpu.enqueue_indirect_dma source(%dma_start3A_16 : memref<20000x128xf32, #tpu.memory_space<hbm>>) target(%arg10 : memref<80x128xf32, #tpu.memory_space<vmem>>) offsets(%dma_start3A : memref<80xi32, #tpu.memory_space<vmem>>) semaphore(%arg12 : memref<!tpu.dma_semaphore, #tpu.memory_space<semaphore_mem>>)
    %scan3A = arith.constant 0 : i32
    %scan3A_17 = arith.constant 0 : i32
    %scan3A_18 = arith.constant 25 : i32
    %scan3A_19 = arith.addi %scan3A_17, %scan3A_18 : i32
    %scan3A_20 = arith.constant 1 : i32
    scf.for %scan3A_119 = %scan3A_17 to %scan3A_19 step %scan3A_20  : i32 {
      %mul3A_120 = arith.constant 2 : i32
      %mul3A_121 = arith.muli %mul3A_120, %scan3A_119 : i32
      %add3A_122 = arith.constant 0 : i32
      %add3A_123 = arith.addi %add3A_122, %mul3A_121 : i32
      %gt3A = arith.constant 0 : i32
      %gt3A_124 = arith.cmpi sgt, %scan3A_119, %gt3A : i32
      %convert_element_type3A_125 = arith.extui %gt3A_124 : i1 to i32
      %cond3A_126 = arith.constant 0 : i32
      %cond3A_127 = arith.cmpi ne, %convert_element_type3A_125, %cond3A_126 : i32
      scf.if %cond3A_127 {
        %sub3A = arith.constant 1 : i32
        %sub3A_178 = arith.subi %mul3A_121, %sub3A : i32
        %dma_wait3A_179 = arith.constant 0 : i32
        %dma_wait3A_180 = tpu.memref_slice %arg9[%sub3A_178, %dma_wait3A_179] : memref<50x80xi32, #tpu.memory_space<vmem>> -> memref<1x80xi32, #tpu.memory_space<vmem>>
        %dma_wait3A_181 = tpu.memref_squeeze %dma_wait3A_180 : memref<1x80xi32, #tpu.memory_space<vmem>> -> memref<80xi32, #tpu.memory_space<vmem>>
        %dma_wait3A_182 = arith.constant 0 : i32
        %dma_wait3A_183 = arith.constant 0 : i32
        %dma_wait3A_184 = tpu.memref_slice %arg7[%dma_wait3A_182, %dma_wait3A_183] : memref<10000x128xf32, #tpu.memory_space<vmem_shared>> -> memref<10000x128xf32, #tpu.memory_space<vmem_shared>>
        tpu.wait_indirect_dma semaphore(%arg13 : memref<!tpu.dma_semaphore, #tpu.memory_space<semaphore_mem>>) src(%arg11 : memref<80x128xf32, #tpu.memory_space<vmem>>) dst(%dma_wait3A_184 : memref<10000x128xf32, #tpu.memory_space<vmem_shared>>)
      } else {
      }
      %add3A_128 = arith.constant 1 : i32
      %add3A_129 = arith.addi %add3A_123, %add3A_128 : i32
      %mul3A_130 = arith.constant 80 : i32
      %mul3A_131 = arith.muli %add3A_129, %mul3A_130 : i32
      %multiple_of3A_132 = tpu.assume_multiple %mul3A_131, 8 : i32
      %dma_start3A_133 = tpu.memref_slice %arg8[%multiple_of3A_132] : memref<20000xi32, #tpu.memory_space<vmem>> -> memref<80xi32, #tpu.memory_space<vmem>>
      %dma_start3A_134 = arith.constant 0 : i32
      %dma_start3A_135 = arith.constant 0 : i32
      %dma_start3A_136 = tpu.memref_slice %arg2[%dma_start3A_134, %dma_start3A_135] : memref<20000x128xf32, #tpu.memory_space<hbm>> -> memref<20000x128xf32, #tpu.memory_space<hbm>>
      tpu.enqueue_indirect_dma source(%dma_start3A_136 : memref<20000x128xf32, #tpu.memory_space<hbm>>) target(%arg11 : memref<80x128xf32, #tpu.memory_space<vmem>>) offsets(%dma_start3A_133 : memref<80xi32, #tpu.memory_space<vmem>>) semaphore(%arg12 : memref<!tpu.dma_semaphore, #tpu.memory_space<semaphore_mem>>)
      %mul3A_137 = arith.constant 80 : i32
      %mul3A_138 = arith.muli %add3A_123, %mul3A_137 : i32
      %multiple_of3A_139 = tpu.assume_multiple %mul3A_138, 8 : i32
      %dma_wait3A_140 = tpu.memref_slice %arg8[%multiple_of3A_139] : memref<20000xi32, #tpu.memory_space<vmem>> -> memref<80xi32, #tpu.memory_space<vmem>>
      %dma_wait3A_141 = arith.constant 0 : i32
      %dma_wait3A_142 = arith.constant 0 : i32
      %dma_wait3A_143 = tpu.memref_slice %arg2[%dma_wait3A_141, %dma_wait3A_142] : memref<20000x128xf32, #tpu.memory_space<hbm>> -> memref<20000x128xf32, #tpu.memory_space<hbm>>
      tpu.wait_indirect_dma semaphore(%arg12 : memref<!tpu.dma_semaphore, #tpu.memory_space<semaphore_mem>>) src(%dma_wait3A_143 : memref<20000x128xf32, #tpu.memory_space<hbm>>) dst(%arg10 : memref<80x128xf32, #tpu.memory_space<vmem>>)
      %dma_start3A_144 = arith.constant 0 : i32
      %dma_start3A_145 = tpu.memref_slice %arg9[%mul3A_121, %dma_start3A_144] : memref<50x80xi32, #tpu.memory_space<vmem>> -> memref<1x80xi32, #tpu.memory_space<vmem>>
      %dma_start3A_146 = tpu.memref_squeeze %dma_start3A_145 : memref<1x80xi32, #tpu.memory_space<vmem>> -> memref<80xi32, #tpu.memory_space<vmem>>
      %dma_start3A_147 = arith.constant 0 : i32
      %dma_start3A_148 = arith.constant 0 : i32
      %dma_start3A_149 = tpu.memref_slice %arg7[%dma_start3A_147, %dma_start3A_148] : memref<10000x128xf32, #tpu.memory_space<vmem_shared>> -> memref<10000x128xf32, #tpu.memory_space<vmem_shared>>
      tpu.enqueue_indirect_dma source(%arg10 : memref<80x128xf32, #tpu.memory_space<vmem>>) target(%dma_start3A_149 : memref<10000x128xf32, #tpu.memory_space<vmem_shared>>) offsets(%dma_start3A_146 : memref<80xi32, #tpu.memory_space<vmem>>) semaphore(%arg13 : memref<!tpu.dma_semaphore, #tpu.memory_space<semaphore_mem>>) {add = true}
      %dma_wait3A_150 = arith.constant 0 : i32
      %dma_wait3A_151 = tpu.memref_slice %arg9[%mul3A_121, %dma_wait3A_150] : memref<50x80xi32, #tpu.memory_space<vmem>> -> memref<1x80xi32, #tpu.memory_space<vmem>>
      %dma_wait3A_152 = tpu.memref_squeeze %dma_wait3A_151 : memref<1x80xi32, #tpu.memory_space<vmem>> -> memref<80xi32, #tpu.memory_space<vmem>>
      %dma_wait3A_153 = arith.constant 0 : i32
      %dma_wait3A_154 = arith.constant 0 : i32
      %dma_wait3A_155 = tpu.memref_slice %arg7[%dma_wait3A_153, %dma_wait3A_154] : memref<10000x128xf32, #tpu.memory_space<vmem_shared>> -> memref<10000x128xf32, #tpu.memory_space<vmem_shared>>
      tpu.wait_indirect_dma semaphore(%arg13 : memref<!tpu.dma_semaphore, #tpu.memory_space<semaphore_mem>>) src(%arg10 : memref<80x128xf32, #tpu.memory_space<vmem>>) dst(%dma_wait3A_155 : memref<10000x128xf32, #tpu.memory_space<vmem_shared>>)
      %lt3A_156 = arith.constant 24 : i32
      %lt3A_157 = arith.cmpi slt, %scan3A_119, %lt3A_156 : i32
      %convert_element_type3A_158 = arith.extui %lt3A_157 : i1 to i32
      %cond3A_159 = arith.constant 0 : i32
      %cond3A_160 = arith.cmpi ne, %convert_element_type3A_158, %cond3A_159 : i32
      scf.if %cond3A_160 {
        %add3A_178 = arith.constant 2 : i32
        %add3A_179 = arith.addi %add3A_123, %add3A_178 : i32
        %mul3A_180 = arith.constant 80 : i32
        %mul3A_181 = arith.muli %add3A_179, %mul3A_180 : i32
        %multiple_of3A_182 = tpu.assume_multiple %mul3A_181, 8 : i32
        %dma_start3A_183 = tpu.memref_slice %arg8[%multiple_of3A_182] : memref<20000xi32, #tpu.memory_space<vmem>> -> memref<80xi32, #tpu.memory_space<vmem>>
        %dma_start3A_184 = arith.constant 0 : i32
        %dma_start3A_185 = arith.constant 0 : i32
        %dma_start3A_186 = tpu.memref_slice %arg2[%dma_start3A_184, %dma_start3A_185] : memref<20000x128xf32, #tpu.memory_space<hbm>> -> memref<20000x128xf32, #tpu.memory_space<hbm>>
        tpu.enqueue_indirect_dma source(%dma_start3A_186 : memref<20000x128xf32, #tpu.memory_space<hbm>>) target(%arg10 : memref<80x128xf32, #tpu.memory_space<vmem>>) offsets(%dma_start3A_183 : memref<80xi32, #tpu.memory_space<vmem>>) semaphore(%arg12 : memref<!tpu.dma_semaphore, #tpu.memory_space<semaphore_mem>>)
      } else {
      }
      %add3A_161 = arith.constant 1 : i32
      %add3A_162 = arith.addi %add3A_123, %add3A_161 : i32
      %mul3A_163 = arith.constant 80 : i32
      %mul3A_164 = arith.muli %add3A_162, %mul3A_163 : i32
      %multiple_of3A_165 = tpu.assume_multiple %mul3A_164, 8 : i32
      %dma_wait3A_166 = tpu.memref_slice %arg8[%multiple_of3A_165] : memref<20000xi32, #tpu.memory_space<vmem>> -> memref<80xi32, #tpu.memory_space<vmem>>
      %dma_wait3A_167 = arith.constant 0 : i32
      %dma_wait3A_168 = arith.constant 0 : i32
      %dma_wait3A_169 = tpu.memref_slice %arg2[%dma_wait3A_167, %dma_wait3A_168] : memref<20000x128xf32, #tpu.memory_space<hbm>> -> memref<20000x128xf32, #tpu.memory_space<hbm>>
      tpu.wait_indirect_dma semaphore(%arg12 : memref<!tpu.dma_semaphore, #tpu.memory_space<semaphore_mem>>) src(%dma_wait3A_169 : memref<20000x128xf32, #tpu.memory_space<hbm>>) dst(%arg11 : memref<80x128xf32, #tpu.memory_space<vmem>>)
      %add3A_170 = arith.constant 1 : i32
      %add3A_171 = arith.addi %mul3A_121, %add3A_170 : i32
      %dma_start3A_172 = arith.constant 0 : i32
      %dma_start3A_173 = tpu.memref_slice %arg9[%add3A_171, %dma_start3A_172] : memref<50x80xi32, #tpu.memory_space<vmem>> -> memref<1x80xi32, #tpu.memory_space<vmem>>
      %dma_start3A_174 = tpu.memref_squeeze %dma_start3A_173 : memref<1x80xi32, #tpu.memory_space<vmem>> -> memref<80xi32, #tpu.memory_space<vmem>>
      %dma_start3A_175 = arith.constant 0 : i32
      %dma_start3A_176 = arith.constant 0 : i32
      %dma_start3A_177 = tpu.memref_slice %arg7[%dma_start3A_175, %dma_start3A_176] : memref<10000x128xf32, #tpu.memory_space<vmem_shared>> -> memref<10000x128xf32, #tpu.memory_space<vmem_shared>>
      tpu.enqueue_indirect_dma source(%arg11 : memref<80x128xf32, #tpu.memory_space<vmem>>) target(%dma_start3A_177 : memref<10000x128xf32, #tpu.memory_space<vmem_shared>>) offsets(%dma_start3A_174 : memref<80xi32, #tpu.memory_space<vmem>>) semaphore(%arg13 : memref<!tpu.dma_semaphore, #tpu.memory_space<semaphore_mem>>) {add = true}
    }
    %scan3A_21 = arith.constant 25 : i32
    %dma_wait3A = arith.constant 49 : i32
    %dma_wait3A_22 = arith.constant 0 : i32
    %dma_wait3A_23 = tpu.memref_slice %arg9[%dma_wait3A, %dma_wait3A_22] : memref<50x80xi32, #tpu.memory_space<vmem>> -> memref<1x80xi32, #tpu.memory_space<vmem>>
    %dma_wait3A_24 = tpu.memref_squeeze %dma_wait3A_23 : memref<1x80xi32, #tpu.memory_space<vmem>> -> memref<80xi32, #tpu.memory_space<vmem>>
    %dma_wait3A_25 = arith.constant 0 : i32
    %dma_wait3A_26 = arith.constant 0 : i32
    %dma_wait3A_27 = tpu.memref_slice %arg7[%dma_wait3A_25, %dma_wait3A_26] : memref<10000x128xf32, #tpu.memory_space<vmem_shared>> -> memref<10000x128xf32, #tpu.memory_space<vmem_shared>>
    tpu.wait_indirect_dma semaphore(%arg13 : memref<!tpu.dma_semaphore, #tpu.memory_space<semaphore_mem>>) src(%arg11 : memref<80x128xf32, #tpu.memory_space<vmem>>) dst(%dma_wait3A_27 : memref<10000x128xf32, #tpu.memory_space<vmem_shared>>)
    %run_scoped3A_28 = arith.constant 1 : i32
    "tpu.region"() ({
      %run_scoped3A_119 = tpu.sem_alloc : memref<!tpu.dma_semaphore, #tpu.memory_space<semaphore_mem>>
      %dma_start3A_120 = arith.constant 0 : i32
      %dma_start3A_121 = arith.constant 0 : i32
      %dma_start3A_122 = tpu.memref_slice %arg4[%arg1, %run_scoped3A_28, %dma_start3A_120, %dma_start3A_121] : memref<16x5x50x80xi32, #tpu.memory_space<hbm>> -> memref<1x1x50x80xi32, #tpu.memory_space<hbm>>
      %dma_start3A_123 = tpu.memref_squeeze %dma_start3A_122 : memref<1x1x50x80xi32, #tpu.memory_space<hbm>> -> memref<50x80xi32, #tpu.memory_space<hbm>>
      %dma_start3A_124 = arith.constant 0 : i32
      %dma_start3A_125 = arith.constant 0 : i32
      %dma_start3A_126 = tpu.memref_slice %arg4[%arg1, %run_scoped3A_28, %dma_start3A_124, %dma_start3A_125] : memref<16x5x50x80xi32, #tpu.memory_space<hbm>> -> memref<1x1x50x80xi32, #tpu.memory_space<hbm>>
      %dma_start3A_127 = tpu.memref_squeeze %dma_start3A_126 : memref<1x1x50x80xi32, #tpu.memory_space<hbm>> -> memref<50x80xi32, #tpu.memory_space<hbm>>
      tpu.enqueue_dma source(%dma_start3A_127 : memref<50x80xi32, #tpu.memory_space<hbm>>) target(%arg9 : memref<50x80xi32, #tpu.memory_space<vmem>>) target_semaphore(%run_scoped3A_119 : memref<!tpu.dma_semaphore, #tpu.memory_space<semaphore_mem>>)
      %dma_wait3A_128 = arith.constant 0 : i32
      %dma_wait3A_129 = arith.constant 0 : i32
      %dma_wait3A_130 = tpu.memref_slice %arg4[%arg1, %run_scoped3A_28, %dma_wait3A_128, %dma_wait3A_129] : memref<16x5x50x80xi32, #tpu.memory_space<hbm>> -> memref<1x1x50x80xi32, #tpu.memory_space<hbm>>
      %dma_wait3A_131 = tpu.memref_squeeze %dma_wait3A_130 : memref<1x1x50x80xi32, #tpu.memory_space<hbm>> -> memref<50x80xi32, #tpu.memory_space<hbm>>
      %dma_wait3A_132 = arith.constant 0 : i32
      %dma_wait3A_133 = arith.constant 0 : i32
      %dma_wait3A_134 = tpu.memref_slice %arg4[%arg1, %run_scoped3A_28, %dma_wait3A_132, %dma_wait3A_133] : memref<16x5x50x80xi32, #tpu.memory_space<hbm>> -> memref<1x1x50x80xi32, #tpu.memory_space<hbm>>
      %dma_wait3A_135 = tpu.memref_squeeze %dma_wait3A_134 : memref<1x1x50x80xi32, #tpu.memory_space<hbm>> -> memref<50x80xi32, #tpu.memory_space<hbm>>
      tpu.wait_dma2 semaphore(%run_scoped3A_119 : memref<!tpu.dma_semaphore, #tpu.memory_space<semaphore_mem>>) src(%dma_wait3A_135 : memref<50x80xi32, #tpu.memory_space<hbm>>) dst(%arg9 : memref<50x80xi32, #tpu.memory_space<vmem>>)
      tpu.yield
    }) : () -> ()
    %multiple_of3A_29 = arith.constant 4000 : i32
    %multiple_of3A_30 = tpu.assume_multiple %multiple_of3A_29, 8 : i32
    %dma_start3A_31 = tpu.memref_slice %arg8[%multiple_of3A_30] : memref<20000xi32, #tpu.memory_space<vmem>> -> memref<80xi32, #tpu.memory_space<vmem>>
    %dma_start3A_32 = arith.constant 0 : i32
    %dma_start3A_33 = arith.constant 0 : i32
    %dma_start3A_34 = tpu.memref_slice %arg2[%dma_start3A_32, %dma_start3A_33] : memref<20000x128xf32, #tpu.memory_space<hbm>> -> memref<20000x128xf32, #tpu.memory_space<hbm>>
    tpu.enqueue_indirect_dma source(%dma_start3A_34 : memref<20000x128xf32, #tpu.memory_space<hbm>>) target(%arg10 : memref<80x128xf32, #tpu.memory_space<vmem>>) offsets(%dma_start3A_31 : memref<80xi32, #tpu.memory_space<vmem>>) semaphore(%arg12 : memref<!tpu.dma_semaphore, #tpu.memory_space<semaphore_mem>>)
    %scan3A_35 = arith.constant 0 : i32
    %scan3A_36 = arith.constant 0 : i32
    %scan3A_37 = arith.constant 25 : i32
    %scan3A_38 = arith.addi %scan3A_36, %scan3A_37 : i32
    %scan3A_39 = arith.constant 1 : i32
    scf.for %scan3A_119 = %scan3A_36 to %scan3A_38 step %scan3A_39  : i32 {
      %mul3A_120 = arith.constant 2 : i32
      %mul3A_121 = arith.muli %mul3A_120, %scan3A_119 : i32
      %add3A_122 = arith.constant 50 : i32
      %add3A_123 = arith.addi %add3A_122, %mul3A_121 : i32
      %gt3A = arith.constant 0 : i32
      %gt3A_124 = arith.cmpi sgt, %scan3A_119, %gt3A : i32
      %convert_element_type3A_125 = arith.extui %gt3A_124 : i1 to i32
      %cond3A_126 = arith.constant 0 : i32
      %cond3A_127 = arith.cmpi ne, %convert_element_type3A_125, %cond3A_126 : i32
      scf.if %cond3A_127 {
        %sub3A = arith.constant 1 : i32
        %sub3A_178 = arith.subi %mul3A_121, %sub3A : i32
        %dma_wait3A_179 = arith.constant 0 : i32
        %dma_wait3A_180 = tpu.memref_slice %arg9[%sub3A_178, %dma_wait3A_179] : memref<50x80xi32, #tpu.memory_space<vmem>> -> memref<1x80xi32, #tpu.memory_space<vmem>>
        %dma_wait3A_181 = tpu.memref_squeeze %dma_wait3A_180 : memref<1x80xi32, #tpu.memory_space<vmem>> -> memref<80xi32, #tpu.memory_space<vmem>>
        %dma_wait3A_182 = arith.constant 0 : i32
        %dma_wait3A_183 = arith.constant 0 : i32
        %dma_wait3A_184 = tpu.memref_slice %arg7[%dma_wait3A_182, %dma_wait3A_183] : memref<10000x128xf32, #tpu.memory_space<vmem_shared>> -> memref<10000x128xf32, #tpu.memory_space<vmem_shared>>
        tpu.wait_indirect_dma semaphore(%arg13 : memref<!tpu.dma_semaphore, #tpu.memory_space<semaphore_mem>>) src(%arg11 : memref<80x128xf32, #tpu.memory_space<vmem>>) dst(%dma_wait3A_184 : memref<10000x128xf32, #tpu.memory_space<vmem_shared>>)
      } else {
      }
      %add3A_128 = arith.constant 1 : i32
      %add3A_129 = arith.addi %add3A_123, %add3A_128 : i32
      %mul3A_130 = arith.constant 80 : i32
      %mul3A_131 = arith.muli %add3A_129, %mul3A_130 : i32
      %multiple_of3A_132 = tpu.assume_multiple %mul3A_131, 8 : i32
      %dma_start3A_133 = tpu.memref_slice %arg8[%multiple_of3A_132] : memref<20000xi32, #tpu.memory_space<vmem>> -> memref<80xi32, #tpu.memory_space<vmem>>
      %dma_start3A_134 = arith.constant 0 : i32
      %dma_start3A_135 = arith.constant 0 : i32
      %dma_start3A_136 = tpu.memref_slice %arg2[%dma_start3A_134, %dma_start3A_135] : memref<20000x128xf32, #tpu.memory_space<hbm>> -> memref<20000x128xf32, #tpu.memory_space<hbm>>
      tpu.enqueue_indirect_dma source(%dma_start3A_136 : memref<20000x128xf32, #tpu.memory_space<hbm>>) target(%arg11 : memref<80x128xf32, #tpu.memory_space<vmem>>) offsets(%dma_start3A_133 : memref<80xi32, #tpu.memory_space<vmem>>) semaphore(%arg12 : memref<!tpu.dma_semaphore, #tpu.memory_space<semaphore_mem>>)
      %mul3A_137 = arith.constant 80 : i32
      %mul3A_138 = arith.muli %add3A_123, %mul3A_137 : i32
      %multiple_of3A_139 = tpu.assume_multiple %mul3A_138, 8 : i32
      %dma_wait3A_140 = tpu.memref_slice %arg8[%multiple_of3A_139] : memref<20000xi32, #tpu.memory_space<vmem>> -> memref<80xi32, #tpu.memory_space<vmem>>
      %dma_wait3A_141 = arith.constant 0 : i32
      %dma_wait3A_142 = arith.constant 0 : i32
      %dma_wait3A_143 = tpu.memref_slice %arg2[%dma_wait3A_141, %dma_wait3A_142] : memref<20000x128xf32, #tpu.memory_space<hbm>> -> memref<20000x128xf32, #tpu.memory_space<hbm>>
      tpu.wait_indirect_dma semaphore(%arg12 : memref<!tpu.dma_semaphore, #tpu.memory_space<semaphore_mem>>) src(%dma_wait3A_143 : memref<20000x128xf32, #tpu.memory_space<hbm>>) dst(%arg10 : memref<80x128xf32, #tpu.memory_space<vmem>>)
      %dma_start3A_144 = arith.constant 0 : i32
      %dma_start3A_145 = tpu.memref_slice %arg9[%mul3A_121, %dma_start3A_144] : memref<50x80xi32, #tpu.memory_space<vmem>> -> memref<1x80xi32, #tpu.memory_space<vmem>>
      %dma_start3A_146 = tpu.memref_squeeze %dma_start3A_145 : memref<1x80xi32, #tpu.memory_space<vmem>> -> memref<80xi32, #tpu.memory_space<vmem>>
      %dma_start3A_147 = arith.constant 0 : i32
      %dma_start3A_148 = arith.constant 0 : i32
      %dma_start3A_149 = tpu.memref_slice %arg7[%dma_start3A_147, %dma_start3A_148] : memref<10000x128xf32, #tpu.memory_space<vmem_shared>> -> memref<10000x128xf32, #tpu.memory_space<vmem_shared>>
      tpu.enqueue_indirect_dma source(%arg10 : memref<80x128xf32, #tpu.memory_space<vmem>>) target(%dma_start3A_149 : memref<10000x128xf32, #tpu.memory_space<vmem_shared>>) offsets(%dma_start3A_146 : memref<80xi32, #tpu.memory_space<vmem>>) semaphore(%arg13 : memref<!tpu.dma_semaphore, #tpu.memory_space<semaphore_mem>>) {add = true}
      %dma_wait3A_150 = arith.constant 0 : i32
      %dma_wait3A_151 = tpu.memref_slice %arg9[%mul3A_121, %dma_wait3A_150] : memref<50x80xi32, #tpu.memory_space<vmem>> -> memref<1x80xi32, #tpu.memory_space<vmem>>
      %dma_wait3A_152 = tpu.memref_squeeze %dma_wait3A_151 : memref<1x80xi32, #tpu.memory_space<vmem>> -> memref<80xi32, #tpu.memory_space<vmem>>
      %dma_wait3A_153 = arith.constant 0 : i32
      %dma_wait3A_154 = arith.constant 0 : i32
      %dma_wait3A_155 = tpu.memref_slice %arg7[%dma_wait3A_153, %dma_wait3A_154] : memref<10000x128xf32, #tpu.memory_space<vmem_shared>> -> memref<10000x128xf32, #tpu.memory_space<vmem_shared>>
      tpu.wait_indirect_dma semaphore(%arg13 : memref<!tpu.dma_semaphore, #tpu.memory_space<semaphore_mem>>) src(%arg10 : memref<80x128xf32, #tpu.memory_space<vmem>>) dst(%dma_wait3A_155 : memref<10000x128xf32, #tpu.memory_space<vmem_shared>>)
      %lt3A_156 = arith.constant 24 : i32
      %lt3A_157 = arith.cmpi slt, %scan3A_119, %lt3A_156 : i32
      %convert_element_type3A_158 = arith.extui %lt3A_157 : i1 to i32
      %cond3A_159 = arith.constant 0 : i32
      %cond3A_160 = arith.cmpi ne, %convert_element_type3A_158, %cond3A_159 : i32
      scf.if %cond3A_160 {
        %add3A_178 = arith.constant 2 : i32
        %add3A_179 = arith.addi %add3A_123, %add3A_178 : i32
        %mul3A_180 = arith.constant 80 : i32
        %mul3A_181 = arith.muli %add3A_179, %mul3A_180 : i32
        %multiple_of3A_182 = tpu.assume_multiple %mul3A_181, 8 : i32
        %dma_start3A_183 = tpu.memref_slice %arg8[%multiple_of3A_182] : memref<20000xi32, #tpu.memory_space<vmem>> -> memref<80xi32, #tpu.memory_space<vmem>>
        %dma_start3A_184 = arith.constant 0 : i32
        %dma_start3A_185 = arith.constant 0 : i32
        %dma_start3A_186 = tpu.memref_slice %arg2[%dma_start3A_184, %dma_start3A_185] : memref<20000x128xf32, #tpu.memory_space<hbm>> -> memref<20000x128xf32, #tpu.memory_space<hbm>>
        tpu.enqueue_indirect_dma source(%dma_start3A_186 : memref<20000x128xf32, #tpu.memory_space<hbm>>) target(%arg10 : memref<80x128xf32, #tpu.memory_space<vmem>>) offsets(%dma_start3A_183 : memref<80xi32, #tpu.memory_space<vmem>>) semaphore(%arg12 : memref<!tpu.dma_semaphore, #tpu.memory_space<semaphore_mem>>)
      } else {
      }
      %add3A_161 = arith.constant 1 : i32
      %add3A_162 = arith.addi %add3A_123, %add3A_161 : i32
      %mul3A_163 = arith.constant 80 : i32
      %mul3A_164 = arith.muli %add3A_162, %mul3A_163 : i32
      %multiple_of3A_165 = tpu.assume_multiple %mul3A_164, 8 : i32
      %dma_wait3A_166 = tpu.memref_slice %arg8[%multiple_of3A_165] : memref<20000xi32, #tpu.memory_space<vmem>> -> memref<80xi32, #tpu.memory_space<vmem>>
      %dma_wait3A_167 = arith.constant 0 : i32
      %dma_wait3A_168 = arith.constant 0 : i32
      %dma_wait3A_169 = tpu.memref_slice %arg2[%dma_wait3A_167, %dma_wait3A_168] : memref<20000x128xf32, #tpu.memory_space<hbm>> -> memref<20000x128xf32, #tpu.memory_space<hbm>>
      tpu.wait_indirect_dma semaphore(%arg12 : memref<!tpu.dma_semaphore, #tpu.memory_space<semaphore_mem>>) src(%dma_wait3A_169 : memref<20000x128xf32, #tpu.memory_space<hbm>>) dst(%arg11 : memref<80x128xf32, #tpu.memory_space<vmem>>)
      %add3A_170 = arith.constant 1 : i32
      %add3A_171 = arith.addi %mul3A_121, %add3A_170 : i32
      %dma_start3A_172 = arith.constant 0 : i32
      %dma_start3A_173 = tpu.memref_slice %arg9[%add3A_171, %dma_start3A_172] : memref<50x80xi32, #tpu.memory_space<vmem>> -> memref<1x80xi32, #tpu.memory_space<vmem>>
      %dma_start3A_174 = tpu.memref_squeeze %dma_start3A_173 : memref<1x80xi32, #tpu.memory_space<vmem>> -> memref<80xi32, #tpu.memory_space<vmem>>
      %dma_start3A_175 = arith.constant 0 : i32
      %dma_start3A_176 = arith.constant 0 : i32
      %dma_start3A_177 = tpu.memref_slice %arg7[%dma_start3A_175, %dma_start3A_176] : memref<10000x128xf32, #tpu.memory_space<vmem_shared>> -> memref<10000x128xf32, #tpu.memory_space<vmem_shared>>
      tpu.enqueue_indirect_dma source(%arg11 : memref<80x128xf32, #tpu.memory_space<vmem>>) target(%dma_start3A_177 : memref<10000x128xf32, #tpu.memory_space<vmem_shared>>) offsets(%dma_start3A_174 : memref<80xi32, #tpu.memory_space<vmem>>) semaphore(%arg13 : memref<!tpu.dma_semaphore, #tpu.memory_space<semaphore_mem>>) {add = true}
    }
    %scan3A_40 = arith.constant 25 : i32
    %dma_wait3A_41 = arith.constant 49 : i32
    %dma_wait3A_42 = arith.constant 0 : i32
    %dma_wait3A_43 = tpu.memref_slice %arg9[%dma_wait3A_41, %dma_wait3A_42] : memref<50x80xi32, #tpu.memory_space<vmem>> -> memref<1x80xi32, #tpu.memory_space<vmem>>
    %dma_wait3A_44 = tpu.memref_squeeze %dma_wait3A_43 : memref<1x80xi32, #tpu.memory_space<vmem>> -> memref<80xi32, #tpu.memory_space<vmem>>
    %dma_wait3A_45 = arith.constant 0 : i32
    %dma_wait3A_46 = arith.constant 0 : i32
    %dma_wait3A_47 = tpu.memref_slice %arg7[%dma_wait3A_45, %dma_wait3A_46] : memref<10000x128xf32, #tpu.memory_space<vmem_shared>> -> memref<10000x128xf32, #tpu.memory_space<vmem_shared>>
    tpu.wait_indirect_dma semaphore(%arg13 : memref<!tpu.dma_semaphore, #tpu.memory_space<semaphore_mem>>) src(%arg11 : memref<80x128xf32, #tpu.memory_space<vmem>>) dst(%dma_wait3A_47 : memref<10000x128xf32, #tpu.memory_space<vmem_shared>>)
    %run_scoped3A_48 = arith.constant 2 : i32
    "tpu.region"() ({
      %run_scoped3A_119 = tpu.sem_alloc : memref<!tpu.dma_semaphore, #tpu.memory_space<semaphore_mem>>
      %dma_start3A_120 = arith.constant 0 : i32
      %dma_start3A_121 = arith.constant 0 : i32
      %dma_start3A_122 = tpu.memref_slice %arg4[%arg1, %run_scoped3A_48, %dma_start3A_120, %dma_start3A_121] : memref<16x5x50x80xi32, #tpu.memory_space<hbm>> -> memref<1x1x50x80xi32, #tpu.memory_space<hbm>>
      %dma_start3A_123 = tpu.memref_squeeze %dma_start3A_122 : memref<1x1x50x80xi32, #tpu.memory_space<hbm>> -> memref<50x80xi32, #tpu.memory_space<hbm>>
      %dma_start3A_124 = arith.constant 0 : i32
      %dma_start3A_125 = arith.constant 0 : i32
      %dma_start3A_126 = tpu.memref_slice %arg4[%arg1, %run_scoped3A_48, %dma_start3A_124, %dma_start3A_125] : memref<16x5x50x80xi32, #tpu.memory_space<hbm>> -> memref<1x1x50x80xi32, #tpu.memory_space<hbm>>
      %dma_start3A_127 = tpu.memref_squeeze %dma_start3A_126 : memref<1x1x50x80xi32, #tpu.memory_space<hbm>> -> memref<50x80xi32, #tpu.memory_space<hbm>>
      tpu.enqueue_dma source(%dma_start3A_127 : memref<50x80xi32, #tpu.memory_space<hbm>>) target(%arg9 : memref<50x80xi32, #tpu.memory_space<vmem>>) target_semaphore(%run_scoped3A_119 : memref<!tpu.dma_semaphore, #tpu.memory_space<semaphore_mem>>)
      %dma_wait3A_128 = arith.constant 0 : i32
      %dma_wait3A_129 = arith.constant 0 : i32
      %dma_wait3A_130 = tpu.memref_slice %arg4[%arg1, %run_scoped3A_48, %dma_wait3A_128, %dma_wait3A_129] : memref<16x5x50x80xi32, #tpu.memory_space<hbm>> -> memref<1x1x50x80xi32, #tpu.memory_space<hbm>>
      %dma_wait3A_131 = tpu.memref_squeeze %dma_wait3A_130 : memref<1x1x50x80xi32, #tpu.memory_space<hbm>> -> memref<50x80xi32, #tpu.memory_space<hbm>>
      %dma_wait3A_132 = arith.constant 0 : i32
      %dma_wait3A_133 = arith.constant 0 : i32
      %dma_wait3A_134 = tpu.memref_slice %arg4[%arg1, %run_scoped3A_48, %dma_wait3A_132, %dma_wait3A_133] : memref<16x5x50x80xi32, #tpu.memory_space<hbm>> -> memref<1x1x50x80xi32, #tpu.memory_space<hbm>>
      %dma_wait3A_135 = tpu.memref_squeeze %dma_wait3A_134 : memref<1x1x50x80xi32, #tpu.memory_space<hbm>> -> memref<50x80xi32, #tpu.memory_space<hbm>>
      tpu.wait_dma2 semaphore(%run_scoped3A_119 : memref<!tpu.dma_semaphore, #tpu.memory_space<semaphore_mem>>) src(%dma_wait3A_135 : memref<50x80xi32, #tpu.memory_space<hbm>>) dst(%arg9 : memref<50x80xi32, #tpu.memory_space<vmem>>)
      tpu.yield
    }) : () -> ()
    %multiple_of3A_49 = arith.constant 8000 : i32
    %multiple_of3A_50 = tpu.assume_multiple %multiple_of3A_49, 8 : i32
    %dma_start3A_51 = tpu.memref_slice %arg8[%multiple_of3A_50] : memref<20000xi32, #tpu.memory_space<vmem>> -> memref<80xi32, #tpu.memory_space<vmem>>
    %dma_start3A_52 = arith.constant 0 : i32
    %dma_start3A_53 = arith.constant 0 : i32
    %dma_start3A_54 = tpu.memref_slice %arg2[%dma_start3A_52, %dma_start3A_53] : memref<20000x128xf32, #tpu.memory_space<hbm>> -> memref<20000x128xf32, #tpu.memory_space<hbm>>
    tpu.enqueue_indirect_dma source(%dma_start3A_54 : memref<20000x128xf32, #tpu.memory_space<hbm>>) target(%arg10 : memref<80x128xf32, #tpu.memory_space<vmem>>) offsets(%dma_start3A_51 : memref<80xi32, #tpu.memory_space<vmem>>) semaphore(%arg12 : memref<!tpu.dma_semaphore, #tpu.memory_space<semaphore_mem>>)
    %scan3A_55 = arith.constant 0 : i32
    %scan3A_56 = arith.constant 0 : i32
    %scan3A_57 = arith.constant 25 : i32
    %scan3A_58 = arith.addi %scan3A_56, %scan3A_57 : i32
    %scan3A_59 = arith.constant 1 : i32
    scf.for %scan3A_119 = %scan3A_56 to %scan3A_58 step %scan3A_59  : i32 {
      %mul3A_120 = arith.constant 2 : i32
      %mul3A_121 = arith.muli %mul3A_120, %scan3A_119 : i32
      %add3A_122 = arith.constant 100 : i32
      %add3A_123 = arith.addi %add3A_122, %mul3A_121 : i32
      %gt3A = arith.constant 0 : i32
      %gt3A_124 = arith.cmpi sgt, %scan3A_119, %gt3A : i32
      %convert_element_type3A_125 = arith.extui %gt3A_124 : i1 to i32
      %cond3A_126 = arith.constant 0 : i32
      %cond3A_127 = arith.cmpi ne, %convert_element_type3A_125, %cond3A_126 : i32
      scf.if %cond3A_127 {
        %sub3A = arith.constant 1 : i32
        %sub3A_178 = arith.subi %mul3A_121, %sub3A : i32
        %dma_wait3A_179 = arith.constant 0 : i32
        %dma_wait3A_180 = tpu.memref_slice %arg9[%sub3A_178, %dma_wait3A_179] : memref<50x80xi32, #tpu.memory_space<vmem>> -> memref<1x80xi32, #tpu.memory_space<vmem>>
        %dma_wait3A_181 = tpu.memref_squeeze %dma_wait3A_180 : memref<1x80xi32, #tpu.memory_space<vmem>> -> memref<80xi32, #tpu.memory_space<vmem>>
        %dma_wait3A_182 = arith.constant 0 : i32
        %dma_wait3A_183 = arith.constant 0 : i32
        %dma_wait3A_184 = tpu.memref_slice %arg7[%dma_wait3A_182, %dma_wait3A_183] : memref<10000x128xf32, #tpu.memory_space<vmem_shared>> -> memref<10000x128xf32, #tpu.memory_space<vmem_shared>>
        tpu.wait_indirect_dma semaphore(%arg13 : memref<!tpu.dma_semaphore, #tpu.memory_space<semaphore_mem>>) src(%arg11 : memref<80x128xf32, #tpu.memory_space<vmem>>) dst(%dma_wait3A_184 : memref<10000x128xf32, #tpu.memory_space<vmem_shared>>)
      } else {
      }
      %add3A_128 = arith.constant 1 : i32
      %add3A_129 = arith.addi %add3A_123, %add3A_128 : i32
      %mul3A_130 = arith.constant 80 : i32
      %mul3A_131 = arith.muli %add3A_129, %mul3A_130 : i32
      %multiple_of3A_132 = tpu.assume_multiple %mul3A_131, 8 : i32
      %dma_start3A_133 = tpu.memref_slice %arg8[%multiple_of3A_132] : memref<20000xi32, #tpu.memory_space<vmem>> -> memref<80xi32, #tpu.memory_space<vmem>>
      %dma_start3A_134 = arith.constant 0 : i32
      %dma_start3A_135 = arith.constant 0 : i32
      %dma_start3A_136 = tpu.memref_slice %arg2[%dma_start3A_134, %dma_start3A_135] : memref<20000x128xf32, #tpu.memory_space<hbm>> -> memref<20000x128xf32, #tpu.memory_space<hbm>>
      tpu.enqueue_indirect_dma source(%dma_start3A_136 : memref<20000x128xf32, #tpu.memory_space<hbm>>) target(%arg11 : memref<80x128xf32, #tpu.memory_space<vmem>>) offsets(%dma_start3A_133 : memref<80xi32, #tpu.memory_space<vmem>>) semaphore(%arg12 : memref<!tpu.dma_semaphore, #tpu.memory_space<semaphore_mem>>)
      %mul3A_137 = arith.constant 80 : i32
      %mul3A_138 = arith.muli %add3A_123, %mul3A_137 : i32
      %multiple_of3A_139 = tpu.assume_multiple %mul3A_138, 8 : i32
      %dma_wait3A_140 = tpu.memref_slice %arg8[%multiple_of3A_139] : memref<20000xi32, #tpu.memory_space<vmem>> -> memref<80xi32, #tpu.memory_space<vmem>>
      %dma_wait3A_141 = arith.constant 0 : i32
      %dma_wait3A_142 = arith.constant 0 : i32
      %dma_wait3A_143 = tpu.memref_slice %arg2[%dma_wait3A_141, %dma_wait3A_142] : memref<20000x128xf32, #tpu.memory_space<hbm>> -> memref<20000x128xf32, #tpu.memory_space<hbm>>
      tpu.wait_indirect_dma semaphore(%arg12 : memref<!tpu.dma_semaphore, #tpu.memory_space<semaphore_mem>>) src(%dma_wait3A_143 : memref<20000x128xf32, #tpu.memory_space<hbm>>) dst(%arg10 : memref<80x128xf32, #tpu.memory_space<vmem>>)
      %dma_start3A_144 = arith.constant 0 : i32
      %dma_start3A_145 = tpu.memref_slice %arg9[%mul3A_121, %dma_start3A_144] : memref<50x80xi32, #tpu.memory_space<vmem>> -> memref<1x80xi32, #tpu.memory_space<vmem>>
      %dma_start3A_146 = tpu.memref_squeeze %dma_start3A_145 : memref<1x80xi32, #tpu.memory_space<vmem>> -> memref<80xi32, #tpu.memory_space<vmem>>
      %dma_start3A_147 = arith.constant 0 : i32
      %dma_start3A_148 = arith.constant 0 : i32
      %dma_start3A_149 = tpu.memref_slice %arg7[%dma_start3A_147, %dma_start3A_148] : memref<10000x128xf32, #tpu.memory_space<vmem_shared>> -> memref<10000x128xf32, #tpu.memory_space<vmem_shared>>
      tpu.enqueue_indirect_dma source(%arg10 : memref<80x128xf32, #tpu.memory_space<vmem>>) target(%dma_start3A_149 : memref<10000x128xf32, #tpu.memory_space<vmem_shared>>) offsets(%dma_start3A_146 : memref<80xi32, #tpu.memory_space<vmem>>) semaphore(%arg13 : memref<!tpu.dma_semaphore, #tpu.memory_space<semaphore_mem>>) {add = true}
      %dma_wait3A_150 = arith.constant 0 : i32
      %dma_wait3A_151 = tpu.memref_slice %arg9[%mul3A_121, %dma_wait3A_150] : memref<50x80xi32, #tpu.memory_space<vmem>> -> memref<1x80xi32, #tpu.memory_space<vmem>>
      %dma_wait3A_152 = tpu.memref_squeeze %dma_wait3A_151 : memref<1x80xi32, #tpu.memory_space<vmem>> -> memref<80xi32, #tpu.memory_space<vmem>>
      %dma_wait3A_153 = arith.constant 0 : i32
      %dma_wait3A_154 = arith.constant 0 : i32
      %dma_wait3A_155 = tpu.memref_slice %arg7[%dma_wait3A_153, %dma_wait3A_154] : memref<10000x128xf32, #tpu.memory_space<vmem_shared>> -> memref<10000x128xf32, #tpu.memory_space<vmem_shared>>
      tpu.wait_indirect_dma semaphore(%arg13 : memref<!tpu.dma_semaphore, #tpu.memory_space<semaphore_mem>>) src(%arg10 : memref<80x128xf32, #tpu.memory_space<vmem>>) dst(%dma_wait3A_155 : memref<10000x128xf32, #tpu.memory_space<vmem_shared>>)
      %lt3A_156 = arith.constant 24 : i32
      %lt3A_157 = arith.cmpi slt, %scan3A_119, %lt3A_156 : i32
      %convert_element_type3A_158 = arith.extui %lt3A_157 : i1 to i32
      %cond3A_159 = arith.constant 0 : i32
      %cond3A_160 = arith.cmpi ne, %convert_element_type3A_158, %cond3A_159 : i32
      scf.if %cond3A_160 {
        %add3A_178 = arith.constant 2 : i32
        %add3A_179 = arith.addi %add3A_123, %add3A_178 : i32
        %mul3A_180 = arith.constant 80 : i32
        %mul3A_181 = arith.muli %add3A_179, %mul3A_180 : i32
        %multiple_of3A_182 = tpu.assume_multiple %mul3A_181, 8 : i32
        %dma_start3A_183 = tpu.memref_slice %arg8[%multiple_of3A_182] : memref<20000xi32, #tpu.memory_space<vmem>> -> memref<80xi32, #tpu.memory_space<vmem>>
        %dma_start3A_184 = arith.constant 0 : i32
        %dma_start3A_185 = arith.constant 0 : i32
        %dma_start3A_186 = tpu.memref_slice %arg2[%dma_start3A_184, %dma_start3A_185] : memref<20000x128xf32, #tpu.memory_space<hbm>> -> memref<20000x128xf32, #tpu.memory_space<hbm>>
        tpu.enqueue_indirect_dma source(%dma_start3A_186 : memref<20000x128xf32, #tpu.memory_space<hbm>>) target(%arg10 : memref<80x128xf32, #tpu.memory_space<vmem>>) offsets(%dma_start3A_183 : memref<80xi32, #tpu.memory_space<vmem>>) semaphore(%arg12 : memref<!tpu.dma_semaphore, #tpu.memory_space<semaphore_mem>>)
      } else {
      }
      %add3A_161 = arith.constant 1 : i32
      %add3A_162 = arith.addi %add3A_123, %add3A_161 : i32
      %mul3A_163 = arith.constant 80 : i32
      %mul3A_164 = arith.muli %add3A_162, %mul3A_163 : i32
      %multiple_of3A_165 = tpu.assume_multiple %mul3A_164, 8 : i32
      %dma_wait3A_166 = tpu.memref_slice %arg8[%multiple_of3A_165] : memref<20000xi32, #tpu.memory_space<vmem>> -> memref<80xi32, #tpu.memory_space<vmem>>
      %dma_wait3A_167 = arith.constant 0 : i32
      %dma_wait3A_168 = arith.constant 0 : i32
      %dma_wait3A_169 = tpu.memref_slice %arg2[%dma_wait3A_167, %dma_wait3A_168] : memref<20000x128xf32, #tpu.memory_space<hbm>> -> memref<20000x128xf32, #tpu.memory_space<hbm>>
      tpu.wait_indirect_dma semaphore(%arg12 : memref<!tpu.dma_semaphore, #tpu.memory_space<semaphore_mem>>) src(%dma_wait3A_169 : memref<20000x128xf32, #tpu.memory_space<hbm>>) dst(%arg11 : memref<80x128xf32, #tpu.memory_space<vmem>>)
      %add3A_170 = arith.constant 1 : i32
      %add3A_171 = arith.addi %mul3A_121, %add3A_170 : i32
      %dma_start3A_172 = arith.constant 0 : i32
      %dma_start3A_173 = tpu.memref_slice %arg9[%add3A_171, %dma_start3A_172] : memref<50x80xi32, #tpu.memory_space<vmem>> -> memref<1x80xi32, #tpu.memory_space<vmem>>
      %dma_start3A_174 = tpu.memref_squeeze %dma_start3A_173 : memref<1x80xi32, #tpu.memory_space<vmem>> -> memref<80xi32, #tpu.memory_space<vmem>>
      %dma_start3A_175 = arith.constant 0 : i32
      %dma_start3A_176 = arith.constant 0 : i32
      %dma_start3A_177 = tpu.memref_slice %arg7[%dma_start3A_175, %dma_start3A_176] : memref<10000x128xf32, #tpu.memory_space<vmem_shared>> -> memref<10000x128xf32, #tpu.memory_space<vmem_shared>>
      tpu.enqueue_indirect_dma source(%arg11 : memref<80x128xf32, #tpu.memory_space<vmem>>) target(%dma_start3A_177 : memref<10000x128xf32, #tpu.memory_space<vmem_shared>>) offsets(%dma_start3A_174 : memref<80xi32, #tpu.memory_space<vmem>>) semaphore(%arg13 : memref<!tpu.dma_semaphore, #tpu.memory_space<semaphore_mem>>) {add = true}
    }
    %scan3A_60 = arith.constant 25 : i32
    %dma_wait3A_61 = arith.constant 49 : i32
    %dma_wait3A_62 = arith.constant 0 : i32
    %dma_wait3A_63 = tpu.memref_slice %arg9[%dma_wait3A_61, %dma_wait3A_62] : memref<50x80xi32, #tpu.memory_space<vmem>> -> memref<1x80xi32, #tpu.memory_space<vmem>>
    %dma_wait3A_64 = tpu.memref_squeeze %dma_wait3A_63 : memref<1x80xi32, #tpu.memory_space<vmem>> -> memref<80xi32, #tpu.memory_space<vmem>>
    %dma_wait3A_65 = arith.constant 0 : i32
    %dma_wait3A_66 = arith.constant 0 : i32
    %dma_wait3A_67 = tpu.memref_slice %arg7[%dma_wait3A_65, %dma_wait3A_66] : memref<10000x128xf32, #tpu.memory_space<vmem_shared>> -> memref<10000x128xf32, #tpu.memory_space<vmem_shared>>
    tpu.wait_indirect_dma semaphore(%arg13 : memref<!tpu.dma_semaphore, #tpu.memory_space<semaphore_mem>>) src(%arg11 : memref<80x128xf32, #tpu.memory_space<vmem>>) dst(%dma_wait3A_67 : memref<10000x128xf32, #tpu.memory_space<vmem_shared>>)
    %run_scoped3A_68 = arith.constant 3 : i32
    "tpu.region"() ({
      %run_scoped3A_119 = tpu.sem_alloc : memref<!tpu.dma_semaphore, #tpu.memory_space<semaphore_mem>>
      %dma_start3A_120 = arith.constant 0 : i32
      %dma_start3A_121 = arith.constant 0 : i32
      %dma_start3A_122 = tpu.memref_slice %arg4[%arg1, %run_scoped3A_68, %dma_start3A_120, %dma_start3A_121] : memref<16x5x50x80xi32, #tpu.memory_space<hbm>> -> memref<1x1x50x80xi32, #tpu.memory_space<hbm>>
      %dma_start3A_123 = tpu.memref_squeeze %dma_start3A_122 : memref<1x1x50x80xi32, #tpu.memory_space<hbm>> -> memref<50x80xi32, #tpu.memory_space<hbm>>
      %dma_start3A_124 = arith.constant 0 : i32
      %dma_start3A_125 = arith.constant 0 : i32
      %dma_start3A_126 = tpu.memref_slice %arg4[%arg1, %run_scoped3A_68, %dma_start3A_124, %dma_start3A_125] : memref<16x5x50x80xi32, #tpu.memory_space<hbm>> -> memref<1x1x50x80xi32, #tpu.memory_space<hbm>>
      %dma_start3A_127 = tpu.memref_squeeze %dma_start3A_126 : memref<1x1x50x80xi32, #tpu.memory_space<hbm>> -> memref<50x80xi32, #tpu.memory_space<hbm>>
      tpu.enqueue_dma source(%dma_start3A_127 : memref<50x80xi32, #tpu.memory_space<hbm>>) target(%arg9 : memref<50x80xi32, #tpu.memory_space<vmem>>) target_semaphore(%run_scoped3A_119 : memref<!tpu.dma_semaphore, #tpu.memory_space<semaphore_mem>>)
      %dma_wait3A_128 = arith.constant 0 : i32
      %dma_wait3A_129 = arith.constant 0 : i32
      %dma_wait3A_130 = tpu.memref_slice %arg4[%arg1, %run_scoped3A_68, %dma_wait3A_128, %dma_wait3A_129] : memref<16x5x50x80xi32, #tpu.memory_space<hbm>> -> memref<1x1x50x80xi32, #tpu.memory_space<hbm>>
      %dma_wait3A_131 = tpu.memref_squeeze %dma_wait3A_130 : memref<1x1x50x80xi32, #tpu.memory_space<hbm>> -> memref<50x80xi32, #tpu.memory_space<hbm>>
      %dma_wait3A_132 = arith.constant 0 : i32
      %dma_wait3A_133 = arith.constant 0 : i32
      %dma_wait3A_134 = tpu.memref_slice %arg4[%arg1, %run_scoped3A_68, %dma_wait3A_132, %dma_wait3A_133] : memref<16x5x50x80xi32, #tpu.memory_space<hbm>> -> memref<1x1x50x80xi32, #tpu.memory_space<hbm>>
      %dma_wait3A_135 = tpu.memref_squeeze %dma_wait3A_134 : memref<1x1x50x80xi32, #tpu.memory_space<hbm>> -> memref<50x80xi32, #tpu.memory_space<hbm>>
      tpu.wait_dma2 semaphore(%run_scoped3A_119 : memref<!tpu.dma_semaphore, #tpu.memory_space<semaphore_mem>>) src(%dma_wait3A_135 : memref<50x80xi32, #tpu.memory_space<hbm>>) dst(%arg9 : memref<50x80xi32, #tpu.memory_space<vmem>>)
      tpu.yield
    }) : () -> ()
    %multiple_of3A_69 = arith.constant 12000 : i32
    %multiple_of3A_70 = tpu.assume_multiple %multiple_of3A_69, 8 : i32
    %dma_start3A_71 = tpu.memref_slice %arg8[%multiple_of3A_70] : memref<20000xi32, #tpu.memory_space<vmem>> -> memref<80xi32, #tpu.memory_space<vmem>>
    %dma_start3A_72 = arith.constant 0 : i32
    %dma_start3A_73 = arith.constant 0 : i32
    %dma_start3A_74 = tpu.memref_slice %arg2[%dma_start3A_72, %dma_start3A_73] : memref<20000x128xf32, #tpu.memory_space<hbm>> -> memref<20000x128xf32, #tpu.memory_space<hbm>>
    tpu.enqueue_indirect_dma source(%dma_start3A_74 : memref<20000x128xf32, #tpu.memory_space<hbm>>) target(%arg10 : memref<80x128xf32, #tpu.memory_space<vmem>>) offsets(%dma_start3A_71 : memref<80xi32, #tpu.memory_space<vmem>>) semaphore(%arg12 : memref<!tpu.dma_semaphore, #tpu.memory_space<semaphore_mem>>)
    %scan3A_75 = arith.constant 0 : i32
    %scan3A_76 = arith.constant 0 : i32
    %scan3A_77 = arith.constant 25 : i32
    %scan3A_78 = arith.addi %scan3A_76, %scan3A_77 : i32
    %scan3A_79 = arith.constant 1 : i32
    scf.for %scan3A_119 = %scan3A_76 to %scan3A_78 step %scan3A_79  : i32 {
      %mul3A_120 = arith.constant 2 : i32
      %mul3A_121 = arith.muli %mul3A_120, %scan3A_119 : i32
      %add3A_122 = arith.constant 150 : i32
      %add3A_123 = arith.addi %add3A_122, %mul3A_121 : i32
      %gt3A = arith.constant 0 : i32
      %gt3A_124 = arith.cmpi sgt, %scan3A_119, %gt3A : i32
      %convert_element_type3A_125 = arith.extui %gt3A_124 : i1 to i32
      %cond3A_126 = arith.constant 0 : i32
      %cond3A_127 = arith.cmpi ne, %convert_element_type3A_125, %cond3A_126 : i32
      scf.if %cond3A_127 {
        %sub3A = arith.constant 1 : i32
        %sub3A_178 = arith.subi %mul3A_121, %sub3A : i32
        %dma_wait3A_179 = arith.constant 0 : i32
        %dma_wait3A_180 = tpu.memref_slice %arg9[%sub3A_178, %dma_wait3A_179] : memref<50x80xi32, #tpu.memory_space<vmem>> -> memref<1x80xi32, #tpu.memory_space<vmem>>
        %dma_wait3A_181 = tpu.memref_squeeze %dma_wait3A_180 : memref<1x80xi32, #tpu.memory_space<vmem>> -> memref<80xi32, #tpu.memory_space<vmem>>
        %dma_wait3A_182 = arith.constant 0 : i32
        %dma_wait3A_183 = arith.constant 0 : i32
        %dma_wait3A_184 = tpu.memref_slice %arg7[%dma_wait3A_182, %dma_wait3A_183] : memref<10000x128xf32, #tpu.memory_space<vmem_shared>> -> memref<10000x128xf32, #tpu.memory_space<vmem_shared>>
        tpu.wait_indirect_dma semaphore(%arg13 : memref<!tpu.dma_semaphore, #tpu.memory_space<semaphore_mem>>) src(%arg11 : memref<80x128xf32, #tpu.memory_space<vmem>>) dst(%dma_wait3A_184 : memref<10000x128xf32, #tpu.memory_space<vmem_shared>>)
      } else {
      }
      %add3A_128 = arith.constant 1 : i32
      %add3A_129 = arith.addi %add3A_123, %add3A_128 : i32
      %mul3A_130 = arith.constant 80 : i32
      %mul3A_131 = arith.muli %add3A_129, %mul3A_130 : i32
      %multiple_of3A_132 = tpu.assume_multiple %mul3A_131, 8 : i32
      %dma_start3A_133 = tpu.memref_slice %arg8[%multiple_of3A_132] : memref<20000xi32, #tpu.memory_space<vmem>> -> memref<80xi32, #tpu.memory_space<vmem>>
      %dma_start3A_134 = arith.constant 0 : i32
      %dma_start3A_135 = arith.constant 0 : i32
      %dma_start3A_136 = tpu.memref_slice %arg2[%dma_start3A_134, %dma_start3A_135] : memref<20000x128xf32, #tpu.memory_space<hbm>> -> memref<20000x128xf32, #tpu.memory_space<hbm>>
      tpu.enqueue_indirect_dma source(%dma_start3A_136 : memref<20000x128xf32, #tpu.memory_space<hbm>>) target(%arg11 : memref<80x128xf32, #tpu.memory_space<vmem>>) offsets(%dma_start3A_133 : memref<80xi32, #tpu.memory_space<vmem>>) semaphore(%arg12 : memref<!tpu.dma_semaphore, #tpu.memory_space<semaphore_mem>>)
      %mul3A_137 = arith.constant 80 : i32
      %mul3A_138 = arith.muli %add3A_123, %mul3A_137 : i32
      %multiple_of3A_139 = tpu.assume_multiple %mul3A_138, 8 : i32
      %dma_wait3A_140 = tpu.memref_slice %arg8[%multiple_of3A_139] : memref<20000xi32, #tpu.memory_space<vmem>> -> memref<80xi32, #tpu.memory_space<vmem>>
      %dma_wait3A_141 = arith.constant 0 : i32
      %dma_wait3A_142 = arith.constant 0 : i32
      %dma_wait3A_143 = tpu.memref_slice %arg2[%dma_wait3A_141, %dma_wait3A_142] : memref<20000x128xf32, #tpu.memory_space<hbm>> -> memref<20000x128xf32, #tpu.memory_space<hbm>>
      tpu.wait_indirect_dma semaphore(%arg12 : memref<!tpu.dma_semaphore, #tpu.memory_space<semaphore_mem>>) src(%dma_wait3A_143 : memref<20000x128xf32, #tpu.memory_space<hbm>>) dst(%arg10 : memref<80x128xf32, #tpu.memory_space<vmem>>)
      %dma_start3A_144 = arith.constant 0 : i32
      %dma_start3A_145 = tpu.memref_slice %arg9[%mul3A_121, %dma_start3A_144] : memref<50x80xi32, #tpu.memory_space<vmem>> -> memref<1x80xi32, #tpu.memory_space<vmem>>
      %dma_start3A_146 = tpu.memref_squeeze %dma_start3A_145 : memref<1x80xi32, #tpu.memory_space<vmem>> -> memref<80xi32, #tpu.memory_space<vmem>>
      %dma_start3A_147 = arith.constant 0 : i32
      %dma_start3A_148 = arith.constant 0 : i32
      %dma_start3A_149 = tpu.memref_slice %arg7[%dma_start3A_147, %dma_start3A_148] : memref<10000x128xf32, #tpu.memory_space<vmem_shared>> -> memref<10000x128xf32, #tpu.memory_space<vmem_shared>>
      tpu.enqueue_indirect_dma source(%arg10 : memref<80x128xf32, #tpu.memory_space<vmem>>) target(%dma_start3A_149 : memref<10000x128xf32, #tpu.memory_space<vmem_shared>>) offsets(%dma_start3A_146 : memref<80xi32, #tpu.memory_space<vmem>>) semaphore(%arg13 : memref<!tpu.dma_semaphore, #tpu.memory_space<semaphore_mem>>) {add = true}
      %dma_wait3A_150 = arith.constant 0 : i32
      %dma_wait3A_151 = tpu.memref_slice %arg9[%mul3A_121, %dma_wait3A_150] : memref<50x80xi32, #tpu.memory_space<vmem>> -> memref<1x80xi32, #tpu.memory_space<vmem>>
      %dma_wait3A_152 = tpu.memref_squeeze %dma_wait3A_151 : memref<1x80xi32, #tpu.memory_space<vmem>> -> memref<80xi32, #tpu.memory_space<vmem>>
      %dma_wait3A_153 = arith.constant 0 : i32
      %dma_wait3A_154 = arith.constant 0 : i32
      %dma_wait3A_155 = tpu.memref_slice %arg7[%dma_wait3A_153, %dma_wait3A_154] : memref<10000x128xf32, #tpu.memory_space<vmem_shared>> -> memref<10000x128xf32, #tpu.memory_space<vmem_shared>>
      tpu.wait_indirect_dma semaphore(%arg13 : memref<!tpu.dma_semaphore, #tpu.memory_space<semaphore_mem>>) src(%arg10 : memref<80x128xf32, #tpu.memory_space<vmem>>) dst(%dma_wait3A_155 : memref<10000x128xf32, #tpu.memory_space<vmem_shared>>)
      %lt3A_156 = arith.constant 24 : i32
      %lt3A_157 = arith.cmpi slt, %scan3A_119, %lt3A_156 : i32
      %convert_element_type3A_158 = arith.extui %lt3A_157 : i1 to i32
      %cond3A_159 = arith.constant 0 : i32
      %cond3A_160 = arith.cmpi ne, %convert_element_type3A_158, %cond3A_159 : i32
      scf.if %cond3A_160 {
        %add3A_178 = arith.constant 2 : i32
        %add3A_179 = arith.addi %add3A_123, %add3A_178 : i32
        %mul3A_180 = arith.constant 80 : i32
        %mul3A_181 = arith.muli %add3A_179, %mul3A_180 : i32
        %multiple_of3A_182 = tpu.assume_multiple %mul3A_181, 8 : i32
        %dma_start3A_183 = tpu.memref_slice %arg8[%multiple_of3A_182] : memref<20000xi32, #tpu.memory_space<vmem>> -> memref<80xi32, #tpu.memory_space<vmem>>
        %dma_start3A_184 = arith.constant 0 : i32
        %dma_start3A_185 = arith.constant 0 : i32
        %dma_start3A_186 = tpu.memref_slice %arg2[%dma_start3A_184, %dma_start3A_185] : memref<20000x128xf32, #tpu.memory_space<hbm>> -> memref<20000x128xf32, #tpu.memory_space<hbm>>
        tpu.enqueue_indirect_dma source(%dma_start3A_186 : memref<20000x128xf32, #tpu.memory_space<hbm>>) target(%arg10 : memref<80x128xf32, #tpu.memory_space<vmem>>) offsets(%dma_start3A_183 : memref<80xi32, #tpu.memory_space<vmem>>) semaphore(%arg12 : memref<!tpu.dma_semaphore, #tpu.memory_space<semaphore_mem>>)
      } else {
      }
      %add3A_161 = arith.constant 1 : i32
      %add3A_162 = arith.addi %add3A_123, %add3A_161 : i32
      %mul3A_163 = arith.constant 80 : i32
      %mul3A_164 = arith.muli %add3A_162, %mul3A_163 : i32
      %multiple_of3A_165 = tpu.assume_multiple %mul3A_164, 8 : i32
      %dma_wait3A_166 = tpu.memref_slice %arg8[%multiple_of3A_165] : memref<20000xi32, #tpu.memory_space<vmem>> -> memref<80xi32, #tpu.memory_space<vmem>>
      %dma_wait3A_167 = arith.constant 0 : i32
      %dma_wait3A_168 = arith.constant 0 : i32
      %dma_wait3A_169 = tpu.memref_slice %arg2[%dma_wait3A_167, %dma_wait3A_168] : memref<20000x128xf32, #tpu.memory_space<hbm>> -> memref<20000x128xf32, #tpu.memory_space<hbm>>
      tpu.wait_indirect_dma semaphore(%arg12 : memref<!tpu.dma_semaphore, #tpu.memory_space<semaphore_mem>>) src(%dma_wait3A_169 : memref<20000x128xf32, #tpu.memory_space<hbm>>) dst(%arg11 : memref<80x128xf32, #tpu.memory_space<vmem>>)
      %add3A_170 = arith.constant 1 : i32
      %add3A_171 = arith.addi %mul3A_121, %add3A_170 : i32
      %dma_start3A_172 = arith.constant 0 : i32
      %dma_start3A_173 = tpu.memref_slice %arg9[%add3A_171, %dma_start3A_172] : memref<50x80xi32, #tpu.memory_space<vmem>> -> memref<1x80xi32, #tpu.memory_space<vmem>>
      %dma_start3A_174 = tpu.memref_squeeze %dma_start3A_173 : memref<1x80xi32, #tpu.memory_space<vmem>> -> memref<80xi32, #tpu.memory_space<vmem>>
      %dma_start3A_175 = arith.constant 0 : i32
      %dma_start3A_176 = arith.constant 0 : i32
      %dma_start3A_177 = tpu.memref_slice %arg7[%dma_start3A_175, %dma_start3A_176] : memref<10000x128xf32, #tpu.memory_space<vmem_shared>> -> memref<10000x128xf32, #tpu.memory_space<vmem_shared>>
      tpu.enqueue_indirect_dma source(%arg11 : memref<80x128xf32, #tpu.memory_space<vmem>>) target(%dma_start3A_177 : memref<10000x128xf32, #tpu.memory_space<vmem_shared>>) offsets(%dma_start3A_174 : memref<80xi32, #tpu.memory_space<vmem>>) semaphore(%arg13 : memref<!tpu.dma_semaphore, #tpu.memory_space<semaphore_mem>>) {add = true}
    }
    %scan3A_80 = arith.constant 25 : i32
    %dma_wait3A_81 = arith.constant 49 : i32
    %dma_wait3A_82 = arith.constant 0 : i32
    %dma_wait3A_83 = tpu.memref_slice %arg9[%dma_wait3A_81, %dma_wait3A_82] : memref<50x80xi32, #tpu.memory_space<vmem>> -> memref<1x80xi32, #tpu.memory_space<vmem>>
    %dma_wait3A_84 = tpu.memref_squeeze %dma_wait3A_83 : memref<1x80xi32, #tpu.memory_space<vmem>> -> memref<80xi32, #tpu.memory_space<vmem>>
    %dma_wait3A_85 = arith.constant 0 : i32
    %dma_wait3A_86 = arith.constant 0 : i32
    %dma_wait3A_87 = tpu.memref_slice %arg7[%dma_wait3A_85, %dma_wait3A_86] : memref<10000x128xf32, #tpu.memory_space<vmem_shared>> -> memref<10000x128xf32, #tpu.memory_space<vmem_shared>>
    tpu.wait_indirect_dma semaphore(%arg13 : memref<!tpu.dma_semaphore, #tpu.memory_space<semaphore_mem>>) src(%arg11 : memref<80x128xf32, #tpu.memory_space<vmem>>) dst(%dma_wait3A_87 : memref<10000x128xf32, #tpu.memory_space<vmem_shared>>)
    %run_scoped3A_88 = arith.constant 4 : i32
    "tpu.region"() ({
      %run_scoped3A_119 = tpu.sem_alloc : memref<!tpu.dma_semaphore, #tpu.memory_space<semaphore_mem>>
      %dma_start3A_120 = arith.constant 0 : i32
      %dma_start3A_121 = arith.constant 0 : i32
      %dma_start3A_122 = tpu.memref_slice %arg4[%arg1, %run_scoped3A_88, %dma_start3A_120, %dma_start3A_121] : memref<16x5x50x80xi32, #tpu.memory_space<hbm>> -> memref<1x1x50x80xi32, #tpu.memory_space<hbm>>
      %dma_start3A_123 = tpu.memref_squeeze %dma_start3A_122 : memref<1x1x50x80xi32, #tpu.memory_space<hbm>> -> memref<50x80xi32, #tpu.memory_space<hbm>>
      %dma_start3A_124 = arith.constant 0 : i32
      %dma_start3A_125 = arith.constant 0 : i32
      %dma_start3A_126 = tpu.memref_slice %arg4[%arg1, %run_scoped3A_88, %dma_start3A_124, %dma_start3A_125] : memref<16x5x50x80xi32, #tpu.memory_space<hbm>> -> memref<1x1x50x80xi32, #tpu.memory_space<hbm>>
      %dma_start3A_127 = tpu.memref_squeeze %dma_start3A_126 : memref<1x1x50x80xi32, #tpu.memory_space<hbm>> -> memref<50x80xi32, #tpu.memory_space<hbm>>
      tpu.enqueue_dma source(%dma_start3A_127 : memref<50x80xi32, #tpu.memory_space<hbm>>) target(%arg9 : memref<50x80xi32, #tpu.memory_space<vmem>>) target_semaphore(%run_scoped3A_119 : memref<!tpu.dma_semaphore, #tpu.memory_space<semaphore_mem>>)
      %dma_wait3A_128 = arith.constant 0 : i32
      %dma_wait3A_129 = arith.constant 0 : i32
      %dma_wait3A_130 = tpu.memref_slice %arg4[%arg1, %run_scoped3A_88, %dma_wait3A_128, %dma_wait3A_129] : memref<16x5x50x80xi32, #tpu.memory_space<hbm>> -> memref<1x1x50x80xi32, #tpu.memory_space<hbm>>
      %dma_wait3A_131 = tpu.memref_squeeze %dma_wait3A_130 : memref<1x1x50x80xi32, #tpu.memory_space<hbm>> -> memref<50x80xi32, #tpu.memory_space<hbm>>
      %dma_wait3A_132 = arith.constant 0 : i32
      %dma_wait3A_133 = arith.constant 0 : i32
      %dma_wait3A_134 = tpu.memref_slice %arg4[%arg1, %run_scoped3A_88, %dma_wait3A_132, %dma_wait3A_133] : memref<16x5x50x80xi32, #tpu.memory_space<hbm>> -> memref<1x1x50x80xi32, #tpu.memory_space<hbm>>
      %dma_wait3A_135 = tpu.memref_squeeze %dma_wait3A_134 : memref<1x1x50x80xi32, #tpu.memory_space<hbm>> -> memref<50x80xi32, #tpu.memory_space<hbm>>
      tpu.wait_dma2 semaphore(%run_scoped3A_119 : memref<!tpu.dma_semaphore, #tpu.memory_space<semaphore_mem>>) src(%dma_wait3A_135 : memref<50x80xi32, #tpu.memory_space<hbm>>) dst(%arg9 : memref<50x80xi32, #tpu.memory_space<vmem>>)
      tpu.yield
    }) : () -> ()
    %multiple_of3A_89 = arith.constant 16000 : i32
    %multiple_of3A_90 = tpu.assume_multiple %multiple_of3A_89, 8 : i32
    %dma_start3A_91 = tpu.memref_slice %arg8[%multiple_of3A_90] : memref<20000xi32, #tpu.memory_space<vmem>> -> memref<80xi32, #tpu.memory_space<vmem>>
    %dma_start3A_92 = arith.constant 0 : i32
    %dma_start3A_93 = arith.constant 0 : i32
    %dma_start3A_94 = tpu.memref_slice %arg2[%dma_start3A_92, %dma_start3A_93] : memref<20000x128xf32, #tpu.memory_space<hbm>> -> memref<20000x128xf32, #tpu.memory_space<hbm>>
    tpu.enqueue_indirect_dma source(%dma_start3A_94 : memref<20000x128xf32, #tpu.memory_space<hbm>>) target(%arg10 : memref<80x128xf32, #tpu.memory_space<vmem>>) offsets(%dma_start3A_91 : memref<80xi32, #tpu.memory_space<vmem>>) semaphore(%arg12 : memref<!tpu.dma_semaphore, #tpu.memory_space<semaphore_mem>>)
    %scan3A_95 = arith.constant 0 : i32
    %scan3A_96 = arith.constant 0 : i32
    %scan3A_97 = arith.constant 25 : i32
    %scan3A_98 = arith.addi %scan3A_96, %scan3A_97 : i32
    %scan3A_99 = arith.constant 1 : i32
    scf.for %scan3A_119 = %scan3A_96 to %scan3A_98 step %scan3A_99  : i32 {
      %mul3A_120 = arith.constant 2 : i32
      %mul3A_121 = arith.muli %mul3A_120, %scan3A_119 : i32
      %add3A_122 = arith.constant 200 : i32
      %add3A_123 = arith.addi %add3A_122, %mul3A_121 : i32
      %gt3A = arith.constant 0 : i32
      %gt3A_124 = arith.cmpi sgt, %scan3A_119, %gt3A : i32
      %convert_element_type3A_125 = arith.extui %gt3A_124 : i1 to i32
      %cond3A_126 = arith.constant 0 : i32
      %cond3A_127 = arith.cmpi ne, %convert_element_type3A_125, %cond3A_126 : i32
      scf.if %cond3A_127 {
        %sub3A = arith.constant 1 : i32
        %sub3A_178 = arith.subi %mul3A_121, %sub3A : i32
        %dma_wait3A_179 = arith.constant 0 : i32
        %dma_wait3A_180 = tpu.memref_slice %arg9[%sub3A_178, %dma_wait3A_179] : memref<50x80xi32, #tpu.memory_space<vmem>> -> memref<1x80xi32, #tpu.memory_space<vmem>>
        %dma_wait3A_181 = tpu.memref_squeeze %dma_wait3A_180 : memref<1x80xi32, #tpu.memory_space<vmem>> -> memref<80xi32, #tpu.memory_space<vmem>>
        %dma_wait3A_182 = arith.constant 0 : i32
        %dma_wait3A_183 = arith.constant 0 : i32
        %dma_wait3A_184 = tpu.memref_slice %arg7[%dma_wait3A_182, %dma_wait3A_183] : memref<10000x128xf32, #tpu.memory_space<vmem_shared>> -> memref<10000x128xf32, #tpu.memory_space<vmem_shared>>
        tpu.wait_indirect_dma semaphore(%arg13 : memref<!tpu.dma_semaphore, #tpu.memory_space<semaphore_mem>>) src(%arg11 : memref<80x128xf32, #tpu.memory_space<vmem>>) dst(%dma_wait3A_184 : memref<10000x128xf32, #tpu.memory_space<vmem_shared>>)
      } else {
      }
      %add3A_128 = arith.constant 1 : i32
      %add3A_129 = arith.addi %add3A_123, %add3A_128 : i32
      %mul3A_130 = arith.constant 80 : i32
      %mul3A_131 = arith.muli %add3A_129, %mul3A_130 : i32
      %multiple_of3A_132 = tpu.assume_multiple %mul3A_131, 8 : i32
      %dma_start3A_133 = tpu.memref_slice %arg8[%multiple_of3A_132] : memref<20000xi32, #tpu.memory_space<vmem>> -> memref<80xi32, #tpu.memory_space<vmem>>
      %dma_start3A_134 = arith.constant 0 : i32
      %dma_start3A_135 = arith.constant 0 : i32
      %dma_start3A_136 = tpu.memref_slice %arg2[%dma_start3A_134, %dma_start3A_135] : memref<20000x128xf32, #tpu.memory_space<hbm>> -> memref<20000x128xf32, #tpu.memory_space<hbm>>
      tpu.enqueue_indirect_dma source(%dma_start3A_136 : memref<20000x128xf32, #tpu.memory_space<hbm>>) target(%arg11 : memref<80x128xf32, #tpu.memory_space<vmem>>) offsets(%dma_start3A_133 : memref<80xi32, #tpu.memory_space<vmem>>) semaphore(%arg12 : memref<!tpu.dma_semaphore, #tpu.memory_space<semaphore_mem>>)
      %mul3A_137 = arith.constant 80 : i32
      %mul3A_138 = arith.muli %add3A_123, %mul3A_137 : i32
      %multiple_of3A_139 = tpu.assume_multiple %mul3A_138, 8 : i32
      %dma_wait3A_140 = tpu.memref_slice %arg8[%multiple_of3A_139] : memref<20000xi32, #tpu.memory_space<vmem>> -> memref<80xi32, #tpu.memory_space<vmem>>
      %dma_wait3A_141 = arith.constant 0 : i32
      %dma_wait3A_142 = arith.constant 0 : i32
      %dma_wait3A_143 = tpu.memref_slice %arg2[%dma_wait3A_141, %dma_wait3A_142] : memref<20000x128xf32, #tpu.memory_space<hbm>> -> memref<20000x128xf32, #tpu.memory_space<hbm>>
      tpu.wait_indirect_dma semaphore(%arg12 : memref<!tpu.dma_semaphore, #tpu.memory_space<semaphore_mem>>) src(%dma_wait3A_143 : memref<20000x128xf32, #tpu.memory_space<hbm>>) dst(%arg10 : memref<80x128xf32, #tpu.memory_space<vmem>>)
      %dma_start3A_144 = arith.constant 0 : i32
      %dma_start3A_145 = tpu.memref_slice %arg9[%mul3A_121, %dma_start3A_144] : memref<50x80xi32, #tpu.memory_space<vmem>> -> memref<1x80xi32, #tpu.memory_space<vmem>>
      %dma_start3A_146 = tpu.memref_squeeze %dma_start3A_145 : memref<1x80xi32, #tpu.memory_space<vmem>> -> memref<80xi32, #tpu.memory_space<vmem>>
      %dma_start3A_147 = arith.constant 0 : i32
      %dma_start3A_148 = arith.constant 0 : i32
      %dma_start3A_149 = tpu.memref_slice %arg7[%dma_start3A_147, %dma_start3A_148] : memref<10000x128xf32, #tpu.memory_space<vmem_shared>> -> memref<10000x128xf32, #tpu.memory_space<vmem_shared>>
      tpu.enqueue_indirect_dma source(%arg10 : memref<80x128xf32, #tpu.memory_space<vmem>>) target(%dma_start3A_149 : memref<10000x128xf32, #tpu.memory_space<vmem_shared>>) offsets(%dma_start3A_146 : memref<80xi32, #tpu.memory_space<vmem>>) semaphore(%arg13 : memref<!tpu.dma_semaphore, #tpu.memory_space<semaphore_mem>>) {add = true}
      %dma_wait3A_150 = arith.constant 0 : i32
      %dma_wait3A_151 = tpu.memref_slice %arg9[%mul3A_121, %dma_wait3A_150] : memref<50x80xi32, #tpu.memory_space<vmem>> -> memref<1x80xi32, #tpu.memory_space<vmem>>
      %dma_wait3A_152 = tpu.memref_squeeze %dma_wait3A_151 : memref<1x80xi32, #tpu.memory_space<vmem>> -> memref<80xi32, #tpu.memory_space<vmem>>
      %dma_wait3A_153 = arith.constant 0 : i32
      %dma_wait3A_154 = arith.constant 0 : i32
      %dma_wait3A_155 = tpu.memref_slice %arg7[%dma_wait3A_153, %dma_wait3A_154] : memref<10000x128xf32, #tpu.memory_space<vmem_shared>> -> memref<10000x128xf32, #tpu.memory_space<vmem_shared>>
      tpu.wait_indirect_dma semaphore(%arg13 : memref<!tpu.dma_semaphore, #tpu.memory_space<semaphore_mem>>) src(%arg10 : memref<80x128xf32, #tpu.memory_space<vmem>>) dst(%dma_wait3A_155 : memref<10000x128xf32, #tpu.memory_space<vmem_shared>>)
      %lt3A_156 = arith.constant 24 : i32
      %lt3A_157 = arith.cmpi slt, %scan3A_119, %lt3A_156 : i32
      %convert_element_type3A_158 = arith.extui %lt3A_157 : i1 to i32
      %cond3A_159 = arith.constant 0 : i32
      %cond3A_160 = arith.cmpi ne, %convert_element_type3A_158, %cond3A_159 : i32
      scf.if %cond3A_160 {
        %add3A_178 = arith.constant 2 : i32
        %add3A_179 = arith.addi %add3A_123, %add3A_178 : i32
        %mul3A_180 = arith.constant 80 : i32
        %mul3A_181 = arith.muli %add3A_179, %mul3A_180 : i32
        %multiple_of3A_182 = tpu.assume_multiple %mul3A_181, 8 : i32
        %dma_start3A_183 = tpu.memref_slice %arg8[%multiple_of3A_182] : memref<20000xi32, #tpu.memory_space<vmem>> -> memref<80xi32, #tpu.memory_space<vmem>>
        %dma_start3A_184 = arith.constant 0 : i32
        %dma_start3A_185 = arith.constant 0 : i32
        %dma_start3A_186 = tpu.memref_slice %arg2[%dma_start3A_184, %dma_start3A_185] : memref<20000x128xf32, #tpu.memory_space<hbm>> -> memref<20000x128xf32, #tpu.memory_space<hbm>>
        tpu.enqueue_indirect_dma source(%dma_start3A_186 : memref<20000x128xf32, #tpu.memory_space<hbm>>) target(%arg10 : memref<80x128xf32, #tpu.memory_space<vmem>>) offsets(%dma_start3A_183 : memref<80xi32, #tpu.memory_space<vmem>>) semaphore(%arg12 : memref<!tpu.dma_semaphore, #tpu.memory_space<semaphore_mem>>)
      } else {
      }
      %add3A_161 = arith.constant 1 : i32
      %add3A_162 = arith.addi %add3A_123, %add3A_161 : i32
      %mul3A_163 = arith.constant 80 : i32
      %mul3A_164 = arith.muli %add3A_162, %mul3A_163 : i32
      %multiple_of3A_165 = tpu.assume_multiple %mul3A_164, 8 : i32
      %dma_wait3A_166 = tpu.memref_slice %arg8[%multiple_of3A_165] : memref<20000xi32, #tpu.memory_space<vmem>> -> memref<80xi32, #tpu.memory_space<vmem>>
      %dma_wait3A_167 = arith.constant 0 : i32
      %dma_wait3A_168 = arith.constant 0 : i32
      %dma_wait3A_169 = tpu.memref_slice %arg2[%dma_wait3A_167, %dma_wait3A_168] : memref<20000x128xf32, #tpu.memory_space<hbm>> -> memref<20000x128xf32, #tpu.memory_space<hbm>>
      tpu.wait_indirect_dma semaphore(%arg12 : memref<!tpu.dma_semaphore, #tpu.memory_space<semaphore_mem>>) src(%dma_wait3A_169 : memref<20000x128xf32, #tpu.memory_space<hbm>>) dst(%arg11 : memref<80x128xf32, #tpu.memory_space<vmem>>)
      %add3A_170 = arith.constant 1 : i32
      %add3A_171 = arith.addi %mul3A_121, %add3A_170 : i32
      %dma_start3A_172 = arith.constant 0 : i32
      %dma_start3A_173 = tpu.memref_slice %arg9[%add3A_171, %dma_start3A_172] : memref<50x80xi32, #tpu.memory_space<vmem>> -> memref<1x80xi32, #tpu.memory_space<vmem>>
      %dma_start3A_174 = tpu.memref_squeeze %dma_start3A_173 : memref<1x80xi32, #tpu.memory_space<vmem>> -> memref<80xi32, #tpu.memory_space<vmem>>
      %dma_start3A_175 = arith.constant 0 : i32
      %dma_start3A_176 = arith.constant 0 : i32
      %dma_start3A_177 = tpu.memref_slice %arg7[%dma_start3A_175, %dma_start3A_176] : memref<10000x128xf32, #tpu.memory_space<vmem_shared>> -> memref<10000x128xf32, #tpu.memory_space<vmem_shared>>
      tpu.enqueue_indirect_dma source(%arg11 : memref<80x128xf32, #tpu.memory_space<vmem>>) target(%dma_start3A_177 : memref<10000x128xf32, #tpu.memory_space<vmem_shared>>) offsets(%dma_start3A_174 : memref<80xi32, #tpu.memory_space<vmem>>) semaphore(%arg13 : memref<!tpu.dma_semaphore, #tpu.memory_space<semaphore_mem>>) {add = true}
    }
    %scan3A_100 = arith.constant 25 : i32
    %dma_wait3A_101 = arith.constant 49 : i32
    %dma_wait3A_102 = arith.constant 0 : i32
    %dma_wait3A_103 = tpu.memref_slice %arg9[%dma_wait3A_101, %dma_wait3A_102] : memref<50x80xi32, #tpu.memory_space<vmem>> -> memref<1x80xi32, #tpu.memory_space<vmem>>
    %dma_wait3A_104 = tpu.memref_squeeze %dma_wait3A_103 : memref<1x80xi32, #tpu.memory_space<vmem>> -> memref<80xi32, #tpu.memory_space<vmem>>
    %dma_wait3A_105 = arith.constant 0 : i32
    %dma_wait3A_106 = arith.constant 0 : i32
    %dma_wait3A_107 = tpu.memref_slice %arg7[%dma_wait3A_105, %dma_wait3A_106] : memref<10000x128xf32, #tpu.memory_space<vmem_shared>> -> memref<10000x128xf32, #tpu.memory_space<vmem_shared>>
    tpu.wait_indirect_dma semaphore(%arg13 : memref<!tpu.dma_semaphore, #tpu.memory_space<semaphore_mem>>) src(%arg11 : memref<80x128xf32, #tpu.memory_space<vmem>>) dst(%dma_wait3A_107 : memref<10000x128xf32, #tpu.memory_space<vmem_shared>>)
    %barrier3A_108 = arith.constant 0 : index
    tpu.barrier barrier_id(%barrier3A_108)
    %lt3A_109 = arith.constant 15 : i32
    %lt3A_110 = arith.cmpi slt, %arg1, %lt3A_109 : i32
    %convert_element_type3A_111 = arith.extui %lt3A_110 : i1 to i32
    %cond3A_112 = arith.constant 0 : i32
    %cond3A_113 = arith.cmpi ne, %convert_element_type3A_111, %cond3A_112 : i32
    scf.if %cond3A_113 {
      "tpu.region"() ({
        %run_scoped3A_119 = tpu.sem_alloc : memref<!tpu.dma_semaphore, #tpu.memory_space<semaphore_mem>>
        %dma_start3A_120 = arith.constant 0 : i32
        %dma_start3A_121 = tpu.memref_slice %arg6[%arg0, %multiple_of3A, %dma_start3A_120] : memref<2x10000x128xf32, #tpu.memory_space<hbm>> -> memref<1x632x128xf32, #tpu.memory_space<hbm>>
        %dma_start3A_122 = tpu.memref_squeeze %dma_start3A_121 : memref<1x632x128xf32, #tpu.memory_space<hbm>> -> memref<632x128xf32, #tpu.memory_space<hbm>>
        %dma_start3A_123 = arith.constant 0 : i32
        %dma_start3A_124 = tpu.memref_slice %arg7[%multiple_of3A, %dma_start3A_123] : memref<10000x128xf32, #tpu.memory_space<vmem_shared>> -> memref<632x128xf32, #tpu.memory_space<vmem_shared>>
        tpu.enqueue_dma source(%dma_start3A_124 : memref<632x128xf32, #tpu.memory_space<vmem_shared>>) target(%dma_start3A_122 : memref<632x128xf32, #tpu.memory_space<hbm>>) target_semaphore(%run_scoped3A_119 : memref<!tpu.dma_semaphore, #tpu.memory_space<semaphore_mem>>)
        %dma_wait3A_125 = arith.constant 0 : i32
        %dma_wait3A_126 = tpu.memref_slice %arg6[%arg0, %multiple_of3A, %dma_wait3A_125] : memref<2x10000x128xf32, #tpu.memory_space<hbm>> -> memref<1x632x128xf32, #tpu.memory_space<hbm>>
        %dma_wait3A_127 = tpu.memref_squeeze %dma_wait3A_126 : memref<1x632x128xf32, #tpu.memory_space<hbm>> -> memref<632x128xf32, #tpu.memory_space<hbm>>
        %dma_wait3A_128 = arith.constant 0 : i32
        %dma_wait3A_129 = tpu.memref_slice %arg7[%multiple_of3A, %dma_wait3A_128] : memref<10000x128xf32, #tpu.memory_space<vmem_shared>> -> memref<632x128xf32, #tpu.memory_space<vmem_shared>>
        tpu.wait_dma2 semaphore(%run_scoped3A_119 : memref<!tpu.dma_semaphore, #tpu.memory_space<semaphore_mem>>) src(%dma_wait3A_129 : memref<632x128xf32, #tpu.memory_space<vmem_shared>>) dst(%dma_wait3A_127 : memref<632x128xf32, #tpu.memory_space<hbm>>)
        tpu.yield
      }) : () -> ()
    } else {
    }
    %eq3A_114 = arith.constant 15 : i32
    %eq3A_115 = arith.cmpi eq, %arg1, %eq3A_114 : i32
    %convert_element_type3A_116 = arith.extui %eq3A_115 : i1 to i32
    %cond3A_117 = arith.constant 0 : i32
    %cond3A_118 = arith.cmpi ne, %convert_element_type3A_116, %cond3A_117 : i32
    scf.if %cond3A_118 {
      "tpu.region"() ({
        %run_scoped3A_119 = tpu.sem_alloc : memref<!tpu.dma_semaphore, #tpu.memory_space<semaphore_mem>>
        %dma_start3A_120 = arith.constant 9480 : i32
        %dma_start3A_121 = arith.constant 0 : i32
        %dma_start3A_122 = tpu.memref_slice %arg6[%arg0, %dma_start3A_120, %dma_start3A_121] : memref<2x10000x128xf32, #tpu.memory_space<hbm>> -> memref<1x520x128xf32, #tpu.memory_space<hbm>>
        %dma_start3A_123 = tpu.memref_squeeze %dma_start3A_122 : memref<1x520x128xf32, #tpu.memory_space<hbm>> -> memref<520x128xf32, #tpu.memory_space<hbm>>
        %dma_start3A_124 = arith.constant 9480 : i32
        %dma_start3A_125 = arith.constant 0 : i32
        %dma_start3A_126 = tpu.memref_slice %arg7[%dma_start3A_124, %dma_start3A_125] : memref<10000x128xf32, #tpu.memory_space<vmem_shared>> -> memref<520x128xf32, #tpu.memory_space<vmem_shared>>
        tpu.enqueue_dma source(%dma_start3A_126 : memref<520x128xf32, #tpu.memory_space<vmem_shared>>) target(%dma_start3A_123 : memref<520x128xf32, #tpu.memory_space<hbm>>) target_semaphore(%run_scoped3A_119 : memref<!tpu.dma_semaphore, #tpu.memory_space<semaphore_mem>>)
        %dma_wait3A_127 = arith.constant 9480 : i32
        %dma_wait3A_128 = arith.constant 0 : i32
        %dma_wait3A_129 = tpu.memref_slice %arg6[%arg0, %dma_wait3A_127, %dma_wait3A_128] : memref<2x10000x128xf32, #tpu.memory_space<hbm>> -> memref<1x520x128xf32, #tpu.memory_space<hbm>>
        %dma_wait3A_130 = tpu.memref_squeeze %dma_wait3A_129 : memref<1x520x128xf32, #tpu.memory_space<hbm>> -> memref<520x128xf32, #tpu.memory_space<hbm>>
        %dma_wait3A_131 = arith.constant 9480 : i32
        %dma_wait3A_132 = arith.constant 0 : i32
        %dma_wait3A_133 = tpu.memref_slice %arg7[%dma_wait3A_131, %dma_wait3A_132] : memref<10000x128xf32, #tpu.memory_space<vmem_shared>> -> memref<520x128xf32, #tpu.memory_space<vmem_shared>>
        tpu.wait_dma2 semaphore(%run_scoped3A_119 : memref<!tpu.dma_semaphore, #tpu.memory_space<semaphore_mem>>) src(%dma_wait3A_133 : memref<520x128xf32, #tpu.memory_space<vmem_shared>>) dst(%dma_wait3A_130 : memref<520x128xf32, #tpu.memory_space<hbm>>)
        tpu.yield
      }) : () -> ()
    } else {
    }
    return
  }
}

module attributes {stable_mosaic.version = 14 : i64} {
  func.func @_input_pot_body(%arg0: i32, %arg1: memref<1000x128xf32, #tpu.memory_space<vmem>>, %arg2: memref<1000x32xf32, #tpu.memory_space<vmem>>, %arg3: memref<1000x32xf32, #tpu.memory_space<vmem>>, %arg4: memref<128x256xf32, #tpu.memory_space<vmem>>, %arg5: memref<1x256xf32, #tpu.memory_space<vmem>>, %arg6: memref<1x256xf32, #tpu.memory_space<vmem>>, %arg7: memref<1x256xf32, #tpu.memory_space<vmem>>, %arg8: memref<2x1000x128xf32, #tpu.memory_space<vmem>>) attributes {dimension_semantics = [#tpu.dimension_semantics<arbitrary>], iteration_bounds = array<i64: 10>, scalar_prefetch = 0 : i64, scratch_operands = 0 : i64, tpu.core_type = #tpu.core_type<tc>, window_params = [{transform_indices = @transform_0, window_bounds = array<i64: 1000, 128>}, {transform_indices = @transform_1, window_bounds = array<i64: 1000, 32>}, {transform_indices = @transform_2, window_bounds = array<i64: 1000, 32>}, {pipeline_mode = #tpu.pipeline_mode<synchronous>, transform_indices = @transform_3, window_bounds = array<i64: 128, 256>}, {pipeline_mode = #tpu.pipeline_mode<synchronous>, transform_indices = @transform_4, window_bounds = array<i64: 1, 256>}, {pipeline_mode = #tpu.pipeline_mode<synchronous>, transform_indices = @transform_5, window_bounds = array<i64: 1, 256>}, {pipeline_mode = #tpu.pipeline_mode<synchronous>, transform_indices = @transform_6, window_bounds = array<i64: 1, 256>}, {transform_indices = @transform_7, window_bounds = array<i64: 2, 1000, 128>}]} {
    %get3A = arith.constant 0 : index
    %get3A_0 = arith.constant 0 : index
    %get3A_1 = vector.load %arg2[%get3A, %get3A_0] : memref<1000x32xf32, #tpu.memory_space<vmem>>, vector<1000x32xf32>
    %reduce_sum3A = arith.constant dense<0.000000e+00> : vector<1000xf32>
    %reduce_sum3A_2 = vector.multi_reduction <add>, %get3A_1, %reduce_sum3A [1] : vector<1000x32xf32> to vector<1000xf32>
    %broadcast_in_dim3A = vector.shape_cast %reduce_sum3A_2 : vector<1000xf32> to vector<1000x1xf32>
    %get3A_3 = arith.constant 0 : index
    %get3A_4 = arith.constant 0 : index
    %get3A_5 = vector.load %arg3[%get3A_3, %get3A_4] : memref<1000x32xf32, #tpu.memory_space<vmem>>, vector<1000x32xf32>
    %reduce_sum3A_6 = arith.constant dense<0.000000e+00> : vector<1000xf32>
    %reduce_sum3A_7 = vector.multi_reduction <add>, %get3A_5, %reduce_sum3A_6 [1] : vector<1000x32xf32> to vector<1000xf32>
    %broadcast_in_dim3A_8 = vector.shape_cast %reduce_sum3A_7 : vector<1000xf32> to vector<1000x1xf32>
    %get3A_9 = arith.constant 0 : index
    %get3A_10 = arith.constant 0 : index
    %get3A_11 = vector.load %arg1[%get3A_9, %get3A_10] : memref<1000x128xf32, #tpu.memory_space<vmem>>, vector<1000x128xf32>
    %get3A_12 = arith.constant 0 : index
    %get3A_13 = arith.constant 0 : index
    %get3A_14 = vector.load %arg4[%get3A_12, %get3A_13] : memref<128x256xf32, #tpu.memory_space<vmem>>, vector<128x256xf32>
    %dot_general3A = arith.constant dense<0.000000e+00> : vector<1000x256xf32>
    %dot_general3A_15 = tpu.matmul %get3A_11, %get3A_14, %dot_general3A {dimension_numbers = #tpu.dot_dimension_numbers<[1], [0], [0], [1], [0, 0, 1, 1], [], []>, transpose_lhs_hint = false} : vector<1000x128xf32>, vector<128x256xf32>, vector<1000x256xf32> -> vector<1000x256xf32>
    %get3A_16 = arith.constant 0 : index
    %get3A_17 = arith.constant 0 : index
    %get3A_18 = vector.load %arg5[%get3A_16, %get3A_17] : memref<1x256xf32, #tpu.memory_space<vmem>>, vector<1x256xf32>
    %mul3A = vector.broadcast %broadcast_in_dim3A : vector<1000x1xf32> to vector<1000x256xf32>
    %mul3A_19 = vector.broadcast %get3A_18 : vector<1x256xf32> to vector<1000x256xf32>
    %mul3A_20 = arith.mulf %mul3A, %mul3A_19 : vector<1000x256xf32>
    %get3A_21 = arith.constant 0 : index
    %get3A_22 = arith.constant 0 : index
    %get3A_23 = vector.load %arg6[%get3A_21, %get3A_22] : memref<1x256xf32, #tpu.memory_space<vmem>>, vector<1x256xf32>
    %mul3A_24 = vector.broadcast %broadcast_in_dim3A_8 : vector<1000x1xf32> to vector<1000x256xf32>
    %mul3A_25 = vector.broadcast %get3A_23 : vector<1x256xf32> to vector<1000x256xf32>
    %mul3A_26 = arith.mulf %mul3A_24, %mul3A_25 : vector<1000x256xf32>
    %add3A = arith.addf %mul3A_20, %mul3A_26 : vector<1000x256xf32>
    %add3A_27 = arith.addf %dot_general3A_15, %add3A : vector<1000x256xf32>
    %get3A_28 = arith.constant 0 : index
    %get3A_29 = arith.constant 0 : index
    %get3A_30 = vector.load %arg7[%get3A_28, %get3A_29] : memref<1x256xf32, #tpu.memory_space<vmem>>, vector<1x256xf32>
    %add3A_31 = vector.broadcast %get3A_30 : vector<1x256xf32> to vector<1000x256xf32>
    %add3A_32 = arith.addf %add3A_27, %add3A_31 : vector<1000x256xf32>
    %max3A = arith.constant 0.000000e+00 : f32
    %max3A_33 = vector.broadcast %max3A : f32 to vector<1000x256xf32>
    %max3A_34 = arith.maximumf %add3A_32, %max3A_33 : vector<1000x256xf32>
    %slice3A = vector.extract_strided_slice %max3A_34 {offsets = [0, 0], sizes = [1000, 128], strides = [1, 1]} : vector<1000x256xf32> to vector<1000x128xf32>
    %swap3A = arith.constant 0 : index
    %swap3A_35 = arith.constant 0 : index
    %swap3A_36 = arith.constant 0 : index
    %swap3A_37 = vector.load %arg8[%swap3A, %swap3A_35, %swap3A_36] : memref<2x1000x128xf32, #tpu.memory_space<vmem>>, vector<1x1000x128xf32>
    %swap3A_38 = vector.shape_cast %swap3A_37 : vector<1x1000x128xf32> to vector<1000x128xf32>
    %swap3A_39 = vector.shape_cast %slice3A : vector<1000x128xf32> to vector<1x1000x128xf32>
    tpu.vector_store %arg8[%swap3A, %swap3A_35, %swap3A_36], %swap3A_39 {strides = array<i32>} : memref<2x1000x128xf32, #tpu.memory_space<vmem>>, vector<1x1000x128xf32>,
    %slice3A_40 = vector.extract_strided_slice %max3A_34 {offsets = [0, 128], sizes = [1000, 128], strides = [1, 1]} : vector<1000x256xf32> to vector<1000x128xf32>
    %swap3A_41 = arith.constant 1 : index
    %swap3A_42 = arith.constant 0 : index
    %swap3A_43 = arith.constant 0 : index
    %swap3A_44 = vector.load %arg8[%swap3A_41, %swap3A_42, %swap3A_43] : memref<2x1000x128xf32, #tpu.memory_space<vmem>>, vector<1x1000x128xf32>
    %swap3A_45 = vector.shape_cast %swap3A_44 : vector<1x1000x128xf32> to vector<1000x128xf32>
    %swap3A_46 = vector.shape_cast %slice3A_40 : vector<1000x128xf32> to vector<1x1000x128xf32>
    tpu.vector_store %arg8[%swap3A_41, %swap3A_42, %swap3A_43], %swap3A_46 {strides = array<i32>} : memref<2x1000x128xf32, #tpu.memory_space<vmem>>, vector<1x1000x128xf32>,
    return
  }
  func.func @transform_0(%arg0: i32) -> (i32, i32) {
    %c0_i32 = arith.constant 0 : i32
    %c0_i32_0 = arith.constant 0 : i32
    return %arg0, %c0_i32 : i32, i32
  }
  func.func @transform_1(%arg0: i32) -> (i32, i32) {
    %c0_i32 = arith.constant 0 : i32
    %c0_i32_0 = arith.constant 0 : i32
    return %arg0, %c0_i32 : i32, i32
  }
  func.func @transform_2(%arg0: i32) -> (i32, i32) {
    %c0_i32 = arith.constant 0 : i32
    %c0_i32_0 = arith.constant 0 : i32
    return %arg0, %c0_i32 : i32, i32
  }
  func.func @transform_3(%arg0: i32) -> (i32, i32) {
    %c0_i32 = arith.constant 0 : i32
    %c0_i32_0 = arith.constant 0 : i32
    %c0_i32_1 = arith.constant 0 : i32
    return %c0_i32, %c0_i32_0 : i32, i32
  }
  func.func @transform_4(%arg0: i32) -> (i32, i32) {
    %c0_i32 = arith.constant 0 : i32
    %c0_i32_0 = arith.constant 0 : i32
    %c0_i32_1 = arith.constant 0 : i32
    return %c0_i32, %c0_i32_0 : i32, i32
  }
  func.func @transform_5(%arg0: i32) -> (i32, i32) {
    %c0_i32 = arith.constant 0 : i32
    %c0_i32_0 = arith.constant 0 : i32
    %c0_i32_1 = arith.constant 0 : i32
    return %c0_i32, %c0_i32_0 : i32, i32
  }
  func.func @transform_6(%arg0: i32) -> (i32, i32) {
    %c0_i32 = arith.constant 0 : i32
    %c0_i32_0 = arith.constant 0 : i32
    %c0_i32_1 = arith.constant 0 : i32
    return %c0_i32, %c0_i32_0 : i32, i32
  }
  func.func @transform_7(%arg0: i32) -> (i32, i32, i32) {
    %c0_i32 = arith.constant 0 : i32
    %c0_i32_0 = arith.constant 0 : i32
    %c0_i32_1 = arith.constant 0 : i32
    return %c0_i32, %arg0, %c0_i32_0 : i32, i32, i32
  }
}

module attributes {stable_mosaic.version = 14 : i64} {
  func.func @_layer_body(%arg0: i32, %arg1: memref<2x1000x128xf32, #tpu.memory_space<vmem>>, %arg2: memref<2x1000x128xf32, #tpu.memory_space<vmem>>, %arg3: memref<128x256xf32, #tpu.memory_space<vmem>>, %arg4: memref<128x256xf32, #tpu.memory_space<vmem>>, %arg5: memref<1x256xf32, #tpu.memory_space<vmem>>, %arg6: memref<2x1000x128xf32, #tpu.memory_space<vmem>>, %arg7: memref<1x256xf32, #tpu.memory_space<vmem>>) attributes {dimension_semantics = [#tpu.dimension_semantics<arbitrary>], iteration_bounds = array<i64: 10>, scalar_prefetch = 0 : i64, scratch_operands = 0 : i64, tpu.core_type = #tpu.core_type<tc>, window_params = [{transform_indices = @transform_0, window_bounds = array<i64: 2, 1000, 128>}, {transform_indices = @transform_1, window_bounds = array<i64: 2, 1000, 128>}, {pipeline_mode = #tpu.pipeline_mode<synchronous>, transform_indices = @transform_2, window_bounds = array<i64: 128, 256>}, {pipeline_mode = #tpu.pipeline_mode<synchronous>, transform_indices = @transform_3, window_bounds = array<i64: 128, 256>}, {pipeline_mode = #tpu.pipeline_mode<synchronous>, transform_indices = @transform_4, window_bounds = array<i64: 1, 256>}, {transform_indices = @transform_5, window_bounds = array<i64: 2, 1000, 128>}, {pipeline_mode = #tpu.pipeline_mode<synchronous>, transform_indices = @transform_6, window_bounds = array<i64: 1, 256>}]} {
    %get3A = arith.constant 0 : index
    %get3A_0 = arith.constant 0 : index
    %get3A_1 = arith.constant 0 : index
    %get3A_2 = vector.load %arg1[%get3A, %get3A_0, %get3A_1] : memref<2x1000x128xf32, #tpu.memory_space<vmem>>, vector<1x1000x128xf32>
    %get3A_3 = vector.shape_cast %get3A_2 : vector<1x1000x128xf32> to vector<1000x128xf32>
    %get3A_4 = arith.constant 1 : index
    %get3A_5 = arith.constant 0 : index
    %get3A_6 = arith.constant 0 : index
    %get3A_7 = vector.load %arg1[%get3A_4, %get3A_5, %get3A_6] : memref<2x1000x128xf32, #tpu.memory_space<vmem>>, vector<1x1000x128xf32>
    %get3A_8 = vector.shape_cast %get3A_7 : vector<1x1000x128xf32> to vector<1000x128xf32>
    %get3A_9 = arith.constant 0 : index
    %get3A_10 = arith.constant 0 : index
    %get3A_11 = vector.load %arg3[%get3A_9, %get3A_10] : memref<128x256xf32, #tpu.memory_space<vmem>>, vector<128x256xf32>
    %dot_general3A = arith.constant dense<0.000000e+00> : vector<1000x256xf32>
    %dot_general3A_12 = tpu.matmul %get3A_3, %get3A_11, %dot_general3A {dimension_numbers = #tpu.dot_dimension_numbers<[1], [0], [0], [1], [0, 0, 1, 1], [], []>, transpose_lhs_hint = false} : vector<1000x128xf32>, vector<128x256xf32>, vector<1000x256xf32> -> vector<1000x256xf32>
    %get3A_13 = arith.constant 0 : index
    %get3A_14 = arith.constant 0 : index
    %get3A_15 = vector.load %arg4[%get3A_13, %get3A_14] : memref<128x256xf32, #tpu.memory_space<vmem>>, vector<128x256xf32>
    %dot_general3A_16 = arith.constant dense<0.000000e+00> : vector<1000x256xf32>
    %dot_general3A_17 = tpu.matmul %get3A_8, %get3A_15, %dot_general3A_16 {dimension_numbers = #tpu.dot_dimension_numbers<[1], [0], [0], [1], [0, 0, 1, 1], [], []>, transpose_lhs_hint = false} : vector<1000x128xf32>, vector<128x256xf32>, vector<1000x256xf32> -> vector<1000x256xf32>
    %add3A = arith.addf %dot_general3A_12, %dot_general3A_17 : vector<1000x256xf32>
    %get3A_18 = arith.constant 0 : index
    %get3A_19 = arith.constant 0 : index
    %get3A_20 = arith.constant 0 : index
    %get3A_21 = vector.load %arg2[%get3A_18, %get3A_19, %get3A_20] : memref<2x1000x128xf32, #tpu.memory_space<vmem>>, vector<1x1000x128xf32>
    %get3A_22 = vector.shape_cast %get3A_21 : vector<1x1000x128xf32> to vector<1000x128xf32>
    %get3A_23 = arith.constant 1 : index
    %get3A_24 = arith.constant 0 : index
    %get3A_25 = arith.constant 0 : index
    %get3A_26 = vector.load %arg2[%get3A_23, %get3A_24, %get3A_25] : memref<2x1000x128xf32, #tpu.memory_space<vmem>>, vector<1x1000x128xf32>
    %get3A_27 = vector.shape_cast %get3A_26 : vector<1x1000x128xf32> to vector<1000x128xf32>
    %concatenate3A = tpu.concatenate %get3A_22, %get3A_27 in 1 : vector<1000x128xf32>, vector<1000x128xf32> -> vector<1000x256xf32>
    %get3A_28 = arith.constant 0 : index
    %get3A_29 = arith.constant 0 : index
    %get3A_30 = vector.load %arg5[%get3A_28, %get3A_29] : memref<1x256xf32, #tpu.memory_space<vmem>>, vector<1x256xf32>
    %add3A_31 = vector.broadcast %get3A_30 : vector<1x256xf32> to vector<1000x256xf32>
    %add3A_32 = arith.addf %add3A, %add3A_31 : vector<1000x256xf32>
    %add3A_33 = arith.addf %add3A_32, %concatenate3A : vector<1000x256xf32>
    %max3A = arith.constant 0.000000e+00 : f32
    %max3A_34 = vector.broadcast %max3A : f32 to vector<1000x256xf32>
    %max3A_35 = arith.maximumf %add3A_33, %max3A_34 : vector<1000x256xf32>
    %slice3A = vector.extract_strided_slice %max3A_35 {offsets = [0, 0], sizes = [1000, 128], strides = [1, 1]} : vector<1000x256xf32> to vector<1000x128xf32>
    %swap3A = arith.constant 0 : index
    %swap3A_36 = arith.constant 0 : index
    %swap3A_37 = arith.constant 0 : index
    %swap3A_38 = vector.load %arg6[%swap3A, %swap3A_36, %swap3A_37] : memref<2x1000x128xf32, #tpu.memory_space<vmem>>, vector<1x1000x128xf32>
    %swap3A_39 = vector.shape_cast %swap3A_38 : vector<1x1000x128xf32> to vector<1000x128xf32>
    %swap3A_40 = vector.shape_cast %slice3A : vector<1000x128xf32> to vector<1x1000x128xf32>
    tpu.vector_store %arg6[%swap3A, %swap3A_36, %swap3A_37], %swap3A_40 {strides = array<i32>} : memref<2x1000x128xf32, #tpu.memory_space<vmem>>, vector<1x1000x128xf32>,
    %slice3A_41 = vector.extract_strided_slice %max3A_35 {offsets = [0, 128], sizes = [1000, 128], strides = [1, 1]} : vector<1000x256xf32> to vector<1000x128xf32>
    %swap3A_42 = arith.constant 1 : index
    %swap3A_43 = arith.constant 0 : index
    %swap3A_44 = arith.constant 0 : index
    %swap3A_45 = vector.load %arg6[%swap3A_42, %swap3A_43, %swap3A_44] : memref<2x1000x128xf32, #tpu.memory_space<vmem>>, vector<1x1000x128xf32>
    %swap3A_46 = vector.shape_cast %swap3A_45 : vector<1x1000x128xf32> to vector<1000x128xf32>
    %swap3A_47 = vector.shape_cast %slice3A_41 : vector<1000x128xf32> to vector<1x1000x128xf32>
    tpu.vector_store %arg6[%swap3A_42, %swap3A_43, %swap3A_44], %swap3A_47 {strides = array<i32>} : memref<2x1000x128xf32, #tpu.memory_space<vmem>>, vector<1x1000x128xf32>,
    %eq3A = arith.constant 0 : i32
    %eq3A_48 = arith.cmpi eq, %arg0, %eq3A : i32
    %convert_element_type3A = arith.extui %eq3A_48 : i1 to i32
    %cond3A = arith.constant 0 : i32
    %cond3A_49 = arith.cmpi ne, %convert_element_type3A, %cond3A : i32
    scf.if %cond3A_49 {
      %broadcast_in_dim3A_58 = arith.constant 0.000000e+00 : f32
      %broadcast_in_dim3A_59 = vector.broadcast %broadcast_in_dim3A_58 : f32 to vector<1x256xf32>
      %swap3A_60 = arith.constant 0 : index
      %swap3A_61 = arith.constant 0 : index
      %swap3A_62 = vector.load %arg7[%swap3A_60, %swap3A_61] : memref<1x256xf32, #tpu.memory_space<vmem>>, vector<1x256xf32>
      tpu.vector_store %arg7[%swap3A_60, %swap3A_61], %broadcast_in_dim3A_59 {strides = array<i32>} : memref<1x256xf32, #tpu.memory_space<vmem>>, vector<1x256xf32>,
    } else {
    }
    %get3A_50 = arith.constant 0 : index
    %get3A_51 = arith.constant 0 : index
    %get3A_52 = vector.load %arg7[%get3A_50, %get3A_51] : memref<1x256xf32, #tpu.memory_space<vmem>>, vector<1x256xf32>
    %reduce_sum3A = arith.constant dense<0.000000e+00> : vector<256xf32>
    %reduce_sum3A_53 = vector.multi_reduction <add>, %max3A_35, %reduce_sum3A [0] : vector<1000x256xf32> to vector<256xf32>
    %broadcast_in_dim3A = vector.shape_cast %reduce_sum3A_53 : vector<256xf32> to vector<1x256xf32>
    %add3A_54 = arith.addf %get3A_52, %broadcast_in_dim3A : vector<1x256xf32>
    %swap3A_55 = arith.constant 0 : index
    %swap3A_56 = arith.constant 0 : index
    %swap3A_57 = vector.load %arg7[%swap3A_55, %swap3A_56] : memref<1x256xf32, #tpu.memory_space<vmem>>, vector<1x256xf32>
    tpu.vector_store %arg7[%swap3A_55, %swap3A_56], %add3A_54 {strides = array<i32>} : memref<1x256xf32, #tpu.memory_space<vmem>>, vector<1x256xf32>,
    return
  }
  func.func @transform_0(%arg0: i32) -> (i32, i32, i32) {
    %c0_i32 = arith.constant 0 : i32
    %c0_i32_0 = arith.constant 0 : i32
    %c0_i32_1 = arith.constant 0 : i32
    return %c0_i32, %arg0, %c0_i32_0 : i32, i32, i32
  }
  func.func @transform_1(%arg0: i32) -> (i32, i32, i32) {
    %c0_i32 = arith.constant 0 : i32
    %c0_i32_0 = arith.constant 0 : i32
    %c0_i32_1 = arith.constant 0 : i32
    return %c0_i32, %arg0, %c0_i32_0 : i32, i32, i32
  }
  func.func @transform_2(%arg0: i32) -> (i32, i32) {
    %c0_i32 = arith.constant 0 : i32
    %c0_i32_0 = arith.constant 0 : i32
    %c0_i32_1 = arith.constant 0 : i32
    return %c0_i32, %c0_i32_0 : i32, i32
  }
  func.func @transform_3(%arg0: i32) -> (i32, i32) {
    %c0_i32 = arith.constant 0 : i32
    %c0_i32_0 = arith.constant 0 : i32
    %c0_i32_1 = arith.constant 0 : i32
    return %c0_i32, %c0_i32_0 : i32, i32
  }
  func.func @transform_4(%arg0: i32) -> (i32, i32) {
    %c0_i32 = arith.constant 0 : i32
    %c0_i32_0 = arith.constant 0 : i32
    %c0_i32_1 = arith.constant 0 : i32
    return %c0_i32, %c0_i32_0 : i32, i32
  }
  func.func @transform_5(%arg0: i32) -> (i32, i32, i32) {
    %c0_i32 = arith.constant 0 : i32
    %c0_i32_0 = arith.constant 0 : i32
    %c0_i32_1 = arith.constant 0 : i32
    return %c0_i32, %arg0, %c0_i32_0 : i32, i32, i32
  }
  func.func @transform_6(%arg0: i32) -> (i32, i32) {
    %c0_i32 = arith.constant 0 : i32
    %c0_i32_0 = arith.constant 0 : i32
    %c0_i32_1 = arith.constant 0 : i32
    return %c0_i32, %c0_i32_0 : i32, i32
  }
}

module attributes {stable_mosaic.version = 14 : i64} {
  func.func @_layer_body(%arg0: i32, %arg1: memref<2x1000x128xf32, #tpu.memory_space<vmem>>, %arg2: memref<2x1000x128xf32, #tpu.memory_space<vmem>>, %arg3: memref<128x256xf32, #tpu.memory_space<vmem>>, %arg4: memref<128x256xf32, #tpu.memory_space<vmem>>, %arg5: memref<1x256xf32, #tpu.memory_space<vmem>>, %arg6: memref<2x1000x128xf32, #tpu.memory_space<vmem>>, %arg7: memref<1x256xf32, #tpu.memory_space<vmem>>) attributes {dimension_semantics = [#tpu.dimension_semantics<arbitrary>], iteration_bounds = array<i64: 10>, scalar_prefetch = 0 : i64, scratch_operands = 0 : i64, tpu.core_type = #tpu.core_type<tc>, window_params = [{transform_indices = @transform_0, window_bounds = array<i64: 2, 1000, 128>}, {transform_indices = @transform_1, window_bounds = array<i64: 2, 1000, 128>}, {pipeline_mode = #tpu.pipeline_mode<synchronous>, transform_indices = @transform_2, window_bounds = array<i64: 128, 256>}, {pipeline_mode = #tpu.pipeline_mode<synchronous>, transform_indices = @transform_3, window_bounds = array<i64: 128, 256>}, {pipeline_mode = #tpu.pipeline_mode<synchronous>, transform_indices = @transform_4, window_bounds = array<i64: 1, 256>}, {transform_indices = @transform_5, window_bounds = array<i64: 2, 1000, 128>}, {pipeline_mode = #tpu.pipeline_mode<synchronous>, transform_indices = @transform_6, window_bounds = array<i64: 1, 256>}]} {
    %get3A = arith.constant 0 : index
    %get3A_0 = arith.constant 0 : index
    %get3A_1 = arith.constant 0 : index
    %get3A_2 = vector.load %arg1[%get3A, %get3A_0, %get3A_1] : memref<2x1000x128xf32, #tpu.memory_space<vmem>>, vector<1x1000x128xf32>
    %get3A_3 = vector.shape_cast %get3A_2 : vector<1x1000x128xf32> to vector<1000x128xf32>
    %get3A_4 = arith.constant 1 : index
    %get3A_5 = arith.constant 0 : index
    %get3A_6 = arith.constant 0 : index
    %get3A_7 = vector.load %arg1[%get3A_4, %get3A_5, %get3A_6] : memref<2x1000x128xf32, #tpu.memory_space<vmem>>, vector<1x1000x128xf32>
    %get3A_8 = vector.shape_cast %get3A_7 : vector<1x1000x128xf32> to vector<1000x128xf32>
    %get3A_9 = arith.constant 0 : index
    %get3A_10 = arith.constant 0 : index
    %get3A_11 = vector.load %arg3[%get3A_9, %get3A_10] : memref<128x256xf32, #tpu.memory_space<vmem>>, vector<128x256xf32>
    %dot_general3A = arith.constant dense<0.000000e+00> : vector<1000x256xf32>
    %dot_general3A_12 = tpu.matmul %get3A_3, %get3A_11, %dot_general3A {dimension_numbers = #tpu.dot_dimension_numbers<[1], [0], [0], [1], [0, 0, 1, 1], [], []>, transpose_lhs_hint = false} : vector<1000x128xf32>, vector<128x256xf32>, vector<1000x256xf32> -> vector<1000x256xf32>
    %get3A_13 = arith.constant 0 : index
    %get3A_14 = arith.constant 0 : index
    %get3A_15 = vector.load %arg4[%get3A_13, %get3A_14] : memref<128x256xf32, #tpu.memory_space<vmem>>, vector<128x256xf32>
    %dot_general3A_16 = arith.constant dense<0.000000e+00> : vector<1000x256xf32>
    %dot_general3A_17 = tpu.matmul %get3A_8, %get3A_15, %dot_general3A_16 {dimension_numbers = #tpu.dot_dimension_numbers<[1], [0], [0], [1], [0, 0, 1, 1], [], []>, transpose_lhs_hint = false} : vector<1000x128xf32>, vector<128x256xf32>, vector<1000x256xf32> -> vector<1000x256xf32>
    %add3A = arith.addf %dot_general3A_12, %dot_general3A_17 : vector<1000x256xf32>
    %get3A_18 = arith.constant 0 : index
    %get3A_19 = arith.constant 0 : index
    %get3A_20 = arith.constant 0 : index
    %get3A_21 = vector.load %arg2[%get3A_18, %get3A_19, %get3A_20] : memref<2x1000x128xf32, #tpu.memory_space<vmem>>, vector<1x1000x128xf32>
    %get3A_22 = vector.shape_cast %get3A_21 : vector<1x1000x128xf32> to vector<1000x128xf32>
    %get3A_23 = arith.constant 1 : index
    %get3A_24 = arith.constant 0 : index
    %get3A_25 = arith.constant 0 : index
    %get3A_26 = vector.load %arg2[%get3A_23, %get3A_24, %get3A_25] : memref<2x1000x128xf32, #tpu.memory_space<vmem>>, vector<1x1000x128xf32>
    %get3A_27 = vector.shape_cast %get3A_26 : vector<1x1000x128xf32> to vector<1000x128xf32>
    %concatenate3A = tpu.concatenate %get3A_22, %get3A_27 in 1 : vector<1000x128xf32>, vector<1000x128xf32> -> vector<1000x256xf32>
    %get3A_28 = arith.constant 0 : index
    %get3A_29 = arith.constant 0 : index
    %get3A_30 = vector.load %arg5[%get3A_28, %get3A_29] : memref<1x256xf32, #tpu.memory_space<vmem>>, vector<1x256xf32>
    %add3A_31 = vector.broadcast %get3A_30 : vector<1x256xf32> to vector<1000x256xf32>
    %add3A_32 = arith.addf %add3A, %add3A_31 : vector<1000x256xf32>
    %add3A_33 = arith.addf %add3A_32, %concatenate3A : vector<1000x256xf32>
    %max3A = arith.constant 0.000000e+00 : f32
    %max3A_34 = vector.broadcast %max3A : f32 to vector<1000x256xf32>
    %max3A_35 = arith.maximumf %add3A_33, %max3A_34 : vector<1000x256xf32>
    %slice3A = vector.extract_strided_slice %max3A_35 {offsets = [0, 0], sizes = [1000, 128], strides = [1, 1]} : vector<1000x256xf32> to vector<1000x128xf32>
    %swap3A = arith.constant 0 : index
    %swap3A_36 = arith.constant 0 : index
    %swap3A_37 = arith.constant 0 : index
    %swap3A_38 = vector.load %arg6[%swap3A, %swap3A_36, %swap3A_37] : memref<2x1000x128xf32, #tpu.memory_space<vmem>>, vector<1x1000x128xf32>
    %swap3A_39 = vector.shape_cast %swap3A_38 : vector<1x1000x128xf32> to vector<1000x128xf32>
    %swap3A_40 = vector.shape_cast %slice3A : vector<1000x128xf32> to vector<1x1000x128xf32>
    tpu.vector_store %arg6[%swap3A, %swap3A_36, %swap3A_37], %swap3A_40 {strides = array<i32>} : memref<2x1000x128xf32, #tpu.memory_space<vmem>>, vector<1x1000x128xf32>,
    %slice3A_41 = vector.extract_strided_slice %max3A_35 {offsets = [0, 128], sizes = [1000, 128], strides = [1, 1]} : vector<1000x256xf32> to vector<1000x128xf32>
    %swap3A_42 = arith.constant 1 : index
    %swap3A_43 = arith.constant 0 : index
    %swap3A_44 = arith.constant 0 : index
    %swap3A_45 = vector.load %arg6[%swap3A_42, %swap3A_43, %swap3A_44] : memref<2x1000x128xf32, #tpu.memory_space<vmem>>, vector<1x1000x128xf32>
    %swap3A_46 = vector.shape_cast %swap3A_45 : vector<1x1000x128xf32> to vector<1000x128xf32>
    %swap3A_47 = vector.shape_cast %slice3A_41 : vector<1000x128xf32> to vector<1x1000x128xf32>
    tpu.vector_store %arg6[%swap3A_42, %swap3A_43, %swap3A_44], %swap3A_47 {strides = array<i32>} : memref<2x1000x128xf32, #tpu.memory_space<vmem>>, vector<1x1000x128xf32>,
    %eq3A = arith.constant 0 : i32
    %eq3A_48 = arith.cmpi eq, %arg0, %eq3A : i32
    %convert_element_type3A = arith.extui %eq3A_48 : i1 to i32
    %cond3A = arith.constant 0 : i32
    %cond3A_49 = arith.cmpi ne, %convert_element_type3A, %cond3A : i32
    scf.if %cond3A_49 {
      %broadcast_in_dim3A_58 = arith.constant 0.000000e+00 : f32
      %broadcast_in_dim3A_59 = vector.broadcast %broadcast_in_dim3A_58 : f32 to vector<1x256xf32>
      %swap3A_60 = arith.constant 0 : index
      %swap3A_61 = arith.constant 0 : index
      %swap3A_62 = vector.load %arg7[%swap3A_60, %swap3A_61] : memref<1x256xf32, #tpu.memory_space<vmem>>, vector<1x256xf32>
      tpu.vector_store %arg7[%swap3A_60, %swap3A_61], %broadcast_in_dim3A_59 {strides = array<i32>} : memref<1x256xf32, #tpu.memory_space<vmem>>, vector<1x256xf32>,
    } else {
    }
    %get3A_50 = arith.constant 0 : index
    %get3A_51 = arith.constant 0 : index
    %get3A_52 = vector.load %arg7[%get3A_50, %get3A_51] : memref<1x256xf32, #tpu.memory_space<vmem>>, vector<1x256xf32>
    %reduce_sum3A = arith.constant dense<0.000000e+00> : vector<256xf32>
    %reduce_sum3A_53 = vector.multi_reduction <add>, %max3A_35, %reduce_sum3A [0] : vector<1000x256xf32> to vector<256xf32>
    %broadcast_in_dim3A = vector.shape_cast %reduce_sum3A_53 : vector<256xf32> to vector<1x256xf32>
    %add3A_54 = arith.addf %get3A_52, %broadcast_in_dim3A : vector<1x256xf32>
    %swap3A_55 = arith.constant 0 : index
    %swap3A_56 = arith.constant 0 : index
    %swap3A_57 = vector.load %arg7[%swap3A_55, %swap3A_56] : memref<1x256xf32, #tpu.memory_space<vmem>>, vector<1x256xf32>
    tpu.vector_store %arg7[%swap3A_55, %swap3A_56], %add3A_54 {strides = array<i32>} : memref<1x256xf32, #tpu.memory_space<vmem>>, vector<1x256xf32>,
    return
  }
  func.func @transform_0(%arg0: i32) -> (i32, i32, i32) {
    %c0_i32 = arith.constant 0 : i32
    %c0_i32_0 = arith.constant 0 : i32
    %c0_i32_1 = arith.constant 0 : i32
    return %c0_i32, %arg0, %c0_i32_0 : i32, i32, i32
  }
  func.func @transform_1(%arg0: i32) -> (i32, i32, i32) {
    %c0_i32 = arith.constant 0 : i32
    %c0_i32_0 = arith.constant 0 : i32
    %c0_i32_1 = arith.constant 0 : i32
    return %c0_i32, %arg0, %c0_i32_0 : i32, i32, i32
  }
  func.func @transform_2(%arg0: i32) -> (i32, i32) {
    %c0_i32 = arith.constant 0 : i32
    %c0_i32_0 = arith.constant 0 : i32
    %c0_i32_1 = arith.constant 0 : i32
    return %c0_i32, %c0_i32_0 : i32, i32
  }
  func.func @transform_3(%arg0: i32) -> (i32, i32) {
    %c0_i32 = arith.constant 0 : i32
    %c0_i32_0 = arith.constant 0 : i32
    %c0_i32_1 = arith.constant 0 : i32
    return %c0_i32, %c0_i32_0 : i32, i32
  }
  func.func @transform_4(%arg0: i32) -> (i32, i32) {
    %c0_i32 = arith.constant 0 : i32
    %c0_i32_0 = arith.constant 0 : i32
    %c0_i32_1 = arith.constant 0 : i32
    return %c0_i32, %c0_i32_0 : i32, i32
  }
  func.func @transform_5(%arg0: i32) -> (i32, i32, i32) {
    %c0_i32 = arith.constant 0 : i32
    %c0_i32_0 = arith.constant 0 : i32
    %c0_i32_1 = arith.constant 0 : i32
    return %c0_i32, %arg0, %c0_i32_0 : i32, i32, i32
  }
  func.func @transform_6(%arg0: i32) -> (i32, i32) {
    %c0_i32 = arith.constant 0 : i32
    %c0_i32_0 = arith.constant 0 : i32
    %c0_i32_1 = arith.constant 0 : i32
    return %c0_i32, %c0_i32_0 : i32, i32
  }
}

module attributes {stable_mosaic.version = 14 : i64} {
  func.func @_head_body(%arg0: memref<1x256xf32, #tpu.memory_space<vmem>>, %arg1: memref<1x1xf32, #tpu.memory_space<vmem>>, %arg2: memref<256x128xf32, #tpu.memory_space<vmem>>, %arg3: memref<1x128xf32, #tpu.memory_space<vmem>>, %arg4: memref<1x128xf32, #tpu.memory_space<vmem>>, %arg5: memref<128x64xf32, #tpu.memory_space<vmem>>, %arg6: memref<1x64xf32, #tpu.memory_space<vmem>>, %arg7: memref<1x64xf32, #tpu.memory_space<vmem>>, %arg8: memref<64x1xf32, #tpu.memory_space<vmem>>, %arg9: memref<1x1xf32, #tpu.memory_space<vmem>>, %arg10: memref<128x128xf32, #tpu.memory_space<vmem>>, %arg11: memref<1x128xf32, #tpu.memory_space<vmem>>, %arg12: memref<128x64xf32, #tpu.memory_space<vmem>>, %arg13: memref<128x64xf32, #tpu.memory_space<vmem>>, %arg14: memref<1x64xf32, #tpu.memory_space<vmem>>, %arg15: memref<1x1xf32, #tpu.memory_space<vmem>>, %arg16: memref<1x64xf32, #tpu.memory_space<vmem>>) attributes {dimension_semantics = [], scalar_prefetch = 0 : i64, scratch_operands = 0 : i64, tpu.core_type = #tpu.core_type<tc>} {
    %get3A = arith.constant 0 : index
    %get3A_0 = arith.constant 0 : index
    %get3A_1 = vector.load %arg1[%get3A, %get3A_0] : memref<1x1xf32, #tpu.memory_space<vmem>>, vector<1x1xf32>
    %get3A_2 = arith.constant 0 : index
    %get3A_3 = arith.constant 0 : index
    %get3A_4 = vector.load %arg0[%get3A_2, %get3A_3] : memref<1x256xf32, #tpu.memory_space<vmem>>, vector<1x256xf32>
    %get3A_5 = arith.constant 0 : index
    %get3A_6 = arith.constant 0 : index
    %get3A_7 = vector.load %arg2[%get3A_5, %get3A_6] : memref<256x128xf32, #tpu.memory_space<vmem>>, vector<256x128xf32>
    %dot_general3A = arith.constant dense<0.000000e+00> : vector<1x128xf32>
    %dot_general3A_8 = tpu.matmul %get3A_4, %get3A_7, %dot_general3A {dimension_numbers = #tpu.dot_dimension_numbers<[1], [0], [0], [1], [0, 0, 1, 1], [], []>, transpose_lhs_hint = false} : vector<1x256xf32>, vector<256x128xf32>, vector<1x128xf32> -> vector<1x128xf32>
    %get3A_9 = arith.constant 0 : index
    %get3A_10 = arith.constant 0 : index
    %get3A_11 = vector.load %arg3[%get3A_9, %get3A_10] : memref<1x128xf32, #tpu.memory_space<vmem>>, vector<1x128xf32>
    %mul3A = vector.broadcast %get3A_1 : vector<1x1xf32> to vector<1x128xf32>
    %mul3A_12 = arith.mulf %mul3A, %get3A_11 : vector<1x128xf32>
    %add3A = arith.addf %dot_general3A_8, %mul3A_12 : vector<1x128xf32>
    %get3A_13 = arith.constant 0 : index
    %get3A_14 = arith.constant 0 : index
    %get3A_15 = vector.load %arg4[%get3A_13, %get3A_14] : memref<1x128xf32, #tpu.memory_space<vmem>>, vector<1x128xf32>
    %add3A_16 = arith.addf %add3A, %get3A_15 : vector<1x128xf32>
    %max3A = arith.constant 0.000000e+00 : f32
    %max3A_17 = vector.broadcast %max3A : f32 to vector<1x128xf32>
    %max3A_18 = arith.maximumf %add3A_16, %max3A_17 : vector<1x128xf32>
    %get3A_19 = arith.constant 0 : index
    %get3A_20 = arith.constant 0 : index
    %get3A_21 = vector.load %arg5[%get3A_19, %get3A_20] : memref<128x64xf32, #tpu.memory_space<vmem>>, vector<128x64xf32>
    %dot_general3A_22 = arith.constant dense<0.000000e+00> : vector<1x64xf32>
    %dot_general3A_23 = tpu.matmul %max3A_18, %get3A_21, %dot_general3A_22 {dimension_numbers = #tpu.dot_dimension_numbers<[1], [0], [0], [1], [0, 0, 1, 1], [], []>, transpose_lhs_hint = false} : vector<1x128xf32>, vector<128x64xf32>, vector<1x64xf32> -> vector<1x64xf32>
    %get3A_24 = arith.constant 0 : index
    %get3A_25 = arith.constant 0 : index
    %get3A_26 = vector.load %arg6[%get3A_24, %get3A_25] : memref<1x64xf32, #tpu.memory_space<vmem>>, vector<1x64xf32>
    %mul3A_27 = vector.broadcast %get3A_1 : vector<1x1xf32> to vector<1x64xf32>
    %mul3A_28 = arith.mulf %mul3A_27, %get3A_26 : vector<1x64xf32>
    %add3A_29 = arith.addf %dot_general3A_23, %mul3A_28 : vector<1x64xf32>
    %get3A_30 = arith.constant 0 : index
    %get3A_31 = arith.constant 0 : index
    %get3A_32 = vector.load %arg7[%get3A_30, %get3A_31] : memref<1x64xf32, #tpu.memory_space<vmem>>, vector<1x64xf32>
    %add3A_33 = arith.addf %add3A_29, %get3A_32 : vector<1x64xf32>
    %max3A_34 = arith.constant 0.000000e+00 : f32
    %max3A_35 = vector.broadcast %max3A_34 : f32 to vector<1x64xf32>
    %max3A_36 = arith.maximumf %add3A_33, %max3A_35 : vector<1x64xf32>
    %get3A_37 = arith.constant 0 : index
    %get3A_38 = arith.constant 0 : index
    %get3A_39 = vector.load %arg8[%get3A_37, %get3A_38] : memref<64x1xf32, #tpu.memory_space<vmem>>, vector<64x1xf32>
    %dot_general3A_40 = arith.constant dense<0.000000e+00> : vector<1x1xf32>
    %dot_general3A_41 = tpu.matmul %max3A_36, %get3A_39, %dot_general3A_40 {dimension_numbers = #tpu.dot_dimension_numbers<[1], [0], [0], [1], [0, 0, 1, 1], [], []>, transpose_lhs_hint = false} : vector<1x64xf32>, vector<64x1xf32>, vector<1x1xf32> -> vector<1x1xf32>
    %get3A_42 = arith.constant 0 : index
    %get3A_43 = arith.constant 0 : index
    %get3A_44 = vector.load %arg9[%get3A_42, %get3A_43] : memref<1x1xf32, #tpu.memory_space<vmem>>, vector<1x1xf32>
    %add3A_45 = arith.addf %dot_general3A_41, %get3A_44 : vector<1x1xf32>
    %swap3A = arith.constant 0 : index
    %swap3A_46 = arith.constant 0 : index
    %swap3A_47 = vector.load %arg15[%swap3A, %swap3A_46] : memref<1x1xf32, #tpu.memory_space<vmem>>, vector<1x1xf32>
    tpu.vector_store %arg15[%swap3A, %swap3A_46], %add3A_45 {strides = array<i32>} : memref<1x1xf32, #tpu.memory_space<vmem>>, vector<1x1xf32>,
    %get3A_48 = arith.constant 0 : index
    %get3A_49 = arith.constant 0 : index
    %get3A_50 = vector.load %arg10[%get3A_48, %get3A_49] : memref<128x128xf32, #tpu.memory_space<vmem>>, vector<128x128xf32>
    %dot_general3A_51 = arith.constant dense<0.000000e+00> : vector<1x128xf32>
    %dot_general3A_52 = tpu.matmul %max3A_18, %get3A_50, %dot_general3A_51 {dimension_numbers = #tpu.dot_dimension_numbers<[1], [0], [0], [1], [0, 0, 1, 1], [], []>, transpose_lhs_hint = false} : vector<1x128xf32>, vector<128x128xf32>, vector<1x128xf32> -> vector<1x128xf32>
    %get3A_53 = arith.constant 0 : index
    %get3A_54 = arith.constant 0 : index
    %get3A_55 = vector.load %arg11[%get3A_53, %get3A_54] : memref<1x128xf32, #tpu.memory_space<vmem>>, vector<1x128xf32>
    %add3A_56 = arith.addf %dot_general3A_52, %get3A_55 : vector<1x128xf32>
    %max3A_57 = arith.constant 0.000000e+00 : f32
    %max3A_58 = vector.broadcast %max3A_57 : f32 to vector<1x128xf32>
    %max3A_59 = arith.maximumf %add3A_56, %max3A_58 : vector<1x128xf32>
    %get3A_60 = arith.constant 0 : index
    %get3A_61 = arith.constant 0 : index
    %get3A_62 = vector.load %arg12[%get3A_60, %get3A_61] : memref<128x64xf32, #tpu.memory_space<vmem>>, vector<128x64xf32>
    %dot_general3A_63 = arith.constant dense<0.000000e+00> : vector<1x64xf32>
    %dot_general3A_64 = tpu.matmul %max3A_18, %get3A_62, %dot_general3A_63 {dimension_numbers = #tpu.dot_dimension_numbers<[1], [0], [0], [1], [0, 0, 1, 1], [], []>, transpose_lhs_hint = false} : vector<1x128xf32>, vector<128x64xf32>, vector<1x64xf32> -> vector<1x64xf32>
    %get3A_65 = arith.constant 0 : index
    %get3A_66 = arith.constant 0 : index
    %get3A_67 = vector.load %arg13[%get3A_65, %get3A_66] : memref<128x64xf32, #tpu.memory_space<vmem>>, vector<128x64xf32>
    %dot_general3A_68 = arith.constant dense<0.000000e+00> : vector<1x64xf32>
    %dot_general3A_69 = tpu.matmul %max3A_59, %get3A_67, %dot_general3A_68 {dimension_numbers = #tpu.dot_dimension_numbers<[1], [0], [0], [1], [0, 0, 1, 1], [], []>, transpose_lhs_hint = false} : vector<1x128xf32>, vector<128x64xf32>, vector<1x64xf32> -> vector<1x64xf32>
    %add3A_70 = arith.addf %dot_general3A_64, %dot_general3A_69 : vector<1x64xf32>
    %get3A_71 = arith.constant 0 : index
    %get3A_72 = arith.constant 0 : index
    %get3A_73 = vector.load %arg14[%get3A_71, %get3A_72] : memref<1x64xf32, #tpu.memory_space<vmem>>, vector<1x64xf32>
    %add3A_74 = arith.addf %add3A_70, %get3A_73 : vector<1x64xf32>
    %swap3A_75 = arith.constant 0 : index
    %swap3A_76 = arith.constant 0 : index
    %swap3A_77 = vector.load %arg16[%swap3A_75, %swap3A_76] : memref<1x64xf32, #tpu.memory_space<vmem>>, vector<1x64xf32>
    tpu.vector_store %arg16[%swap3A_75, %swap3A_76], %add3A_74 {strides = array<i32>} : memref<1x64xf32, #tpu.memory_space<vmem>>, vector<1x64xf32>,
    return
  }
}

module attributes {stable_mosaic.version = 14 : i64} {
  func.func @_q_body(%arg0: i32, %arg1: memref<8000x1xf32, #tpu.memory_space<vmem>>, %arg2: memref<1x64xf32, #tpu.memory_space<vmem>>, %arg3: memref<1x128xf32, #tpu.memory_space<vmem>>, %arg4: memref<1x128xf32, #tpu.memory_space<vmem>>, %arg5: memref<128x64xf32, #tpu.memory_space<vmem>>, %arg6: memref<1x64xf32, #tpu.memory_space<vmem>>, %arg7: memref<64x1xf32, #tpu.memory_space<vmem>>, %arg8: memref<1x1xf32, #tpu.memory_space<vmem>>, %arg9: memref<8000x1xf32, #tpu.memory_space<vmem>>) attributes {dimension_semantics = [#tpu.dimension_semantics<arbitrary>], iteration_bounds = array<i64: 40>, scalar_prefetch = 0 : i64, scratch_operands = 0 : i64, tpu.core_type = #tpu.core_type<tc>, window_params = [{transform_indices = @transform_0, window_bounds = array<i64: 8000, 1>}, {pipeline_mode = #tpu.pipeline_mode<synchronous>, transform_indices = @transform_1, window_bounds = array<i64: 1, 64>}, {pipeline_mode = #tpu.pipeline_mode<synchronous>, transform_indices = @transform_2, window_bounds = array<i64: 1, 128>}, {pipeline_mode = #tpu.pipeline_mode<synchronous>, transform_indices = @transform_3, window_bounds = array<i64: 1, 128>}, {pipeline_mode = #tpu.pipeline_mode<synchronous>, transform_indices = @transform_4, window_bounds = array<i64: 128, 64>}, {pipeline_mode = #tpu.pipeline_mode<synchronous>, transform_indices = @transform_5, window_bounds = array<i64: 1, 64>}, {pipeline_mode = #tpu.pipeline_mode<synchronous>, transform_indices = @transform_6, window_bounds = array<i64: 64, 1>}, {pipeline_mode = #tpu.pipeline_mode<synchronous>, transform_indices = @transform_7, window_bounds = array<i64: 1, 1>}, {transform_indices = @transform_8, window_bounds = array<i64: 8000, 1>}]} {
    %get3A = arith.constant 0 : index
    %get3A_0 = arith.constant 0 : index
    %get3A_1 = vector.load %arg1[%get3A, %get3A_0] : memref<8000x1xf32, #tpu.memory_space<vmem>>, vector<8000x1xf32>
    %get3A_2 = arith.constant 0 : index
    %get3A_3 = arith.constant 0 : index
    %get3A_4 = vector.load %arg3[%get3A_2, %get3A_3] : memref<1x128xf32, #tpu.memory_space<vmem>>, vector<1x128xf32>
    %mul3A = vector.broadcast %get3A_1 : vector<8000x1xf32> to vector<8000x128xf32>
    %mul3A_5 = vector.broadcast %get3A_4 : vector<1x128xf32> to vector<8000x128xf32>
    %mul3A_6 = arith.mulf %mul3A, %mul3A_5 : vector<8000x128xf32>
    %get3A_7 = arith.constant 0 : index
    %get3A_8 = arith.constant 0 : index
    %get3A_9 = vector.load %arg4[%get3A_7, %get3A_8] : memref<1x128xf32, #tpu.memory_space<vmem>>, vector<1x128xf32>
    %add3A = vector.broadcast %get3A_9 : vector<1x128xf32> to vector<8000x128xf32>
    %add3A_10 = arith.addf %mul3A_6, %add3A : vector<8000x128xf32>
    %max3A = arith.constant 0.000000e+00 : f32
    %max3A_11 = vector.broadcast %max3A : f32 to vector<8000x128xf32>
    %max3A_12 = arith.maximumf %add3A_10, %max3A_11 : vector<8000x128xf32>
    %get3A_13 = arith.constant 0 : index
    %get3A_14 = arith.constant 0 : index
    %get3A_15 = vector.load %arg5[%get3A_13, %get3A_14] : memref<128x64xf32, #tpu.memory_space<vmem>>, vector<128x64xf32>
    %dot_general3A = arith.constant dense<0.000000e+00> : vector<8000x64xf32>
    %dot_general3A_16 = tpu.matmul %max3A_12, %get3A_15, %dot_general3A {dimension_numbers = #tpu.dot_dimension_numbers<[1], [0], [0], [1], [0, 0, 1, 1], [], []>, transpose_lhs_hint = false} : vector<8000x128xf32>, vector<128x64xf32>, vector<8000x64xf32> -> vector<8000x64xf32>
    %get3A_17 = arith.constant 0 : index
    %get3A_18 = arith.constant 0 : index
    %get3A_19 = vector.load %arg2[%get3A_17, %get3A_18] : memref<1x64xf32, #tpu.memory_space<vmem>>, vector<1x64xf32>
    %add3A_20 = vector.broadcast %get3A_19 : vector<1x64xf32> to vector<8000x64xf32>
    %add3A_21 = arith.addf %dot_general3A_16, %add3A_20 : vector<8000x64xf32>
    %get3A_22 = arith.constant 0 : index
    %get3A_23 = arith.constant 0 : index
    %get3A_24 = vector.load %arg6[%get3A_22, %get3A_23] : memref<1x64xf32, #tpu.memory_space<vmem>>, vector<1x64xf32>
    %mul3A_25 = vector.broadcast %get3A_1 : vector<8000x1xf32> to vector<8000x64xf32>
    %mul3A_26 = vector.broadcast %get3A_24 : vector<1x64xf32> to vector<8000x64xf32>
    %mul3A_27 = arith.mulf %mul3A_25, %mul3A_26 : vector<8000x64xf32>
    %add3A_28 = arith.addf %add3A_21, %mul3A_27 : vector<8000x64xf32>
    %max3A_29 = arith.constant 0.000000e+00 : f32
    %max3A_30 = vector.broadcast %max3A_29 : f32 to vector<8000x64xf32>
    %max3A_31 = arith.maximumf %add3A_28, %max3A_30 : vector<8000x64xf32>
    %get3A_32 = arith.constant 0 : index
    %get3A_33 = arith.constant 0 : index
    %get3A_34 = vector.load %arg7[%get3A_32, %get3A_33] : memref<64x1xf32, #tpu.memory_space<vmem>>, vector<64x1xf32>
    %dot_general3A_35 = arith.constant dense<0.000000e+00> : vector<8000x1xf32>
    %dot_general3A_36 = tpu.matmul %max3A_31, %get3A_34, %dot_general3A_35 {dimension_numbers = #tpu.dot_dimension_numbers<[1], [0], [0], [1], [0, 0, 1, 1], [], []>, transpose_lhs_hint = false} : vector<8000x64xf32>, vector<64x1xf32>, vector<8000x1xf32> -> vector<8000x1xf32>
    %get3A_37 = arith.constant 0 : index
    %get3A_38 = arith.constant 0 : index
    %get3A_39 = vector.load %arg8[%get3A_37, %get3A_38] : memref<1x1xf32, #tpu.memory_space<vmem>>, vector<1x1xf32>
    %add3A_40 = vector.broadcast %get3A_39 : vector<1x1xf32> to vector<8000x1xf32>
    %add3A_41 = arith.addf %dot_general3A_36, %add3A_40 : vector<8000x1xf32>
    %swap3A = arith.constant 0 : index
    %swap3A_42 = arith.constant 0 : index
    %swap3A_43 = vector.load %arg9[%swap3A, %swap3A_42] : memref<8000x1xf32, #tpu.memory_space<vmem>>, vector<8000x1xf32>
    tpu.vector_store %arg9[%swap3A, %swap3A_42], %add3A_41 {strides = array<i32>} : memref<8000x1xf32, #tpu.memory_space<vmem>>, vector<8000x1xf32>,
    return
  }
  func.func @transform_0(%arg0: i32) -> (i32, i32) {
    %c0_i32 = arith.constant 0 : i32
    %c0_i32_0 = arith.constant 0 : i32
    return %arg0, %c0_i32 : i32, i32
  }
  func.func @transform_1(%arg0: i32) -> (i32, i32) {
    %c0_i32 = arith.constant 0 : i32
    %c0_i32_0 = arith.constant 0 : i32
    %c0_i32_1 = arith.constant 0 : i32
    return %c0_i32, %c0_i32_0 : i32, i32
  }
  func.func @transform_2(%arg0: i32) -> (i32, i32) {
    %c0_i32 = arith.constant 0 : i32
    %c0_i32_0 = arith.constant 0 : i32
    %c0_i32_1 = arith.constant 0 : i32
    return %c0_i32, %c0_i32_0 : i32, i32
  }
  func.func @transform_3(%arg0: i32) -> (i32, i32) {
    %c0_i32 = arith.constant 0 : i32
    %c0_i32_0 = arith.constant 0 : i32
    %c0_i32_1 = arith.constant 0 : i32
    return %c0_i32, %c0_i32_0 : i32, i32
  }
  func.func @transform_4(%arg0: i32) -> (i32, i32) {
    %c0_i32 = arith.constant 0 : i32
    %c0_i32_0 = arith.constant 0 : i32
    %c0_i32_1 = arith.constant 0 : i32
    return %c0_i32, %c0_i32_0 : i32, i32
  }
  func.func @transform_5(%arg0: i32) -> (i32, i32) {
    %c0_i32 = arith.constant 0 : i32
    %c0_i32_0 = arith.constant 0 : i32
    %c0_i32_1 = arith.constant 0 : i32
    return %c0_i32, %c0_i32_0 : i32, i32
  }
  func.func @transform_6(%arg0: i32) -> (i32, i32) {
    %c0_i32 = arith.constant 0 : i32
    %c0_i32_0 = arith.constant 0 : i32
    %c0_i32_1 = arith.constant 0 : i32
    return %c0_i32, %c0_i32_0 : i32, i32
  }
  func.func @transform_7(%arg0: i32) -> (i32, i32) {
    %c0_i32 = arith.constant 0 : i32
    %c0_i32_0 = arith.constant 0 : i32
    %c0_i32_1 = arith.constant 0 : i32
    return %c0_i32, %c0_i32_0 : i32, i32
  }
  func.func @transform_8(%arg0: i32) -> (i32, i32) {
    %c0_i32 = arith.constant 0 : i32
    %c0_i32_0 = arith.constant 0 : i32
    return %arg0, %c0_i32 : i32, i32
  }
}

</mosaic_0001>

<sc_bundles>
// kernel: kernel.12.cloned.1.call-start
scs
__scs_entry_jumppad:
0x0: {  	(pc) =	sbr.rel $0x88, $3  }
0x1: {  	(tag) =	ssettag $0x0;
	lr =	simm.s32 $0x1  }
0x2: {  	[smem:$0x3F8A] =	sst lr;
	_ =	strace $0xD0000000  }
0x3: {  	_ = 	snop  }
0x4: {  	_ = 	snop  }
0x5: {  	_ = 	snop  }
0x6: {  	_ = 	snop  }
0x7: {  	_ = 	snop  }
__scs_overlays_trampoline_lowered:
0x8: {  	[smem:$0x3F99] =	sst s0  }
0x9: {  	[smem:$0x3F9A] =	sst s1  }
0xa: {  	[smem:$0x3F9B] =	sst s2  }
0xb: {  	[smem:$0x3F9C] =	sst s3  }
0xc: {  	[smem:$0x3F9D] =	sst s4  }
0xd: {  	[smem:$0x3F9E] =	sst s5  }
0xe: {  	[smem:$0x3F9F] =	sst s6  }
0xf: {  	[smem:$0x3FA0] =	sst s7  }
0x10: {  	[smem:$0x3FA1] =	sst s8  }
0x11: {  	[smem:$0x3FA2] =	sst s9;
	s0 =	simm.s32 @!p0 $0x0  }
0x12: {  	s1 =	sld [smem:$0x3F88];
	s0 =	simm.s32 @p0 $0x1  }
0x13: {  	[smem:$0x3FA3] =	sst s0;
	s0 =	simm.s32 @!p1 $0x0  }
0x14: {  	s2 =	sld [smem:$0x3F87];
	s0 =	simm.s32 @p1 $0x1  }
0x15: {  	[smem:$0x3FA4] =	sst s0;
	s0 =	simm.s32 @!p2 $0x0  }
0x16: {  	s3 =	sld [smem:$0x3FDB];
	s0 =	simm.s32 @p2 $0x1  }
0x17: {  	s4 =	simm.s32 $0x1BF5;
	[smem:$0x3FA6] =	sst s0  }
0x18: {  	s0 =	sld [smem:$0x3F89];
	_ =	swait.ge [sflag:s4], $0x0  }
0x19: {  	s7 =	sld [smem:$0x3F8A]  }
0x1a: {  	s8 =	sadd.s32 $0xFFFFE003, lr  }
0x1b: {  	s9 =	sadd.s32 $0xFFFFFEF7, lr;
	s5 =	simm.s32 $0xFFFFFFFF;
	p2 =	slt.u32 s8, $0xFFFFF086  }
0x1c: {  	p1 =	slt.u32 s9, $0xF7A;
	s5 =	simm.s32 @!p2 $0x0  }
0x1d: {  	s5 =	simm.s32 @p1 $0x1;
	p0 =	seq.s32 s7, s2  }
0x1e: {  	s7 =	smul.u32 @!p0 $0xF7A, s2;
	p2 =	seq.s32 @!p0 s5, $0x0  }
0x1f: {  	s9 =	smul.u32 $0xF7A, s1;
	s8 =	simm.s32 @!p0 $0x1BF5;
	p2 =	por !p2, p0  }
0x20: {  	[sflag:s8] =	ssyncset.s32 @!p0 $0xFFFFF086;
	s6 =	sadd.s32 @!p0 s3, s7;
	s7 =	simm.s32 @!p0 $0x108  }
0x21: {  	s3 =	sadd.s32 s3, s9;
	s6 =	sadd.s32 @!p0 $0x88, s6;
	s7 =	simm.s32 @p2 $0x1082  }
0x22: {  	[simem:s7], [sflag:s8] =	dma.local @!p0 [hbm:s6], $0xF7A  }
0x23: {  	s9 =	sor.u32 $0xD0000000, s2;
	s6 =	simm.s32 $0x108;
	_ =	swait.ge @!p0 [sflag:s8], $0x0  }
0x24: {  	s3 =	sadd.s32 $0x88, s3;
	s6 =	simm.s32 @!p1 $0x1082;
	[sflag:s4] =	ssyncset.s32 $0xFFFFF086  }
0x25: {  	[simem:s6], [sflag:s4] =	dma.local [hbm:s3], $0xF7A  }
0x26: {  	[smem:$0x3F8A] =	sst s1;
	(tag) =	ssettag s2;
	_ =	strace s9  }
0x27: {  	s1 =	sld [smem:$0x3F9A]  }
0x28: {  	s2 =	sld [smem:$0x3F9B]  }
0x29: {  	s4 =	sld [smem:$0x3F9D]  }
0x2a: {  	p0 =	seq.s32 s5, $0x0;
	s5 =	sld [smem:$0x3F9E]  }
0x2b: {  	s6 =	sld [smem:$0x3F9F]  }
0x2c: {  	s7 =	sld [smem:$0x3FA0]  }
0x2d: {  	s3 =	simm.s32 $0x108;
	s8 =	sld [smem:$0x3FA1]  }
0x2e: {  	s3 =	simm.s32 @!p0 $0x1082;
	s9 =	sld [smem:$0x3FA2]  }
0x2f: {  	lr =	sadd.s32 s0, s3;
	s0 =	sld [smem:$0x3F99]  }
0x30: {  	s3 =	sld [smem:$0x3F9C]  }
0x31: {  	[smem:$0x3FA5] =	sst s10  }
0x32: {  	s10 =	sld [smem:$0x3FA3];
	_ =	sdelay $0x3  }
0x33: {  	p0 =	seq.s32 s10, $0x1;
	s10 =	sld [smem:$0x3FA5];
	_ =	sdelay $0x3  }
0x34: {  	[smem:$0x3FA5] =	sst s10  }
0x35: {  	s10 =	sld [smem:$0x3FA4];
	_ =	sdelay $0x3  }
0x36: {  	p1 =	seq.s32 s10, $0x1;
	s10 =	sld [smem:$0x3FA5];
	_ =	sdelay $0x3  }
0x37: {  	[smem:$0x3FA5] =	sst s10  }
0x38: {  	s10 =	sld [smem:$0x3FA6]  }
0x39: {  	_ = 	snop;
	(pc) =	sbr.ind lr, $3  }
0x3a: {  	_ = 	snop  }
0x3b: {  	_ = 	snop  }
0x3c: {  	p2 =	seq.s32 s10, $0x1;
	s10 =	sld [smem:$0x3FA5]  }
0x3d: {  	_ =	shalt  }
0x3e: {  	_ =	shalt  }
0x3f: {  	_ =	shalt  }
0x40: {  	_ =	shalt  }
0x41: {  	_ =	shalt  }
0x42: {  	_ =	shalt  }
0x43: {  	_ =	shalt  }
0x44: {  	_ =	shalt  }
0x45: {  	_ =	shalt  }
0x46: {  	_ =	shalt  }
0x47: {  	_ =	shalt  }
0x48: {  	_ =	shalt  }
0x49: {  	_ =	shalt  }
0x4a: {  	_ =	shalt  }
0x4b: {  	_ =	shalt  }
0x4c: {  	_ =	shalt  }
0x4d: {  	_ =	shalt  }
0x4e: {  	_ =	shalt  }
0x4f: {  	_ =	shalt  }
0x50: {  	_ =	shalt  }
0x51: {  	_ =	shalt  }
0x52: {  	_ =	shalt  }
0x53: {  	_ =	shalt  }
0x54: {  	_ =	shalt  }
0x55: {  	_ =	shalt  }
0x56: {  	_ =	shalt  }
0x57: {  	_ =	shalt  }
0x58: {  	_ =	shalt  }
0x59: {  	_ =	shalt  }
0x5a: {  	_ =	shalt  }
0x5b: {  	_ =	shalt  }
0x5c: {  	_ =	shalt  }
0x5d: {  	_ =	shalt  }
0x5e: {  	_ =	shalt  }
0x5f: {  	_ =	shalt  }
0x60: {  	_ =	shalt  }
0x61: {  	_ =	shalt  }
0x62: {  	_ =	shalt  }
0x63: {  	_ =	shalt  }
0x64: {  	_ =	shalt  }
0x65: {  	_ =	shalt  }
0x66: {  	_ =	shalt  }
0x67: {  	_ =	shalt  }
0x68: {  	_ =	shalt  }
0x69: {  	_ =	shalt  }
0x6a: {  	_ =	shalt  }
0x6b: {  	_ =	shalt  }
0x6c: {  	_ =	shalt  }
0x6d: {  	_ =	shalt  }
0x6e: {  	_ =	shalt  }
0x6f: {  	_ =	shalt  }
0x70: {  	_ =	shalt  }
0x71: {  	_ =	shalt  }
0x72: {  	_ =	shalt  }
0x73: {  	_ =	shalt  }
0x74: {  	_ =	shalt  }
0x75: {  	_ =	shalt  }
0x76: {  	_ =	shalt  }
0x77: {  	_ =	shalt  }
0x78: {  	_ =	shalt  }
0x79: {  	_ =	shalt  }
0x7a: {  	_ =	shalt  }
0x7b: {  	_ =	shalt  }
0x7c: {  	_ =	shalt  }
0x7d: {  	_ =	shalt  }
0x7e: {  	_ =	shalt  }
0x7f: {  	_ =	shalt  }
0x80: {  	_ =	shalt  }
0x81: {  	_ =	shalt  }
0x82: {  	_ =	shalt  }
0x83: {  	_ =	shalt  }
0x84: {  	_ =	shalt  }
0x85: {  	_ =	shalt  }
0x86: {  	_ =	shalt  }
0x87: {  	_ =	shalt  }
.Lfunc_end0:
.L_simem_size_0:
called_computation_lowered:
.L_overlay_start_0:
0x88: {  	s2 =	sld [smem:$0x3FD9]  }
0x89: {  	s3 =	sld [smem:$0x3FFE];
	_ =	sdelay $0x1  }
0x8a: {  	s1 =	srdreg.scid  }
0x8b: {  	s0 =	sand.u32 $0x1, s1  }
0x8c: {  	s16 =	sshll.u32 s0, $0xA;
	s2 =	sadd.s32 s3, s2  }
0x8d: {  	s2 =	sadd.s32 s2, s16  }
0x8e: {  	[smem:$0x3FB1] =	sst s2  }
0x8f: {  	_ = 	snop  }
0x90: {  	(tm) =	ssettm $0x1  }
0x91: {  	s17 =	sld [smem:$0x3FFB];
	_ =	sdelay $0x3  }
0x92: {  	_ =	strace s17  }
0x93: {  	s2 =	sld [smem:$0x3FFC];
	_ =	sdelay $0x3  }
0x94: {  	_ =	strace s2  }
0x95: {  	s2 =	sld [smem:$0x3FFD];
	_ =	sdelay $0x3  }
0x96: {  	_ =	strace s2  }
0x97: {  	_ =	strace $0x8FFFFFFF  }
0x98: {  	s18 =	sld [smem:$0x3FDB];
	_ =	sdelay $0x1  }
0x99: {  	s19 =	simm.s32 $_scs_section_size  }
0x9a: {  	s4 =	simm.s32 $_size__tile_overlayer_lowered;
	s5 =	simm.s32 $_tile_overlayer_lowered  }
0x9b: {  	s22 =	simm.s32 $0x1BFF;
	s21 =	sshll.u32 s5, $0x1;
	s2 =	sadd.s32 s19, s18  }
0x9c: {  	s6 =	simm.s32 $0x0;
	s20 =	sshll.u32 s4, $0x1;
	s4 =	sadd.s32 s21, s2  }
0x9d: {  	[timem:s6], [sflag:s22] =	dma.local [hbm:s4], s20  }
0x9e: {  	_ =	swait.ge [sflag:s22], s20  }
0x9f: {  	s3 =	ssub.s32 $0x0, s20;
	[sflag:s22] =	ssyncset.done $0x0  }
0xa0: {  	[sflag:s22] =	ssyncadd.s32 s3;
	_ =	sdelay $0x1  }
0xa1: {  	s23 =	simm.s32 $0x1B8B  }
0xa2: {  	_ =	swait.ge [sflag:s23], $0x1  }
0xa3: {  	[sflag:s23] =	ssyncset.done $0x0  }
0xa4: {  	s25 =	simm.s32 $0x1B8E;
	s24 =	sld [smem:$0x3FFE];
	[sflag:s23] =	ssyncadd.s32 $0xFFFFFFFF  }
0xa5: {  	s26 =	simm.s32 $execute0_lowered;
	[smem:$0x3FD2] =	sst s25  }
0xa6: {  	s4 =	sshll.u32 s26, $0x1;
	_ =	strace $0x80000046;
	[dreg:$0x1] =	wrdreg $0xFFFFFFFF  }
0xa7: {  	s28 =	simm.s32 $_size_execute0_lowered;
	s2 =	sadd.s32 s2, s4;
	[dreg:$0x0] =	wrdreg $0x0  }
0xa8: {  	s4 =	sshll.u32 s28, $0x1;
	[dreg:$0x2] =	wrdreg s2  }
0xa9: {  	[dreg:$0x3] =	wrdreg s4  }
0xaa: {  	[dreg:$0x4] =	wrdreg $0xC0  }
0xab: {  	_ =	task [dreg:s6], $0x5FFFF  }
0xac: {  	[dreg:$0x1] =	wrdreg $0xFFFFFFFF  }
0xad: {  	[dreg:$0x0] =	wrdreg $0x60  }
0xae: {  	[dreg:$0x2] =	wrdreg s24  }
0xaf: {  	[dreg:$0x3] =	wrdreg $0x9  }
0xb0: {  	_ =	task.clear_ibuf [dreg:s6], $0x4FFFF;
	_ =	strace $0x90000046  }
0xb1: {  	s29 =	simm.s32 $0x9;
	_ =	strace $0x80000048  }
0xb2: {  	_ =	swait.ge [sflag:s29], $0x1  }
0xb3: {  	[sflag:s29] =	ssyncadd.s32 $0xFFFFFFFF  }
0xb4: {  	_ =	strace $0x90000048  }
0xb5: {  	_ =	sfence  }
0xb6: {  	s30 =	sld [smem:$0x0];
	_ =	sdelay $0x2  }
0xb7: {  	s31 =	sshll.u32 s1, $0xD;
	s1 =	sshrl.u32 s1, $0x2  }
0xb8: {  	s3 =	sand.u32 $0x4000, s31;
	s1 =	sadd.s32 s1, s30  }
0xb9: {  	s0 =	sor.u32 s3, s0;
	s1 =	sshll.u32 s1, $0x11  }
0xba: {  	s0 =	sor.u32 s1, s0  }
0xbb: {  	s0 =	sadd.s32 $0x8F2B, s0  }
0xbc: {  	[sflag:s0] =	ssyncadd.remote.s32 $0x1  }
0xbd: {  	_ =	sfence.sel $0xFFFF  }
0xbe: {  	[dreg:$0x0] =	wrdreg $0xFFFFFFFF;
	(pc) =	sbr.abs _section_cstart, $3  }
0xbf: {  	[dreg:$0x1] =	wrdreg $0xFFFFFFFF  }
0xc0: {  	_ =	task.clear_ibuf [dreg:s6], $0x2FFFF;
	_ =	strace $0x9FFFFFFF  }
0xc1: {  	(tm) =	ssettm $0x7FFFFFFF  }
tec
execute0_lowered:
.L_overlay_start_1:
0x0: {  	(tag) =	ssettag $0x1  }
0x1: {  	s0 =	srdreg.scid  }
0x2: {  	s4 =	rddreg [dreg:$0x0];
	s1 =	stileid.u32  }
0x3: {  	s9 =	simm.s32 $0x4F00;
	s10 =	simm.s32 $0x1;
	s3 =	sand.u32 $0x1, s0  }
0x4: {  	s11 =	simm.s32 $0x7680;
	s12 =	simm.s32 $0x9E00;
	s2 =	sshll.u32 s3, $0x4  }
0x5: {  	s13 =	simm.s32 $0x2780;
	s0 =	rddreg [dreg:$0x1];
	s5 =	sor.u32 s1, s2  }
0x6: {  	s3 =	ssub.s32 $0x2, s3;
	s2 =	simm.s32 $0x0;
	s5 =	smul.u32 $0x4E2, s5  }
0x7: {  	s14 =	simm.s32 $0x0;
	s6 =	sshrl.u32 s3, $0x1;
	[smem:$0x7FF] =	sst s2  }
0x8: {  	s8 =	ssub.s32 s3, s6;
	_ =	strace $0x80000047;
	s7 =	sadd.s32 s5, s4  }
0x9: {  	s8 =	smax.u32 s8, $0x1;
	s3 =	sadd.s32 $0x5400, s7;
	s4 =	sadd.s32 $0x19000, s7  }
0xa: {  	v0 =	vimm.f32 $0.0e+00;
	s5 =	sadd.s32 $0xF200, s7;
	s6 =	sadd.s32 $0x22E00, s7;
	s7 =	sadd.s32 $0x2CC00, s7  }
.LBB2_1:
0xb: {  	[tilespmem:s9], [sflag:$0x1] =	stream.linear.gather [hbm4b:s3+s2], $0x2710, $0x38;
	[tilespmem:$0xC580] =	vst v63  }
0xc: {  	_ =	swait.ge [sflag:s10], $0x2710  }
0xd: {  	[sflag:s10] =	ssyncset.done $0x0  }
0xe: {  	[sflag:s10] =	ssyncadd.s32 $0xFFFFD8F0  }
0xf: {  	[tilespmem:s11], [sflag:$0x1] =	stream.linear.gather [hbm4b:s4+s2], $0x2710, $0x38;
	[tilespmem:$0xC580] =	vst v63  }
0x10: {  	_ =	swait.ge [sflag:s10], $0x2710  }
0x11: {  	[sflag:s10] =	ssyncset.done $0x0  }
0x12: {  	[sflag:s10] =	ssyncadd.s32 $0xFFFFD8F0  }
0x13: {  	[tilespmem:s12], [sflag:$0x1] =	stream.linear.gather [hbm4b:s5+s2], $0x2710, $0x38;
	[tilespmem:$0xC580] =	vst v63  }
0x14: {  	_ =	swait.ge [sflag:s10], $0x2710  }
0x15: {  	[sflag:s10] =	ssyncset.done $0x0  }
0x16: {  	s15 =	simm.s32 $0x0;
	[sflag:s10] =	ssyncadd.s32 $0xFFFFD8F0  }
.LBB2_2:
0x17: {  	p0 =	sne.s32 s15, $0x9C00  }
.Ltmp0:
0x18: {  	_ = 	snop;
	(pc) =	sbr.rel @p0 .LBB2_2-.Ltmp0, $4  }
0x19: {  	_ = 	snop  }
0x1a: {  	s16 =	sshra.s32 s15, $0x2  }
0x1b: {  	[tilespmem:s16+$0x0] =	vst v0  }
0x1c: {  	s15 =	sadd.s32 $0x40, s15;
	[tilespmem:s16+$0x2780] =	vst v0  }
0x1d: {  	s17 =	simm.s32 $0x0  }
0x1e: {  	v1 =	vld [tilespmem:s17+$0x4F00];
	_ =	sdelay $0x2  }
0x1f: {  	v2 =	vld [tilespmem:s17+$0x7680];
	_ =	sdelay $0x4  }
0x20: {  	[tilespmem:v1+s2+$0x0] =	vst.idx.add.f32.msk $0xffff, v2  }
0x21: {  	s15 =	simm.s32 $0x40;
	s16 =	simm.s32 $0x80;
	v2 =	vld [tilespmem:s17+$0x9E00]  }
.LBB2_4:
0x22: {  	_ =	sdelay $0x2  }
0x23: {  	p0 =	sne.s32 s16, $0x9C00  }
0x24: {  	s17 =	sshra.s32 s15, $0x2;
	s15 =	smov.u32 s16;
	s16 =	sadd.s32 $0x40, s16;
	[tilespmem:v1+s13+$0x0] =	vst.idx.add.f32.msk $0xffff, v2  }
0x25: {  	v1 =	vld [tilespmem:s17+$0x4F00];
	_ =	sdelay $0x2  }
0x26: {  	v2 =	vld [tilespmem:s17+$0x7680];
	_ =	sdelay $0x1  }
.Ltmp1:
0x27: {  	(pc) =	sbr.rel @p0 .LBB2_4-.Ltmp1, $3  }
0x28: {  	_ =	sdelay $0x1  }
0x29: {  	[tilespmem:v1+s2+$0x0] =	vst.idx.add.f32.msk $0xffff, v2  }
0x2a: {  	v2 =	vld [tilespmem:s17+$0x9E00]  }
0x2b: {  	_ =	sdelay $0x3  }
0x2c: {  	s15 =	sshra.s32 s15, $0x2;
	[tilespmem:v1+s13+$0x0] =	vst.idx.add.f32.msk $0xffff, v2  }
0x2d: {  	v1 =	vld [tilespmem:s15+$0x4F00];
	_ =	sdelay $0x2  }
0x2e: {  	v2 =	vld [tilespmem:s15+$0x7680];
	_ =	sdelay $0x4  }
0x2f: {  	[tilespmem:v1+s2+$0x0] =	vst.idx.add.f32.msk $0xffff, v2  }
0x30: {  	v2 =	vld [tilespmem:s15+$0x9E00];
	_ =	sdelay $0x4  }
0x31: {  	[tilespmem:v1+s13+$0x0] =	vst.idx.add.f32.msk $0xffff, v2  }
0x32: {  	[hbm4b:s6+s2] =	stream.linear.scatter [tilespmem:s2], [sflag:$0x1], $0x2710, $0x38;
	[tilespmem:$0xC580] =	vst v63  }
0x33: {  	s14 =	sadd.s32 $0x1, s14;
	_ =	swait.ge [sflag:s10], $0x2710  }
0x34: {  	p0 =	sne.s32 s14, s8;
	[sflag:s10] =	ssyncset.done $0x0  }
.Ltmp2:
0x35: {  	[sflag:s10] =	ssyncadd.s32 $0xFFFFD8F0;
	(pc) =	sbr.rel @p0 .LBB2_1-.Ltmp2, $4  }
0x36: {  	[hbm4b:s7+s2] =	stream.linear.scatter [tilespmem:s13], [sflag:$0x1], $0x2710, $0x38;
	[tilespmem:$0xC580] =	vst v63  }
0x37: {  	_ =	swait.ge [sflag:s10], $0x2710  }
0x38: {  	[sflag:s10] =	ssyncset.done $0x0  }
0x39: {  	[sflag:s10] =	ssyncadd.s32 $0xFFFFD8F0  }
0x3a: {  	_ =	sfence.sel $0x180000  }
0x3b: {  	[bflag:$0x0] =	sbarrier.arrive $0xFFFF  }
0x3c: {  	p0 =	sne.s32 s1, $0x0;
	_ =	strace $0x90000047  }
0x3d: {  	s0 =	sadd.s32 @!p0 $0x100000, s0;
	[bflag:$0x2] =	sbarrier.arrive $0xFFFF  }
0x3e: {  	[sflag:s0] =	ssyncadd.tile.s32 @!p0 $0x1;
	_ =	shalt  }
.Lfunc_end2:
_tile_overlayer_lowered:
.L_overlay_start_2:
0x3f: {  	(tag) =	ssettag $0x2  }
0x40: {  	s0 =	rddreg [dreg:$0x0];
	s2 =	stileid.u32  }
0x41: {  	s1 =	rddreg [dreg:$0x1];
	p0 =	sne.s32 s2, $0x0  }
0x42: {  	s3 =	rddreg [dreg:$0x2];
	[bflag:$0x3] =	sbarrier.arrive $0xFFFF;
	s2 =	simm.s32 @!p0 $0x1C01  }
0x43: {  	[timem:s3], [sflag:s2] =	dma.local @!p0 [hbm:s0], s1  }
0x44: {  	s0 =	simm.s32 @!p0 $0x1  }
0x45: {  	_ =	swait.ge @!p0 [sflag:s0], s1  }
0x46: {  	s1 =	ssub.s32 @!p0 $0x0, s1;
	[sflag:s0] =	ssyncset.done @!p0 $0x0  }
0x47: {  	[sflag:s0] =	ssyncadd.s32 @!p0 s1  }
0x48: {  	[bflag:$0x3] =	sbarrier.arrive $0xFFFF  }
0x49: {  	_ =	shalt  }

// kernel: kernel.15.cloned.1.call-start
scs
__scs_entry_jumppad:
0x0: {  	(pc) =	sbr.rel $0x88, $3  }
0x1: {  	(tag) =	ssettag $0x0;
	lr =	simm.s32 $0x1  }
0x2: {  	[smem:$0x3F8A] =	sst lr;
	_ =	strace $0xD0000000  }
0x3: {  	_ = 	snop  }
0x4: {  	_ = 	snop  }
0x5: {  	_ = 	snop  }
0x6: {  	_ = 	snop  }
0x7: {  	_ = 	snop  }
__scs_overlays_trampoline_lowered:
0x8: {  	[smem:$0x3F99] =	sst s0  }
0x9: {  	[smem:$0x3F9A] =	sst s1  }
0xa: {  	[smem:$0x3F9B] =	sst s2  }
0xb: {  	[smem:$0x3F9C] =	sst s3  }
0xc: {  	[smem:$0x3F9D] =	sst s4  }
0xd: {  	[smem:$0x3F9E] =	sst s5  }
0xe: {  	[smem:$0x3F9F] =	sst s6  }
0xf: {  	[smem:$0x3FA0] =	sst s7  }
0x10: {  	[smem:$0x3FA1] =	sst s8  }
0x11: {  	[smem:$0x3FA2] =	sst s9;
	s0 =	simm.s32 @!p0 $0x0  }
0x12: {  	s1 =	sld [smem:$0x3F88];
	s0 =	simm.s32 @p0 $0x1  }
0x13: {  	[smem:$0x3FA3] =	sst s0;
	s0 =	simm.s32 @!p1 $0x0  }
0x14: {  	s2 =	sld [smem:$0x3F87];
	s0 =	simm.s32 @p1 $0x1  }
0x15: {  	[smem:$0x3FA4] =	sst s0;
	s0 =	simm.s32 @!p2 $0x0  }
0x16: {  	s3 =	sld [smem:$0x3FDB];
	s0 =	simm.s32 @p2 $0x1  }
0x17: {  	s4 =	simm.s32 $0x1BF5;
	[smem:$0x3FA6] =	sst s0  }
0x18: {  	s0 =	sld [smem:$0x3F89];
	_ =	swait.ge [sflag:s4], $0x0  }
0x19: {  	s7 =	sld [smem:$0x3F8A]  }
0x1a: {  	s8 =	sadd.s32 $0xFFFFE003, lr  }
0x1b: {  	s9 =	sadd.s32 $0xFFFFFEF7, lr;
	s5 =	simm.s32 $0xFFFFFFFF;
	p2 =	slt.u32 s8, $0xFFFFF086  }
0x1c: {  	p1 =	slt.u32 s9, $0xF7A;
	s5 =	simm.s32 @!p2 $0x0  }
0x1d: {  	s5 =	simm.s32 @p1 $0x1;
	p0 =	seq.s32 s7, s2  }
0x1e: {  	s7 =	smul.u32 @!p0 $0xF7A, s2;
	p2 =	seq.s32 @!p0 s5, $0x0  }
0x1f: {  	s9 =	smul.u32 $0xF7A, s1;
	s8 =	simm.s32 @!p0 $0x1BF5;
	p2 =	por !p2, p0  }
0x20: {  	[sflag:s8] =	ssyncset.s32 @!p0 $0xFFFFF086;
	s6 =	sadd.s32 @!p0 s3, s7;
	s7 =	simm.s32 @!p0 $0x108  }
0x21: {  	s3 =	sadd.s32 s3, s9;
	s6 =	sadd.s32 @!p0 $0x88, s6;
	s7 =	simm.s32 @p2 $0x1082  }
0x22: {  	[simem:s7], [sflag:s8] =	dma.local @!p0 [hbm:s6], $0xF7A  }
0x23: {  	s9 =	sor.u32 $0xD0000000, s2;
	s6 =	simm.s32 $0x108;
	_ =	swait.ge @!p0 [sflag:s8], $0x0  }
0x24: {  	s3 =	sadd.s32 $0x88, s3;
	s6 =	simm.s32 @!p1 $0x1082;
	[sflag:s4] =	ssyncset.s32 $0xFFFFF086  }
0x25: {  	[simem:s6], [sflag:s4] =	dma.local [hbm:s3], $0xF7A  }
0x26: {  	[smem:$0x3F8A] =	sst s1;
	(tag) =	ssettag s2;
	_ =	strace s9  }
0x27: {  	s1 =	sld [smem:$0x3F9A]  }
0x28: {  	s2 =	sld [smem:$0x3F9B]  }
0x29: {  	s4 =	sld [smem:$0x3F9D]  }
0x2a: {  	p0 =	seq.s32 s5, $0x0;
	s5 =	sld [smem:$0x3F9E]  }
0x2b: {  	s6 =	sld [smem:$0x3F9F]  }
0x2c: {  	s7 =	sld [smem:$0x3FA0]  }
0x2d: {  	s3 =	simm.s32 $0x108;
	s8 =	sld [smem:$0x3FA1]  }
0x2e: {  	s3 =	simm.s32 @!p0 $0x1082;
	s9 =	sld [smem:$0x3FA2]  }
0x2f: {  	lr =	sadd.s32 s0, s3;
	s0 =	sld [smem:$0x3F99]  }
0x30: {  	s3 =	sld [smem:$0x3F9C]  }
0x31: {  	[smem:$0x3FA5] =	sst s10  }
0x32: {  	s10 =	sld [smem:$0x3FA3];
	_ =	sdelay $0x3  }
0x33: {  	p0 =	seq.s32 s10, $0x1;
	s10 =	sld [smem:$0x3FA5];
	_ =	sdelay $0x3  }
0x34: {  	[smem:$0x3FA5] =	sst s10  }
0x35: {  	s10 =	sld [smem:$0x3FA4];
	_ =	sdelay $0x3  }
0x36: {  	p1 =	seq.s32 s10, $0x1;
	s10 =	sld [smem:$0x3FA5];
	_ =	sdelay $0x3  }
0x37: {  	[smem:$0x3FA5] =	sst s10  }
0x38: {  	s10 =	sld [smem:$0x3FA6]  }
0x39: {  	_ = 	snop;
	(pc) =	sbr.ind lr, $3  }
0x3a: {  	_ = 	snop  }
0x3b: {  	_ = 	snop  }
0x3c: {  	p2 =	seq.s32 s10, $0x1;
	s10 =	sld [smem:$0x3FA5]  }
0x3d: {  	_ =	shalt  }
0x3e: {  	_ =	shalt  }
0x3f: {  	_ =	shalt  }
0x40: {  	_ =	shalt  }
0x41: {  	_ =	shalt  }
0x42: {  	_ =	shalt  }
0x43: {  	_ =	shalt  }
0x44: {  	_ =	shalt  }
0x45: {  	_ =	shalt  }
0x46: {  	_ =	shalt  }
0x47: {  	_ =	shalt  }
0x48: {  	_ =	shalt  }
0x49: {  	_ =	shalt  }
0x4a: {  	_ =	shalt  }
0x4b: {  	_ =	shalt  }
0x4c: {  	_ =	shalt  }
0x4d: {  	_ =	shalt  }
0x4e: {  	_ =	shalt  }
0x4f: {  	_ =	shalt  }
0x50: {  	_ =	shalt  }
0x51: {  	_ =	shalt  }
0x52: {  	_ =	shalt  }
0x53: {  	_ =	shalt  }
0x54: {  	_ =	shalt  }
0x55: {  	_ =	shalt  }
0x56: {  	_ =	shalt  }
0x57: {  	_ =	shalt  }
0x58: {  	_ =	shalt  }
0x59: {  	_ =	shalt  }
0x5a: {  	_ =	shalt  }
0x5b: {  	_ =	shalt  }
0x5c: {  	_ =	shalt  }
0x5d: {  	_ =	shalt  }
0x5e: {  	_ =	shalt  }
0x5f: {  	_ =	shalt  }
0x60: {  	_ =	shalt  }
0x61: {  	_ =	shalt  }
0x62: {  	_ =	shalt  }
0x63: {  	_ =	shalt  }
0x64: {  	_ =	shalt  }
0x65: {  	_ =	shalt  }
0x66: {  	_ =	shalt  }
0x67: {  	_ =	shalt  }
0x68: {  	_ =	shalt  }
0x69: {  	_ =	shalt  }
0x6a: {  	_ =	shalt  }
0x6b: {  	_ =	shalt  }
0x6c: {  	_ =	shalt  }
0x6d: {  	_ =	shalt  }
0x6e: {  	_ =	shalt  }
0x6f: {  	_ =	shalt  }
0x70: {  	_ =	shalt  }
0x71: {  	_ =	shalt  }
0x72: {  	_ =	shalt  }
0x73: {  	_ =	shalt  }
0x74: {  	_ =	shalt  }
0x75: {  	_ =	shalt  }
0x76: {  	_ =	shalt  }
0x77: {  	_ =	shalt  }
0x78: {  	_ =	shalt  }
0x79: {  	_ =	shalt  }
0x7a: {  	_ =	shalt  }
0x7b: {  	_ =	shalt  }
0x7c: {  	_ =	shalt  }
0x7d: {  	_ =	shalt  }
0x7e: {  	_ =	shalt  }
0x7f: {  	_ =	shalt  }
0x80: {  	_ =	shalt  }
0x81: {  	_ =	shalt  }
0x82: {  	_ =	shalt  }
0x83: {  	_ =	shalt  }
0x84: {  	_ =	shalt  }
0x85: {  	_ =	shalt  }
0x86: {  	_ =	shalt  }
0x87: {  	_ =	shalt  }
.Lfunc_end0:
.L_simem_size_0:
called_computation.1_lowered:
.L_overlay_start_0:
0x88: {  	s2 =	sld [smem:$0x3FD9]  }
0x89: {  	s3 =	sld [smem:$0x3FFE];
	_ =	sdelay $0x1  }
0x8a: {  	s1 =	srdreg.scid  }
0x8b: {  	s0 =	sand.u32 $0x1, s1  }
0x8c: {  	s17 =	sshll.u32 s0, $0xA;
	s2 =	sadd.s32 s3, s2  }
0x8d: {  	s2 =	sadd.s32 s2, s17  }
0x8e: {  	[smem:$0x3FB1] =	sst s2  }
0x8f: {  	_ = 	snop  }
0x90: {  	s2 =	sld [smem:$0x3FD0];
	(tm) =	ssettm $0x1  }
0x91: {  	s18 =	sld [smem:$0x3FFB];
	_ =	sdelay $0x3  }
0x92: {  	_ =	strace s18  }
0x93: {  	s3 =	sld [smem:$0x3FFC];
	_ =	sdelay $0x3  }
0x94: {  	_ =	strace s3  }
0x95: {  	s3 =	sld [smem:$0x3FFD];
	_ =	sdelay $0x3  }
0x96: {  	_ =	strace s3  }
0x97: {  	_ =	strace $0x8FFFFFFF  }
0x98: {  	s19 =	sld [smem:$0x3FDB];
	_ =	sdelay $0x1  }
0x99: {  	s4 =	simm.s32 $_scs_section_size  }
0x9a: {  	s5 =	simm.s32 $_size__tile_overlayer_lowered;
	s6 =	simm.s32 $_tile_overlayer_lowered  }
0x9b: {  	s22 =	simm.s32 $0x1BFF;
	s21 =	sshll.u32 s6, $0x1;
	s3 =	sadd.s32 s4, s19  }
0x9c: {  	s7 =	simm.s32 $0x0;
	s20 =	sshll.u32 s5, $0x1;
	s5 =	sadd.s32 s21, s3  }
0x9d: {  	[timem:s7], [sflag:s22] =	dma.local [hbm:s5], s20  }
0x9e: {  	_ =	swait.ge [sflag:s22], s20  }
0x9f: {  	s4 =	ssub.s32 $0x0, s20;
	[sflag:s22] =	ssyncset.done $0x0  }
0xa0: {  	[sflag:s22] =	ssyncadd.s32 s4;
	_ =	sdelay $0x1  }
0xa1: {  	s23 =	simm.s32 $0x1B8B  }
0xa2: {  	_ =	swait.ge [sflag:s23], $0x1  }
0xa3: {  	[sflag:s23] =	ssyncset.done $0x0  }
0xa4: {  	s25 =	simm.s32 $0x1B8E;
	s24 =	sld [smem:$0x3FFE];
	[sflag:s23] =	ssyncadd.s32 $0xFFFFFFFF  }
0xa5: {  	s26 =	simm.s32 $execute0_lowered;
	[smem:$0x3FD2] =	sst s25  }
0xa6: {  	s5 =	sshll.u32 s26, $0x1;
	_ =	strace $0x80000049;
	[dreg:$0x1] =	wrdreg $0xFFFFFFFF  }
0xa7: {  	s28 =	simm.s32 $_size_execute0_lowered;
	s3 =	sadd.s32 s3, s5;
	[dreg:$0x0] =	wrdreg $0x0  }
0xa8: {  	s5 =	sshll.u32 s28, $0x1;
	[dreg:$0x2] =	wrdreg s3  }
0xa9: {  	[dreg:$0x3] =	wrdreg s5  }
0xaa: {  	[dreg:$0x4] =	wrdreg $0xC0  }
0xab: {  	_ =	task [dreg:s7], $0x5FFFF  }
0xac: {  	[dreg:$0x1] =	wrdreg $0xFFFFFFFF  }
0xad: {  	[dreg:$0x0] =	wrdreg $0x60  }
0xae: {  	[dreg:$0x2] =	wrdreg s24  }
0xaf: {  	[dreg:$0x3] =	wrdreg s2  }
0xb0: {  	[dreg:$0x4] =	wrdreg $0x0  }
0xb1: {  	[dreg:$0x5] =	wrdreg $0x9  }
0xb2: {  	_ =	task.clear_ibuf [dreg:s7], $0x6FFFF;
	_ =	strace $0x90000049  }
0xb3: {  	s29 =	simm.s32 $0x9;
	_ =	strace $0x8000004B  }
0xb4: {  	_ =	swait.ge [sflag:s29], $0x1  }
0xb5: {  	[sflag:s29] =	ssyncadd.s32 $0xFFFFFFFF  }
0xb6: {  	_ =	strace $0x9000004B  }
0xb7: {  	_ =	sfence  }
0xb8: {  	s30 =	sld [smem:$0x0];
	_ =	sdelay $0x2  }
0xb9: {  	s31 =	sshll.u32 s1, $0xD;
	s1 =	sshrl.u32 s1, $0x2  }
0xba: {  	s3 =	sand.u32 $0x4000, s31;
	s1 =	sadd.s32 s1, s30  }
0xbb: {  	s0 =	sor.u32 s3, s0;
	s1 =	sshll.u32 s1, $0x11  }
0xbc: {  	s0 =	sor.u32 s1, s0  }
0xbd: {  	s0 =	sadd.s32 $0x8F2B, s0  }
0xbe: {  	[sflag:s0] =	ssyncadd.remote.s32 $0x1  }
0xbf: {  	_ =	sfence.sel $0xFFFF  }
0xc0: {  	[dreg:$0x0] =	wrdreg $0xFFFFFFFF;
	(pc) =	sbr.abs _section_cstart, $3  }
0xc1: {  	[dreg:$0x1] =	wrdreg $0xFFFFFFFF  }
0xc2: {  	_ =	task.clear_ibuf [dreg:s7], $0x2FFFF;
	_ =	strace $0x9FFFFFFF  }
0xc3: {  	(tm) =	ssettm $0x7FFFFFFF  }
tec
execute0_lowered:
.L_overlay_start_1:
0x0: {  	(tag) =	ssettag $0x1  }
0x1: {  	s0 =	srdreg.scid;
	s1 =	rddreg [dreg:$0x0]  }
0x2: {  	s2 =	stileid.u32;
	s3 =	rddreg [dreg:$0x2];
	s15 =	simm.s32 $0x13880  }
0x3: {  	s16 =	simm.s32 $0x3;
	s20 =	simm.s32 $0x18700;
	s21 =	simm.s32 $0x50  }
0x4: {  	s22 =	simm.s32 $0x1A300;
	s24 =	simm.s32 $0x1CB00;
	s25 =	simm.s32 $0x1  }
0x5: {  	s26 =	simm.s32 $0x2;
	s29 =	simm.s32 $0x18780;
	s7 =	smul.u32 $0x8C00, s2  }
0x6: {  	s31 =	simm.s32 $0x19F00;
	s0 =	sand.u32 $0x1, s0;
	s9 =	smul.u32 $0x4F000, s2  }
0x7: {  	s10 =	smul.u32 $0x13C00, s2;
	s17 =	sadd.s32 $0x128400, s3;
	p0 =	seq.s32 s2, $0xF  }
0x8: {  	s4 =	sshll.u32 s0, $0x4;
	s8 =	ssub.s32 $0x2, s0;
	s0 =	smul.u32 $0x138800, s0  }
0x9: {  	s17 =	sshrl.u32 @p0 s17, $0x3;
	s5 =	sor.u32 s2, s4;
	s4 =	simm.s32 $0x0  }
0xa: {  	s7 =	sshrl.u32 s7, $0x3;
	s28 =	sshrl.u32 s8, $0x1;
	s30 =	sshrl.u32 s9, $0x2  }
0xb: {  	s6 =	smul.u32 $0x9C4, s5;
	[smem:$0x7FF] =	sst s4;
	s5 =	sadd.s32 $0x5BC00, s1  }
0xc: {  	s11 =	sadd.s32 s7, s1;
	s14 =	ssub.s32 s8, s28;
	s19 =	sadd.s32 s30, s3  }
0xd: {  	s12 =	sadd.s32 s10, s0;
	s0 =	sshrl.u32 s0, $0x3;
	_ =	strace $0x8000004A  }
0xe: {  	s7 =	sadd.s32 $0x36A00, s11;
	s8 =	sadd.s32 $0x36D80, s11;
	s9 =	sadd.s32 $0x37100, s11  }
0xf: {  	s10 =	sadd.s32 $0x37480, s11;
	s12 =	sshrl.u32 s12, $0x3;
	s11 =	sadd.s32 $0x37800, s11  }
0x10: {  	s14 =	smax.u32 s14, $0x1;
	s6 =	sadd.s32 s6, s1;
	s1 =	sadd.s32 $0xA9E00, s1  }
0x11: {  	s19 =	sshrl.u32 @!p0 s19, $0x3;
	s6 =	sadd.s32 $0x48200, s6;
	s0 =	sadd.s32 s1, s0  }
0x12: {  	s12 =	sadd.s32 s1, s12;
	s13 =	sadd.s32 $0x25080, s0;
	s0 =	sshll.u32 @!p0 s2, $0x6  }
0x13: {  	s1 =	simm.s32 $0x19F80;
	s18 =	sor.u32 @!p0 $0x1C03, s0;
	s0 =	simm.s32 $0x0  }
.LBB2_1:
0x14: {  	[tilespmem:s15], [sflag:$0x3] =	stream.linear.gather [hbm4b:s6+s4], $0x4E20, $0x38;
	[tilespmem:$0x1F300] =	vst v63  }
0x15: {  	_ =	swait.ge [sflag:s16], $0x4E20  }
0x16: {  	[sflag:s16] =	ssyncset.done $0x0  }
0x17: {  	[sflag:s16] =	ssyncadd.s32 $0xFFFFB1E0  }
0x18: {  	s23 =	simm.s32 @p0 $0x1FC3;
	s2 =	rddreg [dreg:$0x1]  }
0x19: {  	[spmem:s17], [sflag:s23] =	dma.local @p0 [hbm:s2], $0x2080  }
0x1a: {  	s23 =	simm.s32 @p0 $0x3  }
0x1b: {  	_ =	swait.ge @p0 [sflag:s23], $0x2080  }
0x1c: {  	[sflag:s23] =	ssyncset.done @p0 $0x0  }
0x1d: {  	[sflag:s23] =	ssyncadd.s32 @p0 $0xFFFFDF80;
	s23 =	simm.s32 @!p0 $0x3  }
0x1e: {  	[spmem:s19], [sflag:s18] =	dma.local @!p0 [hbm:s2], $0x2780  }
0x1f: {  	_ =	swait.ge @!p0 [sflag:s23], $0x2780  }
0x20: {  	[sflag:s23] =	ssyncset.done @!p0 $0x0  }
0x21: {  	[sflag:s23] =	ssyncadd.s32 @!p0 $0xFFFFD880  }
0x22: {  	[bflag:$0x0] =	sbarrier.arrive $0xFFFF  }
0x23: {  	[tilespmem:s20], [sflag:$0x3] =	stream.linear.gather [hbm4b:s7+s4], $0x1900, $0x38;
	[tilespmem:$0x1F300] =	vst v63  }
0x24: {  	_ =	swait.ge [sflag:s16], $0x1900  }
0x25: {  	[sflag:s16] =	ssyncset.done $0x0  }
0x26: {  	[sflag:s16] =	ssyncadd.s32 $0xFFFFE700  }
0x27: {  	[tilespmem:s22], [sflag:$0x1] =	stream.indirect.gather [hbm4b:s5+s21], $0x80, s15, s21, $0xb8;
	[tilespmem:$0x1F300] =	vst v63  }
0x28: {  	s23 =	simm.s32 $0x138D0  }
0x29: {  	[tilespmem:s24], [sflag:$0x1] =	stream.indirect.gather [hbm4b:s5+s21], $0x80, s23, s21, $0xb8;
	[tilespmem:$0x1F300] =	vst v63  }
0x2a: {  	_ =	swait.ge [sflag:s25], $0x2800  }
0x2b: {  	[sflag:s25] =	ssyncset.done $0x0  }
0x2c: {  	[sflag:s25] =	ssyncadd.s32 $0xFFFFD800  }
0x2d: {  	[spmem:s3] =	stream.indirect.scatter.add.f32 [tilespmem:s22], [sflag:$0x2], $0x80, s20, s21, $0xb8;
	[tilespmem:$0x1F300] =	vst v63  }
0x2e: {  	_ =	swait.ge [sflag:s26], $0x2800  }
0x2f: {  	[sflag:s26] =	ssyncset.done $0x0  }
0x30: {  	s23 =	simm.s32 $0x13920;
	[sflag:s26] =	ssyncadd.s32 $0xFFFFD800  }
0x31: {  	[tilespmem:s22], [sflag:$0x1] =	stream.indirect.gather [hbm4b:s5+s21], $0x80, s23, s21, $0xb8;
	[tilespmem:$0x1F300] =	vst v63  }
0x32: {  	_ =	swait.ge [sflag:s25], $0x2800  }
0x33: {  	[sflag:s25] =	ssyncset.done $0x0  }
0x34: {  	[sflag:s25] =	ssyncadd.s32 $0xFFFFD800  }
0x35: {  	[spmem:s3] =	stream.indirect.scatter.add.f32 [tilespmem:s24], [sflag:$0x2], $0x80, s29, s21, $0xb8;
	[tilespmem:$0x1F300] =	vst v63  }
0x36: {  	_ =	swait.ge [sflag:s26], $0x2800  }
0x37: {  	[sflag:s26] =	ssyncset.done $0x0  }
0x38: {  	s2 =	simm.s32 $0x13970;
	[sflag:s26] =	ssyncadd.s32 $0xFFFFD800  }
0x39: {  	[tilespmem:s24], [sflag:$0x1] =	stream.indirect.gather [hbm4b:s5+s21], $0x80, s2, s21, $0xb8;
	[tilespmem:$0x1F300] =	vst v63  }
0x3a: {  	_ =	swait.ge [sflag:s25], $0x2800  }
0x3b: {  	[sflag:s25] =	ssyncset.done $0x0  }
0x3c: {  	s2 =	simm.s32 $0x18800;
	[sflag:s25] =	ssyncadd.s32 $0xFFFFD800  }
0x3d: {  	[spmem:s3] =	stream.indirect.scatter.add.f32 [tilespmem:s22], [sflag:$0x2], $0x80, s2, s21, $0xb8;
	[tilespmem:$0x1F300] =	vst v63  }
0x3e: {  	_ =	swait.ge [sflag:s26], $0x2800  }
0x3f: {  	[sflag:s26] =	ssyncset.done $0x0  }
0x40: {  	s2 =	simm.s32 $0x139C0;
	[sflag:s26] =	ssyncadd.s32 $0xFFFFD800  }
0x41: {  	[tilespmem:s22], [sflag:$0x1] =	stream.indirect.gather [hbm4b:s5+s21], $0x80, s2, s21, $0xb8;
	[tilespmem:$0x1F300] =	vst v63  }
0x42: {  	_ =	swait.ge [sflag:s25], $0x2800  }
0x43: {  	s30 =	simm.s32 $0x18880;
	[sflag:s25] =	ssyncset.done $0x0  }
0x44: {  	s28 =	simm.s32 $0x13A60;
	s23 =	simm.s32 $0xFFFFA800;
	[sflag:s25] =	ssyncadd.s32 $0xFFFFD800  }
.LBB2_2:
0x45: {  	[spmem:s3] =	stream.indirect.scatter.add.f32 [tilespmem:s24], [sflag:$0x2], $0x80, s30, s21, $0xb8;
	[tilespmem:$0x1F300] =	vst v63  }
0x46: {  	s30 =	smov.u32 s23  }
0x47: {  	p1 =	sne.s32 s23, $0xFFFFFC00;
	s23 =	sadd.s32 $0x400, s23;
	_ =	swait.ge [sflag:s26], $0x2800  }
0x48: {  	[sflag:s26] =	ssyncset.done $0x0  }
0x49: {  	s2 =	sadd.s32 $0xFFFFFFB0, s28;
	[sflag:s26] =	ssyncadd.s32 $0xFFFFD800  }
0x4a: {  	[tilespmem:s24], [sflag:$0x1] =	stream.indirect.gather [hbm4b:s5+s21], $0x80, s2, s21, $0xb8;
	[tilespmem:$0x1F300] =	vst v63  }
0x4b: {  	_ =	swait.ge [sflag:s25], $0x2800  }
0x4c: {  	s2 =	sshra.s32 s30, $0x2;
	[sflag:s25] =	ssyncset.done $0x0  }
0x4d: {  	s30 =	sadd.s32 $0x19F00, s2;
	[sflag:s25] =	ssyncadd.s32 $0xFFFFD800  }
0x4e: {  	[spmem:s3] =	stream.indirect.scatter.add.f32 [tilespmem:s22], [sflag:$0x2], $0x80, s30, s21, $0xb8;
	[tilespmem:$0x1F300] =	vst v63  }
0x4f: {  	_ =	swait.ge [sflag:s26], $0x2800  }
0x50: {  	[sflag:s26] =	ssyncset.done $0x0  }
.Ltmp0:
0x51: {  	[sflag:s26] =	ssyncadd.s32 $0xFFFFD800;
	(pc) =	sbr.rel @p1 .LBB2_2-.Ltmp0, $4  }
0x52: {  	[tilespmem:s22], [sflag:$0x1] =	stream.indirect.gather [hbm4b:s5+s21], $0x80, s28, s21, $0xb8;
	[tilespmem:$0x1F300] =	vst v63  }
0x53: {  	_ =	swait.ge [sflag:s25], $0x2800  }
0x54: {  	[sflag:s25] =	ssyncset.done $0x0  }
0x55: {  	s30 =	sadd.s32 $0x19F80, s2;
	s28 =	sadd.s32 $0xA0, s28;
	[sflag:s25] =	ssyncadd.s32 $0xFFFFD800  }
0x56: {  	[spmem:s3] =	stream.indirect.scatter.add.f32 [tilespmem:s24], [sflag:$0x2], $0x80, s30, s21, $0xb8;
	[tilespmem:$0x1F300] =	vst v63  }
0x57: {  	_ =	swait.ge [sflag:s26], $0x2800  }
0x58: {  	[sflag:s26] =	ssyncset.done $0x0  }
0x59: {  	s2 =	simm.s32 $0x147D0;
	[sflag:s26] =	ssyncadd.s32 $0xFFFFD800  }
0x5a: {  	[tilespmem:s24], [sflag:$0x1] =	stream.indirect.gather [hbm4b:s5+s21], $0x80, s2, s21, $0xb8;
	[tilespmem:$0x1F300] =	vst v63  }
0x5b: {  	_ =	swait.ge [sflag:s25], $0x2800  }
0x5c: {  	[sflag:s25] =	ssyncset.done $0x0  }
0x5d: {  	[sflag:s25] =	ssyncadd.s32 $0xFFFFD800  }
0x5e: {  	[spmem:s3] =	stream.indirect.scatter.add.f32 [tilespmem:s22], [sflag:$0x2], $0x80, s31, s21, $0xb8;
	[tilespmem:$0x1F300] =	vst v63  }
0x5f: {  	_ =	swait.ge [sflag:s26], $0x2800  }
0x60: {  	[sflag:s26] =	ssyncset.done $0x0  }
0x61: {  	[sflag:s26] =	ssyncadd.s32 $0xFFFFD800  }
0x62: {  	_ =	swait.ge [sflag:s25], $0x2800  }
0x63: {  	[sflag:s25] =	ssyncset.done $0x0  }
0x64: {  	[sflag:s25] =	ssyncadd.s32 $0xFFFFD800  }
0x65: {  	[spmem:s3] =	stream.indirect.scatter.add.f32 [tilespmem:s24], [sflag:$0x2], $0x80, s1, s21, $0xb8;
	[tilespmem:$0x1F300] =	vst v63  }
0x66: {  	_ =	swait.ge [sflag:s26], $0x2800  }
0x67: {  	[sflag:s26] =	ssyncset.done $0x0  }
0x68: {  	[sflag:s26] =	ssyncadd.s32 $0xFFFFD800  }
0x69: {  	[tilespmem:s20], [sflag:$0x3] =	stream.linear.gather [hbm4b:s8+s4], $0x1900, $0x38;
	[tilespmem:$0x1F300] =	vst v63  }
0x6a: {  	_ =	swait.ge [sflag:s16], $0x1900  }
0x6b: {  	[sflag:s16] =	ssyncset.done $0x0  }
0x6c: {  	s23 =	simm.s32 $0x14820;
	[sflag:s16] =	ssyncadd.s32 $0xFFFFE700  }
0x6d: {  	[tilespmem:s22], [sflag:$0x1] =	stream.indirect.gather [hbm4b:s5+s21], $0x80, s23, s21, $0xb8;
	[tilespmem:$0x1F300] =	vst v63  }
0x6e: {  	s23 =	simm.s32 $0x14870  }
0x6f: {  	[tilespmem:s24], [sflag:$0x1] =	stream.indirect.gather [hbm4b:s5+s21], $0x80, s23, s21, $0xb8;
	[tilespmem:$0x1F300] =	vst v63  }
0x70: {  	_ =	swait.ge [sflag:s25], $0x2800  }
0x71: {  	[sflag:s25] =	ssyncset.done $0x0  }
0x72: {  	[sflag:s25] =	ssyncadd.s32 $0xFFFFD800  }
0x73: {  	[spmem:s3] =	stream.indirect.scatter.add.f32 [tilespmem:s22], [sflag:$0x2], $0x80, s20, s21, $0xb8;
	[tilespmem:$0x1F300] =	vst v63  }
0x74: {  	_ =	swait.ge [sflag:s26], $0x2800  }
0x75: {  	[sflag:s26] =	ssyncset.done $0x0  }
0x76: {  	s23 =	simm.s32 $0x148C0;
	[sflag:s26] =	ssyncadd.s32 $0xFFFFD800  }
0x77: {  	[tilespmem:s22], [sflag:$0x1] =	stream.indirect.gather [hbm4b:s5+s21], $0x80, s23, s21, $0xb8;
	[tilespmem:$0x1F300] =	vst v63  }
0x78: {  	_ =	swait.ge [sflag:s25], $0x2800  }
0x79: {  	[sflag:s25] =	ssyncset.done $0x0  }
0x7a: {  	[sflag:s25] =	ssyncadd.s32 $0xFFFFD800  }
0x7b: {  	[spmem:s3] =	stream.indirect.scatter.add.f32 [tilespmem:s24], [sflag:$0x2], $0x80, s29, s21, $0xb8;
	[tilespmem:$0x1F300] =	vst v63  }
0x7c: {  	_ =	swait.ge [sflag:s26], $0x2800  }
0x7d: {  	[sflag:s26] =	ssyncset.done $0x0  }
0x7e: {  	s23 =	simm.s32 $0x14910;
	[sflag:s26] =	ssyncadd.s32 $0xFFFFD800  }
0x7f: {  	[tilespmem:s24], [sflag:$0x1] =	stream.indirect.gather [hbm4b:s5+s21], $0x80, s23, s21, $0xb8;
	[tilespmem:$0x1F300] =	vst v63  }
0x80: {  	_ =	swait.ge [sflag:s25], $0x2800  }
0x81: {  	[sflag:s25] =	ssyncset.done $0x0  }
0x82: {  	s23 =	simm.s32 $0x18800;
	[sflag:s25] =	ssyncadd.s32 $0xFFFFD800  }
0x83: {  	[spmem:s3] =	stream.indirect.scatter.add.f32 [tilespmem:s22], [sflag:$0x2], $0x80, s23, s21, $0xb8;
	[tilespmem:$0x1F300] =	vst v63  }
0x84: {  	_ =	swait.ge [sflag:s26], $0x2800  }
0x85: {  	[sflag:s26] =	ssyncset.done $0x0  }
0x86: {  	s23 =	simm.s32 $0x14960;
	[sflag:s26] =	ssyncadd.s32 $0xFFFFD800  }
0x87: {  	[tilespmem:s22], [sflag:$0x1] =	stream.indirect.gather [hbm4b:s5+s21], $0x80, s23, s21, $0xb8;
	[tilespmem:$0x1F300] =	vst v63  }
0x88: {  	_ =	swait.ge [sflag:s25], $0x2800  }
0x89: {  	s28 =	simm.s32 $0xFFFFA800;
	[sflag:s25] =	ssyncset.done $0x0  }
0x8a: {  	s30 =	simm.s32 $0x18880;
	s23 =	simm.s32 $0x149B0;
	[sflag:s25] =	ssyncadd.s32 $0xFFFFD800  }
.LBB2_4:
0x8b: {  	[spmem:s3] =	stream.indirect.scatter.add.f32 [tilespmem:s24], [sflag:$0x2], $0x80, s30, s21, $0xb8;
	[tilespmem:$0x1F300] =	vst v63  }
0x8c: {  	s2 =	smov.u32 s28  }
0x8d: {  	p1 =	sne.s32 s28, $0xFFFFFC00;
	s28 =	sadd.s32 $0x400, s28;
	_ =	swait.ge [sflag:s26], $0x2800  }
0x8e: {  	[sflag:s26] =	ssyncset.done $0x0  }
0x8f: {  	[sflag:s26] =	ssyncadd.s32 $0xFFFFD800  }
0x90: {  	[tilespmem:s24], [sflag:$0x1] =	stream.indirect.gather [hbm4b:s5+s21], $0x80, s23, s21, $0xb8;
	[tilespmem:$0x1F300] =	vst v63  }
0x91: {  	_ =	swait.ge [sflag:s25], $0x2800  }
0x92: {  	s2 =	sshra.s32 s2, $0x2;
	[sflag:s25] =	ssyncset.done $0x0  }
0x93: {  	s30 =	sadd.s32 $0x19F00, s2;
	[sflag:s25] =	ssyncadd.s32 $0xFFFFD800  }
0x94: {  	[spmem:s3] =	stream.indirect.scatter.add.f32 [tilespmem:s22], [sflag:$0x2], $0x80, s30, s21, $0xb8;
	[tilespmem:$0x1F300] =	vst v63  }
0x95: {  	_ =	swait.ge [sflag:s26], $0x2800  }
0x96: {  	[sflag:s26] =	ssyncset.done $0x0  }
.Ltmp1:
0x97: {  	s30 =	sadd.s32 $0x50, s23;
	[sflag:s26] =	ssyncadd.s32 $0xFFFFD800;
	(pc) =	sbr.rel @p1 .LBB2_4-.Ltmp1, $4  }
0x98: {  	[tilespmem:s22], [sflag:$0x1] =	stream.indirect.gather [hbm4b:s5+s21], $0x80, s30, s21, $0xb8;
	[tilespmem:$0x1F300] =	vst v63  }
0x99: {  	_ =	swait.ge [sflag:s25], $0x2800  }
0x9a: {  	[sflag:s25] =	ssyncset.done $0x0  }
0x9b: {  	s23 =	sadd.s32 $0xA0, s23;
	s30 =	sadd.s32 $0x19F80, s2;
	[sflag:s25] =	ssyncadd.s32 $0xFFFFD800  }
0x9c: {  	[spmem:s3] =	stream.indirect.scatter.add.f32 [tilespmem:s24], [sflag:$0x2], $0x80, s30, s21, $0xb8;
	[tilespmem:$0x1F300] =	vst v63  }
0x9d: {  	_ =	swait.ge [sflag:s26], $0x2800  }
0x9e: {  	[sflag:s26] =	ssyncset.done $0x0  }
0x9f: {  	[sflag:s26] =	ssyncadd.s32 $0xFFFFD800  }
0xa0: {  	[tilespmem:s24], [sflag:$0x1] =	stream.indirect.gather [hbm4b:s5+s21], $0x80, s23, s21, $0xb8;
	[tilespmem:$0x1F300] =	vst v63  }
0xa1: {  	_ =	swait.ge [sflag:s25], $0x2800  }
0xa2: {  	[sflag:s25] =	ssyncset.done $0x0  }
0xa3: {  	[sflag:s25] =	ssyncadd.s32 $0xFFFFD800  }
0xa4: {  	[spmem:s3] =	stream.indirect.scatter.add.f32 [tilespmem:s22], [sflag:$0x2], $0x80, s31, s21, $0xb8;
	[tilespmem:$0x1F300] =	vst v63  }
0xa5: {  	_ =	swait.ge [sflag:s26], $0x2800  }
0xa6: {  	[sflag:s26] =	ssyncset.done $0x0  }
0xa7: {  	[sflag:s26] =	ssyncadd.s32 $0xFFFFD800  }
0xa8: {  	_ =	swait.ge [sflag:s25], $0x2800  }
0xa9: {  	[sflag:s25] =	ssyncset.done $0x0  }
0xaa: {  	[sflag:s25] =	ssyncadd.s32 $0xFFFFD800  }
0xab: {  	[spmem:s3] =	stream.indirect.scatter.add.f32 [tilespmem:s24], [sflag:$0x2], $0x80, s1, s21, $0xb8;
	[tilespmem:$0x1F300] =	vst v63  }
0xac: {  	_ =	swait.ge [sflag:s26], $0x2800  }
0xad: {  	[sflag:s26] =	ssyncset.done $0x0  }
0xae: {  	[sflag:s26] =	ssyncadd.s32 $0xFFFFD800  }
0xaf: {  	[tilespmem:s20], [sflag:$0x3] =	stream.linear.gather [hbm4b:s9+s4], $0x1900, $0x38;
	[tilespmem:$0x1F300] =	vst v63  }
0xb0: {  	_ =	swait.ge [sflag:s16], $0x1900  }
0xb1: {  	[sflag:s16] =	ssyncset.done $0x0  }
0xb2: {  	s2 =	simm.s32 $0x157C0;
	[sflag:s16] =	ssyncadd.s32 $0xFFFFE700  }
0xb3: {  	[tilespmem:s22], [sflag:$0x1] =	stream.indirect.gather [hbm4b:s5+s21], $0x80, s2, s21, $0xb8;
	[tilespmem:$0x1F300] =	vst v63  }
0xb4: {  	s23 =	simm.s32 $0x15810  }
0xb5: {  	[tilespmem:s24], [sflag:$0x1] =	stream.indirect.gather [hbm4b:s5+s21], $0x80, s23, s21, $0xb8;
	[tilespmem:$0x1F300] =	vst v63  }
0xb6: {  	_ =	swait.ge [sflag:s25], $0x2800  }
0xb7: {  	[sflag:s25] =	ssyncset.done $0x0  }
0xb8: {  	[sflag:s25] =	ssyncadd.s32 $0xFFFFD800  }
0xb9: {  	[spmem:s3] =	stream.indirect.scatter.add.f32 [tilespmem:s22], [sflag:$0x2], $0x80, s20, s21, $0xb8;
	[tilespmem:$0x1F300] =	vst v63  }
0xba: {  	_ =	swait.ge [sflag:s26], $0x2800  }
0xbb: {  	[sflag:s26] =	ssyncset.done $0x0  }
0xbc: {  	s23 =	simm.s32 $0x15860;
	[sflag:s26] =	ssyncadd.s32 $0xFFFFD800  }
0xbd: {  	[tilespmem:s22], [sflag:$0x1] =	stream.indirect.gather [hbm4b:s5+s21], $0x80, s23, s21, $0xb8;
	[tilespmem:$0x1F300] =	vst v63  }
0xbe: {  	_ =	swait.ge [sflag:s25], $0x2800  }
0xbf: {  	[sflag:s25] =	ssyncset.done $0x0  }
0xc0: {  	[sflag:s25] =	ssyncadd.s32 $0xFFFFD800  }
0xc1: {  	[spmem:s3] =	stream.indirect.scatter.add.f32 [tilespmem:s24], [sflag:$0x2], $0x80, s29, s21, $0xb8;
	[tilespmem:$0x1F300] =	vst v63  }
0xc2: {  	_ =	swait.ge [sflag:s26], $0x2800  }
0xc3: {  	[sflag:s26] =	ssyncset.done $0x0  }
0xc4: {  	s23 =	simm.s32 $0x158B0;
	[sflag:s26] =	ssyncadd.s32 $0xFFFFD800  }
0xc5: {  	[tilespmem:s24], [sflag:$0x1] =	stream.indirect.gather [hbm4b:s5+s21], $0x80, s23, s21, $0xb8;
	[tilespmem:$0x1F300] =	vst v63  }
0xc6: {  	_ =	swait.ge [sflag:s25], $0x2800  }
0xc7: {  	[sflag:s25] =	ssyncset.done $0x0  }
0xc8: {  	s23 =	simm.s32 $0x18800;
	[sflag:s25] =	ssyncadd.s32 $0xFFFFD800  }
0xc9: {  	[spmem:s3] =	stream.indirect.scatter.add.f32 [tilespmem:s22], [sflag:$0x2], $0x80, s23, s21, $0xb8;
	[tilespmem:$0x1F300] =	vst v63  }
0xca: {  	_ =	swait.ge [sflag:s26], $0x2800  }
0xcb: {  	[sflag:s26] =	ssyncset.done $0x0  }
0xcc: {  	s23 =	simm.s32 $0x15900;
	[sflag:s26] =	ssyncadd.s32 $0xFFFFD800  }
0xcd: {  	[tilespmem:s22], [sflag:$0x1] =	stream.indirect.gather [hbm4b:s5+s21], $0x80, s23, s21, $0xb8;
	[tilespmem:$0x1F300] =	vst v63  }
0xce: {  	_ =	swait.ge [sflag:s25], $0x2800  }
0xcf: {  	s28 =	simm.s32 $0xFFFFA800;
	[sflag:s25] =	ssyncset.done $0x0  }
0xd0: {  	s30 =	simm.s32 $0x18880;
	s23 =	simm.s32 $0x15950;
	[sflag:s25] =	ssyncadd.s32 $0xFFFFD800  }
.LBB2_6:
0xd1: {  	[spmem:s3] =	stream.indirect.scatter.add.f32 [tilespmem:s24], [sflag:$0x2], $0x80, s30, s21, $0xb8;
	[tilespmem:$0x1F300] =	vst v63  }
0xd2: {  	s2 =	smov.u32 s28  }
0xd3: {  	p1 =	sne.s32 s28, $0xFFFFFC00;
	s28 =	sadd.s32 $0x400, s28;
	_ =	swait.ge [sflag:s26], $0x2800  }
0xd4: {  	[sflag:s26] =	ssyncset.done $0x0  }
0xd5: {  	[sflag:s26] =	ssyncadd.s32 $0xFFFFD800  }
0xd6: {  	[tilespmem:s24], [sflag:$0x1] =	stream.indirect.gather [hbm4b:s5+s21], $0x80, s23, s21, $0xb8;
	[tilespmem:$0x1F300] =	vst v63  }
0xd7: {  	_ =	swait.ge [sflag:s25], $0x2800  }
0xd8: {  	s2 =	sshra.s32 s2, $0x2;
	[sflag:s25] =	ssyncset.done $0x0  }
0xd9: {  	s30 =	sadd.s32 $0x19F00, s2;
	[sflag:s25] =	ssyncadd.s32 $0xFFFFD800  }
0xda: {  	[spmem:s3] =	stream.indirect.scatter.add.f32 [tilespmem:s22], [sflag:$0x2], $0x80, s30, s21, $0xb8;
	[tilespmem:$0x1F300] =	vst v63  }
0xdb: {  	_ =	swait.ge [sflag:s26], $0x2800  }
0xdc: {  	[sflag:s26] =	ssyncset.done $0x0  }
.Ltmp2:
0xdd: {  	s30 =	sadd.s32 $0x50, s23;
	[sflag:s26] =	ssyncadd.s32 $0xFFFFD800;
	(pc) =	sbr.rel @p1 .LBB2_6-.Ltmp2, $4  }
0xde: {  	[tilespmem:s22], [sflag:$0x1] =	stream.indirect.gather [hbm4b:s5+s21], $0x80, s30, s21, $0xb8;
	[tilespmem:$0x1F300] =	vst v63  }
0xdf: {  	_ =	swait.ge [sflag:s25], $0x2800  }
0xe0: {  	[sflag:s25] =	ssyncset.done $0x0  }
0xe1: {  	s23 =	sadd.s32 $0xA0, s23;
	s30 =	sadd.s32 $0x19F80, s2;
	[sflag:s25] =	ssyncadd.s32 $0xFFFFD800  }
0xe2: {  	[spmem:s3] =	stream.indirect.scatter.add.f32 [tilespmem:s24], [sflag:$0x2], $0x80, s30, s21, $0xb8;
	[tilespmem:$0x1F300] =	vst v63  }
0xe3: {  	_ =	swait.ge [sflag:s26], $0x2800  }
0xe4: {  	[sflag:s26] =	ssyncset.done $0x0  }
0xe5: {  	[sflag:s26] =	ssyncadd.s32 $0xFFFFD800  }
0xe6: {  	[tilespmem:s24], [sflag:$0x1] =	stream.indirect.gather [hbm4b:s5+s21], $0x80, s23, s21, $0xb8;
	[tilespmem:$0x1F300] =	vst v63  }
0xe7: {  	_ =	swait.ge [sflag:s25], $0x2800  }
0xe8: {  	[sflag:s25] =	ssyncset.done $0x0  }
0xe9: {  	[sflag:s25] =	ssyncadd.s32 $0xFFFFD800  }
0xea: {  	[spmem:s3] =	stream.indirect.scatter.add.f32 [tilespmem:s22], [sflag:$0x2], $0x80, s31, s21, $0xb8;
	[tilespmem:$0x1F300] =	vst v63  }
0xeb: {  	_ =	swait.ge [sflag:s26], $0x2800  }
0xec: {  	[sflag:s26] =	ssyncset.done $0x0  }
0xed: {  	[sflag:s26] =	ssyncadd.s32 $0xFFFFD800  }
0xee: {  	_ =	swait.ge [sflag:s25], $0x2800  }
0xef: {  	[sflag:s25] =	ssyncset.done $0x0  }
0xf0: {  	[sflag:s25] =	ssyncadd.s32 $0xFFFFD800  }
0xf1: {  	[spmem:s3] =	stream.indirect.scatter.add.f32 [tilespmem:s24], [sflag:$0x2], $0x80, s1, s21, $0xb8;
	[tilespmem:$0x1F300] =	vst v63  }
0xf2: {  	_ =	swait.ge [sflag:s26], $0x2800  }
0xf3: {  	[sflag:s26] =	ssyncset.done $0x0  }
0xf4: {  	[sflag:s26] =	ssyncadd.s32 $0xFFFFD800  }
0xf5: {  	[tilespmem:s20], [sflag:$0x3] =	stream.linear.gather [hbm4b:s10+s4], $0x1900, $0x38;
	[tilespmem:$0x1F300] =	vst v63  }
0xf6: {  	_ =	swait.ge [sflag:s16], $0x1900  }
0xf7: {  	[sflag:s16] =	ssyncset.done $0x0  }
0xf8: {  	s2 =	simm.s32 $0x16760;
	[sflag:s16] =	ssyncadd.s32 $0xFFFFE700  }
0xf9: {  	[tilespmem:s22], [sflag:$0x1] =	stream.indirect.gather [hbm4b:s5+s21], $0x80, s2, s21, $0xb8;
	[tilespmem:$0x1F300] =	vst v63  }
0xfa: {  	s23 =	simm.s32 $0x167B0  }
0xfb: {  	[tilespmem:s24], [sflag:$0x1] =	stream.indirect.gather [hbm4b:s5+s21], $0x80, s23, s21, $0xb8;
	[tilespmem:$0x1F300] =	vst v63  }
0xfc: {  	_ =	swait.ge [sflag:s25], $0x2800  }
0xfd: {  	[sflag:s25] =	ssyncset.done $0x0  }
0xfe: {  	[sflag:s25] =	ssyncadd.s32 $0xFFFFD800  }
0xff: {  	[spmem:s3] =	stream.indirect.scatter.add.f32 [tilespmem:s22], [sflag:$0x2], $0x80, s20, s21, $0xb8;
	[tilespmem:$0x1F300] =	vst v63  }
0x100: {  	_ =	swait.ge [sflag:s26], $0x2800  }
0x101: {  	[sflag:s26] =	ssyncset.done $0x0  }
0x102: {  	s23 =	simm.s32 $0x16800;
	[sflag:s26] =	ssyncadd.s32 $0xFFFFD800  }
0x103: {  	[tilespmem:s22], [sflag:$0x1] =	stream.indirect.gather [hbm4b:s5+s21], $0x80, s23, s21, $0xb8;
	[tilespmem:$0x1F300] =	vst v63  }
0x104: {  	_ =	swait.ge [sflag:s25], $0x2800  }
0x105: {  	[sflag:s25] =	ssyncset.done $0x0  }
0x106: {  	[sflag:s25] =	ssyncadd.s32 $0xFFFFD800  }
0x107: {  	[spmem:s3] =	stream.indirect.scatter.add.f32 [tilespmem:s24], [sflag:$0x2], $0x80, s29, s21, $0xb8;
	[tilespmem:$0x1F300] =	vst v63  }
0x108: {  	_ =	swait.ge [sflag:s26], $0x2800  }
0x109: {  	[sflag:s26] =	ssyncset.done $0x0  }
0x10a: {  	s23 =	simm.s32 $0x16850;
	[sflag:s26] =	ssyncadd.s32 $0xFFFFD800  }
0x10b: {  	[tilespmem:s24], [sflag:$0x1] =	stream.indirect.gather [hbm4b:s5+s21], $0x80, s23, s21, $0xb8;
	[tilespmem:$0x1F300] =	vst v63  }
0x10c: {  	_ =	swait.ge [sflag:s25], $0x2800  }
0x10d: {  	[sflag:s25] =	ssyncset.done $0x0  }
0x10e: {  	s23 =	simm.s32 $0x18800;
	[sflag:s25] =	ssyncadd.s32 $0xFFFFD800  }
0x10f: {  	[spmem:s3] =	stream.indirect.scatter.add.f32 [tilespmem:s22], [sflag:$0x2], $0x80, s23, s21, $0xb8;
	[tilespmem:$0x1F300] =	vst v63  }
0x110: {  	_ =	swait.ge [sflag:s26], $0x2800  }
0x111: {  	[sflag:s26] =	ssyncset.done $0x0  }
0x112: {  	s23 =	simm.s32 $0x168A0;
	[sflag:s26] =	ssyncadd.s32 $0xFFFFD800  }
0x113: {  	[tilespmem:s22], [sflag:$0x1] =	stream.indirect.gather [hbm4b:s5+s21], $0x80, s23, s21, $0xb8;
	[tilespmem:$0x1F300] =	vst v63  }
0x114: {  	_ =	swait.ge [sflag:s25], $0x2800  }
0x115: {  	s28 =	simm.s32 $0xFFFFA800;
	[sflag:s25] =	ssyncset.done $0x0  }
0x116: {  	s30 =	simm.s32 $0x18880;
	s23 =	simm.s32 $0x168F0;
	[sflag:s25] =	ssyncadd.s32 $0xFFFFD800  }
.LBB2_8:
0x117: {  	[spmem:s3] =	stream.indirect.scatter.add.f32 [tilespmem:s24], [sflag:$0x2], $0x80, s30, s21, $0xb8;
	[tilespmem:$0x1F300] =	vst v63  }
0x118: {  	s2 =	smov.u32 s28  }
0x119: {  	p1 =	sne.s32 s28, $0xFFFFFC00;
	s28 =	sadd.s32 $0x400, s28;
	_ =	swait.ge [sflag:s26], $0x2800  }
0x11a: {  	[sflag:s26] =	ssyncset.done $0x0  }
0x11b: {  	[sflag:s26] =	ssyncadd.s32 $0xFFFFD800  }
0x11c: {  	[tilespmem:s24], [sflag:$0x1] =	stream.indirect.gather [hbm4b:s5+s21], $0x80, s23, s21, $0xb8;
	[tilespmem:$0x1F300] =	vst v63  }
0x11d: {  	_ =	swait.ge [sflag:s25], $0x2800  }
0x11e: {  	s2 =	sshra.s32 s2, $0x2;
	[sflag:s25] =	ssyncset.done $0x0  }
0x11f: {  	s30 =	sadd.s32 $0x19F00, s2;
	[sflag:s25] =	ssyncadd.s32 $0xFFFFD800  }
0x120: {  	[spmem:s3] =	stream.indirect.scatter.add.f32 [tilespmem:s22], [sflag:$0x2], $0x80, s30, s21, $0xb8;
	[tilespmem:$0x1F300] =	vst v63  }
0x121: {  	_ =	swait.ge [sflag:s26], $0x2800  }
0x122: {  	[sflag:s26] =	ssyncset.done $0x0  }
.Ltmp3:
0x123: {  	s30 =	sadd.s32 $0x50, s23;
	[sflag:s26] =	ssyncadd.s32 $0xFFFFD800;
	(pc) =	sbr.rel @p1 .LBB2_8-.Ltmp3, $4  }
0x124: {  	[tilespmem:s22], [sflag:$0x1] =	stream.indirect.gather [hbm4b:s5+s21], $0x80, s30, s21, $0xb8;
	[tilespmem:$0x1F300] =	vst v63  }
0x125: {  	_ =	swait.ge [sflag:s25], $0x2800  }
0x126: {  	[sflag:s25] =	ssyncset.done $0x0  }
0x127: {  	s23 =	sadd.s32 $0xA0, s23;
	s30 =	sadd.s32 $0x19F80, s2;
	[sflag:s25] =	ssyncadd.s32 $0xFFFFD800  }
0x128: {  	[spmem:s3] =	stream.indirect.scatter.add.f32 [tilespmem:s24], [sflag:$0x2], $0x80, s30, s21, $0xb8;
	[tilespmem:$0x1F300] =	vst v63  }
0x129: {  	_ =	swait.ge [sflag:s26], $0x2800  }
0x12a: {  	[sflag:s26] =	ssyncset.done $0x0  }
0x12b: {  	[sflag:s26] =	ssyncadd.s32 $0xFFFFD800  }
0x12c: {  	[tilespmem:s24], [sflag:$0x1] =	stream.indirect.gather [hbm4b:s5+s21], $0x80, s23, s21, $0xb8;
	[tilespmem:$0x1F300] =	vst v63  }
0x12d: {  	_ =	swait.ge [sflag:s25], $0x2800  }
0x12e: {  	[sflag:s25] =	ssyncset.done $0x0  }
0x12f: {  	[sflag:s25] =	ssyncadd.s32 $0xFFFFD800  }
0x130: {  	[spmem:s3] =	stream.indirect.scatter.add.f32 [tilespmem:s22], [sflag:$0x2], $0x80, s31, s21, $0xb8;
	[tilespmem:$0x1F300] =	vst v63  }
0x131: {  	_ =	swait.ge [sflag:s26], $0x2800  }
0x132: {  	[sflag:s26] =	ssyncset.done $0x0  }
0x133: {  	[sflag:s26] =	ssyncadd.s32 $0xFFFFD800  }
0x134: {  	_ =	swait.ge [sflag:s25], $0x2800  }
0x135: {  	[sflag:s25] =	ssyncset.done $0x0  }
0x136: {  	[sflag:s25] =	ssyncadd.s32 $0xFFFFD800  }
0x137: {  	[spmem:s3] =	stream.indirect.scatter.add.f32 [tilespmem:s24], [sflag:$0x2], $0x80, s1, s21, $0xb8;
	[tilespmem:$0x1F300] =	vst v63  }
0x138: {  	_ =	swait.ge [sflag:s26], $0x2800  }
0x139: {  	[sflag:s26] =	ssyncset.done $0x0  }
0x13a: {  	[sflag:s26] =	ssyncadd.s32 $0xFFFFD800  }
0x13b: {  	[tilespmem:s20], [sflag:$0x3] =	stream.linear.gather [hbm4b:s11+s4], $0x1900, $0x38;
	[tilespmem:$0x1F300] =	vst v63  }
0x13c: {  	_ =	swait.ge [sflag:s16], $0x1900  }
0x13d: {  	[sflag:s16] =	ssyncset.done $0x0  }
0x13e: {  	s2 =	simm.s32 $0x17700;
	[sflag:s16] =	ssyncadd.s32 $0xFFFFE700  }
0x13f: {  	[tilespmem:s22], [sflag:$0x1] =	stream.indirect.gather [hbm4b:s5+s21], $0x80, s2, s21, $0xb8;
	[tilespmem:$0x1F300] =	vst v63  }
0x140: {  	s23 =	simm.s32 $0x17750  }
0x141: {  	[tilespmem:s24], [sflag:$0x1] =	stream.indirect.gather [hbm4b:s5+s21], $0x80, s23, s21, $0xb8;
	[tilespmem:$0x1F300] =	vst v63  }
0x142: {  	_ =	swait.ge [sflag:s25], $0x2800  }
0x143: {  	[sflag:s25] =	ssyncset.done $0x0  }
0x144: {  	[sflag:s25] =	ssyncadd.s32 $0xFFFFD800  }
0x145: {  	[spmem:s3] =	stream.indirect.scatter.add.f32 [tilespmem:s22], [sflag:$0x2], $0x80, s20, s21, $0xb8;
	[tilespmem:$0x1F300] =	vst v63  }
0x146: {  	_ =	swait.ge [sflag:s26], $0x2800  }
0x147: {  	[sflag:s26] =	ssyncset.done $0x0  }
0x148: {  	s23 =	simm.s32 $0x177A0;
	[sflag:s26] =	ssyncadd.s32 $0xFFFFD800  }
0x149: {  	[tilespmem:s22], [sflag:$0x1] =	stream.indirect.gather [hbm4b:s5+s21], $0x80, s23, s21, $0xb8;
	[tilespmem:$0x1F300] =	vst v63  }
0x14a: {  	_ =	swait.ge [sflag:s25], $0x2800  }
0x14b: {  	[sflag:s25] =	ssyncset.done $0x0  }
0x14c: {  	[sflag:s25] =	ssyncadd.s32 $0xFFFFD800  }
0x14d: {  	[spmem:s3] =	stream.indirect.scatter.add.f32 [tilespmem:s24], [sflag:$0x2], $0x80, s29, s21, $0xb8;
	[tilespmem:$0x1F300] =	vst v63  }
0x14e: {  	_ =	swait.ge [sflag:s26], $0x2800  }
0x14f: {  	[sflag:s26] =	ssyncset.done $0x0  }
0x150: {  	s23 =	simm.s32 $0x177F0;
	[sflag:s26] =	ssyncadd.s32 $0xFFFFD800  }
0x151: {  	[tilespmem:s24], [sflag:$0x1] =	stream.indirect.gather [hbm4b:s5+s21], $0x80, s23, s21, $0xb8;
	[tilespmem:$0x1F300] =	vst v63  }
0x152: {  	_ =	swait.ge [sflag:s25], $0x2800  }
0x153: {  	[sflag:s25] =	ssyncset.done $0x0  }
0x154: {  	s23 =	simm.s32 $0x18800;
	[sflag:s25] =	ssyncadd.s32 $0xFFFFD800  }
0x155: {  	[spmem:s3] =	stream.indirect.scatter.add.f32 [tilespmem:s22], [sflag:$0x2], $0x80, s23, s21, $0xb8;
	[tilespmem:$0x1F300] =	vst v63  }
0x156: {  	_ =	swait.ge [sflag:s26], $0x2800  }
0x157: {  	[sflag:s26] =	ssyncset.done $0x0  }
0x158: {  	s23 =	simm.s32 $0x17840;
	[sflag:s26] =	ssyncadd.s32 $0xFFFFD800  }
0x159: {  	[tilespmem:s22], [sflag:$0x1] =	stream.indirect.gather [hbm4b:s5+s21], $0x80, s23, s21, $0xb8;
	[tilespmem:$0x1F300] =	vst v63  }
0x15a: {  	_ =	swait.ge [sflag:s25], $0x2800  }
0x15b: {  	s28 =	simm.s32 $0xFFFFA800;
	[sflag:s25] =	ssyncset.done $0x0  }
0x15c: {  	s30 =	simm.s32 $0x18880;
	s23 =	simm.s32 $0x17890;
	[sflag:s25] =	ssyncadd.s32 $0xFFFFD800  }
.LBB2_10:
0x15d: {  	[spmem:s3] =	stream.indirect.scatter.add.f32 [tilespmem:s24], [sflag:$0x2], $0x80, s30, s21, $0xb8;
	[tilespmem:$0x1F300] =	vst v63  }
0x15e: {  	s2 =	smov.u32 s28  }
0x15f: {  	p1 =	sne.s32 s28, $0xFFFFFC00;
	s28 =	sadd.s32 $0x400, s28;
	_ =	swait.ge [sflag:s26], $0x2800  }
0x160: {  	[sflag:s26] =	ssyncset.done $0x0  }
0x161: {  	[sflag:s26] =	ssyncadd.s32 $0xFFFFD800  }
0x162: {  	[tilespmem:s24], [sflag:$0x1] =	stream.indirect.gather [hbm4b:s5+s21], $0x80, s23, s21, $0xb8;
	[tilespmem:$0x1F300] =	vst v63  }
0x163: {  	_ =	swait.ge [sflag:s25], $0x2800  }
0x164: {  	s2 =	sshra.s32 s2, $0x2;
	[sflag:s25] =	ssyncset.done $0x0  }
0x165: {  	s30 =	sadd.s32 $0x19F00, s2;
	[sflag:s25] =	ssyncadd.s32 $0xFFFFD800  }
0x166: {  	[spmem:s3] =	stream.indirect.scatter.add.f32 [tilespmem:s22], [sflag:$0x2], $0x80, s30, s21, $0xb8;
	[tilespmem:$0x1F300] =	vst v63  }
0x167: {  	_ =	swait.ge [sflag:s26], $0x2800  }
0x168: {  	[sflag:s26] =	ssyncset.done $0x0  }
.Ltmp4:
0x169: {  	s30 =	sadd.s32 $0x50, s23;
	[sflag:s26] =	ssyncadd.s32 $0xFFFFD800;
	(pc) =	sbr.rel @p1 .LBB2_10-.Ltmp4, $4  }
0x16a: {  	[tilespmem:s22], [sflag:$0x1] =	stream.indirect.gather [hbm4b:s5+s21], $0x80, s30, s21, $0xb8;
	[tilespmem:$0x1F300] =	vst v63  }
0x16b: {  	_ =	swait.ge [sflag:s25], $0x2800  }
0x16c: {  	[sflag:s25] =	ssyncset.done $0x0  }
0x16d: {  	s23 =	sadd.s32 $0xA0, s23;
	s30 =	sadd.s32 $0x19F80, s2;
	[sflag:s25] =	ssyncadd.s32 $0xFFFFD800  }
0x16e: {  	[spmem:s3] =	stream.indirect.scatter.add.f32 [tilespmem:s24], [sflag:$0x2], $0x80, s30, s21, $0xb8;
	[tilespmem:$0x1F300] =	vst v63  }
0x16f: {  	_ =	swait.ge [sflag:s26], $0x2800  }
0x170: {  	[sflag:s26] =	ssyncset.done $0x0  }
0x171: {  	[sflag:s26] =	ssyncadd.s32 $0xFFFFD800  }
0x172: {  	[tilespmem:s24], [sflag:$0x1] =	stream.indirect.gather [hbm4b:s5+s21], $0x80, s23, s21, $0xb8;
	[tilespmem:$0x1F300] =	vst v63  }
0x173: {  	_ =	swait.ge [sflag:s25], $0x2800  }
0x174: {  	[sflag:s25] =	ssyncset.done $0x0  }
0x175: {  	[sflag:s25] =	ssyncadd.s32 $0xFFFFD800  }
0x176: {  	[spmem:s3] =	stream.indirect.scatter.add.f32 [tilespmem:s22], [sflag:$0x2], $0x80, s31, s21, $0xb8;
	[tilespmem:$0x1F300] =	vst v63  }
0x177: {  	_ =	swait.ge [sflag:s26], $0x2800  }
0x178: {  	[sflag:s26] =	ssyncset.done $0x0  }
0x179: {  	[sflag:s26] =	ssyncadd.s32 $0xFFFFD800  }
0x17a: {  	_ =	swait.ge [sflag:s25], $0x2800  }
0x17b: {  	[sflag:s25] =	ssyncset.done $0x0  }
0x17c: {  	[sflag:s25] =	ssyncadd.s32 $0xFFFFD800  }
0x17d: {  	[spmem:s3] =	stream.indirect.scatter.add.f32 [tilespmem:s24], [sflag:$0x2], $0x80, s1, s21, $0xb8;
	[tilespmem:$0x1F300] =	vst v63  }
0x17e: {  	_ =	swait.ge [sflag:s26], $0x2800  }
0x17f: {  	[sflag:s26] =	ssyncset.done $0x0  }
0x180: {  	[sflag:s26] =	ssyncadd.s32 $0xFFFFD800  }
0x181: {  	s2 =	simm.s32 @p0 $0x1FC3;
	[bflag:$0x0] =	sbarrier.arrive $0xFFFF  }
0x182: {  	[hbm:s13], [sflag:s2] =	dma.local @p0 [spmem:s17], $0x2080  }
0x183: {  	s2 =	simm.s32 @p0 $0x3  }
0x184: {  	s0 =	sadd.s32 $0x1, s0;
	_ =	swait.ge @p0 [sflag:s2], $0x2080  }
0x185: {  	p1 =	sne.s32 s0, s14;
	[sflag:s2] =	ssyncset.done @p0 $0x0  }
.Ltmp5:
0x186: {  	[sflag:s2] =	ssyncadd.s32 @p0 $0xFFFFDF80;
	s2 =	simm.s32 @!p0 $0x3;
	(pc) =	sbr.rel @p1 .LBB2_1-.Ltmp5, $4  }
0x187: {  	[hbm:s12], [sflag:s18] =	dma.local @!p0 [spmem:s19], $0x2780  }
0x188: {  	_ =	swait.ge @!p0 [sflag:s2], $0x2780  }
0x189: {  	[sflag:s2] =	ssyncset.done @!p0 $0x0  }
0x18a: {  	[sflag:s2] =	ssyncadd.s32 @!p0 $0xFFFFD880  }
0x18b: {  	_ =	sfence.sel $0x180000  }
0x18c: {  	[bflag:$0x0] =	sbarrier.arrive $0xFFFF  }
0x18d: {  	_ =	strace $0x9000004A  }
0x18e: {  	s0 =	stileid.u32;
	[bflag:$0x2] =	sbarrier.arrive $0xFFFF  }
0x18f: {  	p0 =	sne.s32 s0, $0x0;
	s0 =	rddreg [dreg:$0x3]  }
0x190: {  	s0 =	sadd.s32 @!p0 $0x100000, s0  }
0x191: {  	[sflag:s0] =	ssyncadd.tile.s32 @!p0 $0x1;
	_ =	shalt  }
.Lfunc_end2:
_tile_overlayer_lowered:
.L_overlay_start_2:
0x192: {  	(tag) =	ssettag $0x2  }
0x193: {  	s0 =	rddreg [dreg:$0x0];
	s2 =	stileid.u32  }
0x194: {  	s1 =	rddreg [dreg:$0x1];
	p0 =	sne.s32 s2, $0x0  }
0x195: {  	s3 =	rddreg [dreg:$0x2];
	[bflag:$0x3] =	sbarrier.arrive $0xFFFF;
	s2 =	simm.s32 @!p0 $0x1C03  }
0x196: {  	[timem:s3], [sflag:s2] =	dma.local @!p0 [hbm:s0], s1  }
0x197: {  	s0 =	simm.s32 @!p0 $0x3  }
0x198: {  	_ =	swait.ge @!p0 [sflag:s0], s1  }
0x199: {  	s1 =	ssub.s32 @!p0 $0x0, s1;
	[sflag:s0] =	ssyncset.done @!p0 $0x0  }
0x19a: {  	[sflag:s0] =	ssyncadd.s32 @!p0 s1  }
0x19b: {  	[bflag:$0x3] =	sbarrier.arrive $0xFFFF  }
0x19c: {  	_ =	shalt  }

// kernel: kernel.18.cloned.1.call-start
scs
__scs_entry_jumppad:
0x0: {  	(pc) =	sbr.rel $0x88, $3  }
0x1: {  	(tag) =	ssettag $0x0;
	lr =	simm.s32 $0x1  }
0x2: {  	[smem:$0x3F8A] =	sst lr;
	_ =	strace $0xD0000000  }
0x3: {  	_ = 	snop  }
0x4: {  	_ = 	snop  }
0x5: {  	_ = 	snop  }
0x6: {  	_ = 	snop  }
0x7: {  	_ = 	snop  }
__scs_overlays_trampoline_lowered:
0x8: {  	[smem:$0x3F99] =	sst s0  }
0x9: {  	[smem:$0x3F9A] =	sst s1  }
0xa: {  	[smem:$0x3F9B] =	sst s2  }
0xb: {  	[smem:$0x3F9C] =	sst s3  }
0xc: {  	[smem:$0x3F9D] =	sst s4  }
0xd: {  	[smem:$0x3F9E] =	sst s5  }
0xe: {  	[smem:$0x3F9F] =	sst s6  }
0xf: {  	[smem:$0x3FA0] =	sst s7  }
0x10: {  	[smem:$0x3FA1] =	sst s8  }
0x11: {  	[smem:$0x3FA2] =	sst s9;
	s0 =	simm.s32 @!p0 $0x0  }
0x12: {  	s1 =	sld [smem:$0x3F88];
	s0 =	simm.s32 @p0 $0x1  }
0x13: {  	[smem:$0x3FA3] =	sst s0;
	s0 =	simm.s32 @!p1 $0x0  }
0x14: {  	s2 =	sld [smem:$0x3F87];
	s0 =	simm.s32 @p1 $0x1  }
0x15: {  	[smem:$0x3FA4] =	sst s0;
	s0 =	simm.s32 @!p2 $0x0  }
0x16: {  	s3 =	sld [smem:$0x3FDB];
	s0 =	simm.s32 @p2 $0x1  }
0x17: {  	s4 =	simm.s32 $0x1BF5;
	[smem:$0x3FA6] =	sst s0  }
0x18: {  	s0 =	sld [smem:$0x3F89];
	_ =	swait.ge [sflag:s4], $0x0  }
0x19: {  	s7 =	sld [smem:$0x3F8A]  }
0x1a: {  	s8 =	sadd.s32 $0xFFFFE003, lr  }
0x1b: {  	s9 =	sadd.s32 $0xFFFFFEF7, lr;
	s5 =	simm.s32 $0xFFFFFFFF;
	p2 =	slt.u32 s8, $0xFFFFF086  }
0x1c: {  	p1 =	slt.u32 s9, $0xF7A;
	s5 =	simm.s32 @!p2 $0x0  }
0x1d: {  	s5 =	simm.s32 @p1 $0x1;
	p0 =	seq.s32 s7, s2  }
0x1e: {  	s7 =	smul.u32 @!p0 $0xF7A, s2;
	p2 =	seq.s32 @!p0 s5, $0x0  }
0x1f: {  	s9 =	smul.u32 $0xF7A, s1;
	s8 =	simm.s32 @!p0 $0x1BF5;
	p2 =	por !p2, p0  }
0x20: {  	[sflag:s8] =	ssyncset.s32 @!p0 $0xFFFFF086;
	s6 =	sadd.s32 @!p0 s3, s7;
	s7 =	simm.s32 @!p0 $0x108  }
0x21: {  	s3 =	sadd.s32 s3, s9;
	s6 =	sadd.s32 @!p0 $0x88, s6;
	s7 =	simm.s32 @p2 $0x1082  }
0x22: {  	[simem:s7], [sflag:s8] =	dma.local @!p0 [hbm:s6], $0xF7A  }
0x23: {  	s9 =	sor.u32 $0xD0000000, s2;
	s6 =	simm.s32 $0x108;
	_ =	swait.ge @!p0 [sflag:s8], $0x0  }
0x24: {  	s3 =	sadd.s32 $0x88, s3;
	s6 =	simm.s32 @!p1 $0x1082;
	[sflag:s4] =	ssyncset.s32 $0xFFFFF086  }
0x25: {  	[simem:s6], [sflag:s4] =	dma.local [hbm:s3], $0xF7A  }
0x26: {  	[smem:$0x3F8A] =	sst s1;
	(tag) =	ssettag s2;
	_ =	strace s9  }
0x27: {  	s1 =	sld [smem:$0x3F9A]  }
0x28: {  	s2 =	sld [smem:$0x3F9B]  }
0x29: {  	s4 =	sld [smem:$0x3F9D]  }
0x2a: {  	p0 =	seq.s32 s5, $0x0;
	s5 =	sld [smem:$0x3F9E]  }
0x2b: {  	s6 =	sld [smem:$0x3F9F]  }
0x2c: {  	s7 =	sld [smem:$0x3FA0]  }
0x2d: {  	s3 =	simm.s32 $0x108;
	s8 =	sld [smem:$0x3FA1]  }
0x2e: {  	s3 =	simm.s32 @!p0 $0x1082;
	s9 =	sld [smem:$0x3FA2]  }
0x2f: {  	lr =	sadd.s32 s0, s3;
	s0 =	sld [smem:$0x3F99]  }
0x30: {  	s3 =	sld [smem:$0x3F9C]  }
0x31: {  	[smem:$0x3FA5] =	sst s10  }
0x32: {  	s10 =	sld [smem:$0x3FA3];
	_ =	sdelay $0x3  }
0x33: {  	p0 =	seq.s32 s10, $0x1;
	s10 =	sld [smem:$0x3FA5];
	_ =	sdelay $0x3  }
0x34: {  	[smem:$0x3FA5] =	sst s10  }
0x35: {  	s10 =	sld [smem:$0x3FA4];
	_ =	sdelay $0x3  }
0x36: {  	p1 =	seq.s32 s10, $0x1;
	s10 =	sld [smem:$0x3FA5];
	_ =	sdelay $0x3  }
0x37: {  	[smem:$0x3FA5] =	sst s10  }
0x38: {  	s10 =	sld [smem:$0x3FA6]  }
0x39: {  	_ = 	snop;
	(pc) =	sbr.ind lr, $3  }
0x3a: {  	_ = 	snop  }
0x3b: {  	_ = 	snop  }
0x3c: {  	p2 =	seq.s32 s10, $0x1;
	s10 =	sld [smem:$0x3FA5]  }
0x3d: {  	_ =	shalt  }
0x3e: {  	_ =	shalt  }
0x3f: {  	_ =	shalt  }
0x40: {  	_ =	shalt  }
0x41: {  	_ =	shalt  }
0x42: {  	_ =	shalt  }
0x43: {  	_ =	shalt  }
0x44: {  	_ =	shalt  }
0x45: {  	_ =	shalt  }
0x46: {  	_ =	shalt  }
0x47: {  	_ =	shalt  }
0x48: {  	_ =	shalt  }
0x49: {  	_ =	shalt  }
0x4a: {  	_ =	shalt  }
0x4b: {  	_ =	shalt  }
0x4c: {  	_ =	shalt  }
0x4d: {  	_ =	shalt  }
0x4e: {  	_ =	shalt  }
0x4f: {  	_ =	shalt  }
0x50: {  	_ =	shalt  }
0x51: {  	_ =	shalt  }
0x52: {  	_ =	shalt  }
0x53: {  	_ =	shalt  }
0x54: {  	_ =	shalt  }
0x55: {  	_ =	shalt  }
0x56: {  	_ =	shalt  }
0x57: {  	_ =	shalt  }
0x58: {  	_ =	shalt  }
0x59: {  	_ =	shalt  }
0x5a: {  	_ =	shalt  }
0x5b: {  	_ =	shalt  }
0x5c: {  	_ =	shalt  }
0x5d: {  	_ =	shalt  }
0x5e: {  	_ =	shalt  }
0x5f: {  	_ =	shalt  }
0x60: {  	_ =	shalt  }
0x61: {  	_ =	shalt  }
0x62: {  	_ =	shalt  }
0x63: {  	_ =	shalt  }
0x64: {  	_ =	shalt  }
0x65: {  	_ =	shalt  }
0x66: {  	_ =	shalt  }
0x67: {  	_ =	shalt  }
0x68: {  	_ =	shalt  }
0x69: {  	_ =	shalt  }
0x6a: {  	_ =	shalt  }
0x6b: {  	_ =	shalt  }
0x6c: {  	_ =	shalt  }
0x6d: {  	_ =	shalt  }
0x6e: {  	_ =	shalt  }
0x6f: {  	_ =	shalt  }
0x70: {  	_ =	shalt  }
0x71: {  	_ =	shalt  }
0x72: {  	_ =	shalt  }
0x73: {  	_ =	shalt  }
0x74: {  	_ =	shalt  }
0x75: {  	_ =	shalt  }
0x76: {  	_ =	shalt  }
0x77: {  	_ =	shalt  }
0x78: {  	_ =	shalt  }
0x79: {  	_ =	shalt  }
0x7a: {  	_ =	shalt  }
0x7b: {  	_ =	shalt  }
0x7c: {  	_ =	shalt  }
0x7d: {  	_ =	shalt  }
0x7e: {  	_ =	shalt  }
0x7f: {  	_ =	shalt  }
0x80: {  	_ =	shalt  }
0x81: {  	_ =	shalt  }
0x82: {  	_ =	shalt  }
0x83: {  	_ =	shalt  }
0x84: {  	_ =	shalt  }
0x85: {  	_ =	shalt  }
0x86: {  	_ =	shalt  }
0x87: {  	_ =	shalt  }
.Lfunc_end0:
.L_simem_size_0:
called_computation.2_lowered:
.L_overlay_start_0:
0x88: {  	s2 =	sld [smem:$0x3FD9]  }
0x89: {  	s3 =	sld [smem:$0x3FFE];
	_ =	sdelay $0x1  }
0x8a: {  	s1 =	srdreg.scid  }
0x8b: {  	s0 =	sand.u32 $0x1, s1  }
0x8c: {  	s17 =	sshll.u32 s0, $0xA;
	s2 =	sadd.s32 s3, s2  }
0x8d: {  	s2 =	sadd.s32 s2, s17  }
0x8e: {  	[smem:$0x3FB1] =	sst s2  }
0x8f: {  	_ = 	snop  }
0x90: {  	s2 =	sld [smem:$0x3FD0];
	(tm) =	ssettm $0x1  }
0x91: {  	s18 =	sld [smem:$0x3FFB];
	_ =	sdelay $0x3  }
0x92: {  	_ =	strace s18  }
0x93: {  	s3 =	sld [smem:$0x3FFC];
	_ =	sdelay $0x3  }
0x94: {  	_ =	strace s3  }
0x95: {  	s3 =	sld [smem:$0x3FFD];
	_ =	sdelay $0x3  }
0x96: {  	_ =	strace s3  }
0x97: {  	_ =	strace $0x8FFFFFFF  }
0x98: {  	s19 =	sld [smem:$0x3FDB];
	_ =	sdelay $0x1  }
0x99: {  	s4 =	simm.s32 $_scs_section_size  }
0x9a: {  	s5 =	simm.s32 $_size__tile_overlayer_lowered;
	s6 =	simm.s32 $_tile_overlayer_lowered  }
0x9b: {  	s22 =	simm.s32 $0x1BFF;
	s21 =	sshll.u32 s6, $0x1;
	s3 =	sadd.s32 s4, s19  }
0x9c: {  	s7 =	simm.s32 $0x0;
	s20 =	sshll.u32 s5, $0x1;
	s5 =	sadd.s32 s21, s3  }
0x9d: {  	[timem:s7], [sflag:s22] =	dma.local [hbm:s5], s20  }
0x9e: {  	_ =	swait.ge [sflag:s22], s20  }
0x9f: {  	s4 =	ssub.s32 $0x0, s20;
	[sflag:s22] =	ssyncset.done $0x0  }
0xa0: {  	[sflag:s22] =	ssyncadd.s32 s4;
	_ =	sdelay $0x1  }
0xa1: {  	s23 =	simm.s32 $0x1B8B  }
0xa2: {  	_ =	swait.ge [sflag:s23], $0x1  }
0xa3: {  	[sflag:s23] =	ssyncset.done $0x0  }
0xa4: {  	s25 =	simm.s32 $0x1B8E;
	s24 =	sld [smem:$0x3FFE];
	[sflag:s23] =	ssyncadd.s32 $0xFFFFFFFF  }
0xa5: {  	s26 =	simm.s32 $execute0_lowered;
	[smem:$0x3FD2] =	sst s25  }
0xa6: {  	s5 =	sshll.u32 s26, $0x1;
	_ =	strace $0x8000004C;
	[dreg:$0x1] =	wrdreg $0xFFFFFFFF  }
0xa7: {  	s28 =	simm.s32 $_size_execute0_lowered;
	s3 =	sadd.s32 s3, s5;
	[dreg:$0x0] =	wrdreg $0x0  }
0xa8: {  	s5 =	sshll.u32 s28, $0x1;
	[dreg:$0x2] =	wrdreg s3  }
0xa9: {  	[dreg:$0x3] =	wrdreg s5  }
0xaa: {  	[dreg:$0x4] =	wrdreg $0xC0  }
0xab: {  	_ =	task [dreg:s7], $0x5FFFF  }
0xac: {  	[dreg:$0x1] =	wrdreg $0xFFFFFFFF  }
0xad: {  	[dreg:$0x0] =	wrdreg $0x60  }
0xae: {  	[dreg:$0x2] =	wrdreg s24  }
0xaf: {  	[dreg:$0x3] =	wrdreg s2  }
0xb0: {  	[dreg:$0x4] =	wrdreg $0x0  }
0xb1: {  	[dreg:$0x5] =	wrdreg $0x9  }
0xb2: {  	_ =	task.clear_ibuf [dreg:s7], $0x6FFFF;
	_ =	strace $0x9000004C  }
0xb3: {  	s29 =	simm.s32 $0x9;
	_ =	strace $0x8000004E  }
0xb4: {  	_ =	swait.ge [sflag:s29], $0x1  }
0xb5: {  	[sflag:s29] =	ssyncadd.s32 $0xFFFFFFFF  }
0xb6: {  	_ =	strace $0x9000004E  }
0xb7: {  	_ =	sfence  }
0xb8: {  	s30 =	sld [smem:$0x0];
	_ =	sdelay $0x2  }
0xb9: {  	s31 =	sshll.u32 s1, $0xD;
	s1 =	sshrl.u32 s1, $0x2  }
0xba: {  	s3 =	sand.u32 $0x4000, s31;
	s1 =	sadd.s32 s1, s30  }
0xbb: {  	s0 =	sor.u32 s3, s0;
	s1 =	sshll.u32 s1, $0x11  }
0xbc: {  	s0 =	sor.u32 s1, s0  }
0xbd: {  	s0 =	sadd.s32 $0x8F2B, s0  }
0xbe: {  	[sflag:s0] =	ssyncadd.remote.s32 $0x1  }
0xbf: {  	_ =	sfence.sel $0xFFFF  }
0xc0: {  	[dreg:$0x0] =	wrdreg $0xFFFFFFFF;
	(pc) =	sbr.abs _section_cstart, $3  }
0xc1: {  	[dreg:$0x1] =	wrdreg $0xFFFFFFFF  }
0xc2: {  	_ =	task.clear_ibuf [dreg:s7], $0x2FFFF;
	_ =	strace $0x9FFFFFFF  }
0xc3: {  	(tm) =	ssettm $0x7FFFFFFF  }
tec
execute0_lowered:
.L_overlay_start_1:
0x0: {  	(tag) =	ssettag $0x1  }
0x1: {  	s0 =	srdreg.scid;
	s1 =	rddreg [dreg:$0x0]  }
0x2: {  	s2 =	stileid.u32;
	s3 =	rddreg [dreg:$0x2];
	s15 =	simm.s32 $0x13880  }
0x3: {  	s16 =	simm.s32 $0x3;
	s20 =	simm.s32 $0x18700;
	s21 =	simm.s32 $0x50  }
0x4: {  	s22 =	simm.s32 $0x1A300;
	s24 =	simm.s32 $0x1CB00;
	s25 =	simm.s32 $0x1  }
0x5: {  	s26 =	simm.s32 $0x2;
	s29 =	simm.s32 $0x18780;
	s7 =	smul.u32 $0x8C00, s2  }
0x6: {  	s31 =	simm.s32 $0x19F00;
	s0 =	sand.u32 $0x1, s0;
	s9 =	smul.u32 $0x4F000, s2  }
0x7: {  	s10 =	smul.u32 $0x13C00, s2;
	s17 =	sadd.s32 $0x128400, s3;
	p0 =	seq.s32 s2, $0xF  }
0x8: {  	s4 =	sshll.u32 s0, $0x4;
	s8 =	ssub.s32 $0x2, s0;
	s0 =	smul.u32 $0x138800, s0  }
0x9: {  	s17 =	sshrl.u32 @p0 s17, $0x3;
	s5 =	sor.u32 s2, s4;
	s4 =	simm.s32 $0x0  }
0xa: {  	s7 =	sshrl.u32 s7, $0x3;
	s28 =	sshrl.u32 s8, $0x1;
	s30 =	sshrl.u32 s9, $0x2  }
0xb: {  	s6 =	smul.u32 $0x9C4, s5;
	[smem:$0x7FF] =	sst s4;
	s5 =	sadd.s32 $0xA9E00, s1  }
0xc: {  	s11 =	sadd.s32 s7, s1;
	s14 =	ssub.s32 s8, s28;
	s19 =	sadd.s32 s30, s3  }
0xd: {  	s12 =	sadd.s32 s10, s0;
	s0 =	sshrl.u32 s0, $0x3;
	_ =	strace $0x8000004D  }
0xe: {  	s7 =	sadd.s32 $0x36A00, s11;
	s8 =	sadd.s32 $0x36D80, s11;
	s9 =	sadd.s32 $0x37100, s11  }
0xf: {  	s10 =	sadd.s32 $0x37480, s11;
	s12 =	sshrl.u32 s12, $0x3;
	s11 =	sadd.s32 $0x37800, s11  }
0x10: {  	s14 =	smax.u32 s14, $0x1;
	s6 =	sadd.s32 s6, s1;
	s1 =	sadd.s32 $0xF8000, s1  }
0x11: {  	s19 =	sshrl.u32 @!p0 s19, $0x3;
	s6 =	sadd.s32 $0x48200, s6;
	s0 =	sadd.s32 s1, s0  }
0x12: {  	s12 =	sadd.s32 s1, s12;
	s13 =	sadd.s32 $0x25080, s0;
	s0 =	sshll.u32 @!p0 s2, $0x6  }
0x13: {  	s1 =	simm.s32 $0x19F80;
	s18 =	sor.u32 @!p0 $0x1C03, s0;
	s0 =	simm.s32 $0x0  }
.LBB2_1:
0x14: {  	[tilespmem:s15], [sflag:$0x3] =	stream.linear.gather [hbm4b:s6+s4], $0x4E20, $0x38;
	[tilespmem:$0x1F300] =	vst v63  }
0x15: {  	_ =	swait.ge [sflag:s16], $0x4E20  }
0x16: {  	[sflag:s16] =	ssyncset.done $0x0  }
0x17: {  	[sflag:s16] =	ssyncadd.s32 $0xFFFFB1E0  }
0x18: {  	s23 =	simm.s32 @p0 $0x1FC3;
	s2 =	rddreg [dreg:$0x1]  }
0x19: {  	[spmem:s17], [sflag:s23] =	dma.local @p0 [hbm:s2], $0x2080  }
0x1a: {  	s23 =	simm.s32 @p0 $0x3  }
0x1b: {  	_ =	swait.ge @p0 [sflag:s23], $0x2080  }
0x1c: {  	[sflag:s23] =	ssyncset.done @p0 $0x0  }
0x1d: {  	[sflag:s23] =	ssyncadd.s32 @p0 $0xFFFFDF80;
	s23 =	simm.s32 @!p0 $0x3  }
0x1e: {  	[spmem:s19], [sflag:s18] =	dma.local @!p0 [hbm:s2], $0x2780  }
0x1f: {  	_ =	swait.ge @!p0 [sflag:s23], $0x2780  }
0x20: {  	[sflag:s23] =	ssyncset.done @!p0 $0x0  }
0x21: {  	[sflag:s23] =	ssyncadd.s32 @!p0 $0xFFFFD880  }
0x22: {  	[bflag:$0x0] =	sbarrier.arrive $0xFFFF  }
0x23: {  	[tilespmem:s20], [sflag:$0x3] =	stream.linear.gather [hbm4b:s7+s4], $0x1900, $0x38;
	[tilespmem:$0x1F300] =	vst v63  }
0x24: {  	_ =	swait.ge [sflag:s16], $0x1900  }
0x25: {  	[sflag:s16] =	ssyncset.done $0x0  }
0x26: {  	[sflag:s16] =	ssyncadd.s32 $0xFFFFE700  }
0x27: {  	[tilespmem:s22], [sflag:$0x1] =	stream.indirect.gather [hbm4b:s5+s21], $0x80, s15, s21, $0xb8;
	[tilespmem:$0x1F300] =	vst v63  }
0x28: {  	s23 =	simm.s32 $0x138D0  }
0x29: {  	[tilespmem:s24], [sflag:$0x1] =	stream.indirect.gather [hbm4b:s5+s21], $0x80, s23, s21, $0xb8;
	[tilespmem:$0x1F300] =	vst v63  }
0x2a: {  	_ =	swait.ge [sflag:s25], $0x2800  }
0x2b: {  	[sflag:s25] =	ssyncset.done $0x0  }
0x2c: {  	[sflag:s25] =	ssyncadd.s32 $0xFFFFD800  }
0x2d: {  	[spmem:s3] =	stream.indirect.scatter.add.f32 [tilespmem:s22], [sflag:$0x2], $0x80, s20, s21, $0xb8;
	[tilespmem:$0x1F300] =	vst v63  }
0x2e: {  	_ =	swait.ge [sflag:s26], $0x2800  }
0x2f: {  	[sflag:s26] =	ssyncset.done $0x0  }
0x30: {  	s23 =	simm.s32 $0x13920;
	[sflag:s26] =	ssyncadd.s32 $0xFFFFD800  }
0x31: {  	[tilespmem:s22], [sflag:$0x1] =	stream.indirect.gather [hbm4b:s5+s21], $0x80, s23, s21, $0xb8;
	[tilespmem:$0x1F300] =	vst v63  }
0x32: {  	_ =	swait.ge [sflag:s25], $0x2800  }
0x33: {  	[sflag:s25] =	ssyncset.done $0x0  }
0x34: {  	[sflag:s25] =	ssyncadd.s32 $0xFFFFD800  }
0x35: {  	[spmem:s3] =	stream.indirect.scatter.add.f32 [tilespmem:s24], [sflag:$0x2], $0x80, s29, s21, $0xb8;
	[tilespmem:$0x1F300] =	vst v63  }
0x36: {  	_ =	swait.ge [sflag:s26], $0x2800  }
0x37: {  	[sflag:s26] =	ssyncset.done $0x0  }
0x38: {  	s2 =	simm.s32 $0x13970;
	[sflag:s26] =	ssyncadd.s32 $0xFFFFD800  }
0x39: {  	[tilespmem:s24], [sflag:$0x1] =	stream.indirect.gather [hbm4b:s5+s21], $0x80, s2, s21, $0xb8;
	[tilespmem:$0x1F300] =	vst v63  }
0x3a: {  	_ =	swait.ge [sflag:s25], $0x2800  }
0x3b: {  	[sflag:s25] =	ssyncset.done $0x0  }
0x3c: {  	s2 =	simm.s32 $0x18800;
	[sflag:s25] =	ssyncadd.s32 $0xFFFFD800  }
0x3d: {  	[spmem:s3] =	stream.indirect.scatter.add.f32 [tilespmem:s22], [sflag:$0x2], $0x80, s2, s21, $0xb8;
	[tilespmem:$0x1F300] =	vst v63  }
0x3e: {  	_ =	swait.ge [sflag:s26], $0x2800  }
0x3f: {  	[sflag:s26] =	ssyncset.done $0x0  }
0x40: {  	s2 =	simm.s32 $0x139C0;
	[sflag:s26] =	ssyncadd.s32 $0xFFFFD800  }
0x41: {  	[tilespmem:s22], [sflag:$0x1] =	stream.indirect.gather [hbm4b:s5+s21], $0x80, s2, s21, $0xb8;
	[tilespmem:$0x1F300] =	vst v63  }
0x42: {  	_ =	swait.ge [sflag:s25], $0x2800  }
0x43: {  	s30 =	simm.s32 $0x18880;
	[sflag:s25] =	ssyncset.done $0x0  }
0x44: {  	s28 =	simm.s32 $0x13A60;
	s23 =	simm.s32 $0xFFFFA800;
	[sflag:s25] =	ssyncadd.s32 $0xFFFFD800  }
.LBB2_2:
0x45: {  	[spmem:s3] =	stream.indirect.scatter.add.f32 [tilespmem:s24], [sflag:$0x2], $0x80, s30, s21, $0xb8;
	[tilespmem:$0x1F300] =	vst v63  }
0x46: {  	s30 =	smov.u32 s23  }
0x47: {  	p1 =	sne.s32 s23, $0xFFFFFC00;
	s23 =	sadd.s32 $0x400, s23;
	_ =	swait.ge [sflag:s26], $0x2800  }
0x48: {  	[sflag:s26] =	ssyncset.done $0x0  }
0x49: {  	s2 =	sadd.s32 $0xFFFFFFB0, s28;
	[sflag:s26] =	ssyncadd.s32 $0xFFFFD800  }
0x4a: {  	[tilespmem:s24], [sflag:$0x1] =	stream.indirect.gather [hbm4b:s5+s21], $0x80, s2, s21, $0xb8;
	[tilespmem:$0x1F300] =	vst v63  }
0x4b: {  	_ =	swait.ge [sflag:s25], $0x2800  }
0x4c: {  	s2 =	sshra.s32 s30, $0x2;
	[sflag:s25] =	ssyncset.done $0x0  }
0x4d: {  	s30 =	sadd.s32 $0x19F00, s2;
	[sflag:s25] =	ssyncadd.s32 $0xFFFFD800  }
0x4e: {  	[spmem:s3] =	stream.indirect.scatter.add.f32 [tilespmem:s22], [sflag:$0x2], $0x80, s30, s21, $0xb8;
	[tilespmem:$0x1F300] =	vst v63  }
0x4f: {  	_ =	swait.ge [sflag:s26], $0x2800  }
0x50: {  	[sflag:s26] =	ssyncset.done $0x0  }
.Ltmp0:
0x51: {  	[sflag:s26] =	ssyncadd.s32 $0xFFFFD800;
	(pc) =	sbr.rel @p1 .LBB2_2-.Ltmp0, $4  }
0x52: {  	[tilespmem:s22], [sflag:$0x1] =	stream.indirect.gather [hbm4b:s5+s21], $0x80, s28, s21, $0xb8;
	[tilespmem:$0x1F300] =	vst v63  }
0x53: {  	_ =	swait.ge [sflag:s25], $0x2800  }
0x54: {  	[sflag:s25] =	ssyncset.done $0x0  }
0x55: {  	s30 =	sadd.s32 $0x19F80, s2;
	s28 =	sadd.s32 $0xA0, s28;
	[sflag:s25] =	ssyncadd.s32 $0xFFFFD800  }
0x56: {  	[spmem:s3] =	stream.indirect.scatter.add.f32 [tilespmem:s24], [sflag:$0x2], $0x80, s30, s21, $0xb8;
	[tilespmem:$0x1F300] =	vst v63  }
0x57: {  	_ =	swait.ge [sflag:s26], $0x2800  }
0x58: {  	[sflag:s26] =	ssyncset.done $0x0  }
0x59: {  	s2 =	simm.s32 $0x147D0;
	[sflag:s26] =	ssyncadd.s32 $0xFFFFD800  }
0x5a: {  	[tilespmem:s24], [sflag:$0x1] =	stream.indirect.gather [hbm4b:s5+s21], $0x80, s2, s21, $0xb8;
	[tilespmem:$0x1F300] =	vst v63  }
0x5b: {  	_ =	swait.ge [sflag:s25], $0x2800  }
0x5c: {  	[sflag:s25] =	ssyncset.done $0x0  }
0x5d: {  	[sflag:s25] =	ssyncadd.s32 $0xFFFFD800  }
0x5e: {  	[spmem:s3] =	stream.indirect.scatter.add.f32 [tilespmem:s22], [sflag:$0x2], $0x80, s31, s21, $0xb8;
	[tilespmem:$0x1F300] =	vst v63  }
0x5f: {  	_ =	swait.ge [sflag:s26], $0x2800  }
0x60: {  	[sflag:s26] =	ssyncset.done $0x0  }
0x61: {  	[sflag:s26] =	ssyncadd.s32 $0xFFFFD800  }
0x62: {  	_ =	swait.ge [sflag:s25], $0x2800  }
0x63: {  	[sflag:s25] =	ssyncset.done $0x0  }
0x64: {  	[sflag:s25] =	ssyncadd.s32 $0xFFFFD800  }
0x65: {  	[spmem:s3] =	stream.indirect.scatter.add.f32 [tilespmem:s24], [sflag:$0x2], $0x80, s1, s21, $0xb8;
	[tilespmem:$0x1F300] =	vst v63  }
0x66: {  	_ =	swait.ge [sflag:s26], $0x2800  }
0x67: {  	[sflag:s26] =	ssyncset.done $0x0  }
0x68: {  	[sflag:s26] =	ssyncadd.s32 $0xFFFFD800  }
0x69: {  	[tilespmem:s20], [sflag:$0x3] =	stream.linear.gather [hbm4b:s8+s4], $0x1900, $0x38;
	[tilespmem:$0x1F300] =	vst v63  }
0x6a: {  	_ =	swait.ge [sflag:s16], $0x1900  }
0x6b: {  	[sflag:s16] =	ssyncset.done $0x0  }
0x6c: {  	s23 =	simm.s32 $0x14820;
	[sflag:s16] =	ssyncadd.s32 $0xFFFFE700  }
0x6d: {  	[tilespmem:s22], [sflag:$0x1] =	stream.indirect.gather [hbm4b:s5+s21], $0x80, s23, s21, $0xb8;
	[tilespmem:$0x1F300] =	vst v63  }
0x6e: {  	s23 =	simm.s32 $0x14870  }
0x6f: {  	[tilespmem:s24], [sflag:$0x1] =	stream.indirect.gather [hbm4b:s5+s21], $0x80, s23, s21, $0xb8;
	[tilespmem:$0x1F300] =	vst v63  }
0x70: {  	_ =	swait.ge [sflag:s25], $0x2800  }
0x71: {  	[sflag:s25] =	ssyncset.done $0x0  }
0x72: {  	[sflag:s25] =	ssyncadd.s32 $0xFFFFD800  }
0x73: {  	[spmem:s3] =	stream.indirect.scatter.add.f32 [tilespmem:s22], [sflag:$0x2], $0x80, s20, s21, $0xb8;
	[tilespmem:$0x1F300] =	vst v63  }
0x74: {  	_ =	swait.ge [sflag:s26], $0x2800  }
0x75: {  	[sflag:s26] =	ssyncset.done $0x0  }
0x76: {  	s23 =	simm.s32 $0x148C0;
	[sflag:s26] =	ssyncadd.s32 $0xFFFFD800  }
0x77: {  	[tilespmem:s22], [sflag:$0x1] =	stream.indirect.gather [hbm4b:s5+s21], $0x80, s23, s21, $0xb8;
	[tilespmem:$0x1F300] =	vst v63  }
0x78: {  	_ =	swait.ge [sflag:s25], $0x2800  }
0x79: {  	[sflag:s25] =	ssyncset.done $0x0  }
0x7a: {  	[sflag:s25] =	ssyncadd.s32 $0xFFFFD800  }
0x7b: {  	[spmem:s3] =	stream.indirect.scatter.add.f32 [tilespmem:s24], [sflag:$0x2], $0x80, s29, s21, $0xb8;
	[tilespmem:$0x1F300] =	vst v63  }
0x7c: {  	_ =	swait.ge [sflag:s26], $0x2800  }
0x7d: {  	[sflag:s26] =	ssyncset.done $0x0  }
0x7e: {  	s23 =	simm.s32 $0x14910;
	[sflag:s26] =	ssyncadd.s32 $0xFFFFD800  }
0x7f: {  	[tilespmem:s24], [sflag:$0x1] =	stream.indirect.gather [hbm4b:s5+s21], $0x80, s23, s21, $0xb8;
	[tilespmem:$0x1F300] =	vst v63  }
0x80: {  	_ =	swait.ge [sflag:s25], $0x2800  }
0x81: {  	[sflag:s25] =	ssyncset.done $0x0  }
0x82: {  	s23 =	simm.s32 $0x18800;
	[sflag:s25] =	ssyncadd.s32 $0xFFFFD800  }
0x83: {  	[spmem:s3] =	stream.indirect.scatter.add.f32 [tilespmem:s22], [sflag:$0x2], $0x80, s23, s21, $0xb8;
	[tilespmem:$0x1F300] =	vst v63  }
0x84: {  	_ =	swait.ge [sflag:s26], $0x2800  }
0x85: {  	[sflag:s26] =	ssyncset.done $0x0  }
0x86: {  	s23 =	simm.s32 $0x14960;
	[sflag:s26] =	ssyncadd.s32 $0xFFFFD800  }
0x87: {  	[tilespmem:s22], [sflag:$0x1] =	stream.indirect.gather [hbm4b:s5+s21], $0x80, s23, s21, $0xb8;
	[tilespmem:$0x1F300] =	vst v63  }
0x88: {  	_ =	swait.ge [sflag:s25], $0x2800  }
0x89: {  	s28 =	simm.s32 $0xFFFFA800;
	[sflag:s25] =	ssyncset.done $0x0  }
0x8a: {  	s30 =	simm.s32 $0x18880;
	s23 =	simm.s32 $0x149B0;
	[sflag:s25] =	ssyncadd.s32 $0xFFFFD800  }
.LBB2_4:
0x8b: {  	[spmem:s3] =	stream.indirect.scatter.add.f32 [tilespmem:s24], [sflag:$0x2], $0x80, s30, s21, $0xb8;
	[tilespmem:$0x1F300] =	vst v63  }
0x8c: {  	s2 =	smov.u32 s28  }
0x8d: {  	p1 =	sne.s32 s28, $0xFFFFFC00;
	s28 =	sadd.s32 $0x400, s28;
	_ =	swait.ge [sflag:s26], $0x2800  }
0x8e: {  	[sflag:s26] =	ssyncset.done $0x0  }
0x8f: {  	[sflag:s26] =	ssyncadd.s32 $0xFFFFD800  }
0x90: {  	[tilespmem:s24], [sflag:$0x1] =	stream.indirect.gather [hbm4b:s5+s21], $0x80, s23, s21, $0xb8;
	[tilespmem:$0x1F300] =	vst v63  }
0x91: {  	_ =	swait.ge [sflag:s25], $0x2800  }
0x92: {  	s2 =	sshra.s32 s2, $0x2;
	[sflag:s25] =	ssyncset.done $0x0  }
0x93: {  	s30 =	sadd.s32 $0x19F00, s2;
	[sflag:s25] =	ssyncadd.s32 $0xFFFFD800  }
0x94: {  	[spmem:s3] =	stream.indirect.scatter.add.f32 [tilespmem:s22], [sflag:$0x2], $0x80, s30, s21, $0xb8;
	[tilespmem:$0x1F300] =	vst v63  }
0x95: {  	_ =	swait.ge [sflag:s26], $0x2800  }
0x96: {  	[sflag:s26] =	ssyncset.done $0x0  }
.Ltmp1:
0x97: {  	s30 =	sadd.s32 $0x50, s23;
	[sflag:s26] =	ssyncadd.s32 $0xFFFFD800;
	(pc) =	sbr.rel @p1 .LBB2_4-.Ltmp1, $4  }
0x98: {  	[tilespmem:s22], [sflag:$0x1] =	stream.indirect.gather [hbm4b:s5+s21], $0x80, s30, s21, $0xb8;
	[tilespmem:$0x1F300] =	vst v63  }
0x99: {  	_ =	swait.ge [sflag:s25], $0x2800  }
0x9a: {  	[sflag:s25] =	ssyncset.done $0x0  }
0x9b: {  	s23 =	sadd.s32 $0xA0, s23;
	s30 =	sadd.s32 $0x19F80, s2;
	[sflag:s25] =	ssyncadd.s32 $0xFFFFD800  }
0x9c: {  	[spmem:s3] =	stream.indirect.scatter.add.f32 [tilespmem:s24], [sflag:$0x2], $0x80, s30, s21, $0xb8;
	[tilespmem:$0x1F300] =	vst v63  }
0x9d: {  	_ =	swait.ge [sflag:s26], $0x2800  }
0x9e: {  	[sflag:s26] =	ssyncset.done $0x0  }
0x9f: {  	[sflag:s26] =	ssyncadd.s32 $0xFFFFD800  }
0xa0: {  	[tilespmem:s24], [sflag:$0x1] =	stream.indirect.gather [hbm4b:s5+s21], $0x80, s23, s21, $0xb8;
	[tilespmem:$0x1F300] =	vst v63  }
0xa1: {  	_ =	swait.ge [sflag:s25], $0x2800  }
0xa2: {  	[sflag:s25] =	ssyncset.done $0x0  }
0xa3: {  	[sflag:s25] =	ssyncadd.s32 $0xFFFFD800  }
0xa4: {  	[spmem:s3] =	stream.indirect.scatter.add.f32 [tilespmem:s22], [sflag:$0x2], $0x80, s31, s21, $0xb8;
	[tilespmem:$0x1F300] =	vst v63  }
0xa5: {  	_ =	swait.ge [sflag:s26], $0x2800  }
0xa6: {  	[sflag:s26] =	ssyncset.done $0x0  }
0xa7: {  	[sflag:s26] =	ssyncadd.s32 $0xFFFFD800  }
0xa8: {  	_ =	swait.ge [sflag:s25], $0x2800  }
0xa9: {  	[sflag:s25] =	ssyncset.done $0x0  }
0xaa: {  	[sflag:s25] =	ssyncadd.s32 $0xFFFFD800  }
0xab: {  	[spmem:s3] =	stream.indirect.scatter.add.f32 [tilespmem:s24], [sflag:$0x2], $0x80, s1, s21, $0xb8;
	[tilespmem:$0x1F300] =	vst v63  }
0xac: {  	_ =	swait.ge [sflag:s26], $0x2800  }
0xad: {  	[sflag:s26] =	ssyncset.done $0x0  }
0xae: {  	[sflag:s26] =	ssyncadd.s32 $0xFFFFD800  }
0xaf: {  	[tilespmem:s20], [sflag:$0x3] =	stream.linear.gather [hbm4b:s9+s4], $0x1900, $0x38;
	[tilespmem:$0x1F300] =	vst v63  }
0xb0: {  	_ =	swait.ge [sflag:s16], $0x1900  }
0xb1: {  	[sflag:s16] =	ssyncset.done $0x0  }
0xb2: {  	s2 =	simm.s32 $0x157C0;
	[sflag:s16] =	ssyncadd.s32 $0xFFFFE700  }
0xb3: {  	[tilespmem:s22], [sflag:$0x1] =	stream.indirect.gather [hbm4b:s5+s21], $0x80, s2, s21, $0xb8;
	[tilespmem:$0x1F300] =	vst v63  }
0xb4: {  	s23 =	simm.s32 $0x15810  }
0xb5: {  	[tilespmem:s24], [sflag:$0x1] =	stream.indirect.gather [hbm4b:s5+s21], $0x80, s23, s21, $0xb8;
	[tilespmem:$0x1F300] =	vst v63  }
0xb6: {  	_ =	swait.ge [sflag:s25], $0x2800  }
0xb7: {  	[sflag:s25] =	ssyncset.done $0x0  }
0xb8: {  	[sflag:s25] =	ssyncadd.s32 $0xFFFFD800  }
0xb9: {  	[spmem:s3] =	stream.indirect.scatter.add.f32 [tilespmem:s22], [sflag:$0x2], $0x80, s20, s21, $0xb8;
	[tilespmem:$0x1F300] =	vst v63  }
0xba: {  	_ =	swait.ge [sflag:s26], $0x2800  }
0xbb: {  	[sflag:s26] =	ssyncset.done $0x0  }
0xbc: {  	s23 =	simm.s32 $0x15860;
	[sflag:s26] =	ssyncadd.s32 $0xFFFFD800  }
0xbd: {  	[tilespmem:s22], [sflag:$0x1] =	stream.indirect.gather [hbm4b:s5+s21], $0x80, s23, s21, $0xb8;
	[tilespmem:$0x1F300] =	vst v63  }
0xbe: {  	_ =	swait.ge [sflag:s25], $0x2800  }
0xbf: {  	[sflag:s25] =	ssyncset.done $0x0  }
0xc0: {  	[sflag:s25] =	ssyncadd.s32 $0xFFFFD800  }
0xc1: {  	[spmem:s3] =	stream.indirect.scatter.add.f32 [tilespmem:s24], [sflag:$0x2], $0x80, s29, s21, $0xb8;
	[tilespmem:$0x1F300] =	vst v63  }
0xc2: {  	_ =	swait.ge [sflag:s26], $0x2800  }
0xc3: {  	[sflag:s26] =	ssyncset.done $0x0  }
0xc4: {  	s23 =	simm.s32 $0x158B0;
	[sflag:s26] =	ssyncadd.s32 $0xFFFFD800  }
0xc5: {  	[tilespmem:s24], [sflag:$0x1] =	stream.indirect.gather [hbm4b:s5+s21], $0x80, s23, s21, $0xb8;
	[tilespmem:$0x1F300] =	vst v63  }
0xc6: {  	_ =	swait.ge [sflag:s25], $0x2800  }
0xc7: {  	[sflag:s25] =	ssyncset.done $0x0  }
0xc8: {  	s23 =	simm.s32 $0x18800;
	[sflag:s25] =	ssyncadd.s32 $0xFFFFD800  }
0xc9: {  	[spmem:s3] =	stream.indirect.scatter.add.f32 [tilespmem:s22], [sflag:$0x2], $0x80, s23, s21, $0xb8;
	[tilespmem:$0x1F300] =	vst v63  }
0xca: {  	_ =	swait.ge [sflag:s26], $0x2800  }
0xcb: {  	[sflag:s26] =	ssyncset.done $0x0  }
0xcc: {  	s23 =	simm.s32 $0x15900;
	[sflag:s26] =	ssyncadd.s32 $0xFFFFD800  }
0xcd: {  	[tilespmem:s22], [sflag:$0x1] =	stream.indirect.gather [hbm4b:s5+s21], $0x80, s23, s21, $0xb8;
	[tilespmem:$0x1F300] =	vst v63  }
0xce: {  	_ =	swait.ge [sflag:s25], $0x2800  }
0xcf: {  	s28 =	simm.s32 $0xFFFFA800;
	[sflag:s25] =	ssyncset.done $0x0  }
0xd0: {  	s30 =	simm.s32 $0x18880;
	s23 =	simm.s32 $0x15950;
	[sflag:s25] =	ssyncadd.s32 $0xFFFFD800  }
.LBB2_6:
0xd1: {  	[spmem:s3] =	stream.indirect.scatter.add.f32 [tilespmem:s24], [sflag:$0x2], $0x80, s30, s21, $0xb8;
	[tilespmem:$0x1F300] =	vst v63  }
0xd2: {  	s2 =	smov.u32 s28  }
0xd3: {  	p1 =	sne.s32 s28, $0xFFFFFC00;
	s28 =	sadd.s32 $0x400, s28;
	_ =	swait.ge [sflag:s26], $0x2800  }
0xd4: {  	[sflag:s26] =	ssyncset.done $0x0  }
0xd5: {  	[sflag:s26] =	ssyncadd.s32 $0xFFFFD800  }
0xd6: {  	[tilespmem:s24], [sflag:$0x1] =	stream.indirect.gather [hbm4b:s5+s21], $0x80, s23, s21, $0xb8;
	[tilespmem:$0x1F300] =	vst v63  }
0xd7: {  	_ =	swait.ge [sflag:s25], $0x2800  }
0xd8: {  	s2 =	sshra.s32 s2, $0x2;
	[sflag:s25] =	ssyncset.done $0x0  }
0xd9: {  	s30 =	sadd.s32 $0x19F00, s2;
	[sflag:s25] =	ssyncadd.s32 $0xFFFFD800  }
0xda: {  	[spmem:s3] =	stream.indirect.scatter.add.f32 [tilespmem:s22], [sflag:$0x2], $0x80, s30, s21, $0xb8;
	[tilespmem:$0x1F300] =	vst v63  }
0xdb: {  	_ =	swait.ge [sflag:s26], $0x2800  }
0xdc: {  	[sflag:s26] =	ssyncset.done $0x0  }
.Ltmp2:
0xdd: {  	s30 =	sadd.s32 $0x50, s23;
	[sflag:s26] =	ssyncadd.s32 $0xFFFFD800;
	(pc) =	sbr.rel @p1 .LBB2_6-.Ltmp2, $4  }
0xde: {  	[tilespmem:s22], [sflag:$0x1] =	stream.indirect.gather [hbm4b:s5+s21], $0x80, s30, s21, $0xb8;
	[tilespmem:$0x1F300] =	vst v63  }
0xdf: {  	_ =	swait.ge [sflag:s25], $0x2800  }
0xe0: {  	[sflag:s25] =	ssyncset.done $0x0  }
0xe1: {  	s23 =	sadd.s32 $0xA0, s23;
	s30 =	sadd.s32 $0x19F80, s2;
	[sflag:s25] =	ssyncadd.s32 $0xFFFFD800  }
0xe2: {  	[spmem:s3] =	stream.indirect.scatter.add.f32 [tilespmem:s24], [sflag:$0x2], $0x80, s30, s21, $0xb8;
	[tilespmem:$0x1F300] =	vst v63  }
0xe3: {  	_ =	swait.ge [sflag:s26], $0x2800  }
0xe4: {  	[sflag:s26] =	ssyncset.done $0x0  }
0xe5: {  	[sflag:s26] =	ssyncadd.s32 $0xFFFFD800  }
0xe6: {  	[tilespmem:s24], [sflag:$0x1] =	stream.indirect.gather [hbm4b:s5+s21], $0x80, s23, s21, $0xb8;
	[tilespmem:$0x1F300] =	vst v63  }
0xe7: {  	_ =	swait.ge [sflag:s25], $0x2800  }
0xe8: {  	[sflag:s25] =	ssyncset.done $0x0  }
0xe9: {  	[sflag:s25] =	ssyncadd.s32 $0xFFFFD800  }
0xea: {  	[spmem:s3] =	stream.indirect.scatter.add.f32 [tilespmem:s22], [sflag:$0x2], $0x80, s31, s21, $0xb8;
	[tilespmem:$0x1F300] =	vst v63  }
0xeb: {  	_ =	swait.ge [sflag:s26], $0x2800  }
0xec: {  	[sflag:s26] =	ssyncset.done $0x0  }
0xed: {  	[sflag:s26] =	ssyncadd.s32 $0xFFFFD800  }
0xee: {  	_ =	swait.ge [sflag:s25], $0x2800  }
0xef: {  	[sflag:s25] =	ssyncset.done $0x0  }
0xf0: {  	[sflag:s25] =	ssyncadd.s32 $0xFFFFD800  }
0xf1: {  	[spmem:s3] =	stream.indirect.scatter.add.f32 [tilespmem:s24], [sflag:$0x2], $0x80, s1, s21, $0xb8;
	[tilespmem:$0x1F300] =	vst v63  }
0xf2: {  	_ =	swait.ge [sflag:s26], $0x2800  }
0xf3: {  	[sflag:s26] =	ssyncset.done $0x0  }
0xf4: {  	[sflag:s26] =	ssyncadd.s32 $0xFFFFD800  }
0xf5: {  	[tilespmem:s20], [sflag:$0x3] =	stream.linear.gather [hbm4b:s10+s4], $0x1900, $0x38;
	[tilespmem:$0x1F300] =	vst v63  }
0xf6: {  	_ =	swait.ge [sflag:s16], $0x1900  }
0xf7: {  	[sflag:s16] =	ssyncset.done $0x0  }
0xf8: {  	s2 =	simm.s32 $0x16760;
	[sflag:s16] =	ssyncadd.s32 $0xFFFFE700  }
0xf9: {  	[tilespmem:s22], [sflag:$0x1] =	stream.indirect.gather [hbm4b:s5+s21], $0x80, s2, s21, $0xb8;
	[tilespmem:$0x1F300] =	vst v63  }
0xfa: {  	s23 =	simm.s32 $0x167B0  }
0xfb: {  	[tilespmem:s24], [sflag:$0x1] =	stream.indirect.gather [hbm4b:s5+s21], $0x80, s23, s21, $0xb8;
	[tilespmem:$0x1F300] =	vst v63  }
0xfc: {  	_ =	swait.ge [sflag:s25], $0x2800  }
0xfd: {  	[sflag:s25] =	ssyncset.done $0x0  }
0xfe: {  	[sflag:s25] =	ssyncadd.s32 $0xFFFFD800  }
0xff: {  	[spmem:s3] =	stream.indirect.scatter.add.f32 [tilespmem:s22], [sflag:$0x2], $0x80, s20, s21, $0xb8;
	[tilespmem:$0x1F300] =	vst v63  }
0x100: {  	_ =	swait.ge [sflag:s26], $0x2800  }
0x101: {  	[sflag:s26] =	ssyncset.done $0x0  }
0x102: {  	s23 =	simm.s32 $0x16800;
	[sflag:s26] =	ssyncadd.s32 $0xFFFFD800  }
0x103: {  	[tilespmem:s22], [sflag:$0x1] =	stream.indirect.gather [hbm4b:s5+s21], $0x80, s23, s21, $0xb8;
	[tilespmem:$0x1F300] =	vst v63  }
0x104: {  	_ =	swait.ge [sflag:s25], $0x2800  }
0x105: {  	[sflag:s25] =	ssyncset.done $0x0  }
0x106: {  	[sflag:s25] =	ssyncadd.s32 $0xFFFFD800  }
0x107: {  	[spmem:s3] =	stream.indirect.scatter.add.f32 [tilespmem:s24], [sflag:$0x2], $0x80, s29, s21, $0xb8;
	[tilespmem:$0x1F300] =	vst v63  }
0x108: {  	_ =	swait.ge [sflag:s26], $0x2800  }
0x109: {  	[sflag:s26] =	ssyncset.done $0x0  }
0x10a: {  	s23 =	simm.s32 $0x16850;
	[sflag:s26] =	ssyncadd.s32 $0xFFFFD800  }
0x10b: {  	[tilespmem:s24], [sflag:$0x1] =	stream.indirect.gather [hbm4b:s5+s21], $0x80, s23, s21, $0xb8;
	[tilespmem:$0x1F300] =	vst v63  }
0x10c: {  	_ =	swait.ge [sflag:s25], $0x2800  }
0x10d: {  	[sflag:s25] =	ssyncset.done $0x0  }
0x10e: {  	s23 =	simm.s32 $0x18800;
	[sflag:s25] =	ssyncadd.s32 $0xFFFFD800  }
0x10f: {  	[spmem:s3] =	stream.indirect.scatter.add.f32 [tilespmem:s22], [sflag:$0x2], $0x80, s23, s21, $0xb8;
	[tilespmem:$0x1F300] =	vst v63  }
0x110: {  	_ =	swait.ge [sflag:s26], $0x2800  }
0x111: {  	[sflag:s26] =	ssyncset.done $0x0  }
0x112: {  	s23 =	simm.s32 $0x168A0;
	[sflag:s26] =	ssyncadd.s32 $0xFFFFD800  }
0x113: {  	[tilespmem:s22], [sflag:$0x1] =	stream.indirect.gather [hbm4b:s5+s21], $0x80, s23, s21, $0xb8;
	[tilespmem:$0x1F300] =	vst v63  }
0x114: {  	_ =	swait.ge [sflag:s25], $0x2800  }
0x115: {  	s28 =	simm.s32 $0xFFFFA800;
	[sflag:s25] =	ssyncset.done $0x0  }
0x116: {  	s30 =	simm.s32 $0x18880;
	s23 =	simm.s32 $0x168F0;
	[sflag:s25] =	ssyncadd.s32 $0xFFFFD800  }
.LBB2_8:
0x117: {  	[spmem:s3] =	stream.indirect.scatter.add.f32 [tilespmem:s24], [sflag:$0x2], $0x80, s30, s21, $0xb8;
	[tilespmem:$0x1F300] =	vst v63  }
0x118: {  	s2 =	smov.u32 s28  }
0x119: {  	p1 =	sne.s32 s28, $0xFFFFFC00;
	s28 =	sadd.s32 $0x400, s28;
	_ =	swait.ge [sflag:s26], $0x2800  }
0x11a: {  	[sflag:s26] =	ssyncset.done $0x0  }
0x11b: {  	[sflag:s26] =	ssyncadd.s32 $0xFFFFD800  }
0x11c: {  	[tilespmem:s24], [sflag:$0x1] =	stream.indirect.gather [hbm4b:s5+s21], $0x80, s23, s21, $0xb8;
	[tilespmem:$0x1F300] =	vst v63  }
0x11d: {  	_ =	swait.ge [sflag:s25], $0x2800  }
0x11e: {  	s2 =	sshra.s32 s2, $0x2;
	[sflag:s25] =	ssyncset.done $0x0  }
0x11f: {  	s30 =	sadd.s32 $0x19F00, s2;
	[sflag:s25] =	ssyncadd.s32 $0xFFFFD800  }
0x120: {  	[spmem:s3] =	stream.indirect.scatter.add.f32 [tilespmem:s22], [sflag:$0x2], $0x80, s30, s21, $0xb8;
	[tilespmem:$0x1F300] =	vst v63  }
0x121: {  	_ =	swait.ge [sflag:s26], $0x2800  }
0x122: {  	[sflag:s26] =	ssyncset.done $0x0  }
.Ltmp3:
0x123: {  	s30 =	sadd.s32 $0x50, s23;
	[sflag:s26] =	ssyncadd.s32 $0xFFFFD800;
	(pc) =	sbr.rel @p1 .LBB2_8-.Ltmp3, $4  }
0x124: {  	[tilespmem:s22], [sflag:$0x1] =	stream.indirect.gather [hbm4b:s5+s21], $0x80, s30, s21, $0xb8;
	[tilespmem:$0x1F300] =	vst v63  }
0x125: {  	_ =	swait.ge [sflag:s25], $0x2800  }
0x126: {  	[sflag:s25] =	ssyncset.done $0x0  }
0x127: {  	s23 =	sadd.s32 $0xA0, s23;
	s30 =	sadd.s32 $0x19F80, s2;
	[sflag:s25] =	ssyncadd.s32 $0xFFFFD800  }
0x128: {  	[spmem:s3] =	stream.indirect.scatter.add.f32 [tilespmem:s24], [sflag:$0x2], $0x80, s30, s21, $0xb8;
	[tilespmem:$0x1F300] =	vst v63  }
0x129: {  	_ =	swait.ge [sflag:s26], $0x2800  }
0x12a: {  	[sflag:s26] =	ssyncset.done $0x0  }
0x12b: {  	[sflag:s26] =	ssyncadd.s32 $0xFFFFD800  }
0x12c: {  	[tilespmem:s24], [sflag:$0x1] =	stream.indirect.gather [hbm4b:s5+s21], $0x80, s23, s21, $0xb8;
	[tilespmem:$0x1F300] =	vst v63  }
0x12d: {  	_ =	swait.ge [sflag:s25], $0x2800  }
0x12e: {  	[sflag:s25] =	ssyncset.done $0x0  }
0x12f: {  	[sflag:s25] =	ssyncadd.s32 $0xFFFFD800  }
0x130: {  	[spmem:s3] =	stream.indirect.scatter.add.f32 [tilespmem:s22], [sflag:$0x2], $0x80, s31, s21, $0xb8;
	[tilespmem:$0x1F300] =	vst v63  }
0x131: {  	_ =	swait.ge [sflag:s26], $0x2800  }
0x132: {  	[sflag:s26] =	ssyncset.done $0x0  }
0x133: {  	[sflag:s26] =	ssyncadd.s32 $0xFFFFD800  }
0x134: {  	_ =	swait.ge [sflag:s25], $0x2800  }
0x135: {  	[sflag:s25] =	ssyncset.done $0x0  }
0x136: {  	[sflag:s25] =	ssyncadd.s32 $0xFFFFD800  }
0x137: {  	[spmem:s3] =	stream.indirect.scatter.add.f32 [tilespmem:s24], [sflag:$0x2], $0x80, s1, s21, $0xb8;
	[tilespmem:$0x1F300] =	vst v63  }
0x138: {  	_ =	swait.ge [sflag:s26], $0x2800  }
0x139: {  	[sflag:s26] =	ssyncset.done $0x0  }
0x13a: {  	[sflag:s26] =	ssyncadd.s32 $0xFFFFD800  }
0x13b: {  	[tilespmem:s20], [sflag:$0x3] =	stream.linear.gather [hbm4b:s11+s4], $0x1900, $0x38;
	[tilespmem:$0x1F300] =	vst v63  }
0x13c: {  	_ =	swait.ge [sflag:s16], $0x1900  }
0x13d: {  	[sflag:s16] =	ssyncset.done $0x0  }
0x13e: {  	s2 =	simm.s32 $0x17700;
	[sflag:s16] =	ssyncadd.s32 $0xFFFFE700  }
0x13f: {  	[tilespmem:s22], [sflag:$0x1] =	stream.indirect.gather [hbm4b:s5+s21], $0x80, s2, s21, $0xb8;
	[tilespmem:$0x1F300] =	vst v63  }
0x140: {  	s23 =	simm.s32 $0x17750  }
0x141: {  	[tilespmem:s24], [sflag:$0x1] =	stream.indirect.gather [hbm4b:s5+s21], $0x80, s23, s21, $0xb8;
	[tilespmem:$0x1F300] =	vst v63  }
0x142: {  	_ =	swait.ge [sflag:s25], $0x2800  }
0x143: {  	[sflag:s25] =	ssyncset.done $0x0  }
0x144: {  	[sflag:s25] =	ssyncadd.s32 $0xFFFFD800  }
0x145: {  	[spmem:s3] =	stream.indirect.scatter.add.f32 [tilespmem:s22], [sflag:$0x2], $0x80, s20, s21, $0xb8;
	[tilespmem:$0x1F300] =	vst v63  }
0x146: {  	_ =	swait.ge [sflag:s26], $0x2800  }
0x147: {  	[sflag:s26] =	ssyncset.done $0x0  }
0x148: {  	s23 =	simm.s32 $0x177A0;
	[sflag:s26] =	ssyncadd.s32 $0xFFFFD800  }
0x149: {  	[tilespmem:s22], [sflag:$0x1] =	stream.indirect.gather [hbm4b:s5+s21], $0x80, s23, s21, $0xb8;
	[tilespmem:$0x1F300] =	vst v63  }
0x14a: {  	_ =	swait.ge [sflag:s25], $0x2800  }
0x14b: {  	[sflag:s25] =	ssyncset.done $0x0  }
0x14c: {  	[sflag:s25] =	ssyncadd.s32 $0xFFFFD800  }
0x14d: {  	[spmem:s3] =	stream.indirect.scatter.add.f32 [tilespmem:s24], [sflag:$0x2], $0x80, s29, s21, $0xb8;
	[tilespmem:$0x1F300] =	vst v63  }
0x14e: {  	_ =	swait.ge [sflag:s26], $0x2800  }
0x14f: {  	[sflag:s26] =	ssyncset.done $0x0  }
0x150: {  	s23 =	simm.s32 $0x177F0;
	[sflag:s26] =	ssyncadd.s32 $0xFFFFD800  }
0x151: {  	[tilespmem:s24], [sflag:$0x1] =	stream.indirect.gather [hbm4b:s5+s21], $0x80, s23, s21, $0xb8;
	[tilespmem:$0x1F300] =	vst v63  }
0x152: {  	_ =	swait.ge [sflag:s25], $0x2800  }
0x153: {  	[sflag:s25] =	ssyncset.done $0x0  }
0x154: {  	s23 =	simm.s32 $0x18800;
	[sflag:s25] =	ssyncadd.s32 $0xFFFFD800  }
0x155: {  	[spmem:s3] =	stream.indirect.scatter.add.f32 [tilespmem:s22], [sflag:$0x2], $0x80, s23, s21, $0xb8;
	[tilespmem:$0x1F300] =	vst v63  }
0x156: {  	_ =	swait.ge [sflag:s26], $0x2800  }
0x157: {  	[sflag:s26] =	ssyncset.done $0x0  }
0x158: {  	s23 =	simm.s32 $0x17840;
	[sflag:s26] =	ssyncadd.s32 $0xFFFFD800  }
0x159: {  	[tilespmem:s22], [sflag:$0x1] =	stream.indirect.gather [hbm4b:s5+s21], $0x80, s23, s21, $0xb8;
	[tilespmem:$0x1F300] =	vst v63  }
0x15a: {  	_ =	swait.ge [sflag:s25], $0x2800  }
0x15b: {  	s28 =	simm.s32 $0xFFFFA800;
	[sflag:s25] =	ssyncset.done $0x0  }
0x15c: {  	s30 =	simm.s32 $0x18880;
	s23 =	simm.s32 $0x17890;
	[sflag:s25] =	ssyncadd.s32 $0xFFFFD800  }
.LBB2_10:
0x15d: {  	[spmem:s3] =	stream.indirect.scatter.add.f32 [tilespmem:s24], [sflag:$0x2], $0x80, s30, s21, $0xb8;
	[tilespmem:$0x1F300] =	vst v63  }
0x15e: {  	s2 =	smov.u32 s28  }
0x15f: {  	p1 =	sne.s32 s28, $0xFFFFFC00;
	s28 =	sadd.s32 $0x400, s28;
	_ =	swait.ge [sflag:s26], $0x2800  }
0x160: {  	[sflag:s26] =	ssyncset.done $0x0  }
0x161: {  	[sflag:s26] =	ssyncadd.s32 $0xFFFFD800  }
0x162: {  	[tilespmem:s24], [sflag:$0x1] =	stream.indirect.gather [hbm4b:s5+s21], $0x80, s23, s21, $0xb8;
	[tilespmem:$0x1F300] =	vst v63  }
0x163: {  	_ =	swait.ge [sflag:s25], $0x2800  }
0x164: {  	s2 =	sshra.s32 s2, $0x2;
	[sflag:s25] =	ssyncset.done $0x0  }
0x165: {  	s30 =	sadd.s32 $0x19F00, s2;
	[sflag:s25] =	ssyncadd.s32 $0xFFFFD800  }
0x166: {  	[spmem:s3] =	stream.indirect.scatter.add.f32 [tilespmem:s22], [sflag:$0x2], $0x80, s30, s21, $0xb8;
	[tilespmem:$0x1F300] =	vst v63  }
0x167: {  	_ =	swait.ge [sflag:s26], $0x2800  }
0x168: {  	[sflag:s26] =	ssyncset.done $0x0  }
.Ltmp4:
0x169: {  	s30 =	sadd.s32 $0x50, s23;
	[sflag:s26] =	ssyncadd.s32 $0xFFFFD800;
	(pc) =	sbr.rel @p1 .LBB2_10-.Ltmp4, $4  }
0x16a: {  	[tilespmem:s22], [sflag:$0x1] =	stream.indirect.gather [hbm4b:s5+s21], $0x80, s30, s21, $0xb8;
	[tilespmem:$0x1F300] =	vst v63  }
0x16b: {  	_ =	swait.ge [sflag:s25], $0x2800  }
0x16c: {  	[sflag:s25] =	ssyncset.done $0x0  }
0x16d: {  	s23 =	sadd.s32 $0xA0, s23;
	s30 =	sadd.s32 $0x19F80, s2;
	[sflag:s25] =	ssyncadd.s32 $0xFFFFD800  }
0x16e: {  	[spmem:s3] =	stream.indirect.scatter.add.f32 [tilespmem:s24], [sflag:$0x2], $0x80, s30, s21, $0xb8;
	[tilespmem:$0x1F300] =	vst v63  }
0x16f: {  	_ =	swait.ge [sflag:s26], $0x2800  }
0x170: {  	[sflag:s26] =	ssyncset.done $0x0  }
0x171: {  	[sflag:s26] =	ssyncadd.s32 $0xFFFFD800  }
0x172: {  	[tilespmem:s24], [sflag:$0x1] =	stream.indirect.gather [hbm4b:s5+s21], $0x80, s23, s21, $0xb8;
	[tilespmem:$0x1F300] =	vst v63  }
0x173: {  	_ =	swait.ge [sflag:s25], $0x2800  }
0x174: {  	[sflag:s25] =	ssyncset.done $0x0  }
0x175: {  	[sflag:s25] =	ssyncadd.s32 $0xFFFFD800  }
0x176: {  	[spmem:s3] =	stream.indirect.scatter.add.f32 [tilespmem:s22], [sflag:$0x2], $0x80, s31, s21, $0xb8;
	[tilespmem:$0x1F300] =	vst v63  }
0x177: {  	_ =	swait.ge [sflag:s26], $0x2800  }
0x178: {  	[sflag:s26] =	ssyncset.done $0x0  }
0x179: {  	[sflag:s26] =	ssyncadd.s32 $0xFFFFD800  }
0x17a: {  	_ =	swait.ge [sflag:s25], $0x2800  }
0x17b: {  	[sflag:s25] =	ssyncset.done $0x0  }
0x17c: {  	[sflag:s25] =	ssyncadd.s32 $0xFFFFD800  }
0x17d: {  	[spmem:s3] =	stream.indirect.scatter.add.f32 [tilespmem:s24], [sflag:$0x2], $0x80, s1, s21, $0xb8;
	[tilespmem:$0x1F300] =	vst v63  }
0x17e: {  	_ =	swait.ge [sflag:s26], $0x2800  }
0x17f: {  	[sflag:s26] =	ssyncset.done $0x0  }
0x180: {  	[sflag:s26] =	ssyncadd.s32 $0xFFFFD800  }
0x181: {  	s2 =	simm.s32 @p0 $0x1FC3;
	[bflag:$0x0] =	sbarrier.arrive $0xFFFF  }
0x182: {  	[hbm:s13], [sflag:s2] =	dma.local @p0 [spmem:s17], $0x2080  }
0x183: {  	s2 =	simm.s32 @p0 $0x3  }
0x184: {  	s0 =	sadd.s32 $0x1, s0;
	_ =	swait.ge @p0 [sflag:s2], $0x2080  }
0x185: {  	p1 =	sne.s32 s0, s14;
	[sflag:s2] =	ssyncset.done @p0 $0x0  }
.Ltmp5:
0x186: {  	[sflag:s2] =	ssyncadd.s32 @p0 $0xFFFFDF80;
	s2 =	simm.s32 @!p0 $0x3;
	(pc) =	sbr.rel @p1 .LBB2_1-.Ltmp5, $4  }
0x187: {  	[hbm:s12], [sflag:s18] =	dma.local @!p0 [spmem:s19], $0x2780  }
0x188: {  	_ =	swait.ge @!p0 [sflag:s2], $0x2780  }
0x189: {  	[sflag:s2] =	ssyncset.done @!p0 $0x0  }
0x18a: {  	[sflag:s2] =	ssyncadd.s32 @!p0 $0xFFFFD880  }
0x18b: {  	_ =	sfence.sel $0x180000  }
0x18c: {  	[bflag:$0x0] =	sbarrier.arrive $0xFFFF  }
0x18d: {  	_ =	strace $0x9000004D  }
0x18e: {  	s0 =	stileid.u32;
	[bflag:$0x2] =	sbarrier.arrive $0xFFFF  }
0x18f: {  	p0 =	sne.s32 s0, $0x0;
	s0 =	rddreg [dreg:$0x3]  }
0x190: {  	s0 =	sadd.s32 @!p0 $0x100000, s0  }
0x191: {  	[sflag:s0] =	ssyncadd.tile.s32 @!p0 $0x1;
	_ =	shalt  }
.Lfunc_end2:
_tile_overlayer_lowered:
.L_overlay_start_2:
0x192: {  	(tag) =	ssettag $0x2  }
0x193: {  	s0 =	rddreg [dreg:$0x0];
	s2 =	stileid.u32  }
0x194: {  	s1 =	rddreg [dreg:$0x1];
	p0 =	sne.s32 s2, $0x0  }
0x195: {  	s3 =	rddreg [dreg:$0x2];
	[bflag:$0x3] =	sbarrier.arrive $0xFFFF;
	s2 =	simm.s32 @!p0 $0x1C03  }
0x196: {  	[timem:s3], [sflag:s2] =	dma.local @!p0 [hbm:s0], s1  }
0x197: {  	s0 =	simm.s32 @!p0 $0x3  }
0x198: {  	_ =	swait.ge @!p0 [sflag:s0], s1  }
0x199: {  	s1 =	ssub.s32 @!p0 $0x0, s1;
	[sflag:s0] =	ssyncset.done @!p0 $0x0  }
0x19a: {  	[sflag:s0] =	ssyncadd.s32 @!p0 s1  }
0x19b: {  	[bflag:$0x3] =	sbarrier.arrive $0xFFFF  }
0x19c: {  	_ =	shalt  }

// kernel: kernel.21.cloned.1.call-start
scs
__scs_entry_jumppad:
0x0: {  	(pc) =	sbr.rel $0x88, $3  }
0x1: {  	(tag) =	ssettag $0x0;
	lr =	simm.s32 $0x1  }
0x2: {  	[smem:$0x3F8A] =	sst lr;
	_ =	strace $0xD0000000  }
0x3: {  	_ = 	snop  }
0x4: {  	_ = 	snop  }
0x5: {  	_ = 	snop  }
0x6: {  	_ = 	snop  }
0x7: {  	_ = 	snop  }
__scs_overlays_trampoline_lowered:
0x8: {  	[smem:$0x3F99] =	sst s0  }
0x9: {  	[smem:$0x3F9A] =	sst s1  }
0xa: {  	[smem:$0x3F9B] =	sst s2  }
0xb: {  	[smem:$0x3F9C] =	sst s3  }
0xc: {  	[smem:$0x3F9D] =	sst s4  }
0xd: {  	[smem:$0x3F9E] =	sst s5  }
0xe: {  	[smem:$0x3F9F] =	sst s6  }
0xf: {  	[smem:$0x3FA0] =	sst s7  }
0x10: {  	[smem:$0x3FA1] =	sst s8  }
0x11: {  	[smem:$0x3FA2] =	sst s9;
	s0 =	simm.s32 @!p0 $0x0  }
0x12: {  	s1 =	sld [smem:$0x3F88];
	s0 =	simm.s32 @p0 $0x1  }
0x13: {  	[smem:$0x3FA3] =	sst s0;
	s0 =	simm.s32 @!p1 $0x0  }
0x14: {  	s2 =	sld [smem:$0x3F87];
	s0 =	simm.s32 @p1 $0x1  }
0x15: {  	[smem:$0x3FA4] =	sst s0;
	s0 =	simm.s32 @!p2 $0x0  }
0x16: {  	s3 =	sld [smem:$0x3FDB];
	s0 =	simm.s32 @p2 $0x1  }
0x17: {  	s4 =	simm.s32 $0x1BF5;
	[smem:$0x3FA6] =	sst s0  }
0x18: {  	s0 =	sld [smem:$0x3F89];
	_ =	swait.ge [sflag:s4], $0x0  }
0x19: {  	s7 =	sld [smem:$0x3F8A]  }
0x1a: {  	s8 =	sadd.s32 $0xFFFFE003, lr  }
0x1b: {  	s9 =	sadd.s32 $0xFFFFFEF7, lr;
	s5 =	simm.s32 $0xFFFFFFFF;
	p2 =	slt.u32 s8, $0xFFFFF086  }
0x1c: {  	p1 =	slt.u32 s9, $0xF7A;
	s5 =	simm.s32 @!p2 $0x0  }
0x1d: {  	s5 =	simm.s32 @p1 $0x1;
	p0 =	seq.s32 s7, s2  }
0x1e: {  	s7 =	smul.u32 @!p0 $0xF7A, s2;
	p2 =	seq.s32 @!p0 s5, $0x0  }
0x1f: {  	s9 =	smul.u32 $0xF7A, s1;
	s8 =	simm.s32 @!p0 $0x1BF5;
	p2 =	por !p2, p0  }
0x20: {  	[sflag:s8] =	ssyncset.s32 @!p0 $0xFFFFF086;
	s6 =	sadd.s32 @!p0 s3, s7;
	s7 =	simm.s32 @!p0 $0x108  }
0x21: {  	s3 =	sadd.s32 s3, s9;
	s6 =	sadd.s32 @!p0 $0x88, s6;
	s7 =	simm.s32 @p2 $0x1082  }
0x22: {  	[simem:s7], [sflag:s8] =	dma.local @!p0 [hbm:s6], $0xF7A  }
0x23: {  	s9 =	sor.u32 $0xD0000000, s2;
	s6 =	simm.s32 $0x108;
	_ =	swait.ge @!p0 [sflag:s8], $0x0  }
0x24: {  	s3 =	sadd.s32 $0x88, s3;
	s6 =	simm.s32 @!p1 $0x1082;
	[sflag:s4] =	ssyncset.s32 $0xFFFFF086  }
0x25: {  	[simem:s6], [sflag:s4] =	dma.local [hbm:s3], $0xF7A  }
0x26: {  	[smem:$0x3F8A] =	sst s1;
	(tag) =	ssettag s2;
	_ =	strace s9  }
0x27: {  	s1 =	sld [smem:$0x3F9A]  }
0x28: {  	s2 =	sld [smem:$0x3F9B]  }
0x29: {  	s4 =	sld [smem:$0x3F9D]  }
0x2a: {  	p0 =	seq.s32 s5, $0x0;
	s5 =	sld [smem:$0x3F9E]  }
0x2b: {  	s6 =	sld [smem:$0x3F9F]  }
0x2c: {  	s7 =	sld [smem:$0x3FA0]  }
0x2d: {  	s3 =	simm.s32 $0x108;
	s8 =	sld [smem:$0x3FA1]  }
0x2e: {  	s3 =	simm.s32 @!p0 $0x1082;
	s9 =	sld [smem:$0x3FA2]  }
0x2f: {  	lr =	sadd.s32 s0, s3;
	s0 =	sld [smem:$0x3F99]  }
0x30: {  	s3 =	sld [smem:$0x3F9C]  }
0x31: {  	[smem:$0x3FA5] =	sst s10  }
0x32: {  	s10 =	sld [smem:$0x3FA3];
	_ =	sdelay $0x3  }
0x33: {  	p0 =	seq.s32 s10, $0x1;
	s10 =	sld [smem:$0x3FA5];
	_ =	sdelay $0x3  }
0x34: {  	[smem:$0x3FA5] =	sst s10  }
0x35: {  	s10 =	sld [smem:$0x3FA4];
	_ =	sdelay $0x3  }
0x36: {  	p1 =	seq.s32 s10, $0x1;
	s10 =	sld [smem:$0x3FA5];
	_ =	sdelay $0x3  }
0x37: {  	[smem:$0x3FA5] =	sst s10  }
0x38: {  	s10 =	sld [smem:$0x3FA6]  }
0x39: {  	_ = 	snop;
	(pc) =	sbr.ind lr, $3  }
0x3a: {  	_ = 	snop  }
0x3b: {  	_ = 	snop  }
0x3c: {  	p2 =	seq.s32 s10, $0x1;
	s10 =	sld [smem:$0x3FA5]  }
0x3d: {  	_ =	shalt  }
0x3e: {  	_ =	shalt  }
0x3f: {  	_ =	shalt  }
0x40: {  	_ =	shalt  }
0x41: {  	_ =	shalt  }
0x42: {  	_ =	shalt  }
0x43: {  	_ =	shalt  }
0x44: {  	_ =	shalt  }
0x45: {  	_ =	shalt  }
0x46: {  	_ =	shalt  }
0x47: {  	_ =	shalt  }
0x48: {  	_ =	shalt  }
0x49: {  	_ =	shalt  }
0x4a: {  	_ =	shalt  }
0x4b: {  	_ =	shalt  }
0x4c: {  	_ =	shalt  }
0x4d: {  	_ =	shalt  }
0x4e: {  	_ =	shalt  }
0x4f: {  	_ =	shalt  }
0x50: {  	_ =	shalt  }
0x51: {  	_ =	shalt  }
0x52: {  	_ =	shalt  }
0x53: {  	_ =	shalt  }
0x54: {  	_ =	shalt  }
0x55: {  	_ =	shalt  }
0x56: {  	_ =	shalt  }
0x57: {  	_ =	shalt  }
0x58: {  	_ =	shalt  }
0x59: {  	_ =	shalt  }
0x5a: {  	_ =	shalt  }
0x5b: {  	_ =	shalt  }
0x5c: {  	_ =	shalt  }
0x5d: {  	_ =	shalt  }
0x5e: {  	_ =	shalt  }
0x5f: {  	_ =	shalt  }
0x60: {  	_ =	shalt  }
0x61: {  	_ =	shalt  }
0x62: {  	_ =	shalt  }
0x63: {  	_ =	shalt  }
0x64: {  	_ =	shalt  }
0x65: {  	_ =	shalt  }
0x66: {  	_ =	shalt  }
0x67: {  	_ =	shalt  }
0x68: {  	_ =	shalt  }
0x69: {  	_ =	shalt  }
0x6a: {  	_ =	shalt  }
0x6b: {  	_ =	shalt  }
0x6c: {  	_ =	shalt  }
0x6d: {  	_ =	shalt  }
0x6e: {  	_ =	shalt  }
0x6f: {  	_ =	shalt  }
0x70: {  	_ =	shalt  }
0x71: {  	_ =	shalt  }
0x72: {  	_ =	shalt  }
0x73: {  	_ =	shalt  }
0x74: {  	_ =	shalt  }
0x75: {  	_ =	shalt  }
0x76: {  	_ =	shalt  }
0x77: {  	_ =	shalt  }
0x78: {  	_ =	shalt  }
0x79: {  	_ =	shalt  }
0x7a: {  	_ =	shalt  }
0x7b: {  	_ =	shalt  }
0x7c: {  	_ =	shalt  }
0x7d: {  	_ =	shalt  }
0x7e: {  	_ =	shalt  }
0x7f: {  	_ =	shalt  }
0x80: {  	_ =	shalt  }
0x81: {  	_ =	shalt  }
0x82: {  	_ =	shalt  }
0x83: {  	_ =	shalt  }
0x84: {  	_ =	shalt  }
0x85: {  	_ =	shalt  }
0x86: {  	_ =	shalt  }
0x87: {  	_ =	shalt  }
.Lfunc_end0:
.L_simem_size_0:
called_computation.3_lowered:
.L_overlay_start_0:
0x88: {  	s2 =	sld [smem:$0x3FD9]  }
0x89: {  	s3 =	sld [smem:$0x3FFE];
	_ =	sdelay $0x1  }
0x8a: {  	s1 =	srdreg.scid  }
0x8b: {  	s0 =	sand.u32 $0x1, s1  }
0x8c: {  	s17 =	sshll.u32 s0, $0xA;
	s2 =	sadd.s32 s3, s2  }
0x8d: {  	s2 =	sadd.s32 s2, s17  }
0x8e: {  	[smem:$0x3FB1] =	sst s2  }
0x8f: {  	_ = 	snop  }
0x90: {  	s2 =	sld [smem:$0x3FD0];
	(tm) =	ssettm $0x1  }
0x91: {  	s18 =	sld [smem:$0x3FFB];
	_ =	sdelay $0x3  }
0x92: {  	_ =	strace s18  }
0x93: {  	s3 =	sld [smem:$0x3FFC];
	_ =	sdelay $0x3  }
0x94: {  	_ =	strace s3  }
0x95: {  	s3 =	sld [smem:$0x3FFD];
	_ =	sdelay $0x3  }
0x96: {  	_ =	strace s3  }
0x97: {  	_ =	strace $0x8FFFFFFF  }
0x98: {  	s19 =	sld [smem:$0x3FDB];
	_ =	sdelay $0x1  }
0x99: {  	s4 =	simm.s32 $_scs_section_size  }
0x9a: {  	s5 =	simm.s32 $_size__tile_overlayer_lowered;
	s6 =	simm.s32 $_tile_overlayer_lowered  }
0x9b: {  	s22 =	simm.s32 $0x1BFF;
	s21 =	sshll.u32 s6, $0x1;
	s3 =	sadd.s32 s4, s19  }
0x9c: {  	s7 =	simm.s32 $0x0;
	s20 =	sshll.u32 s5, $0x1;
	s5 =	sadd.s32 s21, s3  }
0x9d: {  	[timem:s7], [sflag:s22] =	dma.local [hbm:s5], s20  }
0x9e: {  	_ =	swait.ge [sflag:s22], s20  }
0x9f: {  	s4 =	ssub.s32 $0x0, s20;
	[sflag:s22] =	ssyncset.done $0x0  }
0xa0: {  	[sflag:s22] =	ssyncadd.s32 s4;
	_ =	sdelay $0x1  }
0xa1: {  	s23 =	simm.s32 $0x1B8B  }
0xa2: {  	_ =	swait.ge [sflag:s23], $0x1  }
0xa3: {  	[sflag:s23] =	ssyncset.done $0x0  }
0xa4: {  	s25 =	simm.s32 $0x1B8E;
	s24 =	sld [smem:$0x3FFE];
	[sflag:s23] =	ssyncadd.s32 $0xFFFFFFFF  }
0xa5: {  	s26 =	simm.s32 $execute0_lowered;
	[smem:$0x3FD2] =	sst s25  }
0xa6: {  	s5 =	sshll.u32 s26, $0x1;
	_ =	strace $0x8000004F;
	[dreg:$0x1] =	wrdreg $0xFFFFFFFF  }
0xa7: {  	s28 =	simm.s32 $_size_execute0_lowered;
	s3 =	sadd.s32 s3, s5;
	[dreg:$0x0] =	wrdreg $0x0  }
0xa8: {  	s5 =	sshll.u32 s28, $0x1;
	[dreg:$0x2] =	wrdreg s3  }
0xa9: {  	[dreg:$0x3] =	wrdreg s5  }
0xaa: {  	[dreg:$0x4] =	wrdreg $0xC0  }
0xab: {  	_ =	task [dreg:s7], $0x5FFFF  }
0xac: {  	[dreg:$0x1] =	wrdreg $0xFFFFFFFF  }
0xad: {  	[dreg:$0x0] =	wrdreg $0x60  }
0xae: {  	[dreg:$0x2] =	wrdreg s24  }
0xaf: {  	[dreg:$0x3] =	wrdreg s2  }
0xb0: {  	[dreg:$0x4] =	wrdreg $0x0  }
0xb1: {  	[dreg:$0x5] =	wrdreg $0x9  }
0xb2: {  	_ =	task.clear_ibuf [dreg:s7], $0x6FFFF;
	_ =	strace $0x9000004F  }
0xb3: {  	s29 =	simm.s32 $0x9;
	_ =	strace $0x80000051  }
0xb4: {  	_ =	swait.ge [sflag:s29], $0x1  }
0xb5: {  	[sflag:s29] =	ssyncadd.s32 $0xFFFFFFFF  }
0xb6: {  	_ =	strace $0x90000051  }
0xb7: {  	_ =	sfence  }
0xb8: {  	s30 =	sld [smem:$0x0];
	_ =	sdelay $0x2  }
0xb9: {  	s31 =	sshll.u32 s1, $0xD;
	s1 =	sshrl.u32 s1, $0x2  }
0xba: {  	s3 =	sand.u32 $0x4000, s31;
	s1 =	sadd.s32 s1, s30  }
0xbb: {  	s0 =	sor.u32 s3, s0;
	s1 =	sshll.u32 s1, $0x11  }
0xbc: {  	s0 =	sor.u32 s1, s0  }
0xbd: {  	s0 =	sadd.s32 $0x8F2B, s0  }
0xbe: {  	[sflag:s0] =	ssyncadd.remote.s32 $0x1  }
0xbf: {  	_ =	sfence.sel $0xFFFF  }
0xc0: {  	[dreg:$0x0] =	wrdreg $0xFFFFFFFF;
	(pc) =	sbr.abs _section_cstart, $3  }
0xc1: {  	[dreg:$0x1] =	wrdreg $0xFFFFFFFF  }
0xc2: {  	_ =	task.clear_ibuf [dreg:s7], $0x2FFFF;
	_ =	strace $0x9FFFFFFF  }
0xc3: {  	(tm) =	ssettm $0x7FFFFFFF  }
tec
execute0_lowered:
.L_overlay_start_1:
0x0: {  	(tag) =	ssettag $0x1  }
0x1: {  	s0 =	srdreg.scid;
	s1 =	rddreg [dreg:$0x0]  }
0x2: {  	s2 =	stileid.u32;
	s3 =	rddreg [dreg:$0x2];
	s15 =	simm.s32 $0x13880  }
0x3: {  	s16 =	simm.s32 $0x3;
	s20 =	simm.s32 $0x18700;
	s21 =	simm.s32 $0x50  }
0x4: {  	s22 =	simm.s32 $0x1A300;
	s24 =	simm.s32 $0x1CB00;
	s25 =	simm.s32 $0x1  }
0x5: {  	s26 =	simm.s32 $0x2;
	s29 =	simm.s32 $0x18780;
	s7 =	smul.u32 $0x8C00, s2  }
0x6: {  	s31 =	simm.s32 $0x19F00;
	s0 =	sand.u32 $0x1, s0;
	s9 =	smul.u32 $0x4F000, s2  }
0x7: {  	s10 =	smul.u32 $0x13C00, s2;
	s17 =	sadd.s32 $0x128400, s3;
	p0 =	seq.s32 s2, $0xF  }
0x8: {  	s4 =	sshll.u32 s0, $0x4;
	s8 =	ssub.s32 $0x2, s0;
	s0 =	smul.u32 $0x138800, s0  }
0x9: {  	s17 =	sshrl.u32 @p0 s17, $0x3;
	s5 =	sor.u32 s2, s4;
	s4 =	simm.s32 $0x0  }
0xa: {  	s7 =	sshrl.u32 s7, $0x3;
	s28 =	sshrl.u32 s8, $0x1;
	s30 =	sshrl.u32 s9, $0x2  }
0xb: {  	s6 =	smul.u32 $0x9C4, s5;
	[smem:$0x7FF] =	sst s4;
	s5 =	sadd.s32 $0xA9E00, s1  }
0xc: {  	s11 =	sadd.s32 s7, s1;
	s14 =	ssub.s32 s8, s28;
	s19 =	sadd.s32 s30, s3  }
0xd: {  	s12 =	sadd.s32 s10, s0;
	s0 =	sshrl.u32 s0, $0x3;
	_ =	strace $0x80000050  }
0xe: {  	s7 =	sadd.s32 $0x36A00, s11;
	s8 =	sadd.s32 $0x36D80, s11;
	s9 =	sadd.s32 $0x37100, s11  }
0xf: {  	s10 =	sadd.s32 $0x37480, s11;
	s12 =	sshrl.u32 s12, $0x3;
	s11 =	sadd.s32 $0x37800, s11  }
0x10: {  	s14 =	smax.u32 s14, $0x1;
	s6 =	sadd.s32 s6, s1;
	s1 =	sadd.s32 $0xF8000, s1  }
0x11: {  	s19 =	sshrl.u32 @!p0 s19, $0x3;
	s6 =	sadd.s32 $0x48200, s6;
	s0 =	sadd.s32 s1, s0  }
0x12: {  	s12 =	sadd.s32 s1, s12;
	s13 =	sadd.s32 $0x25080, s0;
	s0 =	sshll.u32 @!p0 s2, $0x6  }
0x13: {  	s1 =	simm.s32 $0x19F80;
	s18 =	sor.u32 @!p0 $0x1C03, s0;
	s0 =	simm.s32 $0x0  }
.LBB2_1:
0x14: {  	[tilespmem:s15], [sflag:$0x3] =	stream.linear.gather [hbm4b:s6+s4], $0x4E20, $0x38;
	[tilespmem:$0x1F300] =	vst v63  }
0x15: {  	_ =	swait.ge [sflag:s16], $0x4E20  }
0x16: {  	[sflag:s16] =	ssyncset.done $0x0  }
0x17: {  	[sflag:s16] =	ssyncadd.s32 $0xFFFFB1E0  }
0x18: {  	s23 =	simm.s32 @p0 $0x1FC3;
	s2 =	rddreg [dreg:$0x1]  }
0x19: {  	[spmem:s17], [sflag:s23] =	dma.local @p0 [hbm:s2], $0x2080  }
0x1a: {  	s23 =	simm.s32 @p0 $0x3  }
0x1b: {  	_ =	swait.ge @p0 [sflag:s23], $0x2080  }
0x1c: {  	[sflag:s23] =	ssyncset.done @p0 $0x0  }
0x1d: {  	[sflag:s23] =	ssyncadd.s32 @p0 $0xFFFFDF80;
	s23 =	simm.s32 @!p0 $0x3  }
0x1e: {  	[spmem:s19], [sflag:s18] =	dma.local @!p0 [hbm:s2], $0x2780  }
0x1f: {  	_ =	swait.ge @!p0 [sflag:s23], $0x2780  }
0x20: {  	[sflag:s23] =	ssyncset.done @!p0 $0x0  }
0x21: {  	[sflag:s23] =	ssyncadd.s32 @!p0 $0xFFFFD880  }
0x22: {  	[bflag:$0x0] =	sbarrier.arrive $0xFFFF  }
0x23: {  	[tilespmem:s20], [sflag:$0x3] =	stream.linear.gather [hbm4b:s7+s4], $0x1900, $0x38;
	[tilespmem:$0x1F300] =	vst v63  }
0x24: {  	_ =	swait.ge [sflag:s16], $0x1900  }
0x25: {  	[sflag:s16] =	ssyncset.done $0x0  }
0x26: {  	[sflag:s16] =	ssyncadd.s32 $0xFFFFE700  }
0x27: {  	[tilespmem:s22], [sflag:$0x1] =	stream.indirect.gather [hbm4b:s5+s21], $0x80, s15, s21, $0xb8;
	[tilespmem:$0x1F300] =	vst v63  }
0x28: {  	s23 =	simm.s32 $0x138D0  }
0x29: {  	[tilespmem:s24], [sflag:$0x1] =	stream.indirect.gather [hbm4b:s5+s21], $0x80, s23, s21, $0xb8;
	[tilespmem:$0x1F300] =	vst v63  }
0x2a: {  	_ =	swait.ge [sflag:s25], $0x2800  }
0x2b: {  	[sflag:s25] =	ssyncset.done $0x0  }
0x2c: {  	[sflag:s25] =	ssyncadd.s32 $0xFFFFD800  }
0x2d: {  	[spmem:s3] =	stream.indirect.scatter.add.f32 [tilespmem:s22], [sflag:$0x2], $0x80, s20, s21, $0xb8;
	[tilespmem:$0x1F300] =	vst v63  }
0x2e: {  	_ =	swait.ge [sflag:s26], $0x2800  }
0x2f: {  	[sflag:s26] =	ssyncset.done $0x0  }
0x30: {  	s23 =	simm.s32 $0x13920;
	[sflag:s26] =	ssyncadd.s32 $0xFFFFD800  }
0x31: {  	[tilespmem:s22], [sflag:$0x1] =	stream.indirect.gather [hbm4b:s5+s21], $0x80, s23, s21, $0xb8;
	[tilespmem:$0x1F300] =	vst v63  }
0x32: {  	_ =	swait.ge [sflag:s25], $0x2800  }
0x33: {  	[sflag:s25] =	ssyncset.done $0x0  }
0x34: {  	[sflag:s25] =	ssyncadd.s32 $0xFFFFD800  }
0x35: {  	[spmem:s3] =	stream.indirect.scatter.add.f32 [tilespmem:s24], [sflag:$0x2], $0x80, s29, s21, $0xb8;
	[tilespmem:$0x1F300] =	vst v63  }
0x36: {  	_ =	swait.ge [sflag:s26], $0x2800  }
0x37: {  	[sflag:s26] =	ssyncset.done $0x0  }
0x38: {  	s2 =	simm.s32 $0x13970;
	[sflag:s26] =	ssyncadd.s32 $0xFFFFD800  }
0x39: {  	[tilespmem:s24], [sflag:$0x1] =	stream.indirect.gather [hbm4b:s5+s21], $0x80, s2, s21, $0xb8;
	[tilespmem:$0x1F300] =	vst v63  }
0x3a: {  	_ =	swait.ge [sflag:s25], $0x2800  }
0x3b: {  	[sflag:s25] =	ssyncset.done $0x0  }
0x3c: {  	s2 =	simm.s32 $0x18800;
	[sflag:s25] =	ssyncadd.s32 $0xFFFFD800  }
0x3d: {  	[spmem:s3] =	stream.indirect.scatter.add.f32 [tilespmem:s22], [sflag:$0x2], $0x80, s2, s21, $0xb8;
	[tilespmem:$0x1F300] =	vst v63  }
0x3e: {  	_ =	swait.ge [sflag:s26], $0x2800  }
0x3f: {  	[sflag:s26] =	ssyncset.done $0x0  }
0x40: {  	s2 =	simm.s32 $0x139C0;
	[sflag:s26] =	ssyncadd.s32 $0xFFFFD800  }
0x41: {  	[tilespmem:s22], [sflag:$0x1] =	stream.indirect.gather [hbm4b:s5+s21], $0x80, s2, s21, $0xb8;
	[tilespmem:$0x1F300] =	vst v63  }
0x42: {  	_ =	swait.ge [sflag:s25], $0x2800  }
0x43: {  	s30 =	simm.s32 $0x18880;
	[sflag:s25] =	ssyncset.done $0x0  }
0x44: {  	s28 =	simm.s32 $0x13A60;
	s23 =	simm.s32 $0xFFFFA800;
	[sflag:s25] =	ssyncadd.s32 $0xFFFFD800  }
.LBB2_2:
0x45: {  	[spmem:s3] =	stream.indirect.scatter.add.f32 [tilespmem:s24], [sflag:$0x2], $0x80, s30, s21, $0xb8;
	[tilespmem:$0x1F300] =	vst v63  }
0x46: {  	s30 =	smov.u32 s23  }
0x47: {  	p1 =	sne.s32 s23, $0xFFFFFC00;
	s23 =	sadd.s32 $0x400, s23;
	_ =	swait.ge [sflag:s26], $0x2800  }
0x48: {  	[sflag:s26] =	ssyncset.done $0x0  }
0x49: {  	s2 =	sadd.s32 $0xFFFFFFB0, s28;
	[sflag:s26] =	ssyncadd.s32 $0xFFFFD800  }
0x4a: {  	[tilespmem:s24], [sflag:$0x1] =	stream.indirect.gather [hbm4b:s5+s21], $0x80, s2, s21, $0xb8;
	[tilespmem:$0x1F300] =	vst v63  }
0x4b: {  	_ =	swait.ge [sflag:s25], $0x2800  }
0x4c: {  	s2 =	sshra.s32 s30, $0x2;
	[sflag:s25] =	ssyncset.done $0x0  }
0x4d: {  	s30 =	sadd.s32 $0x19F00, s2;
	[sflag:s25] =	ssyncadd.s32 $0xFFFFD800  }
0x4e: {  	[spmem:s3] =	stream.indirect.scatter.add.f32 [tilespmem:s22], [sflag:$0x2], $0x80, s30, s21, $0xb8;
	[tilespmem:$0x1F300] =	vst v63  }
0x4f: {  	_ =	swait.ge [sflag:s26], $0x2800  }
0x50: {  	[sflag:s26] =	ssyncset.done $0x0  }
.Ltmp0:
0x51: {  	[sflag:s26] =	ssyncadd.s32 $0xFFFFD800;
	(pc) =	sbr.rel @p1 .LBB2_2-.Ltmp0, $4  }
0x52: {  	[tilespmem:s22], [sflag:$0x1] =	stream.indirect.gather [hbm4b:s5+s21], $0x80, s28, s21, $0xb8;
	[tilespmem:$0x1F300] =	vst v63  }
0x53: {  	_ =	swait.ge [sflag:s25], $0x2800  }
0x54: {  	[sflag:s25] =	ssyncset.done $0x0  }
0x55: {  	s30 =	sadd.s32 $0x19F80, s2;
	s28 =	sadd.s32 $0xA0, s28;
	[sflag:s25] =	ssyncadd.s32 $0xFFFFD800  }
0x56: {  	[spmem:s3] =	stream.indirect.scatter.add.f32 [tilespmem:s24], [sflag:$0x2], $0x80, s30, s21, $0xb8;
	[tilespmem:$0x1F300] =	vst v63  }
0x57: {  	_ =	swait.ge [sflag:s26], $0x2800  }
0x58: {  	[sflag:s26] =	ssyncset.done $0x0  }
0x59: {  	s2 =	simm.s32 $0x147D0;
	[sflag:s26] =	ssyncadd.s32 $0xFFFFD800  }
0x5a: {  	[tilespmem:s24], [sflag:$0x1] =	stream.indirect.gather [hbm4b:s5+s21], $0x80, s2, s21, $0xb8;
	[tilespmem:$0x1F300] =	vst v63  }
0x5b: {  	_ =	swait.ge [sflag:s25], $0x2800  }
0x5c: {  	[sflag:s25] =	ssyncset.done $0x0  }
0x5d: {  	[sflag:s25] =	ssyncadd.s32 $0xFFFFD800  }
0x5e: {  	[spmem:s3] =	stream.indirect.scatter.add.f32 [tilespmem:s22], [sflag:$0x2], $0x80, s31, s21, $0xb8;
	[tilespmem:$0x1F300] =	vst v63  }
0x5f: {  	_ =	swait.ge [sflag:s26], $0x2800  }
0x60: {  	[sflag:s26] =	ssyncset.done $0x0  }
0x61: {  	[sflag:s26] =	ssyncadd.s32 $0xFFFFD800  }
0x62: {  	_ =	swait.ge [sflag:s25], $0x2800  }
0x63: {  	[sflag:s25] =	ssyncset.done $0x0  }
0x64: {  	[sflag:s25] =	ssyncadd.s32 $0xFFFFD800  }
0x65: {  	[spmem:s3] =	stream.indirect.scatter.add.f32 [tilespmem:s24], [sflag:$0x2], $0x80, s1, s21, $0xb8;
	[tilespmem:$0x1F300] =	vst v63  }
0x66: {  	_ =	swait.ge [sflag:s26], $0x2800  }
0x67: {  	[sflag:s26] =	ssyncset.done $0x0  }
0x68: {  	[sflag:s26] =	ssyncadd.s32 $0xFFFFD800  }
0x69: {  	[tilespmem:s20], [sflag:$0x3] =	stream.linear.gather [hbm4b:s8+s4], $0x1900, $0x38;
	[tilespmem:$0x1F300] =	vst v63  }
0x6a: {  	_ =	swait.ge [sflag:s16], $0x1900  }
0x6b: {  	[sflag:s16] =	ssyncset.done $0x0  }
0x6c: {  	s23 =	simm.s32 $0x14820;
	[sflag:s16] =	ssyncadd.s32 $0xFFFFE700  }
0x6d: {  	[tilespmem:s22], [sflag:$0x1] =	stream.indirect.gather [hbm4b:s5+s21], $0x80, s23, s21, $0xb8;
	[tilespmem:$0x1F300] =	vst v63  }
0x6e: {  	s23 =	simm.s32 $0x14870  }
0x6f: {  	[tilespmem:s24], [sflag:$0x1] =	stream.indirect.gather [hbm4b:s5+s21], $0x80, s23, s21, $0xb8;
	[tilespmem:$0x1F300] =	vst v63  }
0x70: {  	_ =	swait.ge [sflag:s25], $0x2800  }
0x71: {  	[sflag:s25] =	ssyncset.done $0x0  }
0x72: {  	[sflag:s25] =	ssyncadd.s32 $0xFFFFD800  }
0x73: {  	[spmem:s3] =	stream.indirect.scatter.add.f32 [tilespmem:s22], [sflag:$0x2], $0x80, s20, s21, $0xb8;
	[tilespmem:$0x1F300] =	vst v63  }
0x74: {  	_ =	swait.ge [sflag:s26], $0x2800  }
0x75: {  	[sflag:s26] =	ssyncset.done $0x0  }
0x76: {  	s23 =	simm.s32 $0x148C0;
	[sflag:s26] =	ssyncadd.s32 $0xFFFFD800  }
0x77: {  	[tilespmem:s22], [sflag:$0x1] =	stream.indirect.gather [hbm4b:s5+s21], $0x80, s23, s21, $0xb8;
	[tilespmem:$0x1F300] =	vst v63  }
0x78: {  	_ =	swait.ge [sflag:s25], $0x2800  }
0x79: {  	[sflag:s25] =	ssyncset.done $0x0  }
0x7a: {  	[sflag:s25] =	ssyncadd.s32 $0xFFFFD800  }
0x7b: {  	[spmem:s3] =	stream.indirect.scatter.add.f32 [tilespmem:s24], [sflag:$0x2], $0x80, s29, s21, $0xb8;
	[tilespmem:$0x1F300] =	vst v63  }
0x7c: {  	_ =	swait.ge [sflag:s26], $0x2800  }
0x7d: {  	[sflag:s26] =	ssyncset.done $0x0  }
0x7e: {  	s23 =	simm.s32 $0x14910;
	[sflag:s26] =	ssyncadd.s32 $0xFFFFD800  }
0x7f: {  	[tilespmem:s24], [sflag:$0x1] =	stream.indirect.gather [hbm4b:s5+s21], $0x80, s23, s21, $0xb8;
	[tilespmem:$0x1F300] =	vst v63  }
0x80: {  	_ =	swait.ge [sflag:s25], $0x2800  }
0x81: {  	[sflag:s25] =	ssyncset.done $0x0  }
0x82: {  	s23 =	simm.s32 $0x18800;
	[sflag:s25] =	ssyncadd.s32 $0xFFFFD800  }
0x83: {  	[spmem:s3] =	stream.indirect.scatter.add.f32 [tilespmem:s22], [sflag:$0x2], $0x80, s23, s21, $0xb8;
	[tilespmem:$0x1F300] =	vst v63  }
0x84: {  	_ =	swait.ge [sflag:s26], $0x2800  }
0x85: {  	[sflag:s26] =	ssyncset.done $0x0  }
0x86: {  	s23 =	simm.s32 $0x14960;
	[sflag:s26] =	ssyncadd.s32 $0xFFFFD800  }
0x87: {  	[tilespmem:s22], [sflag:$0x1] =	stream.indirect.gather [hbm4b:s5+s21], $0x80, s23, s21, $0xb8;
	[tilespmem:$0x1F300] =	vst v63  }
0x88: {  	_ =	swait.ge [sflag:s25], $0x2800  }
0x89: {  	s28 =	simm.s32 $0xFFFFA800;
	[sflag:s25] =	ssyncset.done $0x0  }
0x8a: {  	s30 =	simm.s32 $0x18880;
	s23 =	simm.s32 $0x149B0;
	[sflag:s25] =	ssyncadd.s32 $0xFFFFD800  }
.LBB2_4:
0x8b: {  	[spmem:s3] =	stream.indirect.scatter.add.f32 [tilespmem:s24], [sflag:$0x2], $0x80, s30, s21, $0xb8;
	[tilespmem:$0x1F300] =	vst v63  }
0x8c: {  	s2 =	smov.u32 s28  }
0x8d: {  	p1 =	sne.s32 s28, $0xFFFFFC00;
	s28 =	sadd.s32 $0x400, s28;
	_ =	swait.ge [sflag:s26], $0x2800  }
0x8e: {  	[sflag:s26] =	ssyncset.done $0x0  }
0x8f: {  	[sflag:s26] =	ssyncadd.s32 $0xFFFFD800  }
0x90: {  	[tilespmem:s24], [sflag:$0x1] =	stream.indirect.gather [hbm4b:s5+s21], $0x80, s23, s21, $0xb8;
	[tilespmem:$0x1F300] =	vst v63  }
0x91: {  	_ =	swait.ge [sflag:s25], $0x2800  }
0x92: {  	s2 =	sshra.s32 s2, $0x2;
	[sflag:s25] =	ssyncset.done $0x0  }
0x93: {  	s30 =	sadd.s32 $0x19F00, s2;
	[sflag:s25] =	ssyncadd.s32 $0xFFFFD800  }
0x94: {  	[spmem:s3] =	stream.indirect.scatter.add.f32 [tilespmem:s22], [sflag:$0x2], $0x80, s30, s21, $0xb8;
	[tilespmem:$0x1F300] =	vst v63  }
0x95: {  	_ =	swait.ge [sflag:s26], $0x2800  }
0x96: {  	[sflag:s26] =	ssyncset.done $0x0  }
.Ltmp1:
0x97: {  	s30 =	sadd.s32 $0x50, s23;
	[sflag:s26] =	ssyncadd.s32 $0xFFFFD800;
	(pc) =	sbr.rel @p1 .LBB2_4-.Ltmp1, $4  }
0x98: {  	[tilespmem:s22], [sflag:$0x1] =	stream.indirect.gather [hbm4b:s5+s21], $0x80, s30, s21, $0xb8;
	[tilespmem:$0x1F300] =	vst v63  }
0x99: {  	_ =	swait.ge [sflag:s25], $0x2800  }
0x9a: {  	[sflag:s25] =	ssyncset.done $0x0  }
0x9b: {  	s23 =	sadd.s32 $0xA0, s23;
	s30 =	sadd.s32 $0x19F80, s2;
	[sflag:s25] =	ssyncadd.s32 $0xFFFFD800  }
0x9c: {  	[spmem:s3] =	stream.indirect.scatter.add.f32 [tilespmem:s24], [sflag:$0x2], $0x80, s30, s21, $0xb8;
	[tilespmem:$0x1F300] =	vst v63  }
0x9d: {  	_ =	swait.ge [sflag:s26], $0x2800  }
0x9e: {  	[sflag:s26] =	ssyncset.done $0x0  }
0x9f: {  	[sflag:s26] =	ssyncadd.s32 $0xFFFFD800  }
0xa0: {  	[tilespmem:s24], [sflag:$0x1] =	stream.indirect.gather [hbm4b:s5+s21], $0x80, s23, s21, $0xb8;
	[tilespmem:$0x1F300] =	vst v63  }
0xa1: {  	_ =	swait.ge [sflag:s25], $0x2800  }
0xa2: {  	[sflag:s25] =	ssyncset.done $0x0  }
0xa3: {  	[sflag:s25] =	ssyncadd.s32 $0xFFFFD800  }
0xa4: {  	[spmem:s3] =	stream.indirect.scatter.add.f32 [tilespmem:s22], [sflag:$0x2], $0x80, s31, s21, $0xb8;
	[tilespmem:$0x1F300] =	vst v63  }
0xa5: {  	_ =	swait.ge [sflag:s26], $0x2800  }
0xa6: {  	[sflag:s26] =	ssyncset.done $0x0  }
0xa7: {  	[sflag:s26] =	ssyncadd.s32 $0xFFFFD800  }
0xa8: {  	_ =	swait.ge [sflag:s25], $0x2800  }
0xa9: {  	[sflag:s25] =	ssyncset.done $0x0  }
0xaa: {  	[sflag:s25] =	ssyncadd.s32 $0xFFFFD800  }
0xab: {  	[spmem:s3] =	stream.indirect.scatter.add.f32 [tilespmem:s24], [sflag:$0x2], $0x80, s1, s21, $0xb8;
	[tilespmem:$0x1F300] =	vst v63  }
0xac: {  	_ =	swait.ge [sflag:s26], $0x2800  }
0xad: {  	[sflag:s26] =	ssyncset.done $0x0  }
0xae: {  	[sflag:s26] =	ssyncadd.s32 $0xFFFFD800  }
0xaf: {  	[tilespmem:s20], [sflag:$0x3] =	stream.linear.gather [hbm4b:s9+s4], $0x1900, $0x38;
	[tilespmem:$0x1F300] =	vst v63  }
0xb0: {  	_ =	swait.ge [sflag:s16], $0x1900  }
0xb1: {  	[sflag:s16] =	ssyncset.done $0x0  }
0xb2: {  	s2 =	simm.s32 $0x157C0;
	[sflag:s16] =	ssyncadd.s32 $0xFFFFE700  }
0xb3: {  	[tilespmem:s22], [sflag:$0x1] =	stream.indirect.gather [hbm4b:s5+s21], $0x80, s2, s21, $0xb8;
	[tilespmem:$0x1F300] =	vst v63  }
0xb4: {  	s23 =	simm.s32 $0x15810  }
0xb5: {  	[tilespmem:s24], [sflag:$0x1] =	stream.indirect.gather [hbm4b:s5+s21], $0x80, s23, s21, $0xb8;
	[tilespmem:$0x1F300] =	vst v63  }
0xb6: {  	_ =	swait.ge [sflag:s25], $0x2800  }
0xb7: {  	[sflag:s25] =	ssyncset.done $0x0  }
0xb8: {  	[sflag:s25] =	ssyncadd.s32 $0xFFFFD800  }
0xb9: {  	[spmem:s3] =	stream.indirect.scatter.add.f32 [tilespmem:s22], [sflag:$0x2], $0x80, s20, s21, $0xb8;
	[tilespmem:$0x1F300] =	vst v63  }
0xba: {  	_ =	swait.ge [sflag:s26], $0x2800  }
0xbb: {  	[sflag:s26] =	ssyncset.done $0x0  }
0xbc: {  	s23 =	simm.s32 $0x15860;
	[sflag:s26] =	ssyncadd.s32 $0xFFFFD800  }
0xbd: {  	[tilespmem:s22], [sflag:$0x1] =	stream.indirect.gather [hbm4b:s5+s21], $0x80, s23, s21, $0xb8;
	[tilespmem:$0x1F300] =	vst v63  }
0xbe: {  	_ =	swait.ge [sflag:s25], $0x2800  }
0xbf: {  	[sflag:s25] =	ssyncset.done $0x0  }
0xc0: {  	[sflag:s25] =	ssyncadd.s32 $0xFFFFD800  }
0xc1: {  	[spmem:s3] =	stream.indirect.scatter.add.f32 [tilespmem:s24], [sflag:$0x2], $0x80, s29, s21, $0xb8;
	[tilespmem:$0x1F300] =	vst v63  }
0xc2: {  	_ =	swait.ge [sflag:s26], $0x2800  }
0xc3: {  	[sflag:s26] =	ssyncset.done $0x0  }
0xc4: {  	s23 =	simm.s32 $0x158B0;
	[sflag:s26] =	ssyncadd.s32 $0xFFFFD800  }
0xc5: {  	[tilespmem:s24], [sflag:$0x1] =	stream.indirect.gather [hbm4b:s5+s21], $0x80, s23, s21, $0xb8;
	[tilespmem:$0x1F300] =	vst v63  }
0xc6: {  	_ =	swait.ge [sflag:s25], $0x2800  }
0xc7: {  	[sflag:s25] =	ssyncset.done $0x0  }
0xc8: {  	s23 =	simm.s32 $0x18800;
	[sflag:s25] =	ssyncadd.s32 $0xFFFFD800  }
0xc9: {  	[spmem:s3] =	stream.indirect.scatter.add.f32 [tilespmem:s22], [sflag:$0x2], $0x80, s23, s21, $0xb8;
	[tilespmem:$0x1F300] =	vst v63  }
0xca: {  	_ =	swait.ge [sflag:s26], $0x2800  }
0xcb: {  	[sflag:s26] =	ssyncset.done $0x0  }
0xcc: {  	s23 =	simm.s32 $0x15900;
	[sflag:s26] =	ssyncadd.s32 $0xFFFFD800  }
0xcd: {  	[tilespmem:s22], [sflag:$0x1] =	stream.indirect.gather [hbm4b:s5+s21], $0x80, s23, s21, $0xb8;
	[tilespmem:$0x1F300] =	vst v63  }
0xce: {  	_ =	swait.ge [sflag:s25], $0x2800  }
0xcf: {  	s28 =	simm.s32 $0xFFFFA800;
	[sflag:s25] =	ssyncset.done $0x0  }
0xd0: {  	s30 =	simm.s32 $0x18880;
	s23 =	simm.s32 $0x15950;
	[sflag:s25] =	ssyncadd.s32 $0xFFFFD800  }
.LBB2_6:
0xd1: {  	[spmem:s3] =	stream.indirect.scatter.add.f32 [tilespmem:s24], [sflag:$0x2], $0x80, s30, s21, $0xb8;
	[tilespmem:$0x1F300] =	vst v63  }
0xd2: {  	s2 =	smov.u32 s28  }
0xd3: {  	p1 =	sne.s32 s28, $0xFFFFFC00;
	s28 =	sadd.s32 $0x400, s28;
	_ =	swait.ge [sflag:s26], $0x2800  }
0xd4: {  	[sflag:s26] =	ssyncset.done $0x0  }
0xd5: {  	[sflag:s26] =	ssyncadd.s32 $0xFFFFD800  }
0xd6: {  	[tilespmem:s24], [sflag:$0x1] =	stream.indirect.gather [hbm4b:s5+s21], $0x80, s23, s21, $0xb8;
	[tilespmem:$0x1F300] =	vst v63  }
0xd7: {  	_ =	swait.ge [sflag:s25], $0x2800  }
0xd8: {  	s2 =	sshra.s32 s2, $0x2;
	[sflag:s25] =	ssyncset.done $0x0  }
0xd9: {  	s30 =	sadd.s32 $0x19F00, s2;
	[sflag:s25] =	ssyncadd.s32 $0xFFFFD800  }
0xda: {  	[spmem:s3] =	stream.indirect.scatter.add.f32 [tilespmem:s22], [sflag:$0x2], $0x80, s30, s21, $0xb8;
	[tilespmem:$0x1F300] =	vst v63  }
0xdb: {  	_ =	swait.ge [sflag:s26], $0x2800  }
0xdc: {  	[sflag:s26] =	ssyncset.done $0x0  }
.Ltmp2:
0xdd: {  	s30 =	sadd.s32 $0x50, s23;
	[sflag:s26] =	ssyncadd.s32 $0xFFFFD800;
	(pc) =	sbr.rel @p1 .LBB2_6-.Ltmp2, $4  }
0xde: {  	[tilespmem:s22], [sflag:$0x1] =	stream.indirect.gather [hbm4b:s5+s21], $0x80, s30, s21, $0xb8;
	[tilespmem:$0x1F300] =	vst v63  }
0xdf: {  	_ =	swait.ge [sflag:s25], $0x2800  }
0xe0: {  	[sflag:s25] =	ssyncset.done $0x0  }
0xe1: {  	s23 =	sadd.s32 $0xA0, s23;
	s30 =	sadd.s32 $0x19F80, s2;
	[sflag:s25] =	ssyncadd.s32 $0xFFFFD800  }
0xe2: {  	[spmem:s3] =	stream.indirect.scatter.add.f32 [tilespmem:s24], [sflag:$0x2], $0x80, s30, s21, $0xb8;
	[tilespmem:$0x1F300] =	vst v63  }
0xe3: {  	_ =	swait.ge [sflag:s26], $0x2800  }
0xe4: {  	[sflag:s26] =	ssyncset.done $0x0  }
0xe5: {  	[sflag:s26] =	ssyncadd.s32 $0xFFFFD800  }
0xe6: {  	[tilespmem:s24], [sflag:$0x1] =	stream.indirect.gather [hbm4b:s5+s21], $0x80, s23, s21, $0xb8;
	[tilespmem:$0x1F300] =	vst v63  }
0xe7: {  	_ =	swait.ge [sflag:s25], $0x2800  }
0xe8: {  	[sflag:s25] =	ssyncset.done $0x0  }
0xe9: {  	[sflag:s25] =	ssyncadd.s32 $0xFFFFD800  }
0xea: {  	[spmem:s3] =	stream.indirect.scatter.add.f32 [tilespmem:s22], [sflag:$0x2], $0x80, s31, s21, $0xb8;
	[tilespmem:$0x1F300] =	vst v63  }
0xeb: {  	_ =	swait.ge [sflag:s26], $0x2800  }
0xec: {  	[sflag:s26] =	ssyncset.done $0x0  }
0xed: {  	[sflag:s26] =	ssyncadd.s32 $0xFFFFD800  }
0xee: {  	_ =	swait.ge [sflag:s25], $0x2800  }
0xef: {  	[sflag:s25] =	ssyncset.done $0x0  }
0xf0: {  	[sflag:s25] =	ssyncadd.s32 $0xFFFFD800  }
0xf1: {  	[spmem:s3] =	stream.indirect.scatter.add.f32 [tilespmem:s24], [sflag:$0x2], $0x80, s1, s21, $0xb8;
	[tilespmem:$0x1F300] =	vst v63  }
0xf2: {  	_ =	swait.ge [sflag:s26], $0x2800  }
0xf3: {  	[sflag:s26] =	ssyncset.done $0x0  }
0xf4: {  	[sflag:s26] =	ssyncadd.s32 $0xFFFFD800  }
0xf5: {  	[tilespmem:s20], [sflag:$0x3] =	stream.linear.gather [hbm4b:s10+s4], $0x1900, $0x38;
	[tilespmem:$0x1F300] =	vst v63  }
0xf6: {  	_ =	swait.ge [sflag:s16], $0x1900  }
0xf7: {  	[sflag:s16] =	ssyncset.done $0x0  }
0xf8: {  	s2 =	simm.s32 $0x16760;
	[sflag:s16] =	ssyncadd.s32 $0xFFFFE700  }
0xf9: {  	[tilespmem:s22], [sflag:$0x1] =	stream.indirect.gather [hbm4b:s5+s21], $0x80, s2, s21, $0xb8;
	[tilespmem:$0x1F300] =	vst v63  }
0xfa: {  	s23 =	simm.s32 $0x167B0  }
0xfb: {  	[tilespmem:s24], [sflag:$0x1] =	stream.indirect.gather [hbm4b:s5+s21], $0x80, s23, s21, $0xb8;
	[tilespmem:$0x1F300] =	vst v63  }
0xfc: {  	_ =	swait.ge [sflag:s25], $0x2800  }
0xfd: {  	[sflag:s25] =	ssyncset.done $0x0  }
0xfe: {  	[sflag:s25] =	ssyncadd.s32 $0xFFFFD800  }
0xff: {  	[spmem:s3] =	stream.indirect.scatter.add.f32 [tilespmem:s22], [sflag:$0x2], $0x80, s20, s21, $0xb8;
	[tilespmem:$0x1F300] =	vst v63  }
0x100: {  	_ =	swait.ge [sflag:s26], $0x2800  }
0x101: {  	[sflag:s26] =	ssyncset.done $0x0  }
0x102: {  	s23 =	simm.s32 $0x16800;
	[sflag:s26] =	ssyncadd.s32 $0xFFFFD800  }
0x103: {  	[tilespmem:s22], [sflag:$0x1] =	stream.indirect.gather [hbm4b:s5+s21], $0x80, s23, s21, $0xb8;
	[tilespmem:$0x1F300] =	vst v63  }
0x104: {  	_ =	swait.ge [sflag:s25], $0x2800  }
0x105: {  	[sflag:s25] =	ssyncset.done $0x0  }
0x106: {  	[sflag:s25] =	ssyncadd.s32 $0xFFFFD800  }
0x107: {  	[spmem:s3] =	stream.indirect.scatter.add.f32 [tilespmem:s24], [sflag:$0x2], $0x80, s29, s21, $0xb8;
	[tilespmem:$0x1F300] =	vst v63  }
0x108: {  	_ =	swait.ge [sflag:s26], $0x2800  }
0x109: {  	[sflag:s26] =	ssyncset.done $0x0  }
0x10a: {  	s23 =	simm.s32 $0x16850;
	[sflag:s26] =	ssyncadd.s32 $0xFFFFD800  }
0x10b: {  	[tilespmem:s24], [sflag:$0x1] =	stream.indirect.gather [hbm4b:s5+s21], $0x80, s23, s21, $0xb8;
	[tilespmem:$0x1F300] =	vst v63  }
0x10c: {  	_ =	swait.ge [sflag:s25], $0x2800  }
0x10d: {  	[sflag:s25] =	ssyncset.done $0x0  }
0x10e: {  	s23 =	simm.s32 $0x18800;
	[sflag:s25] =	ssyncadd.s32 $0xFFFFD800  }
0x10f: {  	[spmem:s3] =	stream.indirect.scatter.add.f32 [tilespmem:s22], [sflag:$0x2], $0x80, s23, s21, $0xb8;
	[tilespmem:$0x1F300] =	vst v63  }
0x110: {  	_ =	swait.ge [sflag:s26], $0x2800  }
0x111: {  	[sflag:s26] =	ssyncset.done $0x0  }
0x112: {  	s23 =	simm.s32 $0x168A0;
	[sflag:s26] =	ssyncadd.s32 $0xFFFFD800  }
0x113: {  	[tilespmem:s22], [sflag:$0x1] =	stream.indirect.gather [hbm4b:s5+s21], $0x80, s23, s21, $0xb8;
	[tilespmem:$0x1F300] =	vst v63  }
0x114: {  	_ =	swait.ge [sflag:s25], $0x2800  }
0x115: {  	s28 =	simm.s32 $0xFFFFA800;
	[sflag:s25] =	ssyncset.done $0x0  }
0x116: {  	s30 =	simm.s32 $0x18880;
	s23 =	simm.s32 $0x168F0;
	[sflag:s25] =	ssyncadd.s32 $0xFFFFD800  }
.LBB2_8:
0x117: {  	[spmem:s3] =	stream.indirect.scatter.add.f32 [tilespmem:s24], [sflag:$0x2], $0x80, s30, s21, $0xb8;
	[tilespmem:$0x1F300] =	vst v63  }
0x118: {  	s2 =	smov.u32 s28  }
0x119: {  	p1 =	sne.s32 s28, $0xFFFFFC00;
	s28 =	sadd.s32 $0x400, s28;
	_ =	swait.ge [sflag:s26], $0x2800  }
0x11a: {  	[sflag:s26] =	ssyncset.done $0x0  }
0x11b: {  	[sflag:s26] =	ssyncadd.s32 $0xFFFFD800  }
0x11c: {  	[tilespmem:s24], [sflag:$0x1] =	stream.indirect.gather [hbm4b:s5+s21], $0x80, s23, s21, $0xb8;
	[tilespmem:$0x1F300] =	vst v63  }
0x11d: {  	_ =	swait.ge [sflag:s25], $0x2800  }
0x11e: {  	s2 =	sshra.s32 s2, $0x2;
	[sflag:s25] =	ssyncset.done $0x0  }
0x11f: {  	s30 =	sadd.s32 $0x19F00, s2;
	[sflag:s25] =	ssyncadd.s32 $0xFFFFD800  }
0x120: {  	[spmem:s3] =	stream.indirect.scatter.add.f32 [tilespmem:s22], [sflag:$0x2], $0x80, s30, s21, $0xb8;
	[tilespmem:$0x1F300] =	vst v63  }
0x121: {  	_ =	swait.ge [sflag:s26], $0x2800  }
0x122: {  	[sflag:s26] =	ssyncset.done $0x0  }
.Ltmp3:
0x123: {  	s30 =	sadd.s32 $0x50, s23;
	[sflag:s26] =	ssyncadd.s32 $0xFFFFD800;
	(pc) =	sbr.rel @p1 .LBB2_8-.Ltmp3, $4  }
0x124: {  	[tilespmem:s22], [sflag:$0x1] =	stream.indirect.gather [hbm4b:s5+s21], $0x80, s30, s21, $0xb8;
	[tilespmem:$0x1F300] =	vst v63  }
0x125: {  	_ =	swait.ge [sflag:s25], $0x2800  }
0x126: {  	[sflag:s25] =	ssyncset.done $0x0  }
0x127: {  	s23 =	sadd.s32 $0xA0, s23;
	s30 =	sadd.s32 $0x19F80, s2;
	[sflag:s25] =	ssyncadd.s32 $0xFFFFD800  }
0x128: {  	[spmem:s3] =	stream.indirect.scatter.add.f32 [tilespmem:s24], [sflag:$0x2], $0x80, s30, s21, $0xb8;
	[tilespmem:$0x1F300] =	vst v63  }
0x129: {  	_ =	swait.ge [sflag:s26], $0x2800  }
0x12a: {  	[sflag:s26] =	ssyncset.done $0x0  }
0x12b: {  	[sflag:s26] =	ssyncadd.s32 $0xFFFFD800  }
0x12c: {  	[tilespmem:s24], [sflag:$0x1] =	stream.indirect.gather [hbm4b:s5+s21], $0x80, s23, s21, $0xb8;
	[tilespmem:$0x1F300] =	vst v63  }
0x12d: {  	_ =	swait.ge [sflag:s25], $0x2800  }
0x12e: {  	[sflag:s25] =	ssyncset.done $0x0  }
0x12f: {  	[sflag:s25] =	ssyncadd.s32 $0xFFFFD800  }
0x130: {  	[spmem:s3] =	stream.indirect.scatter.add.f32 [tilespmem:s22], [sflag:$0x2], $0x80, s31, s21, $0xb8;
	[tilespmem:$0x1F300] =	vst v63  }
0x131: {  	_ =	swait.ge [sflag:s26], $0x2800  }
0x132: {  	[sflag:s26] =	ssyncset.done $0x0  }
0x133: {  	[sflag:s26] =	ssyncadd.s32 $0xFFFFD800  }
0x134: {  	_ =	swait.ge [sflag:s25], $0x2800  }
0x135: {  	[sflag:s25] =	ssyncset.done $0x0  }
0x136: {  	[sflag:s25] =	ssyncadd.s32 $0xFFFFD800  }
0x137: {  	[spmem:s3] =	stream.indirect.scatter.add.f32 [tilespmem:s24], [sflag:$0x2], $0x80, s1, s21, $0xb8;
	[tilespmem:$0x1F300] =	vst v63  }
0x138: {  	_ =	swait.ge [sflag:s26], $0x2800  }
0x139: {  	[sflag:s26] =	ssyncset.done $0x0  }
0x13a: {  	[sflag:s26] =	ssyncadd.s32 $0xFFFFD800  }
0x13b: {  	[tilespmem:s20], [sflag:$0x3] =	stream.linear.gather [hbm4b:s11+s4], $0x1900, $0x38;
	[tilespmem:$0x1F300] =	vst v63  }
0x13c: {  	_ =	swait.ge [sflag:s16], $0x1900  }
0x13d: {  	[sflag:s16] =	ssyncset.done $0x0  }
0x13e: {  	s2 =	simm.s32 $0x17700;
	[sflag:s16] =	ssyncadd.s32 $0xFFFFE700  }
0x13f: {  	[tilespmem:s22], [sflag:$0x1] =	stream.indirect.gather [hbm4b:s5+s21], $0x80, s2, s21, $0xb8;
	[tilespmem:$0x1F300] =	vst v63  }
0x140: {  	s23 =	simm.s32 $0x17750  }
0x141: {  	[tilespmem:s24], [sflag:$0x1] =	stream.indirect.gather [hbm4b:s5+s21], $0x80, s23, s21, $0xb8;
	[tilespmem:$0x1F300] =	vst v63  }
0x142: {  	_ =	swait.ge [sflag:s25], $0x2800  }
0x143: {  	[sflag:s25] =	ssyncset.done $0x0  }
0x144: {  	[sflag:s25] =	ssyncadd.s32 $0xFFFFD800  }
0x145: {  	[spmem:s3] =	stream.indirect.scatter.add.f32 [tilespmem:s22], [sflag:$0x2], $0x80, s20, s21, $0xb8;
	[tilespmem:$0x1F300] =	vst v63  }
0x146: {  	_ =	swait.ge [sflag:s26], $0x2800  }
0x147: {  	[sflag:s26] =	ssyncset.done $0x0  }
0x148: {  	s23 =	simm.s32 $0x177A0;
	[sflag:s26] =	ssyncadd.s32 $0xFFFFD800  }
0x149: {  	[tilespmem:s22], [sflag:$0x1] =	stream.indirect.gather [hbm4b:s5+s21], $0x80, s23, s21, $0xb8;
	[tilespmem:$0x1F300] =	vst v63  }
0x14a: {  	_ =	swait.ge [sflag:s25], $0x2800  }
0x14b: {  	[sflag:s25] =	ssyncset.done $0x0  }
0x14c: {  	[sflag:s25] =	ssyncadd.s32 $0xFFFFD800  }
0x14d: {  	[spmem:s3] =	stream.indirect.scatter.add.f32 [tilespmem:s24], [sflag:$0x2], $0x80, s29, s21, $0xb8;
	[tilespmem:$0x1F300] =	vst v63  }
0x14e: {  	_ =	swait.ge [sflag:s26], $0x2800  }
0x14f: {  	[sflag:s26] =	ssyncset.done $0x0  }
0x150: {  	s23 =	simm.s32 $0x177F0;
	[sflag:s26] =	ssyncadd.s32 $0xFFFFD800  }
0x151: {  	[tilespmem:s24], [sflag:$0x1] =	stream.indirect.gather [hbm4b:s5+s21], $0x80, s23, s21, $0xb8;
	[tilespmem:$0x1F300] =	vst v63  }
0x152: {  	_ =	swait.ge [sflag:s25], $0x2800  }
0x153: {  	[sflag:s25] =	ssyncset.done $0x0  }
0x154: {  	s23 =	simm.s32 $0x18800;
	[sflag:s25] =	ssyncadd.s32 $0xFFFFD800  }
0x155: {  	[spmem:s3] =	stream.indirect.scatter.add.f32 [tilespmem:s22], [sflag:$0x2], $0x80, s23, s21, $0xb8;
	[tilespmem:$0x1F300] =	vst v63  }
0x156: {  	_ =	swait.ge [sflag:s26], $0x2800  }
0x157: {  	[sflag:s26] =	ssyncset.done $0x0  }
0x158: {  	s23 =	simm.s32 $0x17840;
	[sflag:s26] =	ssyncadd.s32 $0xFFFFD800  }
0x159: {  	[tilespmem:s22], [sflag:$0x1] =	stream.indirect.gather [hbm4b:s5+s21], $0x80, s23, s21, $0xb8;
	[tilespmem:$0x1F300] =	vst v63  }
0x15a: {  	_ =	swait.ge [sflag:s25], $0x2800  }
0x15b: {  	s28 =	simm.s32 $0xFFFFA800;
	[sflag:s25] =	ssyncset.done $0x0  }
0x15c: {  	s30 =	simm.s32 $0x18880;
	s23 =	simm.s32 $0x17890;
	[sflag:s25] =	ssyncadd.s32 $0xFFFFD800  }
.LBB2_10:
0x15d: {  	[spmem:s3] =	stream.indirect.scatter.add.f32 [tilespmem:s24], [sflag:$0x2], $0x80, s30, s21, $0xb8;
	[tilespmem:$0x1F300] =	vst v63  }
0x15e: {  	s2 =	smov.u32 s28  }
0x15f: {  	p1 =	sne.s32 s28, $0xFFFFFC00;
	s28 =	sadd.s32 $0x400, s28;
	_ =	swait.ge [sflag:s26], $0x2800  }
0x160: {  	[sflag:s26] =	ssyncset.done $0x0  }
0x161: {  	[sflag:s26] =	ssyncadd.s32 $0xFFFFD800  }
0x162: {  	[tilespmem:s24], [sflag:$0x1] =	stream.indirect.gather [hbm4b:s5+s21], $0x80, s23, s21, $0xb8;
	[tilespmem:$0x1F300] =	vst v63  }
0x163: {  	_ =	swait.ge [sflag:s25], $0x2800  }
0x164: {  	s2 =	sshra.s32 s2, $0x2;
	[sflag:s25] =	ssyncset.done $0x0  }
0x165: {  	s30 =	sadd.s32 $0x19F00, s2;
	[sflag:s25] =	ssyncadd.s32 $0xFFFFD800  }
0x166: {  	[spmem:s3] =	stream.indirect.scatter.add.f32 [tilespmem:s22], [sflag:$0x2], $0x80, s30, s21, $0xb8;
	[tilespmem:$0x1F300] =	vst v63  }
0x167: {  	_ =	swait.ge [sflag:s26], $0x2800  }
0x168: {  	[sflag:s26] =	ssyncset.done $0x0  }
.Ltmp4:
0x169: {  	s30 =	sadd.s32 $0x50, s23;
	[sflag:s26] =	ssyncadd.s32 $0xFFFFD800;
	(pc) =	sbr.rel @p1 .LBB2_10-.Ltmp4, $4  }
0x16a: {  	[tilespmem:s22], [sflag:$0x1] =	stream.indirect.gather [hbm4b:s5+s21], $0x80, s30, s21, $0xb8;
	[tilespmem:$0x1F300] =	vst v63  }
0x16b: {  	_ =	swait.ge [sflag:s25], $0x2800  }
0x16c: {  	[sflag:s25] =	ssyncset.done $0x0  }
0x16d: {  	s23 =	sadd.s32 $0xA0, s23;
	s30 =	sadd.s32 $0x19F80, s2;
	[sflag:s25] =	ssyncadd.s32 $0xFFFFD800  }
0x16e: {  	[spmem:s3] =	stream.indirect.scatter.add.f32 [tilespmem:s24], [sflag:$0x2], $0x80, s30, s21, $0xb8;
	[tilespmem:$0x1F300] =	vst v63  }
0x16f: {  	_ =	swait.ge [sflag:s26], $0x2800  }
0x170: {  	[sflag:s26] =	ssyncset.done $0x0  }
0x171: {  	[sflag:s26] =	ssyncadd.s32 $0xFFFFD800  }
0x172: {  	[tilespmem:s24], [sflag:$0x1] =	stream.indirect.gather [hbm4b:s5+s21], $0x80, s23, s21, $0xb8;
	[tilespmem:$0x1F300] =	vst v63  }
0x173: {  	_ =	swait.ge [sflag:s25], $0x2800  }
0x174: {  	[sflag:s25] =	ssyncset.done $0x0  }
0x175: {  	[sflag:s25] =	ssyncadd.s32 $0xFFFFD800  }
0x176: {  	[spmem:s3] =	stream.indirect.scatter.add.f32 [tilespmem:s22], [sflag:$0x2], $0x80, s31, s21, $0xb8;
	[tilespmem:$0x1F300] =	vst v63  }
0x177: {  	_ =	swait.ge [sflag:s26], $0x2800  }
0x178: {  	[sflag:s26] =	ssyncset.done $0x0  }
0x179: {  	[sflag:s26] =	ssyncadd.s32 $0xFFFFD800  }
0x17a: {  	_ =	swait.ge [sflag:s25], $0x2800  }
0x17b: {  	[sflag:s25] =	ssyncset.done $0x0  }
0x17c: {  	[sflag:s25] =	ssyncadd.s32 $0xFFFFD800  }
0x17d: {  	[spmem:s3] =	stream.indirect.scatter.add.f32 [tilespmem:s24], [sflag:$0x2], $0x80, s1, s21, $0xb8;
	[tilespmem:$0x1F300] =	vst v63  }
0x17e: {  	_ =	swait.ge [sflag:s26], $0x2800  }
0x17f: {  	[sflag:s26] =	ssyncset.done $0x0  }
0x180: {  	[sflag:s26] =	ssyncadd.s32 $0xFFFFD800  }
0x181: {  	s2 =	simm.s32 @p0 $0x1FC3;
	[bflag:$0x0] =	sbarrier.arrive $0xFFFF  }
0x182: {  	[hbm:s13], [sflag:s2] =	dma.local @p0 [spmem:s17], $0x2080  }
0x183: {  	s2 =	simm.s32 @p0 $0x3  }
0x184: {  	s0 =	sadd.s32 $0x1, s0;
	_ =	swait.ge @p0 [sflag:s2], $0x2080  }
0x185: {  	p1 =	sne.s32 s0, s14;
	[sflag:s2] =	ssyncset.done @p0 $0x0  }
.Ltmp5:
0x186: {  	[sflag:s2] =	ssyncadd.s32 @p0 $0xFFFFDF80;
	s2 =	simm.s32 @!p0 $0x3;
	(pc) =	sbr.rel @p1 .LBB2_1-.Ltmp5, $4  }
0x187: {  	[hbm:s12], [sflag:s18] =	dma.local @!p0 [spmem:s19], $0x2780  }
0x188: {  	_ =	swait.ge @!p0 [sflag:s2], $0x2780  }
0x189: {  	[sflag:s2] =	ssyncset.done @!p0 $0x0  }
0x18a: {  	[sflag:s2] =	ssyncadd.s32 @!p0 $0xFFFFD880  }
0x18b: {  	_ =	sfence.sel $0x180000  }
0x18c: {  	[bflag:$0x0] =	sbarrier.arrive $0xFFFF  }
0x18d: {  	_ =	strace $0x90000050  }
0x18e: {  	s0 =	stileid.u32;
	[bflag:$0x2] =	sbarrier.arrive $0xFFFF  }
0x18f: {  	p0 =	sne.s32 s0, $0x0;
	s0 =	rddreg [dreg:$0x3]  }
0x190: {  	s0 =	sadd.s32 @!p0 $0x100000, s0  }
0x191: {  	[sflag:s0] =	ssyncadd.tile.s32 @!p0 $0x1;
	_ =	shalt  }
.Lfunc_end2:
_tile_overlayer_lowered:
.L_overlay_start_2:
0x192: {  	(tag) =	ssettag $0x2  }
0x193: {  	s0 =	rddreg [dreg:$0x0];
	s2 =	stileid.u32  }
0x194: {  	s1 =	rddreg [dreg:$0x1];
	p0 =	sne.s32 s2, $0x0  }
0x195: {  	s3 =	rddreg [dreg:$0x2];
	[bflag:$0x3] =	sbarrier.arrive $0xFFFF;
	s2 =	simm.s32 @!p0 $0x1C03  }
0x196: {  	[timem:s3], [sflag:s2] =	dma.local @!p0 [hbm:s0], s1  }
0x197: {  	s0 =	simm.s32 @!p0 $0x3  }
0x198: {  	_ =	swait.ge @!p0 [sflag:s0], s1  }
0x199: {  	s1 =	ssub.s32 @!p0 $0x0, s1;
	[sflag:s0] =	ssyncset.done @!p0 $0x0  }
0x19a: {  	[sflag:s0] =	ssyncadd.s32 @!p0 s1  }
0x19b: {  	[bflag:$0x3] =	sbarrier.arrive $0xFFFF  }
0x19c: {  	_ =	shalt  }

</sc_bundles>
